<compile_context>
chip_gen: v7x
topology: tpu7x:2x2x1
jax: 0.10.2.dev20260603
libtpu: 0.0.44.dev20260713+nightly
codegen_flags: <defaults>
</compile_context>

<pallas_src>
import functools

import jax
import jax.numpy as jnp
import numpy as np
from jax import lax
from jax.experimental import pallas as pl
from jax.experimental.pallas import tpu as pltpu
from jax.experimental.pallas import tpu_sc as plsc

F = 26
D = 16
B = 4096
TOTAL = 26000
NUM_INTER = F * (F - 1) // 2
NI_PAD = 336
ROW_W = F * D

_info = plsc.get_sparse_core_info()
NC, NS, L = _info.num_cores, _info.num_subcores, _info.num_lanes
NW = NC * NS
B_PER_W = B // NW
CHUNK = 4
N_CHUNKS = B_PER_W // CHUNK
N_GROUPS = NI_PAD // L
N_LIN_G = B_PER_W // L

_iu, _ju = np.triu_indices(F, k=1)
_r1 = np.concatenate([_iu, np.zeros(NI_PAD - NUM_INTER, np.int32)]).astype(np.int32)
_r2 = np.concatenate([_ju, np.zeros(NI_PAD - NUM_INTER, np.int32)]).astype(np.int32)
_c1 = _r2 * D
_c2 = _r1 * D
_PTAB_NP = np.concatenate([_r1, _c1, _r2, _c2])


def _sc_body(idx_hbm, ptab_hbm, linw_hbm, table_hbm, inter_hbm, lin_hbm,
             idx_v, ptab_v, linw_v, rows_a, rows_b, out4_v, lin_v,
             sem_a, sem_b):
    w = lax.axis_index("s") * NC + lax.axis_index("c")
    pltpu.sync_copy(idx_hbm.at[pl.ds(w * (B_PER_W * F), B_PER_W * F)], idx_v)
    pltpu.sync_copy(ptab_hbm, ptab_v)
    pltpu.sync_copy(linw_hbm, linw_v)

    def gather_start(t, rows, sem):
        pltpu.make_async_copy(
            table_hbm.at[idx_v.at[pl.ds(t * (CHUNK * F), CHUNK * F)]],
            rows, sem).start()

    def gather_wait(t, rows, sem):
        pltpu.make_async_copy(
            table_hbm.at[idx_v.at[pl.ds(t * (CHUNK * F), CHUNK * F)]],
            rows, sem).wait()

    def compute_chunk(t, rows_v):
        for k in range(CHUNK):
            def g_body(g, c):
                r1 = ptab_v[pl.ds(g * L, L)] + k * F
                c1 = ptab_v[pl.ds(NI_PAD + g * L, L)]
                r2 = ptab_v[pl.ds(2 * NI_PAD + g * L, L)] + k * F
                c2 = ptab_v[pl.ds(3 * NI_PAD + g * L, L)]
                a0 = plsc.load_gather(rows_v, [r1, c1])
                b0 = plsc.load_gather(rows_v, [r2, c2])
                a1 = plsc.load_gather(rows_v, [r1, c1 + 1])
                b1 = plsc.load_gather(rows_v, [r2, c2 + 1])
                acc0 = a0 * b0
                acc1 = a1 * b1
                for d in range(2, D, 2):
                    a0 = plsc.load_gather(rows_v, [r1, c1 + d])
                    b0 = plsc.load_gather(rows_v, [r2, c2 + d])
                    a1 = plsc.load_gather(rows_v, [r1, c1 + d + 1])
                    b1 = plsc.load_gather(rows_v, [r2, c2 + d + 1])
                    acc0 = acc0 + a0 * b0
                    acc1 = acc1 + a1 * b1
                out4_v[pl.ds(k * NI_PAD + g * L, L)] = acc0 + acc1
                return c
            lax.fori_loop(0, N_GROUPS, g_body, 0)
        pltpu.sync_copy(
            out4_v,
            inter_hbm.at[pl.ds((w * B_PER_W + t * CHUNK) * NI_PAD, CHUNK * NI_PAD)])

    gather_start(0, rows_a, sem_a)

    def pair_body(u, carry):
        t0 = 2 * u
        gather_start(t0 + 1, rows_b, sem_b)
        gather_wait(t0, rows_a, sem_a)
        compute_chunk(t0, rows_a)
        gather_start(jnp.bitwise_and(t0 + 2, N_CHUNKS - 1), rows_a, sem_a)
        gather_wait(t0 + 1, rows_b, sem_b)
        compute_chunk(t0 + 1, rows_b)
        return carry

    lax.fori_loop(0, N_CHUNKS // 2, pair_body, 0)
    gather_wait(0, rows_a, sem_a)

    io = lax.iota(jnp.int32, L) * F
    def lin_body(g, carry):
        acc = jnp.zeros((L,), jnp.float32)
        for f in range(F):
            rows_ids = plsc.load_gather(idx_v, [io + (g * (L * F) + f)])
            acc = acc + plsc.load_gather(linw_v, [rows_ids])
        lin_v[pl.ds(g * L, L)] = acc
        return carry
    lax.fori_loop(0, N_LIN_G, lin_body, 0)
    pltpu.sync_copy(lin_v, lin_hbm.at[pl.ds(w * B_PER_W, B_PER_W)])


_sc_call = functools.partial(
    pl.kernel,
    mesh=plsc.VectorSubcoreMesh(core_axis_name="c", subcore_axis_name="s"),
    compiler_params=pltpu.CompilerParams(
        use_tc_tiling_on_sc=False, needs_layout_passes=False),
    out_type=[
        jax.ShapeDtypeStruct((B * NI_PAD,), jnp.float32),
        jax.ShapeDtypeStruct((B,), jnp.float32),
    ],
    scratch_types=[
        pltpu.VMEM((B_PER_W * F,), jnp.int32),
        pltpu.VMEM((4 * NI_PAD,), jnp.int32),
        pltpu.VMEM((TOTAL,), jnp.float32),
        pltpu.VMEM((CHUNK * F, ROW_W), jnp.float32),
        pltpu.VMEM((CHUNK * F, ROW_W), jnp.float32),
        pltpu.VMEM((CHUNK * NI_PAD,), jnp.float32),
        pltpu.VMEM((B_PER_W,), jnp.float32),
        pltpu.SemaphoreType.DMA,
        pltpu.SemaphoreType.DMA,
    ],
)(_sc_body)


def _mlp_body(x_ref, w1_ref, b1_ref, w2_ref, b2_ref, w3_ref, b3_ref,
              lin_ref, linb_ref, o_ref):
    x = x_ref[...]
    h = jnp.maximum(
        jnp.dot(x, w1_ref[...], preferred_element_type=jnp.float32) + b1_ref[...], 0.0)
    h = jnp.maximum(
        jnp.dot(h, w2_ref[...], preferred_element_type=jnp.float32) + b2_ref[...], 0.0)
    o = jnp.dot(h, w3_ref[...], preferred_element_type=jnp.float32)
    o_ref[...] = o + b3_ref[...] + linb_ref[...] + lin_ref[...]


_MLP_BLK = 512


def _mlp_call(inter, w1p, b1, w2, b2, w3, b3, lin, lin_b):
    grid = (B // _MLP_BLK,)
    fixed = lambda i: (0, 0)
    return pl.pallas_call(
        _mlp_body,
        grid=grid,
        in_specs=[
            pl.BlockSpec((_MLP_BLK, NI_PAD), lambda i: (i, 0)),
            pl.BlockSpec((NI_PAD, 128), fixed),
            pl.BlockSpec((1, 128), fixed),
            pl.BlockSpec((128, 64), fixed),
            pl.BlockSpec((1, 64), fixed),
            pl.BlockSpec((64, 1), fixed),
            pl.BlockSpec((1, 1), fixed),
            pl.BlockSpec((_MLP_BLK, 1), lambda i: (i, 0)),
            pl.BlockSpec((1, 1), fixed),
        ],
        out_specs=pl.BlockSpec((_MLP_BLK, 1), lambda i: (i, 0)),
        out_shape=jax.ShapeDtypeStruct((B, 1), jnp.float32),
    )(inter, w1p, b1, w2, b2, w3, b3, lin, lin_b)


def kernel(x, offsets, emb_table, lin_w, lin_b, W1, b1, W2, b2, W3, b3):
    idx = (x.astype(jnp.int32) + offsets.astype(jnp.int32)[None, :]).reshape(-1)
    table2d = emb_table.reshape(TOTAL, ROW_W)
    ptab = jnp.asarray(_PTAB_NP, dtype=jnp.int32)
    inter_flat, lin_vec = _sc_call(idx, ptab, lin_w.reshape(-1), table2d)
    inter = inter_flat.reshape(B, NI_PAD)
    w1p = jnp.concatenate(
        [W1, jnp.zeros((NI_PAD - NUM_INTER, 128), jnp.float32)], axis=0)
    return _mlp_call(
        inter, w1p, b1.reshape(1, 128), W2, b2.reshape(1, 64), W3,
        b3.reshape(1, 1), lin_vec.reshape(B, 1), lin_b.reshape(1, 1))

# --- scband reference (transcript-rebuilt; emitter-appended) ---
"""Pipeline reference for scband-field-aware-neural-factorization-machine-90769838833781 (READ-ONLY COPY).

The authoritative reference and input builder live on the scoring server;
editing this copy changes nothing except your own understanding.
"""

import jax, jax.numpy as jnp
import numpy as np

F = 26
D = 16
B = 4096
CARDS = [1000] * F
TOTAL = sum(CARDS)
NUM_INTER = F * (F - 1) // 2
HIDDEN = [128, 64, 1]


def setup_inputs(seed: int = 0) -> dict:
    key = jax.random.key(seed)
    ks = jax.random.split(key, 12)
    x = jax.random.randint(ks[0], (B, F), 0, 1000, dtype=jnp.int64)
    offsets = jnp.asarray(np.cumsum([0] + CARDS[:-1]), dtype=jnp.int64)
    emb_table = jax.random.normal(ks[1], (TOTAL, F, D), dtype=jnp.float32) * 0.05
    lin_w = jax.random.normal(ks[2], (TOTAL, 1), dtype=jnp.float32) * 0.05
    lin_b = jnp.zeros((1,), dtype=jnp.float32)
    W1 = jax.random.normal(ks[3], (NUM_INTER, HIDDEN[0]), dtype=jnp.float32) * (1.0 / np.sqrt(NUM_INTER))
    b1 = jnp.zeros((HIDDEN[0],), dtype=jnp.float32)
    W2 = jax.random.normal(ks[4], (HIDDEN[0], HIDDEN[1]), dtype=jnp.float32) * (1.0 / np.sqrt(HIDDEN[0]))
    b2 = jnp.zeros((HIDDEN[1],), dtype=jnp.float32)
    W3 = jax.random.normal(ks[5], (HIDDEN[1], HIDDEN[2]), dtype=jnp.float32) * (1.0 / np.sqrt(HIDDEN[1]))
    b3 = jnp.zeros((HIDDEN[2],), dtype=jnp.float32)
    return {"x": x, "offsets": offsets, "emb_table": emb_table, "lin_w": lin_w,
            "lin_b": lin_b, "W1": W1, "b1": b1, "W2": W2, "b2": b2, "W3": W3, "b3": b3}


def reference(x, offsets, emb_table, lin_w, lin_b, W1, b1, W2, b2, W3, b3):
    idx = x + offsets[None, :]                       # [B, F] global row ids
    # linear model: sum of per-feature scalar weights + bias -> [B, 1]
    linear_out = jnp.sum(jnp.take(lin_w, idx, axis=0), axis=1) + lin_b  # [B,1]
    # field-aware embeddings: [B, F, F, D]
    factors_i = jnp.take(emb_table, idx, axis=0)
    factors_j = jnp.transpose(factors_i, (0, 2, 1, 3))
    interactions = jnp.sum(factors_i * factors_j, axis=-1)  # [B, F, F]
    iu, ju = jnp.triu_indices(F, k=1)                # strict upper triangle (row-major, matches tf.boolean_mask)
    inter = interactions[:, iu, ju]                  # [B, NUM_INTER]
    h = jax.nn.relu(inter @ W1 + b1)
    h = jax.nn.relu(h @ W2 + b2)
    nn_out = h @ W3 + b3                             # [B, 1]  (dropout disabled: training=False)
    return linear_out + nn_out

if __name__ == "__main__":
    import jax
    _d = setup_inputs()
    print(jax.jit(kernel)(*tuple(_d.values())))

</pallas_src>

<mosaic_0001>
#map = affine_map<(d0, d1) -> (0)>
#map1 = affine_map<(d0, d1) -> (0, 0)>
module attributes {stable_mosaic.version = 14 : i64} {
  func.func @_sc_body(%arg0: i32, %arg1: i32, %arg2: memref<106496xi32, #tpu.memory_space<hbm>>, %arg3: memref<1344xi32, #tpu.memory_space<hbm>>, %arg4: memref<26000xf32, #tpu.memory_space<hbm>>, %arg5: memref<26000x416xf32, #tpu.memory_space<hbm>>, %arg6: memref<1376256xf32, #tpu.memory_space<hbm>>, %arg7: memref<4096xf32, #tpu.memory_space<hbm>>, %arg8: memref<3328xi32, #tpu.memory_space<vmem>>, %arg9: memref<1344xi32, #tpu.memory_space<vmem>>, %arg10: memref<26000xf32, #tpu.memory_space<vmem>>, %arg11: memref<104x416xf32, #tpu.memory_space<vmem>>, %arg12: memref<104x416xf32, #tpu.memory_space<vmem>>, %arg13: memref<1344xf32, #tpu.memory_space<vmem>>, %arg14: memref<128xf32, #tpu.memory_space<vmem>>, %arg15: memref<!tpu.dma_semaphore, #tpu.memory_space<semaphore_mem>>, %arg16: memref<!tpu.dma_semaphore, #tpu.memory_space<semaphore_mem>>) attributes {dimension_semantics = [#tpu.dimension_semantics<core_parallel>, #tpu.dimension_semantics<subcore_parallel>], iteration_bounds = array<i64: 2, 16>, scalar_prefetch = 0 : i64, scratch_operands = 9 : i64, tpu.core_type = #tpu.core_type<sc_vector_subcore>, window_params = [{transform_indices = #map}, {transform_indices = #map}, {transform_indices = #map}, {transform_indices = #map1}, {transform_indices = #map}, {transform_indices = #map}]} {
    %mul3A = arith.constant 2 : i32
    %mul3A_0 = arith.muli %arg1, %mul3A : i32
    %add3A = arith.addi %mul3A_0, %arg0 : i32
    %mul3A_1 = arith.constant 3328 : i32
    %mul3A_2 = arith.muli %add3A, %mul3A_1 : i32
    "tpu.region"() ({
      %run_scoped3A = tpu.sem_alloc : memref<!tpu.dma_semaphore, #tpu.memory_space<semaphore_mem>>
      %dma_start3A_27 = tpu.memref_slice %arg2[%mul3A_2] : memref<106496xi32, #tpu.memory_space<hbm>> -> memref<3328xi32, #tpu.memory_space<hbm>>
      %dma_start3A_28 = tpu.memref_slice %arg2[%mul3A_2] : memref<106496xi32, #tpu.memory_space<hbm>> -> memref<3328xi32, #tpu.memory_space<hbm>>
      tpu.enqueue_dma source(%dma_start3A_28 : memref<3328xi32, #tpu.memory_space<hbm>>) target(%arg8 : memref<3328xi32, #tpu.memory_space<vmem>>) target_semaphore(%run_scoped3A : memref<!tpu.dma_semaphore, #tpu.memory_space<semaphore_mem>>)
      %dma_wait3A_29 = tpu.memref_slice %arg2[%mul3A_2] : memref<106496xi32, #tpu.memory_space<hbm>> -> memref<3328xi32, #tpu.memory_space<hbm>>
      %dma_wait3A_30 = tpu.memref_slice %arg2[%mul3A_2] : memref<106496xi32, #tpu.memory_space<hbm>> -> memref<3328xi32, #tpu.memory_space<hbm>>
      tpu.wait_dma2 semaphore(%run_scoped3A : memref<!tpu.dma_semaphore, #tpu.memory_space<semaphore_mem>>) src(%dma_wait3A_30 : memref<3328xi32, #tpu.memory_space<hbm>>) dst(%arg8 : memref<3328xi32, #tpu.memory_space<vmem>>)
      tpu.yield
    }) : () -> ()
    "tpu.region"() ({
      %run_scoped3A = tpu.sem_alloc : memref<!tpu.dma_semaphore, #tpu.memory_space<semaphore_mem>>
      tpu.enqueue_dma source(%arg3 : memref<1344xi32, #tpu.memory_space<hbm>>) target(%arg9 : memref<1344xi32, #tpu.memory_space<vmem>>) target_semaphore(%run_scoped3A : memref<!tpu.dma_semaphore, #tpu.memory_space<semaphore_mem>>)
      tpu.wait_dma2 semaphore(%run_scoped3A : memref<!tpu.dma_semaphore, #tpu.memory_space<semaphore_mem>>) src(%arg3 : memref<1344xi32, #tpu.memory_space<hbm>>) dst(%arg9 : memref<1344xi32, #tpu.memory_space<vmem>>)
      tpu.yield
    }) : () -> ()
    "tpu.region"() ({
      %run_scoped3A = tpu.sem_alloc : memref<!tpu.dma_semaphore, #tpu.memory_space<semaphore_mem>>
      tpu.enqueue_dma source(%arg4 : memref<26000xf32, #tpu.memory_space<hbm>>) target(%arg10 : memref<26000xf32, #tpu.memory_space<vmem>>) target_semaphore(%run_scoped3A : memref<!tpu.dma_semaphore, #tpu.memory_space<semaphore_mem>>)
      tpu.wait_dma2 semaphore(%run_scoped3A : memref<!tpu.dma_semaphore, #tpu.memory_space<semaphore_mem>>) src(%arg4 : memref<26000xf32, #tpu.memory_space<hbm>>) dst(%arg10 : memref<26000xf32, #tpu.memory_space<vmem>>)
      tpu.yield
    }) : () -> ()
    %dma_start3A = arith.constant 0 : i32
    %dma_start3A_3 = tpu.memref_slice %arg8[%dma_start3A] : memref<3328xi32, #tpu.memory_space<vmem>> -> memref<104xi32, #tpu.memory_space<vmem>>
    %dma_start3A_4 = arith.constant 0 : i32
    %dma_start3A_5 = arith.constant 0 : i32
    %dma_start3A_6 = tpu.memref_slice %arg5[%dma_start3A_4, %dma_start3A_5] : memref<26000x416xf32, #tpu.memory_space<hbm>> -> memref<26000x416xf32, #tpu.memory_space<hbm>>
    tpu.enqueue_indirect_dma source(%dma_start3A_6 : memref<26000x416xf32, #tpu.memory_space<hbm>>) target(%arg11 : memref<104x416xf32, #tpu.memory_space<vmem>>) offsets(%dma_start3A_3 : memref<104xi32, #tpu.memory_space<vmem>>) semaphore(%arg15 : memref<!tpu.dma_semaphore, #tpu.memory_space<semaphore_mem>>)
    %scan3A = arith.constant 0 : i32
    %scan3A_7 = arith.constant 0 : i32
    %scan3A_8 = arith.constant 16 : i32
    %scan3A_9 = arith.addi %scan3A_7, %scan3A_8 : i32
    %scan3A_10 = arith.constant 1 : i32
    scf.for %scan3A_27 = %scan3A_7 to %scan3A_9 step %scan3A_10  : i32 {
      %mul3A_28 = arith.constant 2 : i32
      %mul3A_29 = arith.muli %mul3A_28, %scan3A_27 : i32
      %add3A_30 = arith.constant 1 : i32
      %add3A_31 = arith.addi %mul3A_29, %add3A_30 : i32
      %mul3A_32 = arith.constant 104 : i32
      %mul3A_33 = arith.muli %add3A_31, %mul3A_32 : i32
      %dma_start3A_34 = tpu.memref_slice %arg8[%mul3A_33] : memref<3328xi32, #tpu.memory_space<vmem>> -> memref<104xi32, #tpu.memory_space<vmem>>
      %dma_start3A_35 = arith.constant 0 : i32
      %dma_start3A_36 = arith.constant 0 : i32
      %dma_start3A_37 = tpu.memref_slice %arg5[%dma_start3A_35, %dma_start3A_36] : memref<26000x416xf32, #tpu.memory_space<hbm>> -> memref<26000x416xf32, #tpu.memory_space<hbm>>
      tpu.enqueue_indirect_dma source(%dma_start3A_37 : memref<26000x416xf32, #tpu.memory_space<hbm>>) target(%arg12 : memref<104x416xf32, #tpu.memory_space<vmem>>) offsets(%dma_start3A_34 : memref<104xi32, #tpu.memory_space<vmem>>) semaphore(%arg16 : memref<!tpu.dma_semaphore, #tpu.memory_space<semaphore_mem>>)
      %mul3A_38 = arith.constant 104 : i32
      %mul3A_39 = arith.muli %mul3A_29, %mul3A_38 : i32
      %dma_wait3A_40 = tpu.memref_slice %arg8[%mul3A_39] : memref<3328xi32, #tpu.memory_space<vmem>> -> memref<104xi32, #tpu.memory_space<vmem>>
      %dma_wait3A_41 = arith.constant 0 : i32
      %dma_wait3A_42 = arith.constant 0 : i32
      %dma_wait3A_43 = tpu.memref_slice %arg5[%dma_wait3A_41, %dma_wait3A_42] : memref<26000x416xf32, #tpu.memory_space<hbm>> -> memref<26000x416xf32, #tpu.memory_space<hbm>>
      tpu.wait_indirect_dma semaphore(%arg15 : memref<!tpu.dma_semaphore, #tpu.memory_space<semaphore_mem>>) src(%dma_wait3A_43 : memref<26000x416xf32, #tpu.memory_space<hbm>>) dst(%arg11 : memref<104x416xf32, #tpu.memory_space<vmem>>)
      %scan3A_44 = arith.constant 0 : i32
      %scan3A_45 = arith.constant 0 : i32
      %scan3A_46 = arith.constant 21 : i32
      %scan3A_47 = arith.addi %scan3A_45, %scan3A_46 : i32
      %scan3A_48 = arith.constant 1 : i32
      scf.for %scan3A_125 = %scan3A_45 to %scan3A_47 step %scan3A_48  : i32 {
        %mul3A_126 = arith.constant 16 : i32
        %mul3A_127 = arith.muli %scan3A_125, %mul3A_126 : i32
        %get3A = arith.index_cast %mul3A_127 : i32 to index
        %get3A_128 = tpu.vector_load %arg9[%get3A] {strides = array<i32>} : memref<1344xi32, #tpu.memory_space<vmem>>, vector<16xi32>,
        %add3A_129 = arith.constant 0 : i32
        %add3A_130 = vector.broadcast %add3A_129 : i32 to vector<16xi32>
        %add3A_131 = arith.addi %get3A_128, %add3A_130 : vector<16xi32>
        %mul3A_132 = arith.constant 16 : i32
        %mul3A_133 = arith.muli %scan3A_125, %mul3A_132 : i32
        %add3A_134 = arith.constant 336 : i32
        %add3A_135 = arith.addi %add3A_134, %mul3A_133 : i32
        %get3A_136 = arith.index_cast %add3A_135 : i32 to index
        %get3A_137 = tpu.vector_load %arg9[%get3A_136] {strides = array<i32>} : memref<1344xi32, #tpu.memory_space<vmem>>, vector<16xi32>,
        %mul3A_138 = arith.constant 16 : i32
        %mul3A_139 = arith.muli %scan3A_125, %mul3A_138 : i32
        %add3A_140 = arith.constant 672 : i32
        %add3A_141 = arith.addi %add3A_140, %mul3A_139 : i32
        %get3A_142 = arith.index_cast %add3A_141 : i32 to index
        %get3A_143 = tpu.vector_load %arg9[%get3A_142] {strides = array<i32>} : memref<1344xi32, #tpu.memory_space<vmem>>, vector<16xi32>,
        %add3A_144 = arith.constant 0 : i32
        %add3A_145 = vector.broadcast %add3A_144 : i32 to vector<16xi32>
        %add3A_146 = arith.addi %get3A_143, %add3A_145 : vector<16xi32>
        %mul3A_147 = arith.constant 16 : i32
        %mul3A_148 = arith.muli %scan3A_125, %mul3A_147 : i32
        %add3A_149 = arith.constant 1008 : i32
        %add3A_150 = arith.addi %add3A_149, %mul3A_148 : i32
        %get3A_151 = arith.index_cast %add3A_150 : i32 to index
        %get3A_152 = tpu.vector_load %arg9[%get3A_151] {strides = array<i32>} : memref<1344xi32, #tpu.memory_space<vmem>>, vector<16xi32>,
        %gather3A = tpu.vector_load_idx %arg11[%add3A_131, %get3A_137] : memref<104x416xf32, #tpu.memory_space<vmem>>[vector<16xi32>, vector<16xi32>], vector<16xf32>,
        %gather3A_153 = tpu.vector_load_idx %arg11[%add3A_146, %get3A_152] : memref<104x416xf32, #tpu.memory_space<vmem>>[vector<16xi32>, vector<16xi32>], vector<16xf32>,
        %add3A_154 = arith.constant 1 : i32
        %add3A_155 = vector.broadcast %add3A_154 : i32 to vector<16xi32>
        %add3A_156 = arith.addi %get3A_137, %add3A_155 : vector<16xi32>
        %gather3A_157 = tpu.vector_load_idx %arg11[%add3A_131, %add3A_156] : memref<104x416xf32, #tpu.memory_space<vmem>>[vector<16xi32>, vector<16xi32>], vector<16xf32>,
        %add3A_158 = arith.constant 1 : i32
        %add3A_159 = vector.broadcast %add3A_158 : i32 to vector<16xi32>
        %add3A_160 = arith.addi %get3A_152, %add3A_159 : vector<16xi32>
        %gather3A_161 = tpu.vector_load_idx %arg11[%add3A_146, %add3A_160] : memref<104x416xf32, #tpu.memory_space<vmem>>[vector<16xi32>, vector<16xi32>], vector<16xf32>,
        %mul3A_162 = arith.mulf %gather3A, %gather3A_153 : vector<16xf32>
        %mul3A_163 = arith.mulf %gather3A_157, %gather3A_161 : vector<16xf32>
        %add3A_164 = arith.constant 2 : i32
        %add3A_165 = vector.broadcast %add3A_164 : i32 to vector<16xi32>
        %add3A_166 = arith.addi %get3A_137, %add3A_165 : vector<16xi32>
        %gather3A_167 = tpu.vector_load_idx %arg11[%add3A_131, %add3A_166] : memref<104x416xf32, #tpu.memory_space<vmem>>[vector<16xi32>, vector<16xi32>], vector<16xf32>,
        %add3A_168 = arith.constant 2 : i32
        %add3A_169 = vector.broadcast %add3A_168 : i32 to vector<16xi32>
        %add3A_170 = arith.addi %get3A_152, %add3A_169 : vector<16xi32>
        %gather3A_171 = tpu.vector_load_idx %arg11[%add3A_146, %add3A_170] : memref<104x416xf32, #tpu.memory_space<vmem>>[vector<16xi32>, vector<16xi32>], vector<16xf32>,
        %add3A_172 = arith.constant 2 : i32
        %add3A_173 = vector.broadcast %add3A_172 : i32 to vector<16xi32>
        %add3A_174 = arith.addi %get3A_137, %add3A_173 : vector<16xi32>
        %add3A_175 = arith.constant 1 : i32
        %add3A_176 = vector.broadcast %add3A_175 : i32 to vector<16xi32>
        %add3A_177 = arith.addi %add3A_174, %add3A_176 : vector<16xi32>
        %gather3A_178 = tpu.vector_load_idx %arg11[%add3A_131, %add3A_177] : memref<104x416xf32, #tpu.memory_space<vmem>>[vector<16xi32>, vector<16xi32>], vector<16xf32>,
        %add3A_179 = arith.constant 2 : i32
        %add3A_180 = vector.broadcast %add3A_179 : i32 to vector<16xi32>
        %add3A_181 = arith.addi %get3A_152, %add3A_180 : vector<16xi32>
        %add3A_182 = arith.constant 1 : i32
        %add3A_183 = vector.broadcast %add3A_182 : i32 to vector<16xi32>
        %add3A_184 = arith.addi %add3A_181, %add3A_183 : vector<16xi32>
        %gather3A_185 = tpu.vector_load_idx %arg11[%add3A_146, %add3A_184] : memref<104x416xf32, #tpu.memory_space<vmem>>[vector<16xi32>, vector<16xi32>], vector<16xf32>,
        %mul3A_186 = arith.mulf %gather3A_167, %gather3A_171 : vector<16xf32>
        %add3A_187 = arith.addf %mul3A_162, %mul3A_186 : vector<16xf32>
        %mul3A_188 = arith.mulf %gather3A_178, %gather3A_185 : vector<16xf32>
        %add3A_189 = arith.addf %mul3A_163, %mul3A_188 : vector<16xf32>
        %add3A_190 = arith.constant 4 : i32
        %add3A_191 = vector.broadcast %add3A_190 : i32 to vector<16xi32>
        %add3A_192 = arith.addi %get3A_137, %add3A_191 : vector<16xi32>
        %gather3A_193 = tpu.vector_load_idx %arg11[%add3A_131, %add3A_192] : memref<104x416xf32, #tpu.memory_space<vmem>>[vector<16xi32>, vector<16xi32>], vector<16xf32>,
        %add3A_194 = arith.constant 4 : i32
        %add3A_195 = vector.broadcast %add3A_194 : i32 to vector<16xi32>
        %add3A_196 = arith.addi %get3A_152, %add3A_195 : vector<16xi32>
        %gather3A_197 = tpu.vector_load_idx %arg11[%add3A_146, %add3A_196] : memref<104x416xf32, #tpu.memory_space<vmem>>[vector<16xi32>, vector<16xi32>], vector<16xf32>,
        %add3A_198 = arith.constant 4 : i32
        %add3A_199 = vector.broadcast %add3A_198 : i32 to vector<16xi32>
        %add3A_200 = arith.addi %get3A_137, %add3A_199 : vector<16xi32>
        %add3A_201 = arith.constant 1 : i32
        %add3A_202 = vector.broadcast %add3A_201 : i32 to vector<16xi32>
        %add3A_203 = arith.addi %add3A_200, %add3A_202 : vector<16xi32>
        %gather3A_204 = tpu.vector_load_idx %arg11[%add3A_131, %add3A_203] : memref<104x416xf32, #tpu.memory_space<vmem>>[vector<16xi32>, vector<16xi32>], vector<16xf32>,
        %add3A_205 = arith.constant 4 : i32
        %add3A_206 = vector.broadcast %add3A_205 : i32 to vector<16xi32>
        %add3A_207 = arith.addi %get3A_152, %add3A_206 : vector<16xi32>
        %add3A_208 = arith.constant 1 : i32
        %add3A_209 = vector.broadcast %add3A_208 : i32 to vector<16xi32>
        %add3A_210 = arith.addi %add3A_207, %add3A_209 : vector<16xi32>
        %gather3A_211 = tpu.vector_load_idx %arg11[%add3A_146, %add3A_210] : memref<104x416xf32, #tpu.memory_space<vmem>>[vector<16xi32>, vector<16xi32>], vector<16xf32>,
        %mul3A_212 = arith.mulf %gather3A_193, %gather3A_197 : vector<16xf32>
        %add3A_213 = arith.addf %add3A_187, %mul3A_212 : vector<16xf32>
        %mul3A_214 = arith.mulf %gather3A_204, %gather3A_211 : vector<16xf32>
        %add3A_215 = arith.addf %add3A_189, %mul3A_214 : vector<16xf32>
        %add3A_216 = arith.constant 6 : i32
        %add3A_217 = vector.broadcast %add3A_216 : i32 to vector<16xi32>
        %add3A_218 = arith.addi %get3A_137, %add3A_217 : vector<16xi32>
        %gather3A_219 = tpu.vector_load_idx %arg11[%add3A_131, %add3A_218] : memref<104x416xf32, #tpu.memory_space<vmem>>[vector<16xi32>, vector<16xi32>], vector<16xf32>,
        %add3A_220 = arith.constant 6 : i32
        %add3A_221 = vector.broadcast %add3A_220 : i32 to vector<16xi32>
        %add3A_222 = arith.addi %get3A_152, %add3A_221 : vector<16xi32>
        %gather3A_223 = tpu.vector_load_idx %arg11[%add3A_146, %add3A_222] : memref<104x416xf32, #tpu.memory_space<vmem>>[vector<16xi32>, vector<16xi32>], vector<16xf32>,
        %add3A_224 = arith.constant 6 : i32
        %add3A_225 = vector.broadcast %add3A_224 : i32 to vector<16xi32>
        %add3A_226 = arith.addi %get3A_137, %add3A_225 : vector<16xi32>
        %add3A_227 = arith.constant 1 : i32
        %add3A_228 = vector.broadcast %add3A_227 : i32 to vector<16xi32>
        %add3A_229 = arith.addi %add3A_226, %add3A_228 : vector<16xi32>
        %gather3A_230 = tpu.vector_load_idx %arg11[%add3A_131, %add3A_229] : memref<104x416xf32, #tpu.memory_space<vmem>>[vector<16xi32>, vector<16xi32>], vector<16xf32>,
        %add3A_231 = arith.constant 6 : i32
        %add3A_232 = vector.broadcast %add3A_231 : i32 to vector<16xi32>
        %add3A_233 = arith.addi %get3A_152, %add3A_232 : vector<16xi32>
        %add3A_234 = arith.constant 1 : i32
        %add3A_235 = vector.broadcast %add3A_234 : i32 to vector<16xi32>
        %add3A_236 = arith.addi %add3A_233, %add3A_235 : vector<16xi32>
        %gather3A_237 = tpu.vector_load_idx %arg11[%add3A_146, %add3A_236] : memref<104x416xf32, #tpu.memory_space<vmem>>[vector<16xi32>, vector<16xi32>], vector<16xf32>,
        %mul3A_238 = arith.mulf %gather3A_219, %gather3A_223 : vector<16xf32>
        %add3A_239 = arith.addf %add3A_213, %mul3A_238 : vector<16xf32>
        %mul3A_240 = arith.mulf %gather3A_230, %gather3A_237 : vector<16xf32>
        %add3A_241 = arith.addf %add3A_215, %mul3A_240 : vector<16xf32>
        %add3A_242 = arith.constant 8 : i32
        %add3A_243 = vector.broadcast %add3A_242 : i32 to vector<16xi32>
        %add3A_244 = arith.addi %get3A_137, %add3A_243 : vector<16xi32>
        %gather3A_245 = tpu.vector_load_idx %arg11[%add3A_131, %add3A_244] : memref<104x416xf32, #tpu.memory_space<vmem>>[vector<16xi32>, vector<16xi32>], vector<16xf32>,
        %add3A_246 = arith.constant 8 : i32
        %add3A_247 = vector.broadcast %add3A_246 : i32 to vector<16xi32>
        %add3A_248 = arith.addi %get3A_152, %add3A_247 : vector<16xi32>
        %gather3A_249 = tpu.vector_load_idx %arg11[%add3A_146, %add3A_248] : memref<104x416xf32, #tpu.memory_space<vmem>>[vector<16xi32>, vector<16xi32>], vector<16xf32>,
        %add3A_250 = arith.constant 8 : i32
        %add3A_251 = vector.broadcast %add3A_250 : i32 to vector<16xi32>
        %add3A_252 = arith.addi %get3A_137, %add3A_251 : vector<16xi32>
        %add3A_253 = arith.constant 1 : i32
        %add3A_254 = vector.broadcast %add3A_253 : i32 to vector<16xi32>
        %add3A_255 = arith.addi %add3A_252, %add3A_254 : vector<16xi32>
        %gather3A_256 = tpu.vector_load_idx %arg11[%add3A_131, %add3A_255] : memref<104x416xf32, #tpu.memory_space<vmem>>[vector<16xi32>, vector<16xi32>], vector<16xf32>,
        %add3A_257 = arith.constant 8 : i32
        %add3A_258 = vector.broadcast %add3A_257 : i32 to vector<16xi32>
        %add3A_259 = arith.addi %get3A_152, %add3A_258 : vector<16xi32>
        %add3A_260 = arith.constant 1 : i32
        %add3A_261 = vector.broadcast %add3A_260 : i32 to vector<16xi32>
        %add3A_262 = arith.addi %add3A_259, %add3A_261 : vector<16xi32>
        %gather3A_263 = tpu.vector_load_idx %arg11[%add3A_146, %add3A_262] : memref<104x416xf32, #tpu.memory_space<vmem>>[vector<16xi32>, vector<16xi32>], vector<16xf32>,
        %mul3A_264 = arith.mulf %gather3A_245, %gather3A_249 : vector<16xf32>
        %add3A_265 = arith.addf %add3A_239, %mul3A_264 : vector<16xf32>
        %mul3A_266 = arith.mulf %gather3A_256, %gather3A_263 : vector<16xf32>
        %add3A_267 = arith.addf %add3A_241, %mul3A_266 : vector<16xf32>
        %add3A_268 = arith.constant 10 : i32
        %add3A_269 = vector.broadcast %add3A_268 : i32 to vector<16xi32>
        %add3A_270 = arith.addi %get3A_137, %add3A_269 : vector<16xi32>
        %gather3A_271 = tpu.vector_load_idx %arg11[%add3A_131, %add3A_270] : memref<104x416xf32, #tpu.memory_space<vmem>>[vector<16xi32>, vector<16xi32>], vector<16xf32>,
        %add3A_272 = arith.constant 10 : i32
        %add3A_273 = vector.broadcast %add3A_272 : i32 to vector<16xi32>
        %add3A_274 = arith.addi %get3A_152, %add3A_273 : vector<16xi32>
        %gather3A_275 = tpu.vector_load_idx %arg11[%add3A_146, %add3A_274] : memref<104x416xf32, #tpu.memory_space<vmem>>[vector<16xi32>, vector<16xi32>], vector<16xf32>,
        %add3A_276 = arith.constant 10 : i32
        %add3A_277 = vector.broadcast %add3A_276 : i32 to vector<16xi32>
        %add3A_278 = arith.addi %get3A_137, %add3A_277 : vector<16xi32>
        %add3A_279 = arith.constant 1 : i32
        %add3A_280 = vector.broadcast %add3A_279 : i32 to vector<16xi32>
        %add3A_281 = arith.addi %add3A_278, %add3A_280 : vector<16xi32>
        %gather3A_282 = tpu.vector_load_idx %arg11[%add3A_131, %add3A_281] : memref<104x416xf32, #tpu.memory_space<vmem>>[vector<16xi32>, vector<16xi32>], vector<16xf32>,
        %add3A_283 = arith.constant 10 : i32
        %add3A_284 = vector.broadcast %add3A_283 : i32 to vector<16xi32>
        %add3A_285 = arith.addi %get3A_152, %add3A_284 : vector<16xi32>
        %add3A_286 = arith.constant 1 : i32
        %add3A_287 = vector.broadcast %add3A_286 : i32 to vector<16xi32>
        %add3A_288 = arith.addi %add3A_285, %add3A_287 : vector<16xi32>
        %gather3A_289 = tpu.vector_load_idx %arg11[%add3A_146, %add3A_288] : memref<104x416xf32, #tpu.memory_space<vmem>>[vector<16xi32>, vector<16xi32>], vector<16xf32>,
        %mul3A_290 = arith.mulf %gather3A_271, %gather3A_275 : vector<16xf32>
        %add3A_291 = arith.addf %add3A_265, %mul3A_290 : vector<16xf32>
        %mul3A_292 = arith.mulf %gather3A_282, %gather3A_289 : vector<16xf32>
        %add3A_293 = arith.addf %add3A_267, %mul3A_292 : vector<16xf32>
        %add3A_294 = arith.constant 12 : i32
        %add3A_295 = vector.broadcast %add3A_294 : i32 to vector<16xi32>
        %add3A_296 = arith.addi %get3A_137, %add3A_295 : vector<16xi32>
        %gather3A_297 = tpu.vector_load_idx %arg11[%add3A_131, %add3A_296] : memref<104x416xf32, #tpu.memory_space<vmem>>[vector<16xi32>, vector<16xi32>], vector<16xf32>,
        %add3A_298 = arith.constant 12 : i32
        %add3A_299 = vector.broadcast %add3A_298 : i32 to vector<16xi32>
        %add3A_300 = arith.addi %get3A_152, %add3A_299 : vector<16xi32>
        %gather3A_301 = tpu.vector_load_idx %arg11[%add3A_146, %add3A_300] : memref<104x416xf32, #tpu.memory_space<vmem>>[vector<16xi32>, vector<16xi32>], vector<16xf32>,
        %add3A_302 = arith.constant 12 : i32
        %add3A_303 = vector.broadcast %add3A_302 : i32 to vector<16xi32>
        %add3A_304 = arith.addi %get3A_137, %add3A_303 : vector<16xi32>
        %add3A_305 = arith.constant 1 : i32
        %add3A_306 = vector.broadcast %add3A_305 : i32 to vector<16xi32>
        %add3A_307 = arith.addi %add3A_304, %add3A_306 : vector<16xi32>
        %gather3A_308 = tpu.vector_load_idx %arg11[%add3A_131, %add3A_307] : memref<104x416xf32, #tpu.memory_space<vmem>>[vector<16xi32>, vector<16xi32>], vector<16xf32>,
        %add3A_309 = arith.constant 12 : i32
        %add3A_310 = vector.broadcast %add3A_309 : i32 to vector<16xi32>
        %add3A_311 = arith.addi %get3A_152, %add3A_310 : vector<16xi32>
        %add3A_312 = arith.constant 1 : i32
        %add3A_313 = vector.broadcast %add3A_312 : i32 to vector<16xi32>
        %add3A_314 = arith.addi %add3A_311, %add3A_313 : vector<16xi32>
        %gather3A_315 = tpu.vector_load_idx %arg11[%add3A_146, %add3A_314] : memref<104x416xf32, #tpu.memory_space<vmem>>[vector<16xi32>, vector<16xi32>], vector<16xf32>,
        %mul3A_316 = arith.mulf %gather3A_297, %gather3A_301 : vector<16xf32>
        %add3A_317 = arith.addf %add3A_291, %mul3A_316 : vector<16xf32>
        %mul3A_318 = arith.mulf %gather3A_308, %gather3A_315 : vector<16xf32>
        %add3A_319 = arith.addf %add3A_293, %mul3A_318 : vector<16xf32>
        %add3A_320 = arith.constant 14 : i32
        %add3A_321 = vector.broadcast %add3A_320 : i32 to vector<16xi32>
        %add3A_322 = arith.addi %get3A_137, %add3A_321 : vector<16xi32>
        %gather3A_323 = tpu.vector_load_idx %arg11[%add3A_131, %add3A_322] : memref<104x416xf32, #tpu.memory_space<vmem>>[vector<16xi32>, vector<16xi32>], vector<16xf32>,
        %add3A_324 = arith.constant 14 : i32
        %add3A_325 = vector.broadcast %add3A_324 : i32 to vector<16xi32>
        %add3A_326 = arith.addi %get3A_152, %add3A_325 : vector<16xi32>
        %gather3A_327 = tpu.vector_load_idx %arg11[%add3A_146, %add3A_326] : memref<104x416xf32, #tpu.memory_space<vmem>>[vector<16xi32>, vector<16xi32>], vector<16xf32>,
        %add3A_328 = arith.constant 14 : i32
        %add3A_329 = vector.broadcast %add3A_328 : i32 to vector<16xi32>
        %add3A_330 = arith.addi %get3A_137, %add3A_329 : vector<16xi32>
        %add3A_331 = arith.constant 1 : i32
        %add3A_332 = vector.broadcast %add3A_331 : i32 to vector<16xi32>
        %add3A_333 = arith.addi %add3A_330, %add3A_332 : vector<16xi32>
        %gather3A_334 = tpu.vector_load_idx %arg11[%add3A_131, %add3A_333] : memref<104x416xf32, #tpu.memory_space<vmem>>[vector<16xi32>, vector<16xi32>], vector<16xf32>,
        %add3A_335 = arith.constant 14 : i32
        %add3A_336 = vector.broadcast %add3A_335 : i32 to vector<16xi32>
        %add3A_337 = arith.addi %get3A_152, %add3A_336 : vector<16xi32>
        %add3A_338 = arith.constant 1 : i32
        %add3A_339 = vector.broadcast %add3A_338 : i32 to vector<16xi32>
        %add3A_340 = arith.addi %add3A_337, %add3A_339 : vector<16xi32>
        %gather3A_341 = tpu.vector_load_idx %arg11[%add3A_146, %add3A_340] : memref<104x416xf32, #tpu.memory_space<vmem>>[vector<16xi32>, vector<16xi32>], vector<16xf32>,
        %mul3A_342 = arith.mulf %gather3A_323, %gather3A_327 : vector<16xf32>
        %add3A_343 = arith.addf %add3A_317, %mul3A_342 : vector<16xf32>
        %mul3A_344 = arith.mulf %gather3A_334, %gather3A_341 : vector<16xf32>
        %add3A_345 = arith.addf %add3A_319, %mul3A_344 : vector<16xf32>
        %add3A_346 = arith.addf %add3A_343, %add3A_345 : vector<16xf32>
        %mul3A_347 = arith.constant 16 : i32
        %mul3A_348 = arith.muli %scan3A_125, %mul3A_347 : i32
        %add3A_349 = arith.constant 0 : i32
        %add3A_350 = arith.addi %add3A_349, %mul3A_348 : i32
        %swap3A = arith.index_cast %add3A_350 : i32 to index
        %swap3A_351 = tpu.vector_load %arg13[%swap3A] {strides = array<i32>} : memref<1344xf32, #tpu.memory_space<vmem>>, vector<16xf32>,
        tpu.vector_store %arg13[%swap3A], %add3A_346 {strides = array<i32>} : memref<1344xf32, #tpu.memory_space<vmem>>, vector<16xf32>,
      }
      %scan3A_49 = arith.constant 21 : i32
      %scan3A_50 = arith.constant 0 : i32
      %scan3A_51 = arith.constant 0 : i32
      %scan3A_52 = arith.constant 21 : i32
      %scan3A_53 = arith.addi %scan3A_51, %scan3A_52 : i32
      %scan3A_54 = arith.constant 1 : i32
      scf.for %scan3A_125 = %scan3A_51 to %scan3A_53 step %scan3A_54  : i32 {
        %mul3A_126 = arith.constant 16 : i32
        %mul3A_127 = arith.muli %scan3A_125, %mul3A_126 : i32
        %get3A = arith.index_cast %mul3A_127 : i32 to index
        %get3A_128 = tpu.vector_load %arg9[%get3A] {strides = array<i32>} : memref<1344xi32, #tpu.memory_space<vmem>>, vector<16xi32>,
        %add3A_129 = arith.constant 26 : i32
        %add3A_130 = vector.broadcast %add3A_129 : i32 to vector<16xi32>
        %add3A_131 = arith.addi %get3A_128, %add3A_130 : vector<16xi32>
        %mul3A_132 = arith.constant 16 : i32
        %mul3A_133 = arith.muli %scan3A_125, %mul3A_132 : i32
        %add3A_134 = arith.constant 336 : i32
        %add3A_135 = arith.addi %add3A_134, %mul3A_133 : i32
        %get3A_136 = arith.index_cast %add3A_135 : i32 to index
        %get3A_137 = tpu.vector_load %arg9[%get3A_136] {strides = array<i32>} : memref<1344xi32, #tpu.memory_space<vmem>>, vector<16xi32>,
        %mul3A_138 = arith.constant 16 : i32
        %mul3A_139 = arith.muli %scan3A_125, %mul3A_138 : i32
        %add3A_140 = arith.constant 672 : i32
        %add3A_141 = arith.addi %add3A_140, %mul3A_139 : i32
        %get3A_142 = arith.index_cast %add3A_141 : i32 to index
        %get3A_143 = tpu.vector_load %arg9[%get3A_142] {strides = array<i32>} : memref<1344xi32, #tpu.memory_space<vmem>>, vector<16xi32>,
        %add3A_144 = arith.constant 26 : i32
        %add3A_145 = vector.broadcast %add3A_144 : i32 to vector<16xi32>
        %add3A_146 = arith.addi %get3A_143, %add3A_145 : vector<16xi32>
        %mul3A_147 = arith.constant 16 : i32
        %mul3A_148 = arith.muli %scan3A_125, %mul3A_147 : i32
        %add3A_149 = arith.constant 1008 : i32
        %add3A_150 = arith.addi %add3A_149, %mul3A_148 : i32
        %get3A_151 = arith.index_cast %add3A_150 : i32 to index
        %get3A_152 = tpu.vector_load %arg9[%get3A_151] {strides = array<i32>} : memref<1344xi32, #tpu.memory_space<vmem>>, vector<16xi32>,
        %gather3A = tpu.vector_load_idx %arg11[%add3A_131, %get3A_137] : memref<104x416xf32, #tpu.memory_space<vmem>>[vector<16xi32>, vector<16xi32>], vector<16xf32>,
        %gather3A_153 = tpu.vector_load_idx %arg11[%add3A_146, %get3A_152] : memref<104x416xf32, #tpu.memory_space<vmem>>[vector<16xi32>, vector<16xi32>], vector<16xf32>,
        %add3A_154 = arith.constant 1 : i32
        %add3A_155 = vector.broadcast %add3A_154 : i32 to vector<16xi32>
        %add3A_156 = arith.addi %get3A_137, %add3A_155 : vector<16xi32>
        %gather3A_157 = tpu.vector_load_idx %arg11[%add3A_131, %add3A_156] : memref<104x416xf32, #tpu.memory_space<vmem>>[vector<16xi32>, vector<16xi32>], vector<16xf32>,
        %add3A_158 = arith.constant 1 : i32
        %add3A_159 = vector.broadcast %add3A_158 : i32 to vector<16xi32>
        %add3A_160 = arith.addi %get3A_152, %add3A_159 : vector<16xi32>
        %gather3A_161 = tpu.vector_load_idx %arg11[%add3A_146, %add3A_160] : memref<104x416xf32, #tpu.memory_space<vmem>>[vector<16xi32>, vector<16xi32>], vector<16xf32>,
        %mul3A_162 = arith.mulf %gather3A, %gather3A_153 : vector<16xf32>
        %mul3A_163 = arith.mulf %gather3A_157, %gather3A_161 : vector<16xf32>
        %add3A_164 = arith.constant 2 : i32
        %add3A_165 = vector.broadcast %add3A_164 : i32 to vector<16xi32>
        %add3A_166 = arith.addi %get3A_137, %add3A_165 : vector<16xi32>
        %gather3A_167 = tpu.vector_load_idx %arg11[%add3A_131, %add3A_166] : memref<104x416xf32, #tpu.memory_space<vmem>>[vector<16xi32>, vector<16xi32>], vector<16xf32>,
        %add3A_168 = arith.constant 2 : i32
        %add3A_169 = vector.broadcast %add3A_168 : i32 to vector<16xi32>
        %add3A_170 = arith.addi %get3A_152, %add3A_169 : vector<16xi32>
        %gather3A_171 = tpu.vector_load_idx %arg11[%add3A_146, %add3A_170] : memref<104x416xf32, #tpu.memory_space<vmem>>[vector<16xi32>, vector<16xi32>], vector<16xf32>,
        %add3A_172 = arith.constant 2 : i32
        %add3A_173 = vector.broadcast %add3A_172 : i32 to vector<16xi32>
        %add3A_174 = arith.addi %get3A_137, %add3A_173 : vector<16xi32>
        %add3A_175 = arith.constant 1 : i32
        %add3A_176 = vector.broadcast %add3A_175 : i32 to vector<16xi32>
        %add3A_177 = arith.addi %add3A_174, %add3A_176 : vector<16xi32>
        %gather3A_178 = tpu.vector_load_idx %arg11[%add3A_131, %add3A_177] : memref<104x416xf32, #tpu.memory_space<vmem>>[vector<16xi32>, vector<16xi32>], vector<16xf32>,
        %add3A_179 = arith.constant 2 : i32
        %add3A_180 = vector.broadcast %add3A_179 : i32 to vector<16xi32>
        %add3A_181 = arith.addi %get3A_152, %add3A_180 : vector<16xi32>
        %add3A_182 = arith.constant 1 : i32
        %add3A_183 = vector.broadcast %add3A_182 : i32 to vector<16xi32>
        %add3A_184 = arith.addi %add3A_181, %add3A_183 : vector<16xi32>
        %gather3A_185 = tpu.vector_load_idx %arg11[%add3A_146, %add3A_184] : memref<104x416xf32, #tpu.memory_space<vmem>>[vector<16xi32>, vector<16xi32>], vector<16xf32>,
        %mul3A_186 = arith.mulf %gather3A_167, %gather3A_171 : vector<16xf32>
        %add3A_187 = arith.addf %mul3A_162, %mul3A_186 : vector<16xf32>
        %mul3A_188 = arith.mulf %gather3A_178, %gather3A_185 : vector<16xf32>
        %add3A_189 = arith.addf %mul3A_163, %mul3A_188 : vector<16xf32>
        %add3A_190 = arith.constant 4 : i32
        %add3A_191 = vector.broadcast %add3A_190 : i32 to vector<16xi32>
        %add3A_192 = arith.addi %get3A_137, %add3A_191 : vector<16xi32>
        %gather3A_193 = tpu.vector_load_idx %arg11[%add3A_131, %add3A_192] : memref<104x416xf32, #tpu.memory_space<vmem>>[vector<16xi32>, vector<16xi32>], vector<16xf32>,
        %add3A_194 = arith.constant 4 : i32
        %add3A_195 = vector.broadcast %add3A_194 : i32 to vector<16xi32>
        %add3A_196 = arith.addi %get3A_152, %add3A_195 : vector<16xi32>
        %gather3A_197 = tpu.vector_load_idx %arg11[%add3A_146, %add3A_196] : memref<104x416xf32, #tpu.memory_space<vmem>>[vector<16xi32>, vector<16xi32>], vector<16xf32>,
        %add3A_198 = arith.constant 4 : i32
        %add3A_199 = vector.broadcast %add3A_198 : i32 to vector<16xi32>
        %add3A_200 = arith.addi %get3A_137, %add3A_199 : vector<16xi32>
        %add3A_201 = arith.constant 1 : i32
        %add3A_202 = vector.broadcast %add3A_201 : i32 to vector<16xi32>
        %add3A_203 = arith.addi %add3A_200, %add3A_202 : vector<16xi32>
        %gather3A_204 = tpu.vector_load_idx %arg11[%add3A_131, %add3A_203] : memref<104x416xf32, #tpu.memory_space<vmem>>[vector<16xi32>, vector<16xi32>], vector<16xf32>,
        %add3A_205 = arith.constant 4 : i32
        %add3A_206 = vector.broadcast %add3A_205 : i32 to vector<16xi32>
        %add3A_207 = arith.addi %get3A_152, %add3A_206 : vector<16xi32>
        %add3A_208 = arith.constant 1 : i32
        %add3A_209 = vector.broadcast %add3A_208 : i32 to vector<16xi32>
        %add3A_210 = arith.addi %add3A_207, %add3A_209 : vector<16xi32>
        %gather3A_211 = tpu.vector_load_idx %arg11[%add3A_146, %add3A_210] : memref<104x416xf32, #tpu.memory_space<vmem>>[vector<16xi32>, vector<16xi32>], vector<16xf32>,
        %mul3A_212 = arith.mulf %gather3A_193, %gather3A_197 : vector<16xf32>
        %add3A_213 = arith.addf %add3A_187, %mul3A_212 : vector<16xf32>
        %mul3A_214 = arith.mulf %gather3A_204, %gather3A_211 : vector<16xf32>
        %add3A_215 = arith.addf %add3A_189, %mul3A_214 : vector<16xf32>
        %add3A_216 = arith.constant 6 : i32
        %add3A_217 = vector.broadcast %add3A_216 : i32 to vector<16xi32>
        %add3A_218 = arith.addi %get3A_137, %add3A_217 : vector<16xi32>
        %gather3A_219 = tpu.vector_load_idx %arg11[%add3A_131, %add3A_218] : memref<104x416xf32, #tpu.memory_space<vmem>>[vector<16xi32>, vector<16xi32>], vector<16xf32>,
        %add3A_220 = arith.constant 6 : i32
        %add3A_221 = vector.broadcast %add3A_220 : i32 to vector<16xi32>
        %add3A_222 = arith.addi %get3A_152, %add3A_221 : vector<16xi32>
        %gather3A_223 = tpu.vector_load_idx %arg11[%add3A_146, %add3A_222] : memref<104x416xf32, #tpu.memory_space<vmem>>[vector<16xi32>, vector<16xi32>], vector<16xf32>,
        %add3A_224 = arith.constant 6 : i32
        %add3A_225 = vector.broadcast %add3A_224 : i32 to vector<16xi32>
        %add3A_226 = arith.addi %get3A_137, %add3A_225 : vector<16xi32>
        %add3A_227 = arith.constant 1 : i32
        %add3A_228 = vector.broadcast %add3A_227 : i32 to vector<16xi32>
        %add3A_229 = arith.addi %add3A_226, %add3A_228 : vector<16xi32>
        %gather3A_230 = tpu.vector_load_idx %arg11[%add3A_131, %add3A_229] : memref<104x416xf32, #tpu.memory_space<vmem>>[vector<16xi32>, vector<16xi32>], vector<16xf32>,
        %add3A_231 = arith.constant 6 : i32
        %add3A_232 = vector.broadcast %add3A_231 : i32 to vector<16xi32>
        %add3A_233 = arith.addi %get3A_152, %add3A_232 : vector<16xi32>
        %add3A_234 = arith.constant 1 : i32
        %add3A_235 = vector.broadcast %add3A_234 : i32 to vector<16xi32>
        %add3A_236 = arith.addi %add3A_233, %add3A_235 : vector<16xi32>
        %gather3A_237 = tpu.vector_load_idx %arg11[%add3A_146, %add3A_236] : memref<104x416xf32, #tpu.memory_space<vmem>>[vector<16xi32>, vector<16xi32>], vector<16xf32>,
        %mul3A_238 = arith.mulf %gather3A_219, %gather3A_223 : vector<16xf32>
        %add3A_239 = arith.addf %add3A_213, %mul3A_238 : vector<16xf32>
        %mul3A_240 = arith.mulf %gather3A_230, %gather3A_237 : vector<16xf32>
        %add3A_241 = arith.addf %add3A_215, %mul3A_240 : vector<16xf32>
        %add3A_242 = arith.constant 8 : i32
        %add3A_243 = vector.broadcast %add3A_242 : i32 to vector<16xi32>
        %add3A_244 = arith.addi %get3A_137, %add3A_243 : vector<16xi32>
        %gather3A_245 = tpu.vector_load_idx %arg11[%add3A_131, %add3A_244] : memref<104x416xf32, #tpu.memory_space<vmem>>[vector<16xi32>, vector<16xi32>], vector<16xf32>,
        %add3A_246 = arith.constant 8 : i32
        %add3A_247 = vector.broadcast %add3A_246 : i32 to vector<16xi32>
        %add3A_248 = arith.addi %get3A_152, %add3A_247 : vector<16xi32>
        %gather3A_249 = tpu.vector_load_idx %arg11[%add3A_146, %add3A_248] : memref<104x416xf32, #tpu.memory_space<vmem>>[vector<16xi32>, vector<16xi32>], vector<16xf32>,
        %add3A_250 = arith.constant 8 : i32
        %add3A_251 = vector.broadcast %add3A_250 : i32 to vector<16xi32>
        %add3A_252 = arith.addi %get3A_137, %add3A_251 : vector<16xi32>
        %add3A_253 = arith.constant 1 : i32
        %add3A_254 = vector.broadcast %add3A_253 : i32 to vector<16xi32>
        %add3A_255 = arith.addi %add3A_252, %add3A_254 : vector<16xi32>
        %gather3A_256 = tpu.vector_load_idx %arg11[%add3A_131, %add3A_255] : memref<104x416xf32, #tpu.memory_space<vmem>>[vector<16xi32>, vector<16xi32>], vector<16xf32>,
        %add3A_257 = arith.constant 8 : i32
        %add3A_258 = vector.broadcast %add3A_257 : i32 to vector<16xi32>
        %add3A_259 = arith.addi %get3A_152, %add3A_258 : vector<16xi32>
        %add3A_260 = arith.constant 1 : i32
        %add3A_261 = vector.broadcast %add3A_260 : i32 to vector<16xi32>
        %add3A_262 = arith.addi %add3A_259, %add3A_261 : vector<16xi32>
        %gather3A_263 = tpu.vector_load_idx %arg11[%add3A_146, %add3A_262] : memref<104x416xf32, #tpu.memory_space<vmem>>[vector<16xi32>, vector<16xi32>], vector<16xf32>,
        %mul3A_264 = arith.mulf %gather3A_245, %gather3A_249 : vector<16xf32>
        %add3A_265 = arith.addf %add3A_239, %mul3A_264 : vector<16xf32>
        %mul3A_266 = arith.mulf %gather3A_256, %gather3A_263 : vector<16xf32>
        %add3A_267 = arith.addf %add3A_241, %mul3A_266 : vector<16xf32>
        %add3A_268 = arith.constant 10 : i32
        %add3A_269 = vector.broadcast %add3A_268 : i32 to vector<16xi32>
        %add3A_270 = arith.addi %get3A_137, %add3A_269 : vector<16xi32>
        %gather3A_271 = tpu.vector_load_idx %arg11[%add3A_131, %add3A_270] : memref<104x416xf32, #tpu.memory_space<vmem>>[vector<16xi32>, vector<16xi32>], vector<16xf32>,
        %add3A_272 = arith.constant 10 : i32
        %add3A_273 = vector.broadcast %add3A_272 : i32 to vector<16xi32>
        %add3A_274 = arith.addi %get3A_152, %add3A_273 : vector<16xi32>
        %gather3A_275 = tpu.vector_load_idx %arg11[%add3A_146, %add3A_274] : memref<104x416xf32, #tpu.memory_space<vmem>>[vector<16xi32>, vector<16xi32>], vector<16xf32>,
        %add3A_276 = arith.constant 10 : i32
        %add3A_277 = vector.broadcast %add3A_276 : i32 to vector<16xi32>
        %add3A_278 = arith.addi %get3A_137, %add3A_277 : vector<16xi32>
        %add3A_279 = arith.constant 1 : i32
        %add3A_280 = vector.broadcast %add3A_279 : i32 to vector<16xi32>
        %add3A_281 = arith.addi %add3A_278, %add3A_280 : vector<16xi32>
        %gather3A_282 = tpu.vector_load_idx %arg11[%add3A_131, %add3A_281] : memref<104x416xf32, #tpu.memory_space<vmem>>[vector<16xi32>, vector<16xi32>], vector<16xf32>,
        %add3A_283 = arith.constant 10 : i32
        %add3A_284 = vector.broadcast %add3A_283 : i32 to vector<16xi32>
        %add3A_285 = arith.addi %get3A_152, %add3A_284 : vector<16xi32>
        %add3A_286 = arith.constant 1 : i32
        %add3A_287 = vector.broadcast %add3A_286 : i32 to vector<16xi32>
        %add3A_288 = arith.addi %add3A_285, %add3A_287 : vector<16xi32>
        %gather3A_289 = tpu.vector_load_idx %arg11[%add3A_146, %add3A_288] : memref<104x416xf32, #tpu.memory_space<vmem>>[vector<16xi32>, vector<16xi32>], vector<16xf32>,
        %mul3A_290 = arith.mulf %gather3A_271, %gather3A_275 : vector<16xf32>
        %add3A_291 = arith.addf %add3A_265, %mul3A_290 : vector<16xf32>
        %mul3A_292 = arith.mulf %gather3A_282, %gather3A_289 : vector<16xf32>
        %add3A_293 = arith.addf %add3A_267, %mul3A_292 : vector<16xf32>
        %add3A_294 = arith.constant 12 : i32
        %add3A_295 = vector.broadcast %add3A_294 : i32 to vector<16xi32>
        %add3A_296 = arith.addi %get3A_137, %add3A_295 : vector<16xi32>
        %gather3A_297 = tpu.vector_load_idx %arg11[%add3A_131, %add3A_296] : memref<104x416xf32, #tpu.memory_space<vmem>>[vector<16xi32>, vector<16xi32>], vector<16xf32>,
        %add3A_298 = arith.constant 12 : i32
        %add3A_299 = vector.broadcast %add3A_298 : i32 to vector<16xi32>
        %add3A_300 = arith.addi %get3A_152, %add3A_299 : vector<16xi32>
        %gather3A_301 = tpu.vector_load_idx %arg11[%add3A_146, %add3A_300] : memref<104x416xf32, #tpu.memory_space<vmem>>[vector<16xi32>, vector<16xi32>], vector<16xf32>,
        %add3A_302 = arith.constant 12 : i32
        %add3A_303 = vector.broadcast %add3A_302 : i32 to vector<16xi32>
        %add3A_304 = arith.addi %get3A_137, %add3A_303 : vector<16xi32>
        %add3A_305 = arith.constant 1 : i32
        %add3A_306 = vector.broadcast %add3A_305 : i32 to vector<16xi32>
        %add3A_307 = arith.addi %add3A_304, %add3A_306 : vector<16xi32>
        %gather3A_308 = tpu.vector_load_idx %arg11[%add3A_131, %add3A_307] : memref<104x416xf32, #tpu.memory_space<vmem>>[vector<16xi32>, vector<16xi32>], vector<16xf32>,
        %add3A_309 = arith.constant 12 : i32
        %add3A_310 = vector.broadcast %add3A_309 : i32 to vector<16xi32>
        %add3A_311 = arith.addi %get3A_152, %add3A_310 : vector<16xi32>
        %add3A_312 = arith.constant 1 : i32
        %add3A_313 = vector.broadcast %add3A_312 : i32 to vector<16xi32>
        %add3A_314 = arith.addi %add3A_311, %add3A_313 : vector<16xi32>
        %gather3A_315 = tpu.vector_load_idx %arg11[%add3A_146, %add3A_314] : memref<104x416xf32, #tpu.memory_space<vmem>>[vector<16xi32>, vector<16xi32>], vector<16xf32>,
        %mul3A_316 = arith.mulf %gather3A_297, %gather3A_301 : vector<16xf32>
        %add3A_317 = arith.addf %add3A_291, %mul3A_316 : vector<16xf32>
        %mul3A_318 = arith.mulf %gather3A_308, %gather3A_315 : vector<16xf32>
        %add3A_319 = arith.addf %add3A_293, %mul3A_318 : vector<16xf32>
        %add3A_320 = arith.constant 14 : i32
        %add3A_321 = vector.broadcast %add3A_320 : i32 to vector<16xi32>
        %add3A_322 = arith.addi %get3A_137, %add3A_321 : vector<16xi32>
        %gather3A_323 = tpu.vector_load_idx %arg11[%add3A_131, %add3A_322] : memref<104x416xf32, #tpu.memory_space<vmem>>[vector<16xi32>, vector<16xi32>], vector<16xf32>,
        %add3A_324 = arith.constant 14 : i32
        %add3A_325 = vector.broadcast %add3A_324 : i32 to vector<16xi32>
        %add3A_326 = arith.addi %get3A_152, %add3A_325 : vector<16xi32>
        %gather3A_327 = tpu.vector_load_idx %arg11[%add3A_146, %add3A_326] : memref<104x416xf32, #tpu.memory_space<vmem>>[vector<16xi32>, vector<16xi32>], vector<16xf32>,
        %add3A_328 = arith.constant 14 : i32
        %add3A_329 = vector.broadcast %add3A_328 : i32 to vector<16xi32>
        %add3A_330 = arith.addi %get3A_137, %add3A_329 : vector<16xi32>
        %add3A_331 = arith.constant 1 : i32
        %add3A_332 = vector.broadcast %add3A_331 : i32 to vector<16xi32>
        %add3A_333 = arith.addi %add3A_330, %add3A_332 : vector<16xi32>
        %gather3A_334 = tpu.vector_load_idx %arg11[%add3A_131, %add3A_333] : memref<104x416xf32, #tpu.memory_space<vmem>>[vector<16xi32>, vector<16xi32>], vector<16xf32>,
        %add3A_335 = arith.constant 14 : i32
        %add3A_336 = vector.broadcast %add3A_335 : i32 to vector<16xi32>
        %add3A_337 = arith.addi %get3A_152, %add3A_336 : vector<16xi32>
        %add3A_338 = arith.constant 1 : i32
        %add3A_339 = vector.broadcast %add3A_338 : i32 to vector<16xi32>
        %add3A_340 = arith.addi %add3A_337, %add3A_339 : vector<16xi32>
        %gather3A_341 = tpu.vector_load_idx %arg11[%add3A_146, %add3A_340] : memref<104x416xf32, #tpu.memory_space<vmem>>[vector<16xi32>, vector<16xi32>], vector<16xf32>,
        %mul3A_342 = arith.mulf %gather3A_323, %gather3A_327 : vector<16xf32>
        %add3A_343 = arith.addf %add3A_317, %mul3A_342 : vector<16xf32>
        %mul3A_344 = arith.mulf %gather3A_334, %gather3A_341 : vector<16xf32>
        %add3A_345 = arith.addf %add3A_319, %mul3A_344 : vector<16xf32>
        %add3A_346 = arith.addf %add3A_343, %add3A_345 : vector<16xf32>
        %mul3A_347 = arith.constant 16 : i32
        %mul3A_348 = arith.muli %scan3A_125, %mul3A_347 : i32
        %add3A_349 = arith.constant 336 : i32
        %add3A_350 = arith.addi %add3A_349, %mul3A_348 : i32
        %swap3A = arith.index_cast %add3A_350 : i32 to index
        %swap3A_351 = tpu.vector_load %arg13[%swap3A] {strides = array<i32>} : memref<1344xf32, #tpu.memory_space<vmem>>, vector<16xf32>,
        tpu.vector_store %arg13[%swap3A], %add3A_346 {strides = array<i32>} : memref<1344xf32, #tpu.memory_space<vmem>>, vector<16xf32>,
      }
      %scan3A_55 = arith.constant 21 : i32
      %scan3A_56 = arith.constant 0 : i32
      %scan3A_57 = arith.constant 0 : i32
      %scan3A_58 = arith.constant 21 : i32
      %scan3A_59 = arith.addi %scan3A_57, %scan3A_58 : i32
      %scan3A_60 = arith.constant 1 : i32
      scf.for %scan3A_125 = %scan3A_57 to %scan3A_59 step %scan3A_60  : i32 {
        %mul3A_126 = arith.constant 16 : i32
        %mul3A_127 = arith.muli %scan3A_125, %mul3A_126 : i32
        %get3A = arith.index_cast %mul3A_127 : i32 to index
        %get3A_128 = tpu.vector_load %arg9[%get3A] {strides = array<i32>} : memref<1344xi32, #tpu.memory_space<vmem>>, vector<16xi32>,
        %add3A_129 = arith.constant 52 : i32
        %add3A_130 = vector.broadcast %add3A_129 : i32 to vector<16xi32>
        %add3A_131 = arith.addi %get3A_128, %add3A_130 : vector<16xi32>
        %mul3A_132 = arith.constant 16 : i32
        %mul3A_133 = arith.muli %scan3A_125, %mul3A_132 : i32
        %add3A_134 = arith.constant 336 : i32
        %add3A_135 = arith.addi %add3A_134, %mul3A_133 : i32
        %get3A_136 = arith.index_cast %add3A_135 : i32 to index
        %get3A_137 = tpu.vector_load %arg9[%get3A_136] {strides = array<i32>} : memref<1344xi32, #tpu.memory_space<vmem>>, vector<16xi32>,
        %mul3A_138 = arith.constant 16 : i32
        %mul3A_139 = arith.muli %scan3A_125, %mul3A_138 : i32
        %add3A_140 = arith.constant 672 : i32
        %add3A_141 = arith.addi %add3A_140, %mul3A_139 : i32
        %get3A_142 = arith.index_cast %add3A_141 : i32 to index
        %get3A_143 = tpu.vector_load %arg9[%get3A_142] {strides = array<i32>} : memref<1344xi32, #tpu.memory_space<vmem>>, vector<16xi32>,
        %add3A_144 = arith.constant 52 : i32
        %add3A_145 = vector.broadcast %add3A_144 : i32 to vector<16xi32>
        %add3A_146 = arith.addi %get3A_143, %add3A_145 : vector<16xi32>
        %mul3A_147 = arith.constant 16 : i32
        %mul3A_148 = arith.muli %scan3A_125, %mul3A_147 : i32
        %add3A_149 = arith.constant 1008 : i32
        %add3A_150 = arith.addi %add3A_149, %mul3A_148 : i32
        %get3A_151 = arith.index_cast %add3A_150 : i32 to index
        %get3A_152 = tpu.vector_load %arg9[%get3A_151] {strides = array<i32>} : memref<1344xi32, #tpu.memory_space<vmem>>, vector<16xi32>,
        %gather3A = tpu.vector_load_idx %arg11[%add3A_131, %get3A_137] : memref<104x416xf32, #tpu.memory_space<vmem>>[vector<16xi32>, vector<16xi32>], vector<16xf32>,
        %gather3A_153 = tpu.vector_load_idx %arg11[%add3A_146, %get3A_152] : memref<104x416xf32, #tpu.memory_space<vmem>>[vector<16xi32>, vector<16xi32>], vector<16xf32>,
        %add3A_154 = arith.constant 1 : i32
        %add3A_155 = vector.broadcast %add3A_154 : i32 to vector<16xi32>
        %add3A_156 = arith.addi %get3A_137, %add3A_155 : vector<16xi32>
        %gather3A_157 = tpu.vector_load_idx %arg11[%add3A_131, %add3A_156] : memref<104x416xf32, #tpu.memory_space<vmem>>[vector<16xi32>, vector<16xi32>], vector<16xf32>,
        %add3A_158 = arith.constant 1 : i32
        %add3A_159 = vector.broadcast %add3A_158 : i32 to vector<16xi32>
        %add3A_160 = arith.addi %get3A_152, %add3A_159 : vector<16xi32>
        %gather3A_161 = tpu.vector_load_idx %arg11[%add3A_146, %add3A_160] : memref<104x416xf32, #tpu.memory_space<vmem>>[vector<16xi32>, vector<16xi32>], vector<16xf32>,
        %mul3A_162 = arith.mulf %gather3A, %gather3A_153 : vector<16xf32>
        %mul3A_163 = arith.mulf %gather3A_157, %gather3A_161 : vector<16xf32>
        %add3A_164 = arith.constant 2 : i32
        %add3A_165 = vector.broadcast %add3A_164 : i32 to vector<16xi32>
        %add3A_166 = arith.addi %get3A_137, %add3A_165 : vector<16xi32>
        %gather3A_167 = tpu.vector_load_idx %arg11[%add3A_131, %add3A_166] : memref<104x416xf32, #tpu.memory_space<vmem>>[vector<16xi32>, vector<16xi32>], vector<16xf32>,
        %add3A_168 = arith.constant 2 : i32
        %add3A_169 = vector.broadcast %add3A_168 : i32 to vector<16xi32>
        %add3A_170 = arith.addi %get3A_152, %add3A_169 : vector<16xi32>
        %gather3A_171 = tpu.vector_load_idx %arg11[%add3A_146, %add3A_170] : memref<104x416xf32, #tpu.memory_space<vmem>>[vector<16xi32>, vector<16xi32>], vector<16xf32>,
        %add3A_172 = arith.constant 2 : i32
        %add3A_173 = vector.broadcast %add3A_172 : i32 to vector<16xi32>
        %add3A_174 = arith.addi %get3A_137, %add3A_173 : vector<16xi32>
        %add3A_175 = arith.constant 1 : i32
        %add3A_176 = vector.broadcast %add3A_175 : i32 to vector<16xi32>
        %add3A_177 = arith.addi %add3A_174, %add3A_176 : vector<16xi32>
        %gather3A_178 = tpu.vector_load_idx %arg11[%add3A_131, %add3A_177] : memref<104x416xf32, #tpu.memory_space<vmem>>[vector<16xi32>, vector<16xi32>], vector<16xf32>,
        %add3A_179 = arith.constant 2 : i32
        %add3A_180 = vector.broadcast %add3A_179 : i32 to vector<16xi32>
        %add3A_181 = arith.addi %get3A_152, %add3A_180 : vector<16xi32>
        %add3A_182 = arith.constant 1 : i32
        %add3A_183 = vector.broadcast %add3A_182 : i32 to vector<16xi32>
        %add3A_184 = arith.addi %add3A_181, %add3A_183 : vector<16xi32>
        %gather3A_185 = tpu.vector_load_idx %arg11[%add3A_146, %add3A_184] : memref<104x416xf32, #tpu.memory_space<vmem>>[vector<16xi32>, vector<16xi32>], vector<16xf32>,
        %mul3A_186 = arith.mulf %gather3A_167, %gather3A_171 : vector<16xf32>
        %add3A_187 = arith.addf %mul3A_162, %mul3A_186 : vector<16xf32>
        %mul3A_188 = arith.mulf %gather3A_178, %gather3A_185 : vector<16xf32>
        %add3A_189 = arith.addf %mul3A_163, %mul3A_188 : vector<16xf32>
        %add3A_190 = arith.constant 4 : i32
        %add3A_191 = vector.broadcast %add3A_190 : i32 to vector<16xi32>
        %add3A_192 = arith.addi %get3A_137, %add3A_191 : vector<16xi32>
        %gather3A_193 = tpu.vector_load_idx %arg11[%add3A_131, %add3A_192] : memref<104x416xf32, #tpu.memory_space<vmem>>[vector<16xi32>, vector<16xi32>], vector<16xf32>,
        %add3A_194 = arith.constant 4 : i32
        %add3A_195 = vector.broadcast %add3A_194 : i32 to vector<16xi32>
        %add3A_196 = arith.addi %get3A_152, %add3A_195 : vector<16xi32>
        %gather3A_197 = tpu.vector_load_idx %arg11[%add3A_146, %add3A_196] : memref<104x416xf32, #tpu.memory_space<vmem>>[vector<16xi32>, vector<16xi32>], vector<16xf32>,
        %add3A_198 = arith.constant 4 : i32
        %add3A_199 = vector.broadcast %add3A_198 : i32 to vector<16xi32>
        %add3A_200 = arith.addi %get3A_137, %add3A_199 : vector<16xi32>
        %add3A_201 = arith.constant 1 : i32
        %add3A_202 = vector.broadcast %add3A_201 : i32 to vector<16xi32>
        %add3A_203 = arith.addi %add3A_200, %add3A_202 : vector<16xi32>
        %gather3A_204 = tpu.vector_load_idx %arg11[%add3A_131, %add3A_203] : memref<104x416xf32, #tpu.memory_space<vmem>>[vector<16xi32>, vector<16xi32>], vector<16xf32>,
        %add3A_205 = arith.constant 4 : i32
        %add3A_206 = vector.broadcast %add3A_205 : i32 to vector<16xi32>
        %add3A_207 = arith.addi %get3A_152, %add3A_206 : vector<16xi32>
        %add3A_208 = arith.constant 1 : i32
        %add3A_209 = vector.broadcast %add3A_208 : i32 to vector<16xi32>
        %add3A_210 = arith.addi %add3A_207, %add3A_209 : vector<16xi32>
        %gather3A_211 = tpu.vector_load_idx %arg11[%add3A_146, %add3A_210] : memref<104x416xf32, #tpu.memory_space<vmem>>[vector<16xi32>, vector<16xi32>], vector<16xf32>,
        %mul3A_212 = arith.mulf %gather3A_193, %gather3A_197 : vector<16xf32>
        %add3A_213 = arith.addf %add3A_187, %mul3A_212 : vector<16xf32>
        %mul3A_214 = arith.mulf %gather3A_204, %gather3A_211 : vector<16xf32>
        %add3A_215 = arith.addf %add3A_189, %mul3A_214 : vector<16xf32>
        %add3A_216 = arith.constant 6 : i32
        %add3A_217 = vector.broadcast %add3A_216 : i32 to vector<16xi32>
        %add3A_218 = arith.addi %get3A_137, %add3A_217 : vector<16xi32>
        %gather3A_219 = tpu.vector_load_idx %arg11[%add3A_131, %add3A_218] : memref<104x416xf32, #tpu.memory_space<vmem>>[vector<16xi32>, vector<16xi32>], vector<16xf32>,
        %add3A_220 = arith.constant 6 : i32
        %add3A_221 = vector.broadcast %add3A_220 : i32 to vector<16xi32>
        %add3A_222 = arith.addi %get3A_152, %add3A_221 : vector<16xi32>
        %gather3A_223 = tpu.vector_load_idx %arg11[%add3A_146, %add3A_222] : memref<104x416xf32, #tpu.memory_space<vmem>>[vector<16xi32>, vector<16xi32>], vector<16xf32>,
        %add3A_224 = arith.constant 6 : i32
        %add3A_225 = vector.broadcast %add3A_224 : i32 to vector<16xi32>
        %add3A_226 = arith.addi %get3A_137, %add3A_225 : vector<16xi32>
        %add3A_227 = arith.constant 1 : i32
        %add3A_228 = vector.broadcast %add3A_227 : i32 to vector<16xi32>
        %add3A_229 = arith.addi %add3A_226, %add3A_228 : vector<16xi32>
        %gather3A_230 = tpu.vector_load_idx %arg11[%add3A_131, %add3A_229] : memref<104x416xf32, #tpu.memory_space<vmem>>[vector<16xi32>, vector<16xi32>], vector<16xf32>,
        %add3A_231 = arith.constant 6 : i32
        %add3A_232 = vector.broadcast %add3A_231 : i32 to vector<16xi32>
        %add3A_233 = arith.addi %get3A_152, %add3A_232 : vector<16xi32>
        %add3A_234 = arith.constant 1 : i32
        %add3A_235 = vector.broadcast %add3A_234 : i32 to vector<16xi32>
        %add3A_236 = arith.addi %add3A_233, %add3A_235 : vector<16xi32>
        %gather3A_237 = tpu.vector_load_idx %arg11[%add3A_146, %add3A_236] : memref<104x416xf32, #tpu.memory_space<vmem>>[vector<16xi32>, vector<16xi32>], vector<16xf32>,
        %mul3A_238 = arith.mulf %gather3A_219, %gather3A_223 : vector<16xf32>
        %add3A_239 = arith.addf %add3A_213, %mul3A_238 : vector<16xf32>
        %mul3A_240 = arith.mulf %gather3A_230, %gather3A_237 : vector<16xf32>
        %add3A_241 = arith.addf %add3A_215, %mul3A_240 : vector<16xf32>
        %add3A_242 = arith.constant 8 : i32
        %add3A_243 = vector.broadcast %add3A_242 : i32 to vector<16xi32>
        %add3A_244 = arith.addi %get3A_137, %add3A_243 : vector<16xi32>
        %gather3A_245 = tpu.vector_load_idx %arg11[%add3A_131, %add3A_244] : memref<104x416xf32, #tpu.memory_space<vmem>>[vector<16xi32>, vector<16xi32>], vector<16xf32>,
        %add3A_246 = arith.constant 8 : i32
        %add3A_247 = vector.broadcast %add3A_246 : i32 to vector<16xi32>
        %add3A_248 = arith.addi %get3A_152, %add3A_247 : vector<16xi32>
        %gather3A_249 = tpu.vector_load_idx %arg11[%add3A_146, %add3A_248] : memref<104x416xf32, #tpu.memory_space<vmem>>[vector<16xi32>, vector<16xi32>], vector<16xf32>,
        %add3A_250 = arith.constant 8 : i32
        %add3A_251 = vector.broadcast %add3A_250 : i32 to vector<16xi32>
        %add3A_252 = arith.addi %get3A_137, %add3A_251 : vector<16xi32>
        %add3A_253 = arith.constant 1 : i32
        %add3A_254 = vector.broadcast %add3A_253 : i32 to vector<16xi32>
        %add3A_255 = arith.addi %add3A_252, %add3A_254 : vector<16xi32>
        %gather3A_256 = tpu.vector_load_idx %arg11[%add3A_131, %add3A_255] : memref<104x416xf32, #tpu.memory_space<vmem>>[vector<16xi32>, vector<16xi32>], vector<16xf32>,
        %add3A_257 = arith.constant 8 : i32
        %add3A_258 = vector.broadcast %add3A_257 : i32 to vector<16xi32>
        %add3A_259 = arith.addi %get3A_152, %add3A_258 : vector<16xi32>
        %add3A_260 = arith.constant 1 : i32
        %add3A_261 = vector.broadcast %add3A_260 : i32 to vector<16xi32>
        %add3A_262 = arith.addi %add3A_259, %add3A_261 : vector<16xi32>
        %gather3A_263 = tpu.vector_load_idx %arg11[%add3A_146, %add3A_262] : memref<104x416xf32, #tpu.memory_space<vmem>>[vector<16xi32>, vector<16xi32>], vector<16xf32>,
        %mul3A_264 = arith.mulf %gather3A_245, %gather3A_249 : vector<16xf32>
        %add3A_265 = arith.addf %add3A_239, %mul3A_264 : vector<16xf32>
        %mul3A_266 = arith.mulf %gather3A_256, %gather3A_263 : vector<16xf32>
        %add3A_267 = arith.addf %add3A_241, %mul3A_266 : vector<16xf32>
        %add3A_268 = arith.constant 10 : i32
        %add3A_269 = vector.broadcast %add3A_268 : i32 to vector<16xi32>
        %add3A_270 = arith.addi %get3A_137, %add3A_269 : vector<16xi32>
        %gather3A_271 = tpu.vector_load_idx %arg11[%add3A_131, %add3A_270] : memref<104x416xf32, #tpu.memory_space<vmem>>[vector<16xi32>, vector<16xi32>], vector<16xf32>,
        %add3A_272 = arith.constant 10 : i32
        %add3A_273 = vector.broadcast %add3A_272 : i32 to vector<16xi32>
        %add3A_274 = arith.addi %get3A_152, %add3A_273 : vector<16xi32>
        %gather3A_275 = tpu.vector_load_idx %arg11[%add3A_146, %add3A_274] : memref<104x416xf32, #tpu.memory_space<vmem>>[vector<16xi32>, vector<16xi32>], vector<16xf32>,
        %add3A_276 = arith.constant 10 : i32
        %add3A_277 = vector.broadcast %add3A_276 : i32 to vector<16xi32>
        %add3A_278 = arith.addi %get3A_137, %add3A_277 : vector<16xi32>
        %add3A_279 = arith.constant 1 : i32
        %add3A_280 = vector.broadcast %add3A_279 : i32 to vector<16xi32>
        %add3A_281 = arith.addi %add3A_278, %add3A_280 : vector<16xi32>
        %gather3A_282 = tpu.vector_load_idx %arg11[%add3A_131, %add3A_281] : memref<104x416xf32, #tpu.memory_space<vmem>>[vector<16xi32>, vector<16xi32>], vector<16xf32>,
        %add3A_283 = arith.constant 10 : i32
        %add3A_284 = vector.broadcast %add3A_283 : i32 to vector<16xi32>
        %add3A_285 = arith.addi %get3A_152, %add3A_284 : vector<16xi32>
        %add3A_286 = arith.constant 1 : i32
        %add3A_287 = vector.broadcast %add3A_286 : i32 to vector<16xi32>
        %add3A_288 = arith.addi %add3A_285, %add3A_287 : vector<16xi32>
        %gather3A_289 = tpu.vector_load_idx %arg11[%add3A_146, %add3A_288] : memref<104x416xf32, #tpu.memory_space<vmem>>[vector<16xi32>, vector<16xi32>], vector<16xf32>,
        %mul3A_290 = arith.mulf %gather3A_271, %gather3A_275 : vector<16xf32>
        %add3A_291 = arith.addf %add3A_265, %mul3A_290 : vector<16xf32>
        %mul3A_292 = arith.mulf %gather3A_282, %gather3A_289 : vector<16xf32>
        %add3A_293 = arith.addf %add3A_267, %mul3A_292 : vector<16xf32>
        %add3A_294 = arith.constant 12 : i32
        %add3A_295 = vector.broadcast %add3A_294 : i32 to vector<16xi32>
        %add3A_296 = arith.addi %get3A_137, %add3A_295 : vector<16xi32>
        %gather3A_297 = tpu.vector_load_idx %arg11[%add3A_131, %add3A_296] : memref<104x416xf32, #tpu.memory_space<vmem>>[vector<16xi32>, vector<16xi32>], vector<16xf32>,
        %add3A_298 = arith.constant 12 : i32
        %add3A_299 = vector.broadcast %add3A_298 : i32 to vector<16xi32>
        %add3A_300 = arith.addi %get3A_152, %add3A_299 : vector<16xi32>
        %gather3A_301 = tpu.vector_load_idx %arg11[%add3A_146, %add3A_300] : memref<104x416xf32, #tpu.memory_space<vmem>>[vector<16xi32>, vector<16xi32>], vector<16xf32>,
        %add3A_302 = arith.constant 12 : i32
        %add3A_303 = vector.broadcast %add3A_302 : i32 to vector<16xi32>
        %add3A_304 = arith.addi %get3A_137, %add3A_303 : vector<16xi32>
        %add3A_305 = arith.constant 1 : i32
        %add3A_306 = vector.broadcast %add3A_305 : i32 to vector<16xi32>
        %add3A_307 = arith.addi %add3A_304, %add3A_306 : vector<16xi32>
        %gather3A_308 = tpu.vector_load_idx %arg11[%add3A_131, %add3A_307] : memref<104x416xf32, #tpu.memory_space<vmem>>[vector<16xi32>, vector<16xi32>], vector<16xf32>,
        %add3A_309 = arith.constant 12 : i32
        %add3A_310 = vector.broadcast %add3A_309 : i32 to vector<16xi32>
        %add3A_311 = arith.addi %get3A_152, %add3A_310 : vector<16xi32>
        %add3A_312 = arith.constant 1 : i32
        %add3A_313 = vector.broadcast %add3A_312 : i32 to vector<16xi32>
        %add3A_314 = arith.addi %add3A_311, %add3A_313 : vector<16xi32>
        %gather3A_315 = tpu.vector_load_idx %arg11[%add3A_146, %add3A_314] : memref<104x416xf32, #tpu.memory_space<vmem>>[vector<16xi32>, vector<16xi32>], vector<16xf32>,
        %mul3A_316 = arith.mulf %gather3A_297, %gather3A_301 : vector<16xf32>
        %add3A_317 = arith.addf %add3A_291, %mul3A_316 : vector<16xf32>
        %mul3A_318 = arith.mulf %gather3A_308, %gather3A_315 : vector<16xf32>
        %add3A_319 = arith.addf %add3A_293, %mul3A_318 : vector<16xf32>
        %add3A_320 = arith.constant 14 : i32
        %add3A_321 = vector.broadcast %add3A_320 : i32 to vector<16xi32>
        %add3A_322 = arith.addi %get3A_137, %add3A_321 : vector<16xi32>
        %gather3A_323 = tpu.vector_load_idx %arg11[%add3A_131, %add3A_322] : memref<104x416xf32, #tpu.memory_space<vmem>>[vector<16xi32>, vector<16xi32>], vector<16xf32>,
        %add3A_324 = arith.constant 14 : i32
        %add3A_325 = vector.broadcast %add3A_324 : i32 to vector<16xi32>
        %add3A_326 = arith.addi %get3A_152, %add3A_325 : vector<16xi32>
        %gather3A_327 = tpu.vector_load_idx %arg11[%add3A_146, %add3A_326] : memref<104x416xf32, #tpu.memory_space<vmem>>[vector<16xi32>, vector<16xi32>], vector<16xf32>,
        %add3A_328 = arith.constant 14 : i32
        %add3A_329 = vector.broadcast %add3A_328 : i32 to vector<16xi32>
        %add3A_330 = arith.addi %get3A_137, %add3A_329 : vector<16xi32>
        %add3A_331 = arith.constant 1 : i32
        %add3A_332 = vector.broadcast %add3A_331 : i32 to vector<16xi32>
        %add3A_333 = arith.addi %add3A_330, %add3A_332 : vector<16xi32>
        %gather3A_334 = tpu.vector_load_idx %arg11[%add3A_131, %add3A_333] : memref<104x416xf32, #tpu.memory_space<vmem>>[vector<16xi32>, vector<16xi32>], vector<16xf32>,
        %add3A_335 = arith.constant 14 : i32
        %add3A_336 = vector.broadcast %add3A_335 : i32 to vector<16xi32>
        %add3A_337 = arith.addi %get3A_152, %add3A_336 : vector<16xi32>
        %add3A_338 = arith.constant 1 : i32
        %add3A_339 = vector.broadcast %add3A_338 : i32 to vector<16xi32>
        %add3A_340 = arith.addi %add3A_337, %add3A_339 : vector<16xi32>
        %gather3A_341 = tpu.vector_load_idx %arg11[%add3A_146, %add3A_340] : memref<104x416xf32, #tpu.memory_space<vmem>>[vector<16xi32>, vector<16xi32>], vector<16xf32>,
        %mul3A_342 = arith.mulf %gather3A_323, %gather3A_327 : vector<16xf32>
        %add3A_343 = arith.addf %add3A_317, %mul3A_342 : vector<16xf32>
        %mul3A_344 = arith.mulf %gather3A_334, %gather3A_341 : vector<16xf32>
        %add3A_345 = arith.addf %add3A_319, %mul3A_344 : vector<16xf32>
        %add3A_346 = arith.addf %add3A_343, %add3A_345 : vector<16xf32>
        %mul3A_347 = arith.constant 16 : i32
        %mul3A_348 = arith.muli %scan3A_125, %mul3A_347 : i32
        %add3A_349 = arith.constant 672 : i32
        %add3A_350 = arith.addi %add3A_349, %mul3A_348 : i32
        %swap3A = arith.index_cast %add3A_350 : i32 to index
        %swap3A_351 = tpu.vector_load %arg13[%swap3A] {strides = array<i32>} : memref<1344xf32, #tpu.memory_space<vmem>>, vector<16xf32>,
        tpu.vector_store %arg13[%swap3A], %add3A_346 {strides = array<i32>} : memref<1344xf32, #tpu.memory_space<vmem>>, vector<16xf32>,
      }
      %scan3A_61 = arith.constant 21 : i32
      %scan3A_62 = arith.constant 0 : i32
      %scan3A_63 = arith.constant 0 : i32
      %scan3A_64 = arith.constant 21 : i32
      %scan3A_65 = arith.addi %scan3A_63, %scan3A_64 : i32
      %scan3A_66 = arith.constant 1 : i32
      scf.for %scan3A_125 = %scan3A_63 to %scan3A_65 step %scan3A_66  : i32 {
        %mul3A_126 = arith.constant 16 : i32
        %mul3A_127 = arith.muli %scan3A_125, %mul3A_126 : i32
        %get3A = arith.index_cast %mul3A_127 : i32 to index
        %get3A_128 = tpu.vector_load %arg9[%get3A] {strides = array<i32>} : memref<1344xi32, #tpu.memory_space<vmem>>, vector<16xi32>,
        %add3A_129 = arith.constant 78 : i32
        %add3A_130 = vector.broadcast %add3A_129 : i32 to vector<16xi32>
        %add3A_131 = arith.addi %get3A_128, %add3A_130 : vector<16xi32>
        %mul3A_132 = arith.constant 16 : i32
        %mul3A_133 = arith.muli %scan3A_125, %mul3A_132 : i32
        %add3A_134 = arith.constant 336 : i32
        %add3A_135 = arith.addi %add3A_134, %mul3A_133 : i32
        %get3A_136 = arith.index_cast %add3A_135 : i32 to index
        %get3A_137 = tpu.vector_load %arg9[%get3A_136] {strides = array<i32>} : memref<1344xi32, #tpu.memory_space<vmem>>, vector<16xi32>,
        %mul3A_138 = arith.constant 16 : i32
        %mul3A_139 = arith.muli %scan3A_125, %mul3A_138 : i32
        %add3A_140 = arith.constant 672 : i32
        %add3A_141 = arith.addi %add3A_140, %mul3A_139 : i32
        %get3A_142 = arith.index_cast %add3A_141 : i32 to index
        %get3A_143 = tpu.vector_load %arg9[%get3A_142] {strides = array<i32>} : memref<1344xi32, #tpu.memory_space<vmem>>, vector<16xi32>,
        %add3A_144 = arith.constant 78 : i32
        %add3A_145 = vector.broadcast %add3A_144 : i32 to vector<16xi32>
        %add3A_146 = arith.addi %get3A_143, %add3A_145 : vector<16xi32>
        %mul3A_147 = arith.constant 16 : i32
        %mul3A_148 = arith.muli %scan3A_125, %mul3A_147 : i32
        %add3A_149 = arith.constant 1008 : i32
        %add3A_150 = arith.addi %add3A_149, %mul3A_148 : i32
        %get3A_151 = arith.index_cast %add3A_150 : i32 to index
        %get3A_152 = tpu.vector_load %arg9[%get3A_151] {strides = array<i32>} : memref<1344xi32, #tpu.memory_space<vmem>>, vector<16xi32>,
        %gather3A = tpu.vector_load_idx %arg11[%add3A_131, %get3A_137] : memref<104x416xf32, #tpu.memory_space<vmem>>[vector<16xi32>, vector<16xi32>], vector<16xf32>,
        %gather3A_153 = tpu.vector_load_idx %arg11[%add3A_146, %get3A_152] : memref<104x416xf32, #tpu.memory_space<vmem>>[vector<16xi32>, vector<16xi32>], vector<16xf32>,
        %add3A_154 = arith.constant 1 : i32
        %add3A_155 = vector.broadcast %add3A_154 : i32 to vector<16xi32>
        %add3A_156 = arith.addi %get3A_137, %add3A_155 : vector<16xi32>
        %gather3A_157 = tpu.vector_load_idx %arg11[%add3A_131, %add3A_156] : memref<104x416xf32, #tpu.memory_space<vmem>>[vector<16xi32>, vector<16xi32>], vector<16xf32>,
        %add3A_158 = arith.constant 1 : i32
        %add3A_159 = vector.broadcast %add3A_158 : i32 to vector<16xi32>
        %add3A_160 = arith.addi %get3A_152, %add3A_159 : vector<16xi32>
        %gather3A_161 = tpu.vector_load_idx %arg11[%add3A_146, %add3A_160] : memref<104x416xf32, #tpu.memory_space<vmem>>[vector<16xi32>, vector<16xi32>], vector<16xf32>,
        %mul3A_162 = arith.mulf %gather3A, %gather3A_153 : vector<16xf32>
        %mul3A_163 = arith.mulf %gather3A_157, %gather3A_161 : vector<16xf32>
        %add3A_164 = arith.constant 2 : i32
        %add3A_165 = vector.broadcast %add3A_164 : i32 to vector<16xi32>
        %add3A_166 = arith.addi %get3A_137, %add3A_165 : vector<16xi32>
        %gather3A_167 = tpu.vector_load_idx %arg11[%add3A_131, %add3A_166] : memref<104x416xf32, #tpu.memory_space<vmem>>[vector<16xi32>, vector<16xi32>], vector<16xf32>,
        %add3A_168 = arith.constant 2 : i32
        %add3A_169 = vector.broadcast %add3A_168 : i32 to vector<16xi32>
        %add3A_170 = arith.addi %get3A_152, %add3A_169 : vector<16xi32>
        %gather3A_171 = tpu.vector_load_idx %arg11[%add3A_146, %add3A_170] : memref<104x416xf32, #tpu.memory_space<vmem>>[vector<16xi32>, vector<16xi32>], vector<16xf32>,
        %add3A_172 = arith.constant 2 : i32
        %add3A_173 = vector.broadcast %add3A_172 : i32 to vector<16xi32>
        %add3A_174 = arith.addi %get3A_137, %add3A_173 : vector<16xi32>
        %add3A_175 = arith.constant 1 : i32
        %add3A_176 = vector.broadcast %add3A_175 : i32 to vector<16xi32>
        %add3A_177 = arith.addi %add3A_174, %add3A_176 : vector<16xi32>
        %gather3A_178 = tpu.vector_load_idx %arg11[%add3A_131, %add3A_177] : memref<104x416xf32, #tpu.memory_space<vmem>>[vector<16xi32>, vector<16xi32>], vector<16xf32>,
        %add3A_179 = arith.constant 2 : i32
        %add3A_180 = vector.broadcast %add3A_179 : i32 to vector<16xi32>
        %add3A_181 = arith.addi %get3A_152, %add3A_180 : vector<16xi32>
        %add3A_182 = arith.constant 1 : i32
        %add3A_183 = vector.broadcast %add3A_182 : i32 to vector<16xi32>
        %add3A_184 = arith.addi %add3A_181, %add3A_183 : vector<16xi32>
        %gather3A_185 = tpu.vector_load_idx %arg11[%add3A_146, %add3A_184] : memref<104x416xf32, #tpu.memory_space<vmem>>[vector<16xi32>, vector<16xi32>], vector<16xf32>,
        %mul3A_186 = arith.mulf %gather3A_167, %gather3A_171 : vector<16xf32>
        %add3A_187 = arith.addf %mul3A_162, %mul3A_186 : vector<16xf32>
        %mul3A_188 = arith.mulf %gather3A_178, %gather3A_185 : vector<16xf32>
        %add3A_189 = arith.addf %mul3A_163, %mul3A_188 : vector<16xf32>
        %add3A_190 = arith.constant 4 : i32
        %add3A_191 = vector.broadcast %add3A_190 : i32 to vector<16xi32>
        %add3A_192 = arith.addi %get3A_137, %add3A_191 : vector<16xi32>
        %gather3A_193 = tpu.vector_load_idx %arg11[%add3A_131, %add3A_192] : memref<104x416xf32, #tpu.memory_space<vmem>>[vector<16xi32>, vector<16xi32>], vector<16xf32>,
        %add3A_194 = arith.constant 4 : i32
        %add3A_195 = vector.broadcast %add3A_194 : i32 to vector<16xi32>
        %add3A_196 = arith.addi %get3A_152, %add3A_195 : vector<16xi32>
        %gather3A_197 = tpu.vector_load_idx %arg11[%add3A_146, %add3A_196] : memref<104x416xf32, #tpu.memory_space<vmem>>[vector<16xi32>, vector<16xi32>], vector<16xf32>,
        %add3A_198 = arith.constant 4 : i32
        %add3A_199 = vector.broadcast %add3A_198 : i32 to vector<16xi32>
        %add3A_200 = arith.addi %get3A_137, %add3A_199 : vector<16xi32>
        %add3A_201 = arith.constant 1 : i32
        %add3A_202 = vector.broadcast %add3A_201 : i32 to vector<16xi32>
        %add3A_203 = arith.addi %add3A_200, %add3A_202 : vector<16xi32>
        %gather3A_204 = tpu.vector_load_idx %arg11[%add3A_131, %add3A_203] : memref<104x416xf32, #tpu.memory_space<vmem>>[vector<16xi32>, vector<16xi32>], vector<16xf32>,
        %add3A_205 = arith.constant 4 : i32
        %add3A_206 = vector.broadcast %add3A_205 : i32 to vector<16xi32>
        %add3A_207 = arith.addi %get3A_152, %add3A_206 : vector<16xi32>
        %add3A_208 = arith.constant 1 : i32
        %add3A_209 = vector.broadcast %add3A_208 : i32 to vector<16xi32>
        %add3A_210 = arith.addi %add3A_207, %add3A_209 : vector<16xi32>
        %gather3A_211 = tpu.vector_load_idx %arg11[%add3A_146, %add3A_210] : memref<104x416xf32, #tpu.memory_space<vmem>>[vector<16xi32>, vector<16xi32>], vector<16xf32>,
        %mul3A_212 = arith.mulf %gather3A_193, %gather3A_197 : vector<16xf32>
        %add3A_213 = arith.addf %add3A_187, %mul3A_212 : vector<16xf32>
        %mul3A_214 = arith.mulf %gather3A_204, %gather3A_211 : vector<16xf32>
        %add3A_215 = arith.addf %add3A_189, %mul3A_214 : vector<16xf32>
        %add3A_216 = arith.constant 6 : i32
        %add3A_217 = vector.broadcast %add3A_216 : i32 to vector<16xi32>
        %add3A_218 = arith.addi %get3A_137, %add3A_217 : vector<16xi32>
        %gather3A_219 = tpu.vector_load_idx %arg11[%add3A_131, %add3A_218] : memref<104x416xf32, #tpu.memory_space<vmem>>[vector<16xi32>, vector<16xi32>], vector<16xf32>,
        %add3A_220 = arith.constant 6 : i32
        %add3A_221 = vector.broadcast %add3A_220 : i32 to vector<16xi32>
        %add3A_222 = arith.addi %get3A_152, %add3A_221 : vector<16xi32>
        %gather3A_223 = tpu.vector_load_idx %arg11[%add3A_146, %add3A_222] : memref<104x416xf32, #tpu.memory_space<vmem>>[vector<16xi32>, vector<16xi32>], vector<16xf32>,
        %add3A_224 = arith.constant 6 : i32
        %add3A_225 = vector.broadcast %add3A_224 : i32 to vector<16xi32>
        %add3A_226 = arith.addi %get3A_137, %add3A_225 : vector<16xi32>
        %add3A_227 = arith.constant 1 : i32
        %add3A_228 = vector.broadcast %add3A_227 : i32 to vector<16xi32>
        %add3A_229 = arith.addi %add3A_226, %add3A_228 : vector<16xi32>
        %gather3A_230 = tpu.vector_load_idx %arg11[%add3A_131, %add3A_229] : memref<104x416xf32, #tpu.memory_space<vmem>>[vector<16xi32>, vector<16xi32>], vector<16xf32>,
        %add3A_231 = arith.constant 6 : i32
        %add3A_232 = vector.broadcast %add3A_231 : i32 to vector<16xi32>
        %add3A_233 = arith.addi %get3A_152, %add3A_232 : vector<16xi32>
        %add3A_234 = arith.constant 1 : i32
        %add3A_235 = vector.broadcast %add3A_234 : i32 to vector<16xi32>
        %add3A_236 = arith.addi %add3A_233, %add3A_235 : vector<16xi32>
        %gather3A_237 = tpu.vector_load_idx %arg11[%add3A_146, %add3A_236] : memref<104x416xf32, #tpu.memory_space<vmem>>[vector<16xi32>, vector<16xi32>], vector<16xf32>,
        %mul3A_238 = arith.mulf %gather3A_219, %gather3A_223 : vector<16xf32>
        %add3A_239 = arith.addf %add3A_213, %mul3A_238 : vector<16xf32>
        %mul3A_240 = arith.mulf %gather3A_230, %gather3A_237 : vector<16xf32>
        %add3A_241 = arith.addf %add3A_215, %mul3A_240 : vector<16xf32>
        %add3A_242 = arith.constant 8 : i32
        %add3A_243 = vector.broadcast %add3A_242 : i32 to vector<16xi32>
        %add3A_244 = arith.addi %get3A_137, %add3A_243 : vector<16xi32>
        %gather3A_245 = tpu.vector_load_idx %arg11[%add3A_131, %add3A_244] : memref<104x416xf32, #tpu.memory_space<vmem>>[vector<16xi32>, vector<16xi32>], vector<16xf32>,
        %add3A_246 = arith.constant 8 : i32
        %add3A_247 = vector.broadcast %add3A_246 : i32 to vector<16xi32>
        %add3A_248 = arith.addi %get3A_152, %add3A_247 : vector<16xi32>
        %gather3A_249 = tpu.vector_load_idx %arg11[%add3A_146, %add3A_248] : memref<104x416xf32, #tpu.memory_space<vmem>>[vector<16xi32>, vector<16xi32>], vector<16xf32>,
        %add3A_250 = arith.constant 8 : i32
        %add3A_251 = vector.broadcast %add3A_250 : i32 to vector<16xi32>
        %add3A_252 = arith.addi %get3A_137, %add3A_251 : vector<16xi32>
        %add3A_253 = arith.constant 1 : i32
        %add3A_254 = vector.broadcast %add3A_253 : i32 to vector<16xi32>
        %add3A_255 = arith.addi %add3A_252, %add3A_254 : vector<16xi32>
        %gather3A_256 = tpu.vector_load_idx %arg11[%add3A_131, %add3A_255] : memref<104x416xf32, #tpu.memory_space<vmem>>[vector<16xi32>, vector<16xi32>], vector<16xf32>,
        %add3A_257 = arith.constant 8 : i32
        %add3A_258 = vector.broadcast %add3A_257 : i32 to vector<16xi32>
        %add3A_259 = arith.addi %get3A_152, %add3A_258 : vector<16xi32>
        %add3A_260 = arith.constant 1 : i32
        %add3A_261 = vector.broadcast %add3A_260 : i32 to vector<16xi32>
        %add3A_262 = arith.addi %add3A_259, %add3A_261 : vector<16xi32>
        %gather3A_263 = tpu.vector_load_idx %arg11[%add3A_146, %add3A_262] : memref<104x416xf32, #tpu.memory_space<vmem>>[vector<16xi32>, vector<16xi32>], vector<16xf32>,
        %mul3A_264 = arith.mulf %gather3A_245, %gather3A_249 : vector<16xf32>
        %add3A_265 = arith.addf %add3A_239, %mul3A_264 : vector<16xf32>
        %mul3A_266 = arith.mulf %gather3A_256, %gather3A_263 : vector<16xf32>
        %add3A_267 = arith.addf %add3A_241, %mul3A_266 : vector<16xf32>
        %add3A_268 = arith.constant 10 : i32
        %add3A_269 = vector.broadcast %add3A_268 : i32 to vector<16xi32>
        %add3A_270 = arith.addi %get3A_137, %add3A_269 : vector<16xi32>
        %gather3A_271 = tpu.vector_load_idx %arg11[%add3A_131, %add3A_270] : memref<104x416xf32, #tpu.memory_space<vmem>>[vector<16xi32>, vector<16xi32>], vector<16xf32>,
        %add3A_272 = arith.constant 10 : i32
        %add3A_273 = vector.broadcast %add3A_272 : i32 to vector<16xi32>
        %add3A_274 = arith.addi %get3A_152, %add3A_273 : vector<16xi32>
        %gather3A_275 = tpu.vector_load_idx %arg11[%add3A_146, %add3A_274] : memref<104x416xf32, #tpu.memory_space<vmem>>[vector<16xi32>, vector<16xi32>], vector<16xf32>,
        %add3A_276 = arith.constant 10 : i32
        %add3A_277 = vector.broadcast %add3A_276 : i32 to vector<16xi32>
        %add3A_278 = arith.addi %get3A_137, %add3A_277 : vector<16xi32>
        %add3A_279 = arith.constant 1 : i32
        %add3A_280 = vector.broadcast %add3A_279 : i32 to vector<16xi32>
        %add3A_281 = arith.addi %add3A_278, %add3A_280 : vector<16xi32>
        %gather3A_282 = tpu.vector_load_idx %arg11[%add3A_131, %add3A_281] : memref<104x416xf32, #tpu.memory_space<vmem>>[vector<16xi32>, vector<16xi32>], vector<16xf32>,
        %add3A_283 = arith.constant 10 : i32
        %add3A_284 = vector.broadcast %add3A_283 : i32 to vector<16xi32>
        %add3A_285 = arith.addi %get3A_152, %add3A_284 : vector<16xi32>
        %add3A_286 = arith.constant 1 : i32
        %add3A_287 = vector.broadcast %add3A_286 : i32 to vector<16xi32>
        %add3A_288 = arith.addi %add3A_285, %add3A_287 : vector<16xi32>
        %gather3A_289 = tpu.vector_load_idx %arg11[%add3A_146, %add3A_288] : memref<104x416xf32, #tpu.memory_space<vmem>>[vector<16xi32>, vector<16xi32>], vector<16xf32>,
        %mul3A_290 = arith.mulf %gather3A_271, %gather3A_275 : vector<16xf32>
        %add3A_291 = arith.addf %add3A_265, %mul3A_290 : vector<16xf32>
        %mul3A_292 = arith.mulf %gather3A_282, %gather3A_289 : vector<16xf32>
        %add3A_293 = arith.addf %add3A_267, %mul3A_292 : vector<16xf32>
        %add3A_294 = arith.constant 12 : i32
        %add3A_295 = vector.broadcast %add3A_294 : i32 to vector<16xi32>
        %add3A_296 = arith.addi %get3A_137, %add3A_295 : vector<16xi32>
        %gather3A_297 = tpu.vector_load_idx %arg11[%add3A_131, %add3A_296] : memref<104x416xf32, #tpu.memory_space<vmem>>[vector<16xi32>, vector<16xi32>], vector<16xf32>,
        %add3A_298 = arith.constant 12 : i32
        %add3A_299 = vector.broadcast %add3A_298 : i32 to vector<16xi32>
        %add3A_300 = arith.addi %get3A_152, %add3A_299 : vector<16xi32>
        %gather3A_301 = tpu.vector_load_idx %arg11[%add3A_146, %add3A_300] : memref<104x416xf32, #tpu.memory_space<vmem>>[vector<16xi32>, vector<16xi32>], vector<16xf32>,
        %add3A_302 = arith.constant 12 : i32
        %add3A_303 = vector.broadcast %add3A_302 : i32 to vector<16xi32>
        %add3A_304 = arith.addi %get3A_137, %add3A_303 : vector<16xi32>
        %add3A_305 = arith.constant 1 : i32
        %add3A_306 = vector.broadcast %add3A_305 : i32 to vector<16xi32>
        %add3A_307 = arith.addi %add3A_304, %add3A_306 : vector<16xi32>
        %gather3A_308 = tpu.vector_load_idx %arg11[%add3A_131, %add3A_307] : memref<104x416xf32, #tpu.memory_space<vmem>>[vector<16xi32>, vector<16xi32>], vector<16xf32>,
        %add3A_309 = arith.constant 12 : i32
        %add3A_310 = vector.broadcast %add3A_309 : i32 to vector<16xi32>
        %add3A_311 = arith.addi %get3A_152, %add3A_310 : vector<16xi32>
        %add3A_312 = arith.constant 1 : i32
        %add3A_313 = vector.broadcast %add3A_312 : i32 to vector<16xi32>
        %add3A_314 = arith.addi %add3A_311, %add3A_313 : vector<16xi32>
        %gather3A_315 = tpu.vector_load_idx %arg11[%add3A_146, %add3A_314] : memref<104x416xf32, #tpu.memory_space<vmem>>[vector<16xi32>, vector<16xi32>], vector<16xf32>,
        %mul3A_316 = arith.mulf %gather3A_297, %gather3A_301 : vector<16xf32>
        %add3A_317 = arith.addf %add3A_291, %mul3A_316 : vector<16xf32>
        %mul3A_318 = arith.mulf %gather3A_308, %gather3A_315 : vector<16xf32>
        %add3A_319 = arith.addf %add3A_293, %mul3A_318 : vector<16xf32>
        %add3A_320 = arith.constant 14 : i32
        %add3A_321 = vector.broadcast %add3A_320 : i32 to vector<16xi32>
        %add3A_322 = arith.addi %get3A_137, %add3A_321 : vector<16xi32>
        %gather3A_323 = tpu.vector_load_idx %arg11[%add3A_131, %add3A_322] : memref<104x416xf32, #tpu.memory_space<vmem>>[vector<16xi32>, vector<16xi32>], vector<16xf32>,
        %add3A_324 = arith.constant 14 : i32
        %add3A_325 = vector.broadcast %add3A_324 : i32 to vector<16xi32>
        %add3A_326 = arith.addi %get3A_152, %add3A_325 : vector<16xi32>
        %gather3A_327 = tpu.vector_load_idx %arg11[%add3A_146, %add3A_326] : memref<104x416xf32, #tpu.memory_space<vmem>>[vector<16xi32>, vector<16xi32>], vector<16xf32>,
        %add3A_328 = arith.constant 14 : i32
        %add3A_329 = vector.broadcast %add3A_328 : i32 to vector<16xi32>
        %add3A_330 = arith.addi %get3A_137, %add3A_329 : vector<16xi32>
        %add3A_331 = arith.constant 1 : i32
        %add3A_332 = vector.broadcast %add3A_331 : i32 to vector<16xi32>
        %add3A_333 = arith.addi %add3A_330, %add3A_332 : vector<16xi32>
        %gather3A_334 = tpu.vector_load_idx %arg11[%add3A_131, %add3A_333] : memref<104x416xf32, #tpu.memory_space<vmem>>[vector<16xi32>, vector<16xi32>], vector<16xf32>,
        %add3A_335 = arith.constant 14 : i32
        %add3A_336 = vector.broadcast %add3A_335 : i32 to vector<16xi32>
        %add3A_337 = arith.addi %get3A_152, %add3A_336 : vector<16xi32>
        %add3A_338 = arith.constant 1 : i32
        %add3A_339 = vector.broadcast %add3A_338 : i32 to vector<16xi32>
        %add3A_340 = arith.addi %add3A_337, %add3A_339 : vector<16xi32>
        %gather3A_341 = tpu.vector_load_idx %arg11[%add3A_146, %add3A_340] : memref<104x416xf32, #tpu.memory_space<vmem>>[vector<16xi32>, vector<16xi32>], vector<16xf32>,
        %mul3A_342 = arith.mulf %gather3A_323, %gather3A_327 : vector<16xf32>
        %add3A_343 = arith.addf %add3A_317, %mul3A_342 : vector<16xf32>
        %mul3A_344 = arith.mulf %gather3A_334, %gather3A_341 : vector<16xf32>
        %add3A_345 = arith.addf %add3A_319, %mul3A_344 : vector<16xf32>
        %add3A_346 = arith.addf %add3A_343, %add3A_345 : vector<16xf32>
        %mul3A_347 = arith.constant 16 : i32
        %mul3A_348 = arith.muli %scan3A_125, %mul3A_347 : i32
        %add3A_349 = arith.constant 1008 : i32
        %add3A_350 = arith.addi %add3A_349, %mul3A_348 : i32
        %swap3A = arith.index_cast %add3A_350 : i32 to index
        %swap3A_351 = tpu.vector_load %arg13[%swap3A] {strides = array<i32>} : memref<1344xf32, #tpu.memory_space<vmem>>, vector<16xf32>,
        tpu.vector_store %arg13[%swap3A], %add3A_346 {strides = array<i32>} : memref<1344xf32, #tpu.memory_space<vmem>>, vector<16xf32>,
      }
      %scan3A_67 = arith.constant 21 : i32
      %mul3A_68 = arith.constant 128 : i32
      %mul3A_69 = arith.muli %add3A, %mul3A_68 : i32
      %mul3A_70 = arith.constant 4 : i32
      %mul3A_71 = arith.muli %mul3A_29, %mul3A_70 : i32
      %add3A_72 = arith.addi %mul3A_69, %mul3A_71 : i32
      %mul3A_73 = arith.constant 336 : i32
      %mul3A_74 = arith.muli %add3A_72, %mul3A_73 : i32
      "tpu.region"() ({
        %run_scoped3A = tpu.sem_alloc : memref<!tpu.dma_semaphore, #tpu.memory_space<semaphore_mem>>
        %dma_start3A_125 = tpu.memref_slice %arg6[%mul3A_74] : memref<1376256xf32, #tpu.memory_space<hbm>> -> memref<1344xf32, #tpu.memory_space<hbm>>
        %dma_start3A_126 = tpu.memref_slice %arg6[%mul3A_74] : memref<1376256xf32, #tpu.memory_space<hbm>> -> memref<1344xf32, #tpu.memory_space<hbm>>
        tpu.enqueue_dma source(%arg13 : memref<1344xf32, #tpu.memory_space<vmem>>) target(%dma_start3A_126 : memref<1344xf32, #tpu.memory_space<hbm>>) target_semaphore(%run_scoped3A : memref<!tpu.dma_semaphore, #tpu.memory_space<semaphore_mem>>)
        %dma_wait3A_127 = tpu.memref_slice %arg6[%mul3A_74] : memref<1376256xf32, #tpu.memory_space<hbm>> -> memref<1344xf32, #tpu.memory_space<hbm>>
        %dma_wait3A_128 = tpu.memref_slice %arg6[%mul3A_74] : memref<1376256xf32, #tpu.memory_space<hbm>> -> memref<1344xf32, #tpu.memory_space<hbm>>
        tpu.wait_dma2 semaphore(%run_scoped3A : memref<!tpu.dma_semaphore, #tpu.memory_space<semaphore_mem>>) src(%arg13 : memref<1344xf32, #tpu.memory_space<vmem>>) dst(%dma_wait3A_128 : memref<1344xf32, #tpu.memory_space<hbm>>)
        tpu.yield
      }) : () -> ()
      %add3A_75 = arith.constant 2 : i32
      %add3A_76 = arith.addi %mul3A_29, %add3A_75 : i32
      %and3A = arith.constant 31 : i32
      %and3A_77 = arith.andi %add3A_76, %and3A : i32
      %mul3A_78 = arith.constant 104 : i32
      %mul3A_79 = arith.muli %and3A_77, %mul3A_78 : i32
      %dma_start3A_80 = tpu.memref_slice %arg8[%mul3A_79] : memref<3328xi32, #tpu.memory_space<vmem>> -> memref<104xi32, #tpu.memory_space<vmem>>
      %dma_start3A_81 = arith.constant 0 : i32
      %dma_start3A_82 = arith.constant 0 : i32
      %dma_start3A_83 = tpu.memref_slice %arg5[%dma_start3A_81, %dma_start3A_82] : memref<26000x416xf32, #tpu.memory_space<hbm>> -> memref<26000x416xf32, #tpu.memory_space<hbm>>
      tpu.enqueue_indirect_dma source(%dma_start3A_83 : memref<26000x416xf32, #tpu.memory_space<hbm>>) target(%arg11 : memref<104x416xf32, #tpu.memory_space<vmem>>) offsets(%dma_start3A_80 : memref<104xi32, #tpu.memory_space<vmem>>) semaphore(%arg15 : memref<!tpu.dma_semaphore, #tpu.memory_space<semaphore_mem>>)
      %add3A_84 = arith.constant 1 : i32
      %add3A_85 = arith.addi %mul3A_29, %add3A_84 : i32
      %mul3A_86 = arith.constant 104 : i32
      %mul3A_87 = arith.muli %add3A_85, %mul3A_86 : i32
      %dma_wait3A_88 = tpu.memref_slice %arg8[%mul3A_87] : memref<3328xi32, #tpu.memory_space<vmem>> -> memref<104xi32, #tpu.memory_space<vmem>>
      %dma_wait3A_89 = arith.constant 0 : i32
      %dma_wait3A_90 = arith.constant 0 : i32
      %dma_wait3A_91 = tpu.memref_slice %arg5[%dma_wait3A_89, %dma_wait3A_90] : memref<26000x416xf32, #tpu.memory_space<hbm>> -> memref<26000x416xf32, #tpu.memory_space<hbm>>
      tpu.wait_indirect_dma semaphore(%arg16 : memref<!tpu.dma_semaphore, #tpu.memory_space<semaphore_mem>>) src(%dma_wait3A_91 : memref<26000x416xf32, #tpu.memory_space<hbm>>) dst(%arg12 : memref<104x416xf32, #tpu.memory_space<vmem>>)
      %add3A_92 = arith.constant 1 : i32
      %add3A_93 = arith.addi %mul3A_29, %add3A_92 : i32
      %scan3A_94 = arith.constant 0 : i32
      %scan3A_95 = arith.constant 0 : i32
      %scan3A_96 = arith.constant 21 : i32
      %scan3A_97 = arith.addi %scan3A_95, %scan3A_96 : i32
      %scan3A_98 = arith.constant 1 : i32
      scf.for %scan3A_125 = %scan3A_95 to %scan3A_97 step %scan3A_98  : i32 {
        %mul3A_126 = arith.constant 16 : i32
        %mul3A_127 = arith.muli %scan3A_125, %mul3A_126 : i32
        %get3A = arith.index_cast %mul3A_127 : i32 to index
        %get3A_128 = tpu.vector_load %arg9[%get3A] {strides = array<i32>} : memref<1344xi32, #tpu.memory_space<vmem>>, vector<16xi32>,
        %add3A_129 = arith.constant 0 : i32
        %add3A_130 = vector.broadcast %add3A_129 : i32 to vector<16xi32>
        %add3A_131 = arith.addi %get3A_128, %add3A_130 : vector<16xi32>
        %mul3A_132 = arith.constant 16 : i32
        %mul3A_133 = arith.muli %scan3A_125, %mul3A_132 : i32
        %add3A_134 = arith.constant 336 : i32
        %add3A_135 = arith.addi %add3A_134, %mul3A_133 : i32
        %get3A_136 = arith.index_cast %add3A_135 : i32 to index
        %get3A_137 = tpu.vector_load %arg9[%get3A_136] {strides = array<i32>} : memref<1344xi32, #tpu.memory_space<vmem>>, vector<16xi32>,
        %mul3A_138 = arith.constant 16 : i32
        %mul3A_139 = arith.muli %scan3A_125, %mul3A_138 : i32
        %add3A_140 = arith.constant 672 : i32
        %add3A_141 = arith.addi %add3A_140, %mul3A_139 : i32
        %get3A_142 = arith.index_cast %add3A_141 : i32 to index
        %get3A_143 = tpu.vector_load %arg9[%get3A_142] {strides = array<i32>} : memref<1344xi32, #tpu.memory_space<vmem>>, vector<16xi32>,
        %add3A_144 = arith.constant 0 : i32
        %add3A_145 = vector.broadcast %add3A_144 : i32 to vector<16xi32>
        %add3A_146 = arith.addi %get3A_143, %add3A_145 : vector<16xi32>
        %mul3A_147 = arith.constant 16 : i32
        %mul3A_148 = arith.muli %scan3A_125, %mul3A_147 : i32
        %add3A_149 = arith.constant 1008 : i32
        %add3A_150 = arith.addi %add3A_149, %mul3A_148 : i32
        %get3A_151 = arith.index_cast %add3A_150 : i32 to index
        %get3A_152 = tpu.vector_load %arg9[%get3A_151] {strides = array<i32>} : memref<1344xi32, #tpu.memory_space<vmem>>, vector<16xi32>,
        %gather3A = tpu.vector_load_idx %arg12[%add3A_131, %get3A_137] : memref<104x416xf32, #tpu.memory_space<vmem>>[vector<16xi32>, vector<16xi32>], vector<16xf32>,
        %gather3A_153 = tpu.vector_load_idx %arg12[%add3A_146, %get3A_152] : memref<104x416xf32, #tpu.memory_space<vmem>>[vector<16xi32>, vector<16xi32>], vector<16xf32>,
        %add3A_154 = arith.constant 1 : i32
        %add3A_155 = vector.broadcast %add3A_154 : i32 to vector<16xi32>
        %add3A_156 = arith.addi %get3A_137, %add3A_155 : vector<16xi32>
        %gather3A_157 = tpu.vector_load_idx %arg12[%add3A_131, %add3A_156] : memref<104x416xf32, #tpu.memory_space<vmem>>[vector<16xi32>, vector<16xi32>], vector<16xf32>,
        %add3A_158 = arith.constant 1 : i32
        %add3A_159 = vector.broadcast %add3A_158 : i32 to vector<16xi32>
        %add3A_160 = arith.addi %get3A_152, %add3A_159 : vector<16xi32>
        %gather3A_161 = tpu.vector_load_idx %arg12[%add3A_146, %add3A_160] : memref<104x416xf32, #tpu.memory_space<vmem>>[vector<16xi32>, vector<16xi32>], vector<16xf32>,
        %mul3A_162 = arith.mulf %gather3A, %gather3A_153 : vector<16xf32>
        %mul3A_163 = arith.mulf %gather3A_157, %gather3A_161 : vector<16xf32>
        %add3A_164 = arith.constant 2 : i32
        %add3A_165 = vector.broadcast %add3A_164 : i32 to vector<16xi32>
        %add3A_166 = arith.addi %get3A_137, %add3A_165 : vector<16xi32>
        %gather3A_167 = tpu.vector_load_idx %arg12[%add3A_131, %add3A_166] : memref<104x416xf32, #tpu.memory_space<vmem>>[vector<16xi32>, vector<16xi32>], vector<16xf32>,
        %add3A_168 = arith.constant 2 : i32
        %add3A_169 = vector.broadcast %add3A_168 : i32 to vector<16xi32>
        %add3A_170 = arith.addi %get3A_152, %add3A_169 : vector<16xi32>
        %gather3A_171 = tpu.vector_load_idx %arg12[%add3A_146, %add3A_170] : memref<104x416xf32, #tpu.memory_space<vmem>>[vector<16xi32>, vector<16xi32>], vector<16xf32>,
        %add3A_172 = arith.constant 2 : i32
        %add3A_173 = vector.broadcast %add3A_172 : i32 to vector<16xi32>
        %add3A_174 = arith.addi %get3A_137, %add3A_173 : vector<16xi32>
        %add3A_175 = arith.constant 1 : i32
        %add3A_176 = vector.broadcast %add3A_175 : i32 to vector<16xi32>
        %add3A_177 = arith.addi %add3A_174, %add3A_176 : vector<16xi32>
        %gather3A_178 = tpu.vector_load_idx %arg12[%add3A_131, %add3A_177] : memref<104x416xf32, #tpu.memory_space<vmem>>[vector<16xi32>, vector<16xi32>], vector<16xf32>,
        %add3A_179 = arith.constant 2 : i32
        %add3A_180 = vector.broadcast %add3A_179 : i32 to vector<16xi32>
        %add3A_181 = arith.addi %get3A_152, %add3A_180 : vector<16xi32>
        %add3A_182 = arith.constant 1 : i32
        %add3A_183 = vector.broadcast %add3A_182 : i32 to vector<16xi32>
        %add3A_184 = arith.addi %add3A_181, %add3A_183 : vector<16xi32>
        %gather3A_185 = tpu.vector_load_idx %arg12[%add3A_146, %add3A_184] : memref<104x416xf32, #tpu.memory_space<vmem>>[vector<16xi32>, vector<16xi32>], vector<16xf32>,
        %mul3A_186 = arith.mulf %gather3A_167, %gather3A_171 : vector<16xf32>
        %add3A_187 = arith.addf %mul3A_162, %mul3A_186 : vector<16xf32>
        %mul3A_188 = arith.mulf %gather3A_178, %gather3A_185 : vector<16xf32>
        %add3A_189 = arith.addf %mul3A_163, %mul3A_188 : vector<16xf32>
        %add3A_190 = arith.constant 4 : i32
        %add3A_191 = vector.broadcast %add3A_190 : i32 to vector<16xi32>
        %add3A_192 = arith.addi %get3A_137, %add3A_191 : vector<16xi32>
        %gather3A_193 = tpu.vector_load_idx %arg12[%add3A_131, %add3A_192] : memref<104x416xf32, #tpu.memory_space<vmem>>[vector<16xi32>, vector<16xi32>], vector<16xf32>,
        %add3A_194 = arith.constant 4 : i32
        %add3A_195 = vector.broadcast %add3A_194 : i32 to vector<16xi32>
        %add3A_196 = arith.addi %get3A_152, %add3A_195 : vector<16xi32>
        %gather3A_197 = tpu.vector_load_idx %arg12[%add3A_146, %add3A_196] : memref<104x416xf32, #tpu.memory_space<vmem>>[vector<16xi32>, vector<16xi32>], vector<16xf32>,
        %add3A_198 = arith.constant 4 : i32
        %add3A_199 = vector.broadcast %add3A_198 : i32 to vector<16xi32>
        %add3A_200 = arith.addi %get3A_137, %add3A_199 : vector<16xi32>
        %add3A_201 = arith.constant 1 : i32
        %add3A_202 = vector.broadcast %add3A_201 : i32 to vector<16xi32>
        %add3A_203 = arith.addi %add3A_200, %add3A_202 : vector<16xi32>
        %gather3A_204 = tpu.vector_load_idx %arg12[%add3A_131, %add3A_203] : memref<104x416xf32, #tpu.memory_space<vmem>>[vector<16xi32>, vector<16xi32>], vector<16xf32>,
        %add3A_205 = arith.constant 4 : i32
        %add3A_206 = vector.broadcast %add3A_205 : i32 to vector<16xi32>
        %add3A_207 = arith.addi %get3A_152, %add3A_206 : vector<16xi32>
        %add3A_208 = arith.constant 1 : i32
        %add3A_209 = vector.broadcast %add3A_208 : i32 to vector<16xi32>
        %add3A_210 = arith.addi %add3A_207, %add3A_209 : vector<16xi32>
        %gather3A_211 = tpu.vector_load_idx %arg12[%add3A_146, %add3A_210] : memref<104x416xf32, #tpu.memory_space<vmem>>[vector<16xi32>, vector<16xi32>], vector<16xf32>,
        %mul3A_212 = arith.mulf %gather3A_193, %gather3A_197 : vector<16xf32>
        %add3A_213 = arith.addf %add3A_187, %mul3A_212 : vector<16xf32>
        %mul3A_214 = arith.mulf %gather3A_204, %gather3A_211 : vector<16xf32>
        %add3A_215 = arith.addf %add3A_189, %mul3A_214 : vector<16xf32>
        %add3A_216 = arith.constant 6 : i32
        %add3A_217 = vector.broadcast %add3A_216 : i32 to vector<16xi32>
        %add3A_218 = arith.addi %get3A_137, %add3A_217 : vector<16xi32>
        %gather3A_219 = tpu.vector_load_idx %arg12[%add3A_131, %add3A_218] : memref<104x416xf32, #tpu.memory_space<vmem>>[vector<16xi32>, vector<16xi32>], vector<16xf32>,
        %add3A_220 = arith.constant 6 : i32
        %add3A_221 = vector.broadcast %add3A_220 : i32 to vector<16xi32>
        %add3A_222 = arith.addi %get3A_152, %add3A_221 : vector<16xi32>
        %gather3A_223 = tpu.vector_load_idx %arg12[%add3A_146, %add3A_222] : memref<104x416xf32, #tpu.memory_space<vmem>>[vector<16xi32>, vector<16xi32>], vector<16xf32>,
        %add3A_224 = arith.constant 6 : i32
        %add3A_225 = vector.broadcast %add3A_224 : i32 to vector<16xi32>
        %add3A_226 = arith.addi %get3A_137, %add3A_225 : vector<16xi32>
        %add3A_227 = arith.constant 1 : i32
        %add3A_228 = vector.broadcast %add3A_227 : i32 to vector<16xi32>
        %add3A_229 = arith.addi %add3A_226, %add3A_228 : vector<16xi32>
        %gather3A_230 = tpu.vector_load_idx %arg12[%add3A_131, %add3A_229] : memref<104x416xf32, #tpu.memory_space<vmem>>[vector<16xi32>, vector<16xi32>], vector<16xf32>,
        %add3A_231 = arith.constant 6 : i32
        %add3A_232 = vector.broadcast %add3A_231 : i32 to vector<16xi32>
        %add3A_233 = arith.addi %get3A_152, %add3A_232 : vector<16xi32>
        %add3A_234 = arith.constant 1 : i32
        %add3A_235 = vector.broadcast %add3A_234 : i32 to vector<16xi32>
        %add3A_236 = arith.addi %add3A_233, %add3A_235 : vector<16xi32>
        %gather3A_237 = tpu.vector_load_idx %arg12[%add3A_146, %add3A_236] : memref<104x416xf32, #tpu.memory_space<vmem>>[vector<16xi32>, vector<16xi32>], vector<16xf32>,
        %mul3A_238 = arith.mulf %gather3A_219, %gather3A_223 : vector<16xf32>
        %add3A_239 = arith.addf %add3A_213, %mul3A_238 : vector<16xf32>
        %mul3A_240 = arith.mulf %gather3A_230, %gather3A_237 : vector<16xf32>
        %add3A_241 = arith.addf %add3A_215, %mul3A_240 : vector<16xf32>
        %add3A_242 = arith.constant 8 : i32
        %add3A_243 = vector.broadcast %add3A_242 : i32 to vector<16xi32>
        %add3A_244 = arith.addi %get3A_137, %add3A_243 : vector<16xi32>
        %gather3A_245 = tpu.vector_load_idx %arg12[%add3A_131, %add3A_244] : memref<104x416xf32, #tpu.memory_space<vmem>>[vector<16xi32>, vector<16xi32>], vector<16xf32>,
        %add3A_246 = arith.constant 8 : i32
        %add3A_247 = vector.broadcast %add3A_246 : i32 to vector<16xi32>
        %add3A_248 = arith.addi %get3A_152, %add3A_247 : vector<16xi32>
        %gather3A_249 = tpu.vector_load_idx %arg12[%add3A_146, %add3A_248] : memref<104x416xf32, #tpu.memory_space<vmem>>[vector<16xi32>, vector<16xi32>], vector<16xf32>,
        %add3A_250 = arith.constant 8 : i32
        %add3A_251 = vector.broadcast %add3A_250 : i32 to vector<16xi32>
        %add3A_252 = arith.addi %get3A_137, %add3A_251 : vector<16xi32>
        %add3A_253 = arith.constant 1 : i32
        %add3A_254 = vector.broadcast %add3A_253 : i32 to vector<16xi32>
        %add3A_255 = arith.addi %add3A_252, %add3A_254 : vector<16xi32>
        %gather3A_256 = tpu.vector_load_idx %arg12[%add3A_131, %add3A_255] : memref<104x416xf32, #tpu.memory_space<vmem>>[vector<16xi32>, vector<16xi32>], vector<16xf32>,
        %add3A_257 = arith.constant 8 : i32
        %add3A_258 = vector.broadcast %add3A_257 : i32 to vector<16xi32>
        %add3A_259 = arith.addi %get3A_152, %add3A_258 : vector<16xi32>
        %add3A_260 = arith.constant 1 : i32
        %add3A_261 = vector.broadcast %add3A_260 : i32 to vector<16xi32>
        %add3A_262 = arith.addi %add3A_259, %add3A_261 : vector<16xi32>
        %gather3A_263 = tpu.vector_load_idx %arg12[%add3A_146, %add3A_262] : memref<104x416xf32, #tpu.memory_space<vmem>>[vector<16xi32>, vector<16xi32>], vector<16xf32>,
        %mul3A_264 = arith.mulf %gather3A_245, %gather3A_249 : vector<16xf32>
        %add3A_265 = arith.addf %add3A_239, %mul3A_264 : vector<16xf32>
        %mul3A_266 = arith.mulf %gather3A_256, %gather3A_263 : vector<16xf32>
        %add3A_267 = arith.addf %add3A_241, %mul3A_266 : vector<16xf32>
        %add3A_268 = arith.constant 10 : i32
        %add3A_269 = vector.broadcast %add3A_268 : i32 to vector<16xi32>
        %add3A_270 = arith.addi %get3A_137, %add3A_269 : vector<16xi32>
        %gather3A_271 = tpu.vector_load_idx %arg12[%add3A_131, %add3A_270] : memref<104x416xf32, #tpu.memory_space<vmem>>[vector<16xi32>, vector<16xi32>], vector<16xf32>,
        %add3A_272 = arith.constant 10 : i32
        %add3A_273 = vector.broadcast %add3A_272 : i32 to vector<16xi32>
        %add3A_274 = arith.addi %get3A_152, %add3A_273 : vector<16xi32>
        %gather3A_275 = tpu.vector_load_idx %arg12[%add3A_146, %add3A_274] : memref<104x416xf32, #tpu.memory_space<vmem>>[vector<16xi32>, vector<16xi32>], vector<16xf32>,
        %add3A_276 = arith.constant 10 : i32
        %add3A_277 = vector.broadcast %add3A_276 : i32 to vector<16xi32>
        %add3A_278 = arith.addi %get3A_137, %add3A_277 : vector<16xi32>
        %add3A_279 = arith.constant 1 : i32
        %add3A_280 = vector.broadcast %add3A_279 : i32 to vector<16xi32>
        %add3A_281 = arith.addi %add3A_278, %add3A_280 : vector<16xi32>
        %gather3A_282 = tpu.vector_load_idx %arg12[%add3A_131, %add3A_281] : memref<104x416xf32, #tpu.memory_space<vmem>>[vector<16xi32>, vector<16xi32>], vector<16xf32>,
        %add3A_283 = arith.constant 10 : i32
        %add3A_284 = vector.broadcast %add3A_283 : i32 to vector<16xi32>
        %add3A_285 = arith.addi %get3A_152, %add3A_284 : vector<16xi32>
        %add3A_286 = arith.constant 1 : i32
        %add3A_287 = vector.broadcast %add3A_286 : i32 to vector<16xi32>
        %add3A_288 = arith.addi %add3A_285, %add3A_287 : vector<16xi32>
        %gather3A_289 = tpu.vector_load_idx %arg12[%add3A_146, %add3A_288] : memref<104x416xf32, #tpu.memory_space<vmem>>[vector<16xi32>, vector<16xi32>], vector<16xf32>,
        %mul3A_290 = arith.mulf %gather3A_271, %gather3A_275 : vector<16xf32>
        %add3A_291 = arith.addf %add3A_265, %mul3A_290 : vector<16xf32>
        %mul3A_292 = arith.mulf %gather3A_282, %gather3A_289 : vector<16xf32>
        %add3A_293 = arith.addf %add3A_267, %mul3A_292 : vector<16xf32>
        %add3A_294 = arith.constant 12 : i32
        %add3A_295 = vector.broadcast %add3A_294 : i32 to vector<16xi32>
        %add3A_296 = arith.addi %get3A_137, %add3A_295 : vector<16xi32>
        %gather3A_297 = tpu.vector_load_idx %arg12[%add3A_131, %add3A_296] : memref<104x416xf32, #tpu.memory_space<vmem>>[vector<16xi32>, vector<16xi32>], vector<16xf32>,
        %add3A_298 = arith.constant 12 : i32
        %add3A_299 = vector.broadcast %add3A_298 : i32 to vector<16xi32>
        %add3A_300 = arith.addi %get3A_152, %add3A_299 : vector<16xi32>
        %gather3A_301 = tpu.vector_load_idx %arg12[%add3A_146, %add3A_300] : memref<104x416xf32, #tpu.memory_space<vmem>>[vector<16xi32>, vector<16xi32>], vector<16xf32>,
        %add3A_302 = arith.constant 12 : i32
        %add3A_303 = vector.broadcast %add3A_302 : i32 to vector<16xi32>
        %add3A_304 = arith.addi %get3A_137, %add3A_303 : vector<16xi32>
        %add3A_305 = arith.constant 1 : i32
        %add3A_306 = vector.broadcast %add3A_305 : i32 to vector<16xi32>
        %add3A_307 = arith.addi %add3A_304, %add3A_306 : vector<16xi32>
        %gather3A_308 = tpu.vector_load_idx %arg12[%add3A_131, %add3A_307] : memref<104x416xf32, #tpu.memory_space<vmem>>[vector<16xi32>, vector<16xi32>], vector<16xf32>,
        %add3A_309 = arith.constant 12 : i32
        %add3A_310 = vector.broadcast %add3A_309 : i32 to vector<16xi32>
        %add3A_311 = arith.addi %get3A_152, %add3A_310 : vector<16xi32>
        %add3A_312 = arith.constant 1 : i32
        %add3A_313 = vector.broadcast %add3A_312 : i32 to vector<16xi32>
        %add3A_314 = arith.addi %add3A_311, %add3A_313 : vector<16xi32>
        %gather3A_315 = tpu.vector_load_idx %arg12[%add3A_146, %add3A_314] : memref<104x416xf32, #tpu.memory_space<vmem>>[vector<16xi32>, vector<16xi32>], vector<16xf32>,
        %mul3A_316 = arith.mulf %gather3A_297, %gather3A_301 : vector<16xf32>
        %add3A_317 = arith.addf %add3A_291, %mul3A_316 : vector<16xf32>
        %mul3A_318 = arith.mulf %gather3A_308, %gather3A_315 : vector<16xf32>
        %add3A_319 = arith.addf %add3A_293, %mul3A_318 : vector<16xf32>
        %add3A_320 = arith.constant 14 : i32
        %add3A_321 = vector.broadcast %add3A_320 : i32 to vector<16xi32>
        %add3A_322 = arith.addi %get3A_137, %add3A_321 : vector<16xi32>
        %gather3A_323 = tpu.vector_load_idx %arg12[%add3A_131, %add3A_322] : memref<104x416xf32, #tpu.memory_space<vmem>>[vector<16xi32>, vector<16xi32>], vector<16xf32>,
        %add3A_324 = arith.constant 14 : i32
        %add3A_325 = vector.broadcast %add3A_324 : i32 to vector<16xi32>
        %add3A_326 = arith.addi %get3A_152, %add3A_325 : vector<16xi32>
        %gather3A_327 = tpu.vector_load_idx %arg12[%add3A_146, %add3A_326] : memref<104x416xf32, #tpu.memory_space<vmem>>[vector<16xi32>, vector<16xi32>], vector<16xf32>,
        %add3A_328 = arith.constant 14 : i32
        %add3A_329 = vector.broadcast %add3A_328 : i32 to vector<16xi32>
        %add3A_330 = arith.addi %get3A_137, %add3A_329 : vector<16xi32>
        %add3A_331 = arith.constant 1 : i32
        %add3A_332 = vector.broadcast %add3A_331 : i32 to vector<16xi32>
        %add3A_333 = arith.addi %add3A_330, %add3A_332 : vector<16xi32>
        %gather3A_334 = tpu.vector_load_idx %arg12[%add3A_131, %add3A_333] : memref<104x416xf32, #tpu.memory_space<vmem>>[vector<16xi32>, vector<16xi32>], vector<16xf32>,
        %add3A_335 = arith.constant 14 : i32
        %add3A_336 = vector.broadcast %add3A_335 : i32 to vector<16xi32>
        %add3A_337 = arith.addi %get3A_152, %add3A_336 : vector<16xi32>
        %add3A_338 = arith.constant 1 : i32
        %add3A_339 = vector.broadcast %add3A_338 : i32 to vector<16xi32>
        %add3A_340 = arith.addi %add3A_337, %add3A_339 : vector<16xi32>
        %gather3A_341 = tpu.vector_load_idx %arg12[%add3A_146, %add3A_340] : memref<104x416xf32, #tpu.memory_space<vmem>>[vector<16xi32>, vector<16xi32>], vector<16xf32>,
        %mul3A_342 = arith.mulf %gather3A_323, %gather3A_327 : vector<16xf32>
        %add3A_343 = arith.addf %add3A_317, %mul3A_342 : vector<16xf32>
        %mul3A_344 = arith.mulf %gather3A_334, %gather3A_341 : vector<16xf32>
        %add3A_345 = arith.addf %add3A_319, %mul3A_344 : vector<16xf32>
        %add3A_346 = arith.addf %add3A_343, %add3A_345 : vector<16xf32>
        %mul3A_347 = arith.constant 16 : i32
        %mul3A_348 = arith.muli %scan3A_125, %mul3A_347 : i32
        %add3A_349 = arith.constant 0 : i32
        %add3A_350 = arith.addi %add3A_349, %mul3A_348 : i32
        %swap3A = arith.index_cast %add3A_350 : i32 to index
        %swap3A_351 = tpu.vector_load %arg13[%swap3A] {strides = array<i32>} : memref<1344xf32, #tpu.memory_space<vmem>>, vector<16xf32>,
        tpu.vector_store %arg13[%swap3A], %add3A_346 {strides = array<i32>} : memref<1344xf32, #tpu.memory_space<vmem>>, vector<16xf32>,
      }
      %scan3A_99 = arith.constant 21 : i32
      %scan3A_100 = arith.constant 0 : i32
      %scan3A_101 = arith.constant 0 : i32
      %scan3A_102 = arith.constant 21 : i32
      %scan3A_103 = arith.addi %scan3A_101, %scan3A_102 : i32
      %scan3A_104 = arith.constant 1 : i32
      scf.for %scan3A_125 = %scan3A_101 to %scan3A_103 step %scan3A_104  : i32 {
        %mul3A_126 = arith.constant 16 : i32
        %mul3A_127 = arith.muli %scan3A_125, %mul3A_126 : i32
        %get3A = arith.index_cast %mul3A_127 : i32 to index
        %get3A_128 = tpu.vector_load %arg9[%get3A] {strides = array<i32>} : memref<1344xi32, #tpu.memory_space<vmem>>, vector<16xi32>,
        %add3A_129 = arith.constant 26 : i32
        %add3A_130 = vector.broadcast %add3A_129 : i32 to vector<16xi32>
        %add3A_131 = arith.addi %get3A_128, %add3A_130 : vector<16xi32>
        %mul3A_132 = arith.constant 16 : i32
        %mul3A_133 = arith.muli %scan3A_125, %mul3A_132 : i32
        %add3A_134 = arith.constant 336 : i32
        %add3A_135 = arith.addi %add3A_134, %mul3A_133 : i32
        %get3A_136 = arith.index_cast %add3A_135 : i32 to index
        %get3A_137 = tpu.vector_load %arg9[%get3A_136] {strides = array<i32>} : memref<1344xi32, #tpu.memory_space<vmem>>, vector<16xi32>,
        %mul3A_138 = arith.constant 16 : i32
        %mul3A_139 = arith.muli %scan3A_125, %mul3A_138 : i32
        %add3A_140 = arith.constant 672 : i32
        %add3A_141 = arith.addi %add3A_140, %mul3A_139 : i32
        %get3A_142 = arith.index_cast %add3A_141 : i32 to index
        %get3A_143 = tpu.vector_load %arg9[%get3A_142] {strides = array<i32>} : memref<1344xi32, #tpu.memory_space<vmem>>, vector<16xi32>,
        %add3A_144 = arith.constant 26 : i32
        %add3A_145 = vector.broadcast %add3A_144 : i32 to vector<16xi32>
        %add3A_146 = arith.addi %get3A_143, %add3A_145 : vector<16xi32>
        %mul3A_147 = arith.constant 16 : i32
        %mul3A_148 = arith.muli %scan3A_125, %mul3A_147 : i32
        %add3A_149 = arith.constant 1008 : i32
        %add3A_150 = arith.addi %add3A_149, %mul3A_148 : i32
        %get3A_151 = arith.index_cast %add3A_150 : i32 to index
        %get3A_152 = tpu.vector_load %arg9[%get3A_151] {strides = array<i32>} : memref<1344xi32, #tpu.memory_space<vmem>>, vector<16xi32>,
        %gather3A = tpu.vector_load_idx %arg12[%add3A_131, %get3A_137] : memref<104x416xf32, #tpu.memory_space<vmem>>[vector<16xi32>, vector<16xi32>], vector<16xf32>,
        %gather3A_153 = tpu.vector_load_idx %arg12[%add3A_146, %get3A_152] : memref<104x416xf32, #tpu.memory_space<vmem>>[vector<16xi32>, vector<16xi32>], vector<16xf32>,
        %add3A_154 = arith.constant 1 : i32
        %add3A_155 = vector.broadcast %add3A_154 : i32 to vector<16xi32>
        %add3A_156 = arith.addi %get3A_137, %add3A_155 : vector<16xi32>
        %gather3A_157 = tpu.vector_load_idx %arg12[%add3A_131, %add3A_156] : memref<104x416xf32, #tpu.memory_space<vmem>>[vector<16xi32>, vector<16xi32>], vector<16xf32>,
        %add3A_158 = arith.constant 1 : i32
        %add3A_159 = vector.broadcast %add3A_158 : i32 to vector<16xi32>
        %add3A_160 = arith.addi %get3A_152, %add3A_159 : vector<16xi32>
        %gather3A_161 = tpu.vector_load_idx %arg12[%add3A_146, %add3A_160] : memref<104x416xf32, #tpu.memory_space<vmem>>[vector<16xi32>, vector<16xi32>], vector<16xf32>,
        %mul3A_162 = arith.mulf %gather3A, %gather3A_153 : vector<16xf32>
        %mul3A_163 = arith.mulf %gather3A_157, %gather3A_161 : vector<16xf32>
        %add3A_164 = arith.constant 2 : i32
        %add3A_165 = vector.broadcast %add3A_164 : i32 to vector<16xi32>
        %add3A_166 = arith.addi %get3A_137, %add3A_165 : vector<16xi32>
        %gather3A_167 = tpu.vector_load_idx %arg12[%add3A_131, %add3A_166] : memref<104x416xf32, #tpu.memory_space<vmem>>[vector<16xi32>, vector<16xi32>], vector<16xf32>,
        %add3A_168 = arith.constant 2 : i32
        %add3A_169 = vector.broadcast %add3A_168 : i32 to vector<16xi32>
        %add3A_170 = arith.addi %get3A_152, %add3A_169 : vector<16xi32>
        %gather3A_171 = tpu.vector_load_idx %arg12[%add3A_146, %add3A_170] : memref<104x416xf32, #tpu.memory_space<vmem>>[vector<16xi32>, vector<16xi32>], vector<16xf32>,
        %add3A_172 = arith.constant 2 : i32
        %add3A_173 = vector.broadcast %add3A_172 : i32 to vector<16xi32>
        %add3A_174 = arith.addi %get3A_137, %add3A_173 : vector<16xi32>
        %add3A_175 = arith.constant 1 : i32
        %add3A_176 = vector.broadcast %add3A_175 : i32 to vector<16xi32>
        %add3A_177 = arith.addi %add3A_174, %add3A_176 : vector<16xi32>
        %gather3A_178 = tpu.vector_load_idx %arg12[%add3A_131, %add3A_177] : memref<104x416xf32, #tpu.memory_space<vmem>>[vector<16xi32>, vector<16xi32>], vector<16xf32>,
        %add3A_179 = arith.constant 2 : i32
        %add3A_180 = vector.broadcast %add3A_179 : i32 to vector<16xi32>
        %add3A_181 = arith.addi %get3A_152, %add3A_180 : vector<16xi32>
        %add3A_182 = arith.constant 1 : i32
        %add3A_183 = vector.broadcast %add3A_182 : i32 to vector<16xi32>
        %add3A_184 = arith.addi %add3A_181, %add3A_183 : vector<16xi32>
        %gather3A_185 = tpu.vector_load_idx %arg12[%add3A_146, %add3A_184] : memref<104x416xf32, #tpu.memory_space<vmem>>[vector<16xi32>, vector<16xi32>], vector<16xf32>,
        %mul3A_186 = arith.mulf %gather3A_167, %gather3A_171 : vector<16xf32>
        %add3A_187 = arith.addf %mul3A_162, %mul3A_186 : vector<16xf32>
        %mul3A_188 = arith.mulf %gather3A_178, %gather3A_185 : vector<16xf32>
        %add3A_189 = arith.addf %mul3A_163, %mul3A_188 : vector<16xf32>
        %add3A_190 = arith.constant 4 : i32
        %add3A_191 = vector.broadcast %add3A_190 : i32 to vector<16xi32>
        %add3A_192 = arith.addi %get3A_137, %add3A_191 : vector<16xi32>
        %gather3A_193 = tpu.vector_load_idx %arg12[%add3A_131, %add3A_192] : memref<104x416xf32, #tpu.memory_space<vmem>>[vector<16xi32>, vector<16xi32>], vector<16xf32>,
        %add3A_194 = arith.constant 4 : i32
        %add3A_195 = vector.broadcast %add3A_194 : i32 to vector<16xi32>
        %add3A_196 = arith.addi %get3A_152, %add3A_195 : vector<16xi32>
        %gather3A_197 = tpu.vector_load_idx %arg12[%add3A_146, %add3A_196] : memref<104x416xf32, #tpu.memory_space<vmem>>[vector<16xi32>, vector<16xi32>], vector<16xf32>,
        %add3A_198 = arith.constant 4 : i32
        %add3A_199 = vector.broadcast %add3A_198 : i32 to vector<16xi32>
        %add3A_200 = arith.addi %get3A_137, %add3A_199 : vector<16xi32>
        %add3A_201 = arith.constant 1 : i32
        %add3A_202 = vector.broadcast %add3A_201 : i32 to vector<16xi32>
        %add3A_203 = arith.addi %add3A_200, %add3A_202 : vector<16xi32>
        %gather3A_204 = tpu.vector_load_idx %arg12[%add3A_131, %add3A_203] : memref<104x416xf32, #tpu.memory_space<vmem>>[vector<16xi32>, vector<16xi32>], vector<16xf32>,
        %add3A_205 = arith.constant 4 : i32
        %add3A_206 = vector.broadcast %add3A_205 : i32 to vector<16xi32>
        %add3A_207 = arith.addi %get3A_152, %add3A_206 : vector<16xi32>
        %add3A_208 = arith.constant 1 : i32
        %add3A_209 = vector.broadcast %add3A_208 : i32 to vector<16xi32>
        %add3A_210 = arith.addi %add3A_207, %add3A_209 : vector<16xi32>
        %gather3A_211 = tpu.vector_load_idx %arg12[%add3A_146, %add3A_210] : memref<104x416xf32, #tpu.memory_space<vmem>>[vector<16xi32>, vector<16xi32>], vector<16xf32>,
        %mul3A_212 = arith.mulf %gather3A_193, %gather3A_197 : vector<16xf32>
        %add3A_213 = arith.addf %add3A_187, %mul3A_212 : vector<16xf32>
        %mul3A_214 = arith.mulf %gather3A_204, %gather3A_211 : vector<16xf32>
        %add3A_215 = arith.addf %add3A_189, %mul3A_214 : vector<16xf32>
        %add3A_216 = arith.constant 6 : i32
        %add3A_217 = vector.broadcast %add3A_216 : i32 to vector<16xi32>
        %add3A_218 = arith.addi %get3A_137, %add3A_217 : vector<16xi32>
        %gather3A_219 = tpu.vector_load_idx %arg12[%add3A_131, %add3A_218] : memref<104x416xf32, #tpu.memory_space<vmem>>[vector<16xi32>, vector<16xi32>], vector<16xf32>,
        %add3A_220 = arith.constant 6 : i32
        %add3A_221 = vector.broadcast %add3A_220 : i32 to vector<16xi32>
        %add3A_222 = arith.addi %get3A_152, %add3A_221 : vector<16xi32>
        %gather3A_223 = tpu.vector_load_idx %arg12[%add3A_146, %add3A_222] : memref<104x416xf32, #tpu.memory_space<vmem>>[vector<16xi32>, vector<16xi32>], vector<16xf32>,
        %add3A_224 = arith.constant 6 : i32
        %add3A_225 = vector.broadcast %add3A_224 : i32 to vector<16xi32>
        %add3A_226 = arith.addi %get3A_137, %add3A_225 : vector<16xi32>
        %add3A_227 = arith.constant 1 : i32
        %add3A_228 = vector.broadcast %add3A_227 : i32 to vector<16xi32>
        %add3A_229 = arith.addi %add3A_226, %add3A_228 : vector<16xi32>
        %gather3A_230 = tpu.vector_load_idx %arg12[%add3A_131, %add3A_229] : memref<104x416xf32, #tpu.memory_space<vmem>>[vector<16xi32>, vector<16xi32>], vector<16xf32>,
        %add3A_231 = arith.constant 6 : i32
        %add3A_232 = vector.broadcast %add3A_231 : i32 to vector<16xi32>
        %add3A_233 = arith.addi %get3A_152, %add3A_232 : vector<16xi32>
        %add3A_234 = arith.constant 1 : i32
        %add3A_235 = vector.broadcast %add3A_234 : i32 to vector<16xi32>
        %add3A_236 = arith.addi %add3A_233, %add3A_235 : vector<16xi32>
        %gather3A_237 = tpu.vector_load_idx %arg12[%add3A_146, %add3A_236] : memref<104x416xf32, #tpu.memory_space<vmem>>[vector<16xi32>, vector<16xi32>], vector<16xf32>,
        %mul3A_238 = arith.mulf %gather3A_219, %gather3A_223 : vector<16xf32>
        %add3A_239 = arith.addf %add3A_213, %mul3A_238 : vector<16xf32>
        %mul3A_240 = arith.mulf %gather3A_230, %gather3A_237 : vector<16xf32>
        %add3A_241 = arith.addf %add3A_215, %mul3A_240 : vector<16xf32>
        %add3A_242 = arith.constant 8 : i32
        %add3A_243 = vector.broadcast %add3A_242 : i32 to vector<16xi32>
        %add3A_244 = arith.addi %get3A_137, %add3A_243 : vector<16xi32>
        %gather3A_245 = tpu.vector_load_idx %arg12[%add3A_131, %add3A_244] : memref<104x416xf32, #tpu.memory_space<vmem>>[vector<16xi32>, vector<16xi32>], vector<16xf32>,
        %add3A_246 = arith.constant 8 : i32
        %add3A_247 = vector.broadcast %add3A_246 : i32 to vector<16xi32>
        %add3A_248 = arith.addi %get3A_152, %add3A_247 : vector<16xi32>
        %gather3A_249 = tpu.vector_load_idx %arg12[%add3A_146, %add3A_248] : memref<104x416xf32, #tpu.memory_space<vmem>>[vector<16xi32>, vector<16xi32>], vector<16xf32>,
        %add3A_250 = arith.constant 8 : i32
        %add3A_251 = vector.broadcast %add3A_250 : i32 to vector<16xi32>
        %add3A_252 = arith.addi %get3A_137, %add3A_251 : vector<16xi32>
        %add3A_253 = arith.constant 1 : i32
        %add3A_254 = vector.broadcast %add3A_253 : i32 to vector<16xi32>
        %add3A_255 = arith.addi %add3A_252, %add3A_254 : vector<16xi32>
        %gather3A_256 = tpu.vector_load_idx %arg12[%add3A_131, %add3A_255] : memref<104x416xf32, #tpu.memory_space<vmem>>[vector<16xi32>, vector<16xi32>], vector<16xf32>,
        %add3A_257 = arith.constant 8 : i32
        %add3A_258 = vector.broadcast %add3A_257 : i32 to vector<16xi32>
        %add3A_259 = arith.addi %get3A_152, %add3A_258 : vector<16xi32>
        %add3A_260 = arith.constant 1 : i32
        %add3A_261 = vector.broadcast %add3A_260 : i32 to vector<16xi32>
        %add3A_262 = arith.addi %add3A_259, %add3A_261 : vector<16xi32>
        %gather3A_263 = tpu.vector_load_idx %arg12[%add3A_146, %add3A_262] : memref<104x416xf32, #tpu.memory_space<vmem>>[vector<16xi32>, vector<16xi32>], vector<16xf32>,
        %mul3A_264 = arith.mulf %gather3A_245, %gather3A_249 : vector<16xf32>
        %add3A_265 = arith.addf %add3A_239, %mul3A_264 : vector<16xf32>
        %mul3A_266 = arith.mulf %gather3A_256, %gather3A_263 : vector<16xf32>
        %add3A_267 = arith.addf %add3A_241, %mul3A_266 : vector<16xf32>
        %add3A_268 = arith.constant 10 : i32
        %add3A_269 = vector.broadcast %add3A_268 : i32 to vector<16xi32>
        %add3A_270 = arith.addi %get3A_137, %add3A_269 : vector<16xi32>
        %gather3A_271 = tpu.vector_load_idx %arg12[%add3A_131, %add3A_270] : memref<104x416xf32, #tpu.memory_space<vmem>>[vector<16xi32>, vector<16xi32>], vector<16xf32>,
        %add3A_272 = arith.constant 10 : i32
        %add3A_273 = vector.broadcast %add3A_272 : i32 to vector<16xi32>
        %add3A_274 = arith.addi %get3A_152, %add3A_273 : vector<16xi32>
        %gather3A_275 = tpu.vector_load_idx %arg12[%add3A_146, %add3A_274] : memref<104x416xf32, #tpu.memory_space<vmem>>[vector<16xi32>, vector<16xi32>], vector<16xf32>,
        %add3A_276 = arith.constant 10 : i32
        %add3A_277 = vector.broadcast %add3A_276 : i32 to vector<16xi32>
        %add3A_278 = arith.addi %get3A_137, %add3A_277 : vector<16xi32>
        %add3A_279 = arith.constant 1 : i32
        %add3A_280 = vector.broadcast %add3A_279 : i32 to vector<16xi32>
        %add3A_281 = arith.addi %add3A_278, %add3A_280 : vector<16xi32>
        %gather3A_282 = tpu.vector_load_idx %arg12[%add3A_131, %add3A_281] : memref<104x416xf32, #tpu.memory_space<vmem>>[vector<16xi32>, vector<16xi32>], vector<16xf32>,
        %add3A_283 = arith.constant 10 : i32
        %add3A_284 = vector.broadcast %add3A_283 : i32 to vector<16xi32>
        %add3A_285 = arith.addi %get3A_152, %add3A_284 : vector<16xi32>
        %add3A_286 = arith.constant 1 : i32
        %add3A_287 = vector.broadcast %add3A_286 : i32 to vector<16xi32>
        %add3A_288 = arith.addi %add3A_285, %add3A_287 : vector<16xi32>
        %gather3A_289 = tpu.vector_load_idx %arg12[%add3A_146, %add3A_288] : memref<104x416xf32, #tpu.memory_space<vmem>>[vector<16xi32>, vector<16xi32>], vector<16xf32>,
        %mul3A_290 = arith.mulf %gather3A_271, %gather3A_275 : vector<16xf32>
        %add3A_291 = arith.addf %add3A_265, %mul3A_290 : vector<16xf32>
        %mul3A_292 = arith.mulf %gather3A_282, %gather3A_289 : vector<16xf32>
        %add3A_293 = arith.addf %add3A_267, %mul3A_292 : vector<16xf32>
        %add3A_294 = arith.constant 12 : i32
        %add3A_295 = vector.broadcast %add3A_294 : i32 to vector<16xi32>
        %add3A_296 = arith.addi %get3A_137, %add3A_295 : vector<16xi32>
        %gather3A_297 = tpu.vector_load_idx %arg12[%add3A_131, %add3A_296] : memref<104x416xf32, #tpu.memory_space<vmem>>[vector<16xi32>, vector<16xi32>], vector<16xf32>,
        %add3A_298 = arith.constant 12 : i32
        %add3A_299 = vector.broadcast %add3A_298 : i32 to vector<16xi32>
        %add3A_300 = arith.addi %get3A_152, %add3A_299 : vector<16xi32>
        %gather3A_301 = tpu.vector_load_idx %arg12[%add3A_146, %add3A_300] : memref<104x416xf32, #tpu.memory_space<vmem>>[vector<16xi32>, vector<16xi32>], vector<16xf32>,
        %add3A_302 = arith.constant 12 : i32
        %add3A_303 = vector.broadcast %add3A_302 : i32 to vector<16xi32>
        %add3A_304 = arith.addi %get3A_137, %add3A_303 : vector<16xi32>
        %add3A_305 = arith.constant 1 : i32
        %add3A_306 = vector.broadcast %add3A_305 : i32 to vector<16xi32>
        %add3A_307 = arith.addi %add3A_304, %add3A_306 : vector<16xi32>
        %gather3A_308 = tpu.vector_load_idx %arg12[%add3A_131, %add3A_307] : memref<104x416xf32, #tpu.memory_space<vmem>>[vector<16xi32>, vector<16xi32>], vector<16xf32>,
        %add3A_309 = arith.constant 12 : i32
        %add3A_310 = vector.broadcast %add3A_309 : i32 to vector<16xi32>
        %add3A_311 = arith.addi %get3A_152, %add3A_310 : vector<16xi32>
        %add3A_312 = arith.constant 1 : i32
        %add3A_313 = vector.broadcast %add3A_312 : i32 to vector<16xi32>
        %add3A_314 = arith.addi %add3A_311, %add3A_313 : vector<16xi32>
        %gather3A_315 = tpu.vector_load_idx %arg12[%add3A_146, %add3A_314] : memref<104x416xf32, #tpu.memory_space<vmem>>[vector<16xi32>, vector<16xi32>], vector<16xf32>,
        %mul3A_316 = arith.mulf %gather3A_297, %gather3A_301 : vector<16xf32>
        %add3A_317 = arith.addf %add3A_291, %mul3A_316 : vector<16xf32>
        %mul3A_318 = arith.mulf %gather3A_308, %gather3A_315 : vector<16xf32>
        %add3A_319 = arith.addf %add3A_293, %mul3A_318 : vector<16xf32>
        %add3A_320 = arith.constant 14 : i32
        %add3A_321 = vector.broadcast %add3A_320 : i32 to vector<16xi32>
        %add3A_322 = arith.addi %get3A_137, %add3A_321 : vector<16xi32>
        %gather3A_323 = tpu.vector_load_idx %arg12[%add3A_131, %add3A_322] : memref<104x416xf32, #tpu.memory_space<vmem>>[vector<16xi32>, vector<16xi32>], vector<16xf32>,
        %add3A_324 = arith.constant 14 : i32
        %add3A_325 = vector.broadcast %add3A_324 : i32 to vector<16xi32>
        %add3A_326 = arith.addi %get3A_152, %add3A_325 : vector<16xi32>
        %gather3A_327 = tpu.vector_load_idx %arg12[%add3A_146, %add3A_326] : memref<104x416xf32, #tpu.memory_space<vmem>>[vector<16xi32>, vector<16xi32>], vector<16xf32>,
        %add3A_328 = arith.constant 14 : i32
        %add3A_329 = vector.broadcast %add3A_328 : i32 to vector<16xi32>
        %add3A_330 = arith.addi %get3A_137, %add3A_329 : vector<16xi32>
        %add3A_331 = arith.constant 1 : i32
        %add3A_332 = vector.broadcast %add3A_331 : i32 to vector<16xi32>
        %add3A_333 = arith.addi %add3A_330, %add3A_332 : vector<16xi32>
        %gather3A_334 = tpu.vector_load_idx %arg12[%add3A_131, %add3A_333] : memref<104x416xf32, #tpu.memory_space<vmem>>[vector<16xi32>, vector<16xi32>], vector<16xf32>,
        %add3A_335 = arith.constant 14 : i32
        %add3A_336 = vector.broadcast %add3A_335 : i32 to vector<16xi32>
        %add3A_337 = arith.addi %get3A_152, %add3A_336 : vector<16xi32>
        %add3A_338 = arith.constant 1 : i32
        %add3A_339 = vector.broadcast %add3A_338 : i32 to vector<16xi32>
        %add3A_340 = arith.addi %add3A_337, %add3A_339 : vector<16xi32>
        %gather3A_341 = tpu.vector_load_idx %arg12[%add3A_146, %add3A_340] : memref<104x416xf32, #tpu.memory_space<vmem>>[vector<16xi32>, vector<16xi32>], vector<16xf32>,
        %mul3A_342 = arith.mulf %gather3A_323, %gather3A_327 : vector<16xf32>
        %add3A_343 = arith.addf %add3A_317, %mul3A_342 : vector<16xf32>
        %mul3A_344 = arith.mulf %gather3A_334, %gather3A_341 : vector<16xf32>
        %add3A_345 = arith.addf %add3A_319, %mul3A_344 : vector<16xf32>
        %add3A_346 = arith.addf %add3A_343, %add3A_345 : vector<16xf32>
        %mul3A_347 = arith.constant 16 : i32
        %mul3A_348 = arith.muli %scan3A_125, %mul3A_347 : i32
        %add3A_349 = arith.constant 336 : i32
        %add3A_350 = arith.addi %add3A_349, %mul3A_348 : i32
        %swap3A = arith.index_cast %add3A_350 : i32 to index
        %swap3A_351 = tpu.vector_load %arg13[%swap3A] {strides = array<i32>} : memref<1344xf32, #tpu.memory_space<vmem>>, vector<16xf32>,
        tpu.vector_store %arg13[%swap3A], %add3A_346 {strides = array<i32>} : memref<1344xf32, #tpu.memory_space<vmem>>, vector<16xf32>,
      }
      %scan3A_105 = arith.constant 21 : i32
      %scan3A_106 = arith.constant 0 : i32
      %scan3A_107 = arith.constant 0 : i32
      %scan3A_108 = arith.constant 21 : i32
      %scan3A_109 = arith.addi %scan3A_107, %scan3A_108 : i32
      %scan3A_110 = arith.constant 1 : i32
      scf.for %scan3A_125 = %scan3A_107 to %scan3A_109 step %scan3A_110  : i32 {
        %mul3A_126 = arith.constant 16 : i32
        %mul3A_127 = arith.muli %scan3A_125, %mul3A_126 : i32
        %get3A = arith.index_cast %mul3A_127 : i32 to index
        %get3A_128 = tpu.vector_load %arg9[%get3A] {strides = array<i32>} : memref<1344xi32, #tpu.memory_space<vmem>>, vector<16xi32>,
        %add3A_129 = arith.constant 52 : i32
        %add3A_130 = vector.broadcast %add3A_129 : i32 to vector<16xi32>
        %add3A_131 = arith.addi %get3A_128, %add3A_130 : vector<16xi32>
        %mul3A_132 = arith.constant 16 : i32
        %mul3A_133 = arith.muli %scan3A_125, %mul3A_132 : i32
        %add3A_134 = arith.constant 336 : i32
        %add3A_135 = arith.addi %add3A_134, %mul3A_133 : i32
        %get3A_136 = arith.index_cast %add3A_135 : i32 to index
        %get3A_137 = tpu.vector_load %arg9[%get3A_136] {strides = array<i32>} : memref<1344xi32, #tpu.memory_space<vmem>>, vector<16xi32>,
        %mul3A_138 = arith.constant 16 : i32
        %mul3A_139 = arith.muli %scan3A_125, %mul3A_138 : i32
        %add3A_140 = arith.constant 672 : i32
        %add3A_141 = arith.addi %add3A_140, %mul3A_139 : i32
        %get3A_142 = arith.index_cast %add3A_141 : i32 to index
        %get3A_143 = tpu.vector_load %arg9[%get3A_142] {strides = array<i32>} : memref<1344xi32, #tpu.memory_space<vmem>>, vector<16xi32>,
        %add3A_144 = arith.constant 52 : i32
        %add3A_145 = vector.broadcast %add3A_144 : i32 to vector<16xi32>
        %add3A_146 = arith.addi %get3A_143, %add3A_145 : vector<16xi32>
        %mul3A_147 = arith.constant 16 : i32
        %mul3A_148 = arith.muli %scan3A_125, %mul3A_147 : i32
        %add3A_149 = arith.constant 1008 : i32
        %add3A_150 = arith.addi %add3A_149, %mul3A_148 : i32
        %get3A_151 = arith.index_cast %add3A_150 : i32 to index
        %get3A_152 = tpu.vector_load %arg9[%get3A_151] {strides = array<i32>} : memref<1344xi32, #tpu.memory_space<vmem>>, vector<16xi32>,
        %gather3A = tpu.vector_load_idx %arg12[%add3A_131, %get3A_137] : memref<104x416xf32, #tpu.memory_space<vmem>>[vector<16xi32>, vector<16xi32>], vector<16xf32>,
        %gather3A_153 = tpu.vector_load_idx %arg12[%add3A_146, %get3A_152] : memref<104x416xf32, #tpu.memory_space<vmem>>[vector<16xi32>, vector<16xi32>], vector<16xf32>,
        %add3A_154 = arith.constant 1 : i32
        %add3A_155 = vector.broadcast %add3A_154 : i32 to vector<16xi32>
        %add3A_156 = arith.addi %get3A_137, %add3A_155 : vector<16xi32>
        %gather3A_157 = tpu.vector_load_idx %arg12[%add3A_131, %add3A_156] : memref<104x416xf32, #tpu.memory_space<vmem>>[vector<16xi32>, vector<16xi32>], vector<16xf32>,
        %add3A_158 = arith.constant 1 : i32
        %add3A_159 = vector.broadcast %add3A_158 : i32 to vector<16xi32>
        %add3A_160 = arith.addi %get3A_152, %add3A_159 : vector<16xi32>
        %gather3A_161 = tpu.vector_load_idx %arg12[%add3A_146, %add3A_160] : memref<104x416xf32, #tpu.memory_space<vmem>>[vector<16xi32>, vector<16xi32>], vector<16xf32>,
        %mul3A_162 = arith.mulf %gather3A, %gather3A_153 : vector<16xf32>
        %mul3A_163 = arith.mulf %gather3A_157, %gather3A_161 : vector<16xf32>
        %add3A_164 = arith.constant 2 : i32
        %add3A_165 = vector.broadcast %add3A_164 : i32 to vector<16xi32>
        %add3A_166 = arith.addi %get3A_137, %add3A_165 : vector<16xi32>
        %gather3A_167 = tpu.vector_load_idx %arg12[%add3A_131, %add3A_166] : memref<104x416xf32, #tpu.memory_space<vmem>>[vector<16xi32>, vector<16xi32>], vector<16xf32>,
        %add3A_168 = arith.constant 2 : i32
        %add3A_169 = vector.broadcast %add3A_168 : i32 to vector<16xi32>
        %add3A_170 = arith.addi %get3A_152, %add3A_169 : vector<16xi32>
        %gather3A_171 = tpu.vector_load_idx %arg12[%add3A_146, %add3A_170] : memref<104x416xf32, #tpu.memory_space<vmem>>[vector<16xi32>, vector<16xi32>], vector<16xf32>,
        %add3A_172 = arith.constant 2 : i32
        %add3A_173 = vector.broadcast %add3A_172 : i32 to vector<16xi32>
        %add3A_174 = arith.addi %get3A_137, %add3A_173 : vector<16xi32>
        %add3A_175 = arith.constant 1 : i32
        %add3A_176 = vector.broadcast %add3A_175 : i32 to vector<16xi32>
        %add3A_177 = arith.addi %add3A_174, %add3A_176 : vector<16xi32>
        %gather3A_178 = tpu.vector_load_idx %arg12[%add3A_131, %add3A_177] : memref<104x416xf32, #tpu.memory_space<vmem>>[vector<16xi32>, vector<16xi32>], vector<16xf32>,
        %add3A_179 = arith.constant 2 : i32
        %add3A_180 = vector.broadcast %add3A_179 : i32 to vector<16xi32>
        %add3A_181 = arith.addi %get3A_152, %add3A_180 : vector<16xi32>
        %add3A_182 = arith.constant 1 : i32
        %add3A_183 = vector.broadcast %add3A_182 : i32 to vector<16xi32>
        %add3A_184 = arith.addi %add3A_181, %add3A_183 : vector<16xi32>
        %gather3A_185 = tpu.vector_load_idx %arg12[%add3A_146, %add3A_184] : memref<104x416xf32, #tpu.memory_space<vmem>>[vector<16xi32>, vector<16xi32>], vector<16xf32>,
        %mul3A_186 = arith.mulf %gather3A_167, %gather3A_171 : vector<16xf32>
        %add3A_187 = arith.addf %mul3A_162, %mul3A_186 : vector<16xf32>
        %mul3A_188 = arith.mulf %gather3A_178, %gather3A_185 : vector<16xf32>
        %add3A_189 = arith.addf %mul3A_163, %mul3A_188 : vector<16xf32>
        %add3A_190 = arith.constant 4 : i32
        %add3A_191 = vector.broadcast %add3A_190 : i32 to vector<16xi32>
        %add3A_192 = arith.addi %get3A_137, %add3A_191 : vector<16xi32>
        %gather3A_193 = tpu.vector_load_idx %arg12[%add3A_131, %add3A_192] : memref<104x416xf32, #tpu.memory_space<vmem>>[vector<16xi32>, vector<16xi32>], vector<16xf32>,
        %add3A_194 = arith.constant 4 : i32
        %add3A_195 = vector.broadcast %add3A_194 : i32 to vector<16xi32>
        %add3A_196 = arith.addi %get3A_152, %add3A_195 : vector<16xi32>
        %gather3A_197 = tpu.vector_load_idx %arg12[%add3A_146, %add3A_196] : memref<104x416xf32, #tpu.memory_space<vmem>>[vector<16xi32>, vector<16xi32>], vector<16xf32>,
        %add3A_198 = arith.constant 4 : i32
        %add3A_199 = vector.broadcast %add3A_198 : i32 to vector<16xi32>
        %add3A_200 = arith.addi %get3A_137, %add3A_199 : vector<16xi32>
        %add3A_201 = arith.constant 1 : i32
        %add3A_202 = vector.broadcast %add3A_201 : i32 to vector<16xi32>
        %add3A_203 = arith.addi %add3A_200, %add3A_202 : vector<16xi32>
        %gather3A_204 = tpu.vector_load_idx %arg12[%add3A_131, %add3A_203] : memref<104x416xf32, #tpu.memory_space<vmem>>[vector<16xi32>, vector<16xi32>], vector<16xf32>,
        %add3A_205 = arith.constant 4 : i32
        %add3A_206 = vector.broadcast %add3A_205 : i32 to vector<16xi32>
        %add3A_207 = arith.addi %get3A_152, %add3A_206 : vector<16xi32>
        %add3A_208 = arith.constant 1 : i32
        %add3A_209 = vector.broadcast %add3A_208 : i32 to vector<16xi32>
        %add3A_210 = arith.addi %add3A_207, %add3A_209 : vector<16xi32>
        %gather3A_211 = tpu.vector_load_idx %arg12[%add3A_146, %add3A_210] : memref<104x416xf32, #tpu.memory_space<vmem>>[vector<16xi32>, vector<16xi32>], vector<16xf32>,
        %mul3A_212 = arith.mulf %gather3A_193, %gather3A_197 : vector<16xf32>
        %add3A_213 = arith.addf %add3A_187, %mul3A_212 : vector<16xf32>
        %mul3A_214 = arith.mulf %gather3A_204, %gather3A_211 : vector<16xf32>
        %add3A_215 = arith.addf %add3A_189, %mul3A_214 : vector<16xf32>
        %add3A_216 = arith.constant 6 : i32
        %add3A_217 = vector.broadcast %add3A_216 : i32 to vector<16xi32>
        %add3A_218 = arith.addi %get3A_137, %add3A_217 : vector<16xi32>
        %gather3A_219 = tpu.vector_load_idx %arg12[%add3A_131, %add3A_218] : memref<104x416xf32, #tpu.memory_space<vmem>>[vector<16xi32>, vector<16xi32>], vector<16xf32>,
        %add3A_220 = arith.constant 6 : i32
        %add3A_221 = vector.broadcast %add3A_220 : i32 to vector<16xi32>
        %add3A_222 = arith.addi %get3A_152, %add3A_221 : vector<16xi32>
        %gather3A_223 = tpu.vector_load_idx %arg12[%add3A_146, %add3A_222] : memref<104x416xf32, #tpu.memory_space<vmem>>[vector<16xi32>, vector<16xi32>], vector<16xf32>,
        %add3A_224 = arith.constant 6 : i32
        %add3A_225 = vector.broadcast %add3A_224 : i32 to vector<16xi32>
        %add3A_226 = arith.addi %get3A_137, %add3A_225 : vector<16xi32>
        %add3A_227 = arith.constant 1 : i32
        %add3A_228 = vector.broadcast %add3A_227 : i32 to vector<16xi32>
        %add3A_229 = arith.addi %add3A_226, %add3A_228 : vector<16xi32>
        %gather3A_230 = tpu.vector_load_idx %arg12[%add3A_131, %add3A_229] : memref<104x416xf32, #tpu.memory_space<vmem>>[vector<16xi32>, vector<16xi32>], vector<16xf32>,
        %add3A_231 = arith.constant 6 : i32
        %add3A_232 = vector.broadcast %add3A_231 : i32 to vector<16xi32>
        %add3A_233 = arith.addi %get3A_152, %add3A_232 : vector<16xi32>
        %add3A_234 = arith.constant 1 : i32
        %add3A_235 = vector.broadcast %add3A_234 : i32 to vector<16xi32>
        %add3A_236 = arith.addi %add3A_233, %add3A_235 : vector<16xi32>
        %gather3A_237 = tpu.vector_load_idx %arg12[%add3A_146, %add3A_236] : memref<104x416xf32, #tpu.memory_space<vmem>>[vector<16xi32>, vector<16xi32>], vector<16xf32>,
        %mul3A_238 = arith.mulf %gather3A_219, %gather3A_223 : vector<16xf32>
        %add3A_239 = arith.addf %add3A_213, %mul3A_238 : vector<16xf32>
        %mul3A_240 = arith.mulf %gather3A_230, %gather3A_237 : vector<16xf32>
        %add3A_241 = arith.addf %add3A_215, %mul3A_240 : vector<16xf32>
        %add3A_242 = arith.constant 8 : i32
        %add3A_243 = vector.broadcast %add3A_242 : i32 to vector<16xi32>
        %add3A_244 = arith.addi %get3A_137, %add3A_243 : vector<16xi32>
        %gather3A_245 = tpu.vector_load_idx %arg12[%add3A_131, %add3A_244] : memref<104x416xf32, #tpu.memory_space<vmem>>[vector<16xi32>, vector<16xi32>], vector<16xf32>,
        %add3A_246 = arith.constant 8 : i32
        %add3A_247 = vector.broadcast %add3A_246 : i32 to vector<16xi32>
        %add3A_248 = arith.addi %get3A_152, %add3A_247 : vector<16xi32>
        %gather3A_249 = tpu.vector_load_idx %arg12[%add3A_146, %add3A_248] : memref<104x416xf32, #tpu.memory_space<vmem>>[vector<16xi32>, vector<16xi32>], vector<16xf32>,
        %add3A_250 = arith.constant 8 : i32
        %add3A_251 = vector.broadcast %add3A_250 : i32 to vector<16xi32>
        %add3A_252 = arith.addi %get3A_137, %add3A_251 : vector<16xi32>
        %add3A_253 = arith.constant 1 : i32
        %add3A_254 = vector.broadcast %add3A_253 : i32 to vector<16xi32>
        %add3A_255 = arith.addi %add3A_252, %add3A_254 : vector<16xi32>
        %gather3A_256 = tpu.vector_load_idx %arg12[%add3A_131, %add3A_255] : memref<104x416xf32, #tpu.memory_space<vmem>>[vector<16xi32>, vector<16xi32>], vector<16xf32>,
        %add3A_257 = arith.constant 8 : i32
        %add3A_258 = vector.broadcast %add3A_257 : i32 to vector<16xi32>
        %add3A_259 = arith.addi %get3A_152, %add3A_258 : vector<16xi32>
        %add3A_260 = arith.constant 1 : i32
        %add3A_261 = vector.broadcast %add3A_260 : i32 to vector<16xi32>
        %add3A_262 = arith.addi %add3A_259, %add3A_261 : vector<16xi32>
        %gather3A_263 = tpu.vector_load_idx %arg12[%add3A_146, %add3A_262] : memref<104x416xf32, #tpu.memory_space<vmem>>[vector<16xi32>, vector<16xi32>], vector<16xf32>,
        %mul3A_264 = arith.mulf %gather3A_245, %gather3A_249 : vector<16xf32>
        %add3A_265 = arith.addf %add3A_239, %mul3A_264 : vector<16xf32>
        %mul3A_266 = arith.mulf %gather3A_256, %gather3A_263 : vector<16xf32>
        %add3A_267 = arith.addf %add3A_241, %mul3A_266 : vector<16xf32>
        %add3A_268 = arith.constant 10 : i32
        %add3A_269 = vector.broadcast %add3A_268 : i32 to vector<16xi32>
        %add3A_270 = arith.addi %get3A_137, %add3A_269 : vector<16xi32>
        %gather3A_271 = tpu.vector_load_idx %arg12[%add3A_131, %add3A_270] : memref<104x416xf32, #tpu.memory_space<vmem>>[vector<16xi32>, vector<16xi32>], vector<16xf32>,
        %add3A_272 = arith.constant 10 : i32
        %add3A_273 = vector.broadcast %add3A_272 : i32 to vector<16xi32>
        %add3A_274 = arith.addi %get3A_152, %add3A_273 : vector<16xi32>
        %gather3A_275 = tpu.vector_load_idx %arg12[%add3A_146, %add3A_274] : memref<104x416xf32, #tpu.memory_space<vmem>>[vector<16xi32>, vector<16xi32>], vector<16xf32>,
        %add3A_276 = arith.constant 10 : i32
        %add3A_277 = vector.broadcast %add3A_276 : i32 to vector<16xi32>
        %add3A_278 = arith.addi %get3A_137, %add3A_277 : vector<16xi32>
        %add3A_279 = arith.constant 1 : i32
        %add3A_280 = vector.broadcast %add3A_279 : i32 to vector<16xi32>
        %add3A_281 = arith.addi %add3A_278, %add3A_280 : vector<16xi32>
        %gather3A_282 = tpu.vector_load_idx %arg12[%add3A_131, %add3A_281] : memref<104x416xf32, #tpu.memory_space<vmem>>[vector<16xi32>, vector<16xi32>], vector<16xf32>,
        %add3A_283 = arith.constant 10 : i32
        %add3A_284 = vector.broadcast %add3A_283 : i32 to vector<16xi32>
        %add3A_285 = arith.addi %get3A_152, %add3A_284 : vector<16xi32>
        %add3A_286 = arith.constant 1 : i32
        %add3A_287 = vector.broadcast %add3A_286 : i32 to vector<16xi32>
        %add3A_288 = arith.addi %add3A_285, %add3A_287 : vector<16xi32>
        %gather3A_289 = tpu.vector_load_idx %arg12[%add3A_146, %add3A_288] : memref<104x416xf32, #tpu.memory_space<vmem>>[vector<16xi32>, vector<16xi32>], vector<16xf32>,
        %mul3A_290 = arith.mulf %gather3A_271, %gather3A_275 : vector<16xf32>
        %add3A_291 = arith.addf %add3A_265, %mul3A_290 : vector<16xf32>
        %mul3A_292 = arith.mulf %gather3A_282, %gather3A_289 : vector<16xf32>
        %add3A_293 = arith.addf %add3A_267, %mul3A_292 : vector<16xf32>
        %add3A_294 = arith.constant 12 : i32
        %add3A_295 = vector.broadcast %add3A_294 : i32 to vector<16xi32>
        %add3A_296 = arith.addi %get3A_137, %add3A_295 : vector<16xi32>
        %gather3A_297 = tpu.vector_load_idx %arg12[%add3A_131, %add3A_296] : memref<104x416xf32, #tpu.memory_space<vmem>>[vector<16xi32>, vector<16xi32>], vector<16xf32>,
        %add3A_298 = arith.constant 12 : i32
        %add3A_299 = vector.broadcast %add3A_298 : i32 to vector<16xi32>
        %add3A_300 = arith.addi %get3A_152, %add3A_299 : vector<16xi32>
        %gather3A_301 = tpu.vector_load_idx %arg12[%add3A_146, %add3A_300] : memref<104x416xf32, #tpu.memory_space<vmem>>[vector<16xi32>, vector<16xi32>], vector<16xf32>,
        %add3A_302 = arith.constant 12 : i32
        %add3A_303 = vector.broadcast %add3A_302 : i32 to vector<16xi32>
        %add3A_304 = arith.addi %get3A_137, %add3A_303 : vector<16xi32>
        %add3A_305 = arith.constant 1 : i32
        %add3A_306 = vector.broadcast %add3A_305 : i32 to vector<16xi32>
        %add3A_307 = arith.addi %add3A_304, %add3A_306 : vector<16xi32>
        %gather3A_308 = tpu.vector_load_idx %arg12[%add3A_131, %add3A_307] : memref<104x416xf32, #tpu.memory_space<vmem>>[vector<16xi32>, vector<16xi32>], vector<16xf32>,
        %add3A_309 = arith.constant 12 : i32
        %add3A_310 = vector.broadcast %add3A_309 : i32 to vector<16xi32>
        %add3A_311 = arith.addi %get3A_152, %add3A_310 : vector<16xi32>
        %add3A_312 = arith.constant 1 : i32
        %add3A_313 = vector.broadcast %add3A_312 : i32 to vector<16xi32>
        %add3A_314 = arith.addi %add3A_311, %add3A_313 : vector<16xi32>
        %gather3A_315 = tpu.vector_load_idx %arg12[%add3A_146, %add3A_314] : memref<104x416xf32, #tpu.memory_space<vmem>>[vector<16xi32>, vector<16xi32>], vector<16xf32>,
        %mul3A_316 = arith.mulf %gather3A_297, %gather3A_301 : vector<16xf32>
        %add3A_317 = arith.addf %add3A_291, %mul3A_316 : vector<16xf32>
        %mul3A_318 = arith.mulf %gather3A_308, %gather3A_315 : vector<16xf32>
        %add3A_319 = arith.addf %add3A_293, %mul3A_318 : vector<16xf32>
        %add3A_320 = arith.constant 14 : i32
        %add3A_321 = vector.broadcast %add3A_320 : i32 to vector<16xi32>
        %add3A_322 = arith.addi %get3A_137, %add3A_321 : vector<16xi32>
        %gather3A_323 = tpu.vector_load_idx %arg12[%add3A_131, %add3A_322] : memref<104x416xf32, #tpu.memory_space<vmem>>[vector<16xi32>, vector<16xi32>], vector<16xf32>,
        %add3A_324 = arith.constant 14 : i32
        %add3A_325 = vector.broadcast %add3A_324 : i32 to vector<16xi32>
        %add3A_326 = arith.addi %get3A_152, %add3A_325 : vector<16xi32>
        %gather3A_327 = tpu.vector_load_idx %arg12[%add3A_146, %add3A_326] : memref<104x416xf32, #tpu.memory_space<vmem>>[vector<16xi32>, vector<16xi32>], vector<16xf32>,
        %add3A_328 = arith.constant 14 : i32
        %add3A_329 = vector.broadcast %add3A_328 : i32 to vector<16xi32>
        %add3A_330 = arith.addi %get3A_137, %add3A_329 : vector<16xi32>
        %add3A_331 = arith.constant 1 : i32
        %add3A_332 = vector.broadcast %add3A_331 : i32 to vector<16xi32>
        %add3A_333 = arith.addi %add3A_330, %add3A_332 : vector<16xi32>
        %gather3A_334 = tpu.vector_load_idx %arg12[%add3A_131, %add3A_333] : memref<104x416xf32, #tpu.memory_space<vmem>>[vector<16xi32>, vector<16xi32>], vector<16xf32>,
        %add3A_335 = arith.constant 14 : i32
        %add3A_336 = vector.broadcast %add3A_335 : i32 to vector<16xi32>
        %add3A_337 = arith.addi %get3A_152, %add3A_336 : vector<16xi32>
        %add3A_338 = arith.constant 1 : i32
        %add3A_339 = vector.broadcast %add3A_338 : i32 to vector<16xi32>
        %add3A_340 = arith.addi %add3A_337, %add3A_339 : vector<16xi32>
        %gather3A_341 = tpu.vector_load_idx %arg12[%add3A_146, %add3A_340] : memref<104x416xf32, #tpu.memory_space<vmem>>[vector<16xi32>, vector<16xi32>], vector<16xf32>,
        %mul3A_342 = arith.mulf %gather3A_323, %gather3A_327 : vector<16xf32>
        %add3A_343 = arith.addf %add3A_317, %mul3A_342 : vector<16xf32>
        %mul3A_344 = arith.mulf %gather3A_334, %gather3A_341 : vector<16xf32>
        %add3A_345 = arith.addf %add3A_319, %mul3A_344 : vector<16xf32>
        %add3A_346 = arith.addf %add3A_343, %add3A_345 : vector<16xf32>
        %mul3A_347 = arith.constant 16 : i32
        %mul3A_348 = arith.muli %scan3A_125, %mul3A_347 : i32
        %add3A_349 = arith.constant 672 : i32
        %add3A_350 = arith.addi %add3A_349, %mul3A_348 : i32
        %swap3A = arith.index_cast %add3A_350 : i32 to index
        %swap3A_351 = tpu.vector_load %arg13[%swap3A] {strides = array<i32>} : memref<1344xf32, #tpu.memory_space<vmem>>, vector<16xf32>,
        tpu.vector_store %arg13[%swap3A], %add3A_346 {strides = array<i32>} : memref<1344xf32, #tpu.memory_space<vmem>>, vector<16xf32>,
      }
      %scan3A_111 = arith.constant 21 : i32
      %scan3A_112 = arith.constant 0 : i32
      %scan3A_113 = arith.constant 0 : i32
      %scan3A_114 = arith.constant 21 : i32
      %scan3A_115 = arith.addi %scan3A_113, %scan3A_114 : i32
      %scan3A_116 = arith.constant 1 : i32
      scf.for %scan3A_125 = %scan3A_113 to %scan3A_115 step %scan3A_116  : i32 {
        %mul3A_126 = arith.constant 16 : i32
        %mul3A_127 = arith.muli %scan3A_125, %mul3A_126 : i32
        %get3A = arith.index_cast %mul3A_127 : i32 to index
        %get3A_128 = tpu.vector_load %arg9[%get3A] {strides = array<i32>} : memref<1344xi32, #tpu.memory_space<vmem>>, vector<16xi32>,
        %add3A_129 = arith.constant 78 : i32
        %add3A_130 = vector.broadcast %add3A_129 : i32 to vector<16xi32>
        %add3A_131 = arith.addi %get3A_128, %add3A_130 : vector<16xi32>
        %mul3A_132 = arith.constant 16 : i32
        %mul3A_133 = arith.muli %scan3A_125, %mul3A_132 : i32
        %add3A_134 = arith.constant 336 : i32
        %add3A_135 = arith.addi %add3A_134, %mul3A_133 : i32
        %get3A_136 = arith.index_cast %add3A_135 : i32 to index
        %get3A_137 = tpu.vector_load %arg9[%get3A_136] {strides = array<i32>} : memref<1344xi32, #tpu.memory_space<vmem>>, vector<16xi32>,
        %mul3A_138 = arith.constant 16 : i32
        %mul3A_139 = arith.muli %scan3A_125, %mul3A_138 : i32
        %add3A_140 = arith.constant 672 : i32
        %add3A_141 = arith.addi %add3A_140, %mul3A_139 : i32
        %get3A_142 = arith.index_cast %add3A_141 : i32 to index
        %get3A_143 = tpu.vector_load %arg9[%get3A_142] {strides = array<i32>} : memref<1344xi32, #tpu.memory_space<vmem>>, vector<16xi32>,
        %add3A_144 = arith.constant 78 : i32
        %add3A_145 = vector.broadcast %add3A_144 : i32 to vector<16xi32>
        %add3A_146 = arith.addi %get3A_143, %add3A_145 : vector<16xi32>
        %mul3A_147 = arith.constant 16 : i32
        %mul3A_148 = arith.muli %scan3A_125, %mul3A_147 : i32
        %add3A_149 = arith.constant 1008 : i32
        %add3A_150 = arith.addi %add3A_149, %mul3A_148 : i32
        %get3A_151 = arith.index_cast %add3A_150 : i32 to index
        %get3A_152 = tpu.vector_load %arg9[%get3A_151] {strides = array<i32>} : memref<1344xi32, #tpu.memory_space<vmem>>, vector<16xi32>,
        %gather3A = tpu.vector_load_idx %arg12[%add3A_131, %get3A_137] : memref<104x416xf32, #tpu.memory_space<vmem>>[vector<16xi32>, vector<16xi32>], vector<16xf32>,
        %gather3A_153 = tpu.vector_load_idx %arg12[%add3A_146, %get3A_152] : memref<104x416xf32, #tpu.memory_space<vmem>>[vector<16xi32>, vector<16xi32>], vector<16xf32>,
        %add3A_154 = arith.constant 1 : i32
        %add3A_155 = vector.broadcast %add3A_154 : i32 to vector<16xi32>
        %add3A_156 = arith.addi %get3A_137, %add3A_155 : vector<16xi32>
        %gather3A_157 = tpu.vector_load_idx %arg12[%add3A_131, %add3A_156] : memref<104x416xf32, #tpu.memory_space<vmem>>[vector<16xi32>, vector<16xi32>], vector<16xf32>,
        %add3A_158 = arith.constant 1 : i32
        %add3A_159 = vector.broadcast %add3A_158 : i32 to vector<16xi32>
        %add3A_160 = arith.addi %get3A_152, %add3A_159 : vector<16xi32>
        %gather3A_161 = tpu.vector_load_idx %arg12[%add3A_146, %add3A_160] : memref<104x416xf32, #tpu.memory_space<vmem>>[vector<16xi32>, vector<16xi32>], vector<16xf32>,
        %mul3A_162 = arith.mulf %gather3A, %gather3A_153 : vector<16xf32>
        %mul3A_163 = arith.mulf %gather3A_157, %gather3A_161 : vector<16xf32>
        %add3A_164 = arith.constant 2 : i32
        %add3A_165 = vector.broadcast %add3A_164 : i32 to vector<16xi32>
        %add3A_166 = arith.addi %get3A_137, %add3A_165 : vector<16xi32>
        %gather3A_167 = tpu.vector_load_idx %arg12[%add3A_131, %add3A_166] : memref<104x416xf32, #tpu.memory_space<vmem>>[vector<16xi32>, vector<16xi32>], vector<16xf32>,
        %add3A_168 = arith.constant 2 : i32
        %add3A_169 = vector.broadcast %add3A_168 : i32 to vector<16xi32>
        %add3A_170 = arith.addi %get3A_152, %add3A_169 : vector<16xi32>
        %gather3A_171 = tpu.vector_load_idx %arg12[%add3A_146, %add3A_170] : memref<104x416xf32, #tpu.memory_space<vmem>>[vector<16xi32>, vector<16xi32>], vector<16xf32>,
        %add3A_172 = arith.constant 2 : i32
        %add3A_173 = vector.broadcast %add3A_172 : i32 to vector<16xi32>
        %add3A_174 = arith.addi %get3A_137, %add3A_173 : vector<16xi32>
        %add3A_175 = arith.constant 1 : i32
        %add3A_176 = vector.broadcast %add3A_175 : i32 to vector<16xi32>
        %add3A_177 = arith.addi %add3A_174, %add3A_176 : vector<16xi32>
        %gather3A_178 = tpu.vector_load_idx %arg12[%add3A_131, %add3A_177] : memref<104x416xf32, #tpu.memory_space<vmem>>[vector<16xi32>, vector<16xi32>], vector<16xf32>,
        %add3A_179 = arith.constant 2 : i32
        %add3A_180 = vector.broadcast %add3A_179 : i32 to vector<16xi32>
        %add3A_181 = arith.addi %get3A_152, %add3A_180 : vector<16xi32>
        %add3A_182 = arith.constant 1 : i32
        %add3A_183 = vector.broadcast %add3A_182 : i32 to vector<16xi32>
        %add3A_184 = arith.addi %add3A_181, %add3A_183 : vector<16xi32>
        %gather3A_185 = tpu.vector_load_idx %arg12[%add3A_146, %add3A_184] : memref<104x416xf32, #tpu.memory_space<vmem>>[vector<16xi32>, vector<16xi32>], vector<16xf32>,
        %mul3A_186 = arith.mulf %gather3A_167, %gather3A_171 : vector<16xf32>
        %add3A_187 = arith.addf %mul3A_162, %mul3A_186 : vector<16xf32>
        %mul3A_188 = arith.mulf %gather3A_178, %gather3A_185 : vector<16xf32>
        %add3A_189 = arith.addf %mul3A_163, %mul3A_188 : vector<16xf32>
        %add3A_190 = arith.constant 4 : i32
        %add3A_191 = vector.broadcast %add3A_190 : i32 to vector<16xi32>
        %add3A_192 = arith.addi %get3A_137, %add3A_191 : vector<16xi32>
        %gather3A_193 = tpu.vector_load_idx %arg12[%add3A_131, %add3A_192] : memref<104x416xf32, #tpu.memory_space<vmem>>[vector<16xi32>, vector<16xi32>], vector<16xf32>,
        %add3A_194 = arith.constant 4 : i32
        %add3A_195 = vector.broadcast %add3A_194 : i32 to vector<16xi32>
        %add3A_196 = arith.addi %get3A_152, %add3A_195 : vector<16xi32>
        %gather3A_197 = tpu.vector_load_idx %arg12[%add3A_146, %add3A_196] : memref<104x416xf32, #tpu.memory_space<vmem>>[vector<16xi32>, vector<16xi32>], vector<16xf32>,
        %add3A_198 = arith.constant 4 : i32
        %add3A_199 = vector.broadcast %add3A_198 : i32 to vector<16xi32>
        %add3A_200 = arith.addi %get3A_137, %add3A_199 : vector<16xi32>
        %add3A_201 = arith.constant 1 : i32
        %add3A_202 = vector.broadcast %add3A_201 : i32 to vector<16xi32>
        %add3A_203 = arith.addi %add3A_200, %add3A_202 : vector<16xi32>
        %gather3A_204 = tpu.vector_load_idx %arg12[%add3A_131, %add3A_203] : memref<104x416xf32, #tpu.memory_space<vmem>>[vector<16xi32>, vector<16xi32>], vector<16xf32>,
        %add3A_205 = arith.constant 4 : i32
        %add3A_206 = vector.broadcast %add3A_205 : i32 to vector<16xi32>
        %add3A_207 = arith.addi %get3A_152, %add3A_206 : vector<16xi32>
        %add3A_208 = arith.constant 1 : i32
        %add3A_209 = vector.broadcast %add3A_208 : i32 to vector<16xi32>
        %add3A_210 = arith.addi %add3A_207, %add3A_209 : vector<16xi32>
        %gather3A_211 = tpu.vector_load_idx %arg12[%add3A_146, %add3A_210] : memref<104x416xf32, #tpu.memory_space<vmem>>[vector<16xi32>, vector<16xi32>], vector<16xf32>,
        %mul3A_212 = arith.mulf %gather3A_193, %gather3A_197 : vector<16xf32>
        %add3A_213 = arith.addf %add3A_187, %mul3A_212 : vector<16xf32>
        %mul3A_214 = arith.mulf %gather3A_204, %gather3A_211 : vector<16xf32>
        %add3A_215 = arith.addf %add3A_189, %mul3A_214 : vector<16xf32>
        %add3A_216 = arith.constant 6 : i32
        %add3A_217 = vector.broadcast %add3A_216 : i32 to vector<16xi32>
        %add3A_218 = arith.addi %get3A_137, %add3A_217 : vector<16xi32>
        %gather3A_219 = tpu.vector_load_idx %arg12[%add3A_131, %add3A_218] : memref<104x416xf32, #tpu.memory_space<vmem>>[vector<16xi32>, vector<16xi32>], vector<16xf32>,
        %add3A_220 = arith.constant 6 : i32
        %add3A_221 = vector.broadcast %add3A_220 : i32 to vector<16xi32>
        %add3A_222 = arith.addi %get3A_152, %add3A_221 : vector<16xi32>
        %gather3A_223 = tpu.vector_load_idx %arg12[%add3A_146, %add3A_222] : memref<104x416xf32, #tpu.memory_space<vmem>>[vector<16xi32>, vector<16xi32>], vector<16xf32>,
        %add3A_224 = arith.constant 6 : i32
        %add3A_225 = vector.broadcast %add3A_224 : i32 to vector<16xi32>
        %add3A_226 = arith.addi %get3A_137, %add3A_225 : vector<16xi32>
        %add3A_227 = arith.constant 1 : i32
        %add3A_228 = vector.broadcast %add3A_227 : i32 to vector<16xi32>
        %add3A_229 = arith.addi %add3A_226, %add3A_228 : vector<16xi32>
        %gather3A_230 = tpu.vector_load_idx %arg12[%add3A_131, %add3A_229] : memref<104x416xf32, #tpu.memory_space<vmem>>[vector<16xi32>, vector<16xi32>], vector<16xf32>,
        %add3A_231 = arith.constant 6 : i32
        %add3A_232 = vector.broadcast %add3A_231 : i32 to vector<16xi32>
        %add3A_233 = arith.addi %get3A_152, %add3A_232 : vector<16xi32>
        %add3A_234 = arith.constant 1 : i32
        %add3A_235 = vector.broadcast %add3A_234 : i32 to vector<16xi32>
        %add3A_236 = arith.addi %add3A_233, %add3A_235 : vector<16xi32>
        %gather3A_237 = tpu.vector_load_idx %arg12[%add3A_146, %add3A_236] : memref<104x416xf32, #tpu.memory_space<vmem>>[vector<16xi32>, vector<16xi32>], vector<16xf32>,
        %mul3A_238 = arith.mulf %gather3A_219, %gather3A_223 : vector<16xf32>
        %add3A_239 = arith.addf %add3A_213, %mul3A_238 : vector<16xf32>
        %mul3A_240 = arith.mulf %gather3A_230, %gather3A_237 : vector<16xf32>
        %add3A_241 = arith.addf %add3A_215, %mul3A_240 : vector<16xf32>
        %add3A_242 = arith.constant 8 : i32
        %add3A_243 = vector.broadcast %add3A_242 : i32 to vector<16xi32>
        %add3A_244 = arith.addi %get3A_137, %add3A_243 : vector<16xi32>
        %gather3A_245 = tpu.vector_load_idx %arg12[%add3A_131, %add3A_244] : memref<104x416xf32, #tpu.memory_space<vmem>>[vector<16xi32>, vector<16xi32>], vector<16xf32>,
        %add3A_246 = arith.constant 8 : i32
        %add3A_247 = vector.broadcast %add3A_246 : i32 to vector<16xi32>
        %add3A_248 = arith.addi %get3A_152, %add3A_247 : vector<16xi32>
        %gather3A_249 = tpu.vector_load_idx %arg12[%add3A_146, %add3A_248] : memref<104x416xf32, #tpu.memory_space<vmem>>[vector<16xi32>, vector<16xi32>], vector<16xf32>,
        %add3A_250 = arith.constant 8 : i32
        %add3A_251 = vector.broadcast %add3A_250 : i32 to vector<16xi32>
        %add3A_252 = arith.addi %get3A_137, %add3A_251 : vector<16xi32>
        %add3A_253 = arith.constant 1 : i32
        %add3A_254 = vector.broadcast %add3A_253 : i32 to vector<16xi32>
        %add3A_255 = arith.addi %add3A_252, %add3A_254 : vector<16xi32>
        %gather3A_256 = tpu.vector_load_idx %arg12[%add3A_131, %add3A_255] : memref<104x416xf32, #tpu.memory_space<vmem>>[vector<16xi32>, vector<16xi32>], vector<16xf32>,
        %add3A_257 = arith.constant 8 : i32
        %add3A_258 = vector.broadcast %add3A_257 : i32 to vector<16xi32>
        %add3A_259 = arith.addi %get3A_152, %add3A_258 : vector<16xi32>
        %add3A_260 = arith.constant 1 : i32
        %add3A_261 = vector.broadcast %add3A_260 : i32 to vector<16xi32>
        %add3A_262 = arith.addi %add3A_259, %add3A_261 : vector<16xi32>
        %gather3A_263 = tpu.vector_load_idx %arg12[%add3A_146, %add3A_262] : memref<104x416xf32, #tpu.memory_space<vmem>>[vector<16xi32>, vector<16xi32>], vector<16xf32>,
        %mul3A_264 = arith.mulf %gather3A_245, %gather3A_249 : vector<16xf32>
        %add3A_265 = arith.addf %add3A_239, %mul3A_264 : vector<16xf32>
        %mul3A_266 = arith.mulf %gather3A_256, %gather3A_263 : vector<16xf32>
        %add3A_267 = arith.addf %add3A_241, %mul3A_266 : vector<16xf32>
        %add3A_268 = arith.constant 10 : i32
        %add3A_269 = vector.broadcast %add3A_268 : i32 to vector<16xi32>
        %add3A_270 = arith.addi %get3A_137, %add3A_269 : vector<16xi32>
        %gather3A_271 = tpu.vector_load_idx %arg12[%add3A_131, %add3A_270] : memref<104x416xf32, #tpu.memory_space<vmem>>[vector<16xi32>, vector<16xi32>], vector<16xf32>,
        %add3A_272 = arith.constant 10 : i32
        %add3A_273 = vector.broadcast %add3A_272 : i32 to vector<16xi32>
        %add3A_274 = arith.addi %get3A_152, %add3A_273 : vector<16xi32>
        %gather3A_275 = tpu.vector_load_idx %arg12[%add3A_146, %add3A_274] : memref<104x416xf32, #tpu.memory_space<vmem>>[vector<16xi32>, vector<16xi32>], vector<16xf32>,
        %add3A_276 = arith.constant 10 : i32
        %add3A_277 = vector.broadcast %add3A_276 : i32 to vector<16xi32>
        %add3A_278 = arith.addi %get3A_137, %add3A_277 : vector<16xi32>
        %add3A_279 = arith.constant 1 : i32
        %add3A_280 = vector.broadcast %add3A_279 : i32 to vector<16xi32>
        %add3A_281 = arith.addi %add3A_278, %add3A_280 : vector<16xi32>
        %gather3A_282 = tpu.vector_load_idx %arg12[%add3A_131, %add3A_281] : memref<104x416xf32, #tpu.memory_space<vmem>>[vector<16xi32>, vector<16xi32>], vector<16xf32>,
        %add3A_283 = arith.constant 10 : i32
        %add3A_284 = vector.broadcast %add3A_283 : i32 to vector<16xi32>
        %add3A_285 = arith.addi %get3A_152, %add3A_284 : vector<16xi32>
        %add3A_286 = arith.constant 1 : i32
        %add3A_287 = vector.broadcast %add3A_286 : i32 to vector<16xi32>
        %add3A_288 = arith.addi %add3A_285, %add3A_287 : vector<16xi32>
        %gather3A_289 = tpu.vector_load_idx %arg12[%add3A_146, %add3A_288] : memref<104x416xf32, #tpu.memory_space<vmem>>[vector<16xi32>, vector<16xi32>], vector<16xf32>,
        %mul3A_290 = arith.mulf %gather3A_271, %gather3A_275 : vector<16xf32>
        %add3A_291 = arith.addf %add3A_265, %mul3A_290 : vector<16xf32>
        %mul3A_292 = arith.mulf %gather3A_282, %gather3A_289 : vector<16xf32>
        %add3A_293 = arith.addf %add3A_267, %mul3A_292 : vector<16xf32>
        %add3A_294 = arith.constant 12 : i32
        %add3A_295 = vector.broadcast %add3A_294 : i32 to vector<16xi32>
        %add3A_296 = arith.addi %get3A_137, %add3A_295 : vector<16xi32>
        %gather3A_297 = tpu.vector_load_idx %arg12[%add3A_131, %add3A_296] : memref<104x416xf32, #tpu.memory_space<vmem>>[vector<16xi32>, vector<16xi32>], vector<16xf32>,
        %add3A_298 = arith.constant 12 : i32
        %add3A_299 = vector.broadcast %add3A_298 : i32 to vector<16xi32>
        %add3A_300 = arith.addi %get3A_152, %add3A_299 : vector<16xi32>
        %gather3A_301 = tpu.vector_load_idx %arg12[%add3A_146, %add3A_300] : memref<104x416xf32, #tpu.memory_space<vmem>>[vector<16xi32>, vector<16xi32>], vector<16xf32>,
        %add3A_302 = arith.constant 12 : i32
        %add3A_303 = vector.broadcast %add3A_302 : i32 to vector<16xi32>
        %add3A_304 = arith.addi %get3A_137, %add3A_303 : vector<16xi32>
        %add3A_305 = arith.constant 1 : i32
        %add3A_306 = vector.broadcast %add3A_305 : i32 to vector<16xi32>
        %add3A_307 = arith.addi %add3A_304, %add3A_306 : vector<16xi32>
        %gather3A_308 = tpu.vector_load_idx %arg12[%add3A_131, %add3A_307] : memref<104x416xf32, #tpu.memory_space<vmem>>[vector<16xi32>, vector<16xi32>], vector<16xf32>,
        %add3A_309 = arith.constant 12 : i32
        %add3A_310 = vector.broadcast %add3A_309 : i32 to vector<16xi32>
        %add3A_311 = arith.addi %get3A_152, %add3A_310 : vector<16xi32>
        %add3A_312 = arith.constant 1 : i32
        %add3A_313 = vector.broadcast %add3A_312 : i32 to vector<16xi32>
        %add3A_314 = arith.addi %add3A_311, %add3A_313 : vector<16xi32>
        %gather3A_315 = tpu.vector_load_idx %arg12[%add3A_146, %add3A_314] : memref<104x416xf32, #tpu.memory_space<vmem>>[vector<16xi32>, vector<16xi32>], vector<16xf32>,
        %mul3A_316 = arith.mulf %gather3A_297, %gather3A_301 : vector<16xf32>
        %add3A_317 = arith.addf %add3A_291, %mul3A_316 : vector<16xf32>
        %mul3A_318 = arith.mulf %gather3A_308, %gather3A_315 : vector<16xf32>
        %add3A_319 = arith.addf %add3A_293, %mul3A_318 : vector<16xf32>
        %add3A_320 = arith.constant 14 : i32
        %add3A_321 = vector.broadcast %add3A_320 : i32 to vector<16xi32>
        %add3A_322 = arith.addi %get3A_137, %add3A_321 : vector<16xi32>
        %gather3A_323 = tpu.vector_load_idx %arg12[%add3A_131, %add3A_322] : memref<104x416xf32, #tpu.memory_space<vmem>>[vector<16xi32>, vector<16xi32>], vector<16xf32>,
        %add3A_324 = arith.constant 14 : i32
        %add3A_325 = vector.broadcast %add3A_324 : i32 to vector<16xi32>
        %add3A_326 = arith.addi %get3A_152, %add3A_325 : vector<16xi32>
        %gather3A_327 = tpu.vector_load_idx %arg12[%add3A_146, %add3A_326] : memref<104x416xf32, #tpu.memory_space<vmem>>[vector<16xi32>, vector<16xi32>], vector<16xf32>,
        %add3A_328 = arith.constant 14 : i32
        %add3A_329 = vector.broadcast %add3A_328 : i32 to vector<16xi32>
        %add3A_330 = arith.addi %get3A_137, %add3A_329 : vector<16xi32>
        %add3A_331 = arith.constant 1 : i32
        %add3A_332 = vector.broadcast %add3A_331 : i32 to vector<16xi32>
        %add3A_333 = arith.addi %add3A_330, %add3A_332 : vector<16xi32>
        %gather3A_334 = tpu.vector_load_idx %arg12[%add3A_131, %add3A_333] : memref<104x416xf32, #tpu.memory_space<vmem>>[vector<16xi32>, vector<16xi32>], vector<16xf32>,
        %add3A_335 = arith.constant 14 : i32
        %add3A_336 = vector.broadcast %add3A_335 : i32 to vector<16xi32>
        %add3A_337 = arith.addi %get3A_152, %add3A_336 : vector<16xi32>
        %add3A_338 = arith.constant 1 : i32
        %add3A_339 = vector.broadcast %add3A_338 : i32 to vector<16xi32>
        %add3A_340 = arith.addi %add3A_337, %add3A_339 : vector<16xi32>
        %gather3A_341 = tpu.vector_load_idx %arg12[%add3A_146, %add3A_340] : memref<104x416xf32, #tpu.memory_space<vmem>>[vector<16xi32>, vector<16xi32>], vector<16xf32>,
        %mul3A_342 = arith.mulf %gather3A_323, %gather3A_327 : vector<16xf32>
        %add3A_343 = arith.addf %add3A_317, %mul3A_342 : vector<16xf32>
        %mul3A_344 = arith.mulf %gather3A_334, %gather3A_341 : vector<16xf32>
        %add3A_345 = arith.addf %add3A_319, %mul3A_344 : vector<16xf32>
        %add3A_346 = arith.addf %add3A_343, %add3A_345 : vector<16xf32>
        %mul3A_347 = arith.constant 16 : i32
        %mul3A_348 = arith.muli %scan3A_125, %mul3A_347 : i32
        %add3A_349 = arith.constant 1008 : i32
        %add3A_350 = arith.addi %add3A_349, %mul3A_348 : i32
        %swap3A = arith.index_cast %add3A_350 : i32 to index
        %swap3A_351 = tpu.vector_load %arg13[%swap3A] {strides = array<i32>} : memref<1344xf32, #tpu.memory_space<vmem>>, vector<16xf32>,
        tpu.vector_store %arg13[%swap3A], %add3A_346 {strides = array<i32>} : memref<1344xf32, #tpu.memory_space<vmem>>, vector<16xf32>,
      }
      %scan3A_117 = arith.constant 21 : i32
      %mul3A_118 = arith.constant 128 : i32
      %mul3A_119 = arith.muli %add3A, %mul3A_118 : i32
      %mul3A_120 = arith.constant 4 : i32
      %mul3A_121 = arith.muli %add3A_93, %mul3A_120 : i32
      %add3A_122 = arith.addi %mul3A_119, %mul3A_121 : i32
      %mul3A_123 = arith.constant 336 : i32
      %mul3A_124 = arith.muli %add3A_122, %mul3A_123 : i32
      "tpu.region"() ({
        %run_scoped3A = tpu.sem_alloc : memref<!tpu.dma_semaphore, #tpu.memory_space<semaphore_mem>>
        %dma_start3A_125 = tpu.memref_slice %arg6[%mul3A_124] : memref<1376256xf32, #tpu.memory_space<hbm>> -> memref<1344xf32, #tpu.memory_space<hbm>>
        %dma_start3A_126 = tpu.memref_slice %arg6[%mul3A_124] : memref<1376256xf32, #tpu.memory_space<hbm>> -> memref<1344xf32, #tpu.memory_space<hbm>>
        tpu.enqueue_dma source(%arg13 : memref<1344xf32, #tpu.memory_space<vmem>>) target(%dma_start3A_126 : memref<1344xf32, #tpu.memory_space<hbm>>) target_semaphore(%run_scoped3A : memref<!tpu.dma_semaphore, #tpu.memory_space<semaphore_mem>>)
        %dma_wait3A_127 = tpu.memref_slice %arg6[%mul3A_124] : memref<1376256xf32, #tpu.memory_space<hbm>> -> memref<1344xf32, #tpu.memory_space<hbm>>
        %dma_wait3A_128 = tpu.memref_slice %arg6[%mul3A_124] : memref<1376256xf32, #tpu.memory_space<hbm>> -> memref<1344xf32, #tpu.memory_space<hbm>>
        tpu.wait_dma2 semaphore(%run_scoped3A : memref<!tpu.dma_semaphore, #tpu.memory_space<semaphore_mem>>) src(%arg13 : memref<1344xf32, #tpu.memory_space<vmem>>) dst(%dma_wait3A_128 : memref<1344xf32, #tpu.memory_space<hbm>>)
        tpu.yield
      }) : () -> ()
    }
    %scan3A_11 = arith.constant 16 : i32
    %dma_wait3A = arith.constant 0 : i32
    %dma_wait3A_12 = tpu.memref_slice %arg8[%dma_wait3A] : memref<3328xi32, #tpu.memory_space<vmem>> -> memref<104xi32, #tpu.memory_space<vmem>>
    %dma_wait3A_13 = arith.constant 0 : i32
    %dma_wait3A_14 = arith.constant 0 : i32
    %dma_wait3A_15 = tpu.memref_slice %arg5[%dma_wait3A_13, %dma_wait3A_14] : memref<26000x416xf32, #tpu.memory_space<hbm>> -> memref<26000x416xf32, #tpu.memory_space<hbm>>
    tpu.wait_indirect_dma semaphore(%arg15 : memref<!tpu.dma_semaphore, #tpu.memory_space<semaphore_mem>>) src(%dma_wait3A_15 : memref<26000x416xf32, #tpu.memory_space<hbm>>) dst(%arg11 : memref<104x416xf32, #tpu.memory_space<vmem>>)
    %iota3A = tpu.iota {dimensions = array<i32: 0>} : vector<16xi32>
    %mul3A_16 = arith.constant 26 : i32
    %mul3A_17 = vector.broadcast %mul3A_16 : i32 to vector<16xi32>
    %mul3A_18 = arith.muli %iota3A, %mul3A_17 : vector<16xi32>
    %scan3A_19 = arith.constant 0 : i32
    %scan3A_20 = arith.constant 0 : i32
    %scan3A_21 = arith.constant 8 : i32
    %scan3A_22 = arith.addi %scan3A_20, %scan3A_21 : i32
    %scan3A_23 = arith.constant 1 : i32
    scf.for %scan3A_27 = %scan3A_20 to %scan3A_22 step %scan3A_23  : i32 {
      %broadcast_in_dim3A = arith.constant 0.000000e+00 : f32
      %broadcast_in_dim3A_28 = vector.broadcast %broadcast_in_dim3A : f32 to vector<16xf32>
      %mul3A_29 = arith.constant 416 : i32
      %mul3A_30 = arith.muli %scan3A_27, %mul3A_29 : i32
      %add3A_31 = arith.constant 0 : i32
      %add3A_32 = arith.addi %mul3A_30, %add3A_31 : i32
      %add3A_33 = vector.broadcast %add3A_32 : i32 to vector<16xi32>
      %add3A_34 = arith.addi %mul3A_18, %add3A_33 : vector<16xi32>
      %gather3A = tpu.vector_load_idx %arg8[%add3A_34] : memref<3328xi32, #tpu.memory_space<vmem>>[vector<16xi32>], vector<16xi32>,
      %gather3A_35 = tpu.vector_load_idx %arg10[%gather3A] : memref<26000xf32, #tpu.memory_space<vmem>>[vector<16xi32>], vector<16xf32>,
      %add3A_36 = arith.addf %broadcast_in_dim3A_28, %gather3A_35 : vector<16xf32>
      %mul3A_37 = arith.constant 416 : i32
      %mul3A_38 = arith.muli %scan3A_27, %mul3A_37 : i32
      %add3A_39 = arith.constant 1 : i32
      %add3A_40 = arith.addi %mul3A_38, %add3A_39 : i32
      %add3A_41 = vector.broadcast %add3A_40 : i32 to vector<16xi32>
      %add3A_42 = arith.addi %mul3A_18, %add3A_41 : vector<16xi32>
      %gather3A_43 = tpu.vector_load_idx %arg8[%add3A_42] : memref<3328xi32, #tpu.memory_space<vmem>>[vector<16xi32>], vector<16xi32>,
      %gather3A_44 = tpu.vector_load_idx %arg10[%gather3A_43] : memref<26000xf32, #tpu.memory_space<vmem>>[vector<16xi32>], vector<16xf32>,
      %add3A_45 = arith.addf %add3A_36, %gather3A_44 : vector<16xf32>
      %mul3A_46 = arith.constant 416 : i32
      %mul3A_47 = arith.muli %scan3A_27, %mul3A_46 : i32
      %add3A_48 = arith.constant 2 : i32
      %add3A_49 = arith.addi %mul3A_47, %add3A_48 : i32
      %add3A_50 = vector.broadcast %add3A_49 : i32 to vector<16xi32>
      %add3A_51 = arith.addi %mul3A_18, %add3A_50 : vector<16xi32>
      %gather3A_52 = tpu.vector_load_idx %arg8[%add3A_51] : memref<3328xi32, #tpu.memory_space<vmem>>[vector<16xi32>], vector<16xi32>,
      %gather3A_53 = tpu.vector_load_idx %arg10[%gather3A_52] : memref<26000xf32, #tpu.memory_space<vmem>>[vector<16xi32>], vector<16xf32>,
      %add3A_54 = arith.addf %add3A_45, %gather3A_53 : vector<16xf32>
      %mul3A_55 = arith.constant 416 : i32
      %mul3A_56 = arith.muli %scan3A_27, %mul3A_55 : i32
      %add3A_57 = arith.constant 3 : i32
      %add3A_58 = arith.addi %mul3A_56, %add3A_57 : i32
      %add3A_59 = vector.broadcast %add3A_58 : i32 to vector<16xi32>
      %add3A_60 = arith.addi %mul3A_18, %add3A_59 : vector<16xi32>
      %gather3A_61 = tpu.vector_load_idx %arg8[%add3A_60] : memref<3328xi32, #tpu.memory_space<vmem>>[vector<16xi32>], vector<16xi32>,
      %gather3A_62 = tpu.vector_load_idx %arg10[%gather3A_61] : memref<26000xf32, #tpu.memory_space<vmem>>[vector<16xi32>], vector<16xf32>,
      %add3A_63 = arith.addf %add3A_54, %gather3A_62 : vector<16xf32>
      %mul3A_64 = arith.constant 416 : i32
      %mul3A_65 = arith.muli %scan3A_27, %mul3A_64 : i32
      %add3A_66 = arith.constant 4 : i32
      %add3A_67 = arith.addi %mul3A_65, %add3A_66 : i32
      %add3A_68 = vector.broadcast %add3A_67 : i32 to vector<16xi32>
      %add3A_69 = arith.addi %mul3A_18, %add3A_68 : vector<16xi32>
      %gather3A_70 = tpu.vector_load_idx %arg8[%add3A_69] : memref<3328xi32, #tpu.memory_space<vmem>>[vector<16xi32>], vector<16xi32>,
      %gather3A_71 = tpu.vector_load_idx %arg10[%gather3A_70] : memref<26000xf32, #tpu.memory_space<vmem>>[vector<16xi32>], vector<16xf32>,
      %add3A_72 = arith.addf %add3A_63, %gather3A_71 : vector<16xf32>
      %mul3A_73 = arith.constant 416 : i32
      %mul3A_74 = arith.muli %scan3A_27, %mul3A_73 : i32
      %add3A_75 = arith.constant 5 : i32
      %add3A_76 = arith.addi %mul3A_74, %add3A_75 : i32
      %add3A_77 = vector.broadcast %add3A_76 : i32 to vector<16xi32>
      %add3A_78 = arith.addi %mul3A_18, %add3A_77 : vector<16xi32>
      %gather3A_79 = tpu.vector_load_idx %arg8[%add3A_78] : memref<3328xi32, #tpu.memory_space<vmem>>[vector<16xi32>], vector<16xi32>,
      %gather3A_80 = tpu.vector_load_idx %arg10[%gather3A_79] : memref<26000xf32, #tpu.memory_space<vmem>>[vector<16xi32>], vector<16xf32>,
      %add3A_81 = arith.addf %add3A_72, %gather3A_80 : vector<16xf32>
      %mul3A_82 = arith.constant 416 : i32
      %mul3A_83 = arith.muli %scan3A_27, %mul3A_82 : i32
      %add3A_84 = arith.constant 6 : i32
      %add3A_85 = arith.addi %mul3A_83, %add3A_84 : i32
      %add3A_86 = vector.broadcast %add3A_85 : i32 to vector<16xi32>
      %add3A_87 = arith.addi %mul3A_18, %add3A_86 : vector<16xi32>
      %gather3A_88 = tpu.vector_load_idx %arg8[%add3A_87] : memref<3328xi32, #tpu.memory_space<vmem>>[vector<16xi32>], vector<16xi32>,
      %gather3A_89 = tpu.vector_load_idx %arg10[%gather3A_88] : memref<26000xf32, #tpu.memory_space<vmem>>[vector<16xi32>], vector<16xf32>,
      %add3A_90 = arith.addf %add3A_81, %gather3A_89 : vector<16xf32>
      %mul3A_91 = arith.constant 416 : i32
      %mul3A_92 = arith.muli %scan3A_27, %mul3A_91 : i32
      %add3A_93 = arith.constant 7 : i32
      %add3A_94 = arith.addi %mul3A_92, %add3A_93 : i32
      %add3A_95 = vector.broadcast %add3A_94 : i32 to vector<16xi32>
      %add3A_96 = arith.addi %mul3A_18, %add3A_95 : vector<16xi32>
      %gather3A_97 = tpu.vector_load_idx %arg8[%add3A_96] : memref<3328xi32, #tpu.memory_space<vmem>>[vector<16xi32>], vector<16xi32>,
      %gather3A_98 = tpu.vector_load_idx %arg10[%gather3A_97] : memref<26000xf32, #tpu.memory_space<vmem>>[vector<16xi32>], vector<16xf32>,
      %add3A_99 = arith.addf %add3A_90, %gather3A_98 : vector<16xf32>
      %mul3A_100 = arith.constant 416 : i32
      %mul3A_101 = arith.muli %scan3A_27, %mul3A_100 : i32
      %add3A_102 = arith.constant 8 : i32
      %add3A_103 = arith.addi %mul3A_101, %add3A_102 : i32
      %add3A_104 = vector.broadcast %add3A_103 : i32 to vector<16xi32>
      %add3A_105 = arith.addi %mul3A_18, %add3A_104 : vector<16xi32>
      %gather3A_106 = tpu.vector_load_idx %arg8[%add3A_105] : memref<3328xi32, #tpu.memory_space<vmem>>[vector<16xi32>], vector<16xi32>,
      %gather3A_107 = tpu.vector_load_idx %arg10[%gather3A_106] : memref<26000xf32, #tpu.memory_space<vmem>>[vector<16xi32>], vector<16xf32>,
      %add3A_108 = arith.addf %add3A_99, %gather3A_107 : vector<16xf32>
      %mul3A_109 = arith.constant 416 : i32
      %mul3A_110 = arith.muli %scan3A_27, %mul3A_109 : i32
      %add3A_111 = arith.constant 9 : i32
      %add3A_112 = arith.addi %mul3A_110, %add3A_111 : i32
      %add3A_113 = vector.broadcast %add3A_112 : i32 to vector<16xi32>
      %add3A_114 = arith.addi %mul3A_18, %add3A_113 : vector<16xi32>
      %gather3A_115 = tpu.vector_load_idx %arg8[%add3A_114] : memref<3328xi32, #tpu.memory_space<vmem>>[vector<16xi32>], vector<16xi32>,
      %gather3A_116 = tpu.vector_load_idx %arg10[%gather3A_115] : memref<26000xf32, #tpu.memory_space<vmem>>[vector<16xi32>], vector<16xf32>,
      %add3A_117 = arith.addf %add3A_108, %gather3A_116 : vector<16xf32>
      %mul3A_118 = arith.constant 416 : i32
      %mul3A_119 = arith.muli %scan3A_27, %mul3A_118 : i32
      %add3A_120 = arith.constant 10 : i32
      %add3A_121 = arith.addi %mul3A_119, %add3A_120 : i32
      %add3A_122 = vector.broadcast %add3A_121 : i32 to vector<16xi32>
      %add3A_123 = arith.addi %mul3A_18, %add3A_122 : vector<16xi32>
      %gather3A_124 = tpu.vector_load_idx %arg8[%add3A_123] : memref<3328xi32, #tpu.memory_space<vmem>>[vector<16xi32>], vector<16xi32>,
      %gather3A_125 = tpu.vector_load_idx %arg10[%gather3A_124] : memref<26000xf32, #tpu.memory_space<vmem>>[vector<16xi32>], vector<16xf32>,
      %add3A_126 = arith.addf %add3A_117, %gather3A_125 : vector<16xf32>
      %mul3A_127 = arith.constant 416 : i32
      %mul3A_128 = arith.muli %scan3A_27, %mul3A_127 : i32
      %add3A_129 = arith.constant 11 : i32
      %add3A_130 = arith.addi %mul3A_128, %add3A_129 : i32
      %add3A_131 = vector.broadcast %add3A_130 : i32 to vector<16xi32>
      %add3A_132 = arith.addi %mul3A_18, %add3A_131 : vector<16xi32>
      %gather3A_133 = tpu.vector_load_idx %arg8[%add3A_132] : memref<3328xi32, #tpu.memory_space<vmem>>[vector<16xi32>], vector<16xi32>,
      %gather3A_134 = tpu.vector_load_idx %arg10[%gather3A_133] : memref<26000xf32, #tpu.memory_space<vmem>>[vector<16xi32>], vector<16xf32>,
      %add3A_135 = arith.addf %add3A_126, %gather3A_134 : vector<16xf32>
      %mul3A_136 = arith.constant 416 : i32
      %mul3A_137 = arith.muli %scan3A_27, %mul3A_136 : i32
      %add3A_138 = arith.constant 12 : i32
      %add3A_139 = arith.addi %mul3A_137, %add3A_138 : i32
      %add3A_140 = vector.broadcast %add3A_139 : i32 to vector<16xi32>
      %add3A_141 = arith.addi %mul3A_18, %add3A_140 : vector<16xi32>
      %gather3A_142 = tpu.vector_load_idx %arg8[%add3A_141] : memref<3328xi32, #tpu.memory_space<vmem>>[vector<16xi32>], vector<16xi32>,
      %gather3A_143 = tpu.vector_load_idx %arg10[%gather3A_142] : memref<26000xf32, #tpu.memory_space<vmem>>[vector<16xi32>], vector<16xf32>,
      %add3A_144 = arith.addf %add3A_135, %gather3A_143 : vector<16xf32>
      %mul3A_145 = arith.constant 416 : i32
      %mul3A_146 = arith.muli %scan3A_27, %mul3A_145 : i32
      %add3A_147 = arith.constant 13 : i32
      %add3A_148 = arith.addi %mul3A_146, %add3A_147 : i32
      %add3A_149 = vector.broadcast %add3A_148 : i32 to vector<16xi32>
      %add3A_150 = arith.addi %mul3A_18, %add3A_149 : vector<16xi32>
      %gather3A_151 = tpu.vector_load_idx %arg8[%add3A_150] : memref<3328xi32, #tpu.memory_space<vmem>>[vector<16xi32>], vector<16xi32>,
      %gather3A_152 = tpu.vector_load_idx %arg10[%gather3A_151] : memref<26000xf32, #tpu.memory_space<vmem>>[vector<16xi32>], vector<16xf32>,
      %add3A_153 = arith.addf %add3A_144, %gather3A_152 : vector<16xf32>
      %mul3A_154 = arith.constant 416 : i32
      %mul3A_155 = arith.muli %scan3A_27, %mul3A_154 : i32
      %add3A_156 = arith.constant 14 : i32
      %add3A_157 = arith.addi %mul3A_155, %add3A_156 : i32
      %add3A_158 = vector.broadcast %add3A_157 : i32 to vector<16xi32>
      %add3A_159 = arith.addi %mul3A_18, %add3A_158 : vector<16xi32>
      %gather3A_160 = tpu.vector_load_idx %arg8[%add3A_159] : memref<3328xi32, #tpu.memory_space<vmem>>[vector<16xi32>], vector<16xi32>,
      %gather3A_161 = tpu.vector_load_idx %arg10[%gather3A_160] : memref<26000xf32, #tpu.memory_space<vmem>>[vector<16xi32>], vector<16xf32>,
      %add3A_162 = arith.addf %add3A_153, %gather3A_161 : vector<16xf32>
      %mul3A_163 = arith.constant 416 : i32
      %mul3A_164 = arith.muli %scan3A_27, %mul3A_163 : i32
      %add3A_165 = arith.constant 15 : i32
      %add3A_166 = arith.addi %mul3A_164, %add3A_165 : i32
      %add3A_167 = vector.broadcast %add3A_166 : i32 to vector<16xi32>
      %add3A_168 = arith.addi %mul3A_18, %add3A_167 : vector<16xi32>
      %gather3A_169 = tpu.vector_load_idx %arg8[%add3A_168] : memref<3328xi32, #tpu.memory_space<vmem>>[vector<16xi32>], vector<16xi32>,
      %gather3A_170 = tpu.vector_load_idx %arg10[%gather3A_169] : memref<26000xf32, #tpu.memory_space<vmem>>[vector<16xi32>], vector<16xf32>,
      %add3A_171 = arith.addf %add3A_162, %gather3A_170 : vector<16xf32>
      %mul3A_172 = arith.constant 416 : i32
      %mul3A_173 = arith.muli %scan3A_27, %mul3A_172 : i32
      %add3A_174 = arith.constant 16 : i32
      %add3A_175 = arith.addi %mul3A_173, %add3A_174 : i32
      %add3A_176 = vector.broadcast %add3A_175 : i32 to vector<16xi32>
      %add3A_177 = arith.addi %mul3A_18, %add3A_176 : vector<16xi32>
      %gather3A_178 = tpu.vector_load_idx %arg8[%add3A_177] : memref<3328xi32, #tpu.memory_space<vmem>>[vector<16xi32>], vector<16xi32>,
      %gather3A_179 = tpu.vector_load_idx %arg10[%gather3A_178] : memref<26000xf32, #tpu.memory_space<vmem>>[vector<16xi32>], vector<16xf32>,
      %add3A_180 = arith.addf %add3A_171, %gather3A_179 : vector<16xf32>
      %mul3A_181 = arith.constant 416 : i32
      %mul3A_182 = arith.muli %scan3A_27, %mul3A_181 : i32
      %add3A_183 = arith.constant 17 : i32
      %add3A_184 = arith.addi %mul3A_182, %add3A_183 : i32
      %add3A_185 = vector.broadcast %add3A_184 : i32 to vector<16xi32>
      %add3A_186 = arith.addi %mul3A_18, %add3A_185 : vector<16xi32>
      %gather3A_187 = tpu.vector_load_idx %arg8[%add3A_186] : memref<3328xi32, #tpu.memory_space<vmem>>[vector<16xi32>], vector<16xi32>,
      %gather3A_188 = tpu.vector_load_idx %arg10[%gather3A_187] : memref<26000xf32, #tpu.memory_space<vmem>>[vector<16xi32>], vector<16xf32>,
      %add3A_189 = arith.addf %add3A_180, %gather3A_188 : vector<16xf32>
      %mul3A_190 = arith.constant 416 : i32
      %mul3A_191 = arith.muli %scan3A_27, %mul3A_190 : i32
      %add3A_192 = arith.constant 18 : i32
      %add3A_193 = arith.addi %mul3A_191, %add3A_192 : i32
      %add3A_194 = vector.broadcast %add3A_193 : i32 to vector<16xi32>
      %add3A_195 = arith.addi %mul3A_18, %add3A_194 : vector<16xi32>
      %gather3A_196 = tpu.vector_load_idx %arg8[%add3A_195] : memref<3328xi32, #tpu.memory_space<vmem>>[vector<16xi32>], vector<16xi32>,
      %gather3A_197 = tpu.vector_load_idx %arg10[%gather3A_196] : memref<26000xf32, #tpu.memory_space<vmem>>[vector<16xi32>], vector<16xf32>,
      %add3A_198 = arith.addf %add3A_189, %gather3A_197 : vector<16xf32>
      %mul3A_199 = arith.constant 416 : i32
      %mul3A_200 = arith.muli %scan3A_27, %mul3A_199 : i32
      %add3A_201 = arith.constant 19 : i32
      %add3A_202 = arith.addi %mul3A_200, %add3A_201 : i32
      %add3A_203 = vector.broadcast %add3A_202 : i32 to vector<16xi32>
      %add3A_204 = arith.addi %mul3A_18, %add3A_203 : vector<16xi32>
      %gather3A_205 = tpu.vector_load_idx %arg8[%add3A_204] : memref<3328xi32, #tpu.memory_space<vmem>>[vector<16xi32>], vector<16xi32>,
      %gather3A_206 = tpu.vector_load_idx %arg10[%gather3A_205] : memref<26000xf32, #tpu.memory_space<vmem>>[vector<16xi32>], vector<16xf32>,
      %add3A_207 = arith.addf %add3A_198, %gather3A_206 : vector<16xf32>
      %mul3A_208 = arith.constant 416 : i32
      %mul3A_209 = arith.muli %scan3A_27, %mul3A_208 : i32
      %add3A_210 = arith.constant 20 : i32
      %add3A_211 = arith.addi %mul3A_209, %add3A_210 : i32
      %add3A_212 = vector.broadcast %add3A_211 : i32 to vector<16xi32>
      %add3A_213 = arith.addi %mul3A_18, %add3A_212 : vector<16xi32>
      %gather3A_214 = tpu.vector_load_idx %arg8[%add3A_213] : memref<3328xi32, #tpu.memory_space<vmem>>[vector<16xi32>], vector<16xi32>,
      %gather3A_215 = tpu.vector_load_idx %arg10[%gather3A_214] : memref<26000xf32, #tpu.memory_space<vmem>>[vector<16xi32>], vector<16xf32>,
      %add3A_216 = arith.addf %add3A_207, %gather3A_215 : vector<16xf32>
      %mul3A_217 = arith.constant 416 : i32
      %mul3A_218 = arith.muli %scan3A_27, %mul3A_217 : i32
      %add3A_219 = arith.constant 21 : i32
      %add3A_220 = arith.addi %mul3A_218, %add3A_219 : i32
      %add3A_221 = vector.broadcast %add3A_220 : i32 to vector<16xi32>
      %add3A_222 = arith.addi %mul3A_18, %add3A_221 : vector<16xi32>
      %gather3A_223 = tpu.vector_load_idx %arg8[%add3A_222] : memref<3328xi32, #tpu.memory_space<vmem>>[vector<16xi32>], vector<16xi32>,
      %gather3A_224 = tpu.vector_load_idx %arg10[%gather3A_223] : memref<26000xf32, #tpu.memory_space<vmem>>[vector<16xi32>], vector<16xf32>,
      %add3A_225 = arith.addf %add3A_216, %gather3A_224 : vector<16xf32>
      %mul3A_226 = arith.constant 416 : i32
      %mul3A_227 = arith.muli %scan3A_27, %mul3A_226 : i32
      %add3A_228 = arith.constant 22 : i32
      %add3A_229 = arith.addi %mul3A_227, %add3A_228 : i32
      %add3A_230 = vector.broadcast %add3A_229 : i32 to vector<16xi32>
      %add3A_231 = arith.addi %mul3A_18, %add3A_230 : vector<16xi32>
      %gather3A_232 = tpu.vector_load_idx %arg8[%add3A_231] : memref<3328xi32, #tpu.memory_space<vmem>>[vector<16xi32>], vector<16xi32>,
      %gather3A_233 = tpu.vector_load_idx %arg10[%gather3A_232] : memref<26000xf32, #tpu.memory_space<vmem>>[vector<16xi32>], vector<16xf32>,
      %add3A_234 = arith.addf %add3A_225, %gather3A_233 : vector<16xf32>
      %mul3A_235 = arith.constant 416 : i32
      %mul3A_236 = arith.muli %scan3A_27, %mul3A_235 : i32
      %add3A_237 = arith.constant 23 : i32
      %add3A_238 = arith.addi %mul3A_236, %add3A_237 : i32
      %add3A_239 = vector.broadcast %add3A_238 : i32 to vector<16xi32>
      %add3A_240 = arith.addi %mul3A_18, %add3A_239 : vector<16xi32>
      %gather3A_241 = tpu.vector_load_idx %arg8[%add3A_240] : memref<3328xi32, #tpu.memory_space<vmem>>[vector<16xi32>], vector<16xi32>,
      %gather3A_242 = tpu.vector_load_idx %arg10[%gather3A_241] : memref<26000xf32, #tpu.memory_space<vmem>>[vector<16xi32>], vector<16xf32>,
      %add3A_243 = arith.addf %add3A_234, %gather3A_242 : vector<16xf32>
      %mul3A_244 = arith.constant 416 : i32
      %mul3A_245 = arith.muli %scan3A_27, %mul3A_244 : i32
      %add3A_246 = arith.constant 24 : i32
      %add3A_247 = arith.addi %mul3A_245, %add3A_246 : i32
      %add3A_248 = vector.broadcast %add3A_247 : i32 to vector<16xi32>
      %add3A_249 = arith.addi %mul3A_18, %add3A_248 : vector<16xi32>
      %gather3A_250 = tpu.vector_load_idx %arg8[%add3A_249] : memref<3328xi32, #tpu.memory_space<vmem>>[vector<16xi32>], vector<16xi32>,
      %gather3A_251 = tpu.vector_load_idx %arg10[%gather3A_250] : memref<26000xf32, #tpu.memory_space<vmem>>[vector<16xi32>], vector<16xf32>,
      %add3A_252 = arith.addf %add3A_243, %gather3A_251 : vector<16xf32>
      %mul3A_253 = arith.constant 416 : i32
      %mul3A_254 = arith.muli %scan3A_27, %mul3A_253 : i32
      %add3A_255 = arith.constant 25 : i32
      %add3A_256 = arith.addi %mul3A_254, %add3A_255 : i32
      %add3A_257 = vector.broadcast %add3A_256 : i32 to vector<16xi32>
      %add3A_258 = arith.addi %mul3A_18, %add3A_257 : vector<16xi32>
      %gather3A_259 = tpu.vector_load_idx %arg8[%add3A_258] : memref<3328xi32, #tpu.memory_space<vmem>>[vector<16xi32>], vector<16xi32>,
      %gather3A_260 = tpu.vector_load_idx %arg10[%gather3A_259] : memref<26000xf32, #tpu.memory_space<vmem>>[vector<16xi32>], vector<16xf32>,
      %add3A_261 = arith.addf %add3A_252, %gather3A_260 : vector<16xf32>
      %mul3A_262 = arith.constant 16 : i32
      %mul3A_263 = arith.muli %scan3A_27, %mul3A_262 : i32
      %swap3A = arith.index_cast %mul3A_263 : i32 to index
      %swap3A_264 = tpu.vector_load %arg14[%swap3A] {strides = array<i32>} : memref<128xf32, #tpu.memory_space<vmem>>, vector<16xf32>,
      tpu.vector_store %arg14[%swap3A], %add3A_261 {strides = array<i32>} : memref<128xf32, #tpu.memory_space<vmem>>, vector<16xf32>,
    }
    %scan3A_24 = arith.constant 8 : i32
    %mul3A_25 = arith.constant 128 : i32
    %mul3A_26 = arith.muli %add3A, %mul3A_25 : i32
    "tpu.region"() ({
      %run_scoped3A = tpu.sem_alloc : memref<!tpu.dma_semaphore, #tpu.memory_space<semaphore_mem>>
      %dma_start3A_27 = tpu.memref_slice %arg7[%mul3A_26] : memref<4096xf32, #tpu.memory_space<hbm>> -> memref<128xf32, #tpu.memory_space<hbm>>
      %dma_start3A_28 = tpu.memref_slice %arg7[%mul3A_26] : memref<4096xf32, #tpu.memory_space<hbm>> -> memref<128xf32, #tpu.memory_space<hbm>>
      tpu.enqueue_dma source(%arg14 : memref<128xf32, #tpu.memory_space<vmem>>) target(%dma_start3A_28 : memref<128xf32, #tpu.memory_space<hbm>>) target_semaphore(%run_scoped3A : memref<!tpu.dma_semaphore, #tpu.memory_space<semaphore_mem>>)
      %dma_wait3A_29 = tpu.memref_slice %arg7[%mul3A_26] : memref<4096xf32, #tpu.memory_space<hbm>> -> memref<128xf32, #tpu.memory_space<hbm>>
      %dma_wait3A_30 = tpu.memref_slice %arg7[%mul3A_26] : memref<4096xf32, #tpu.memory_space<hbm>> -> memref<128xf32, #tpu.memory_space<hbm>>
      tpu.wait_dma2 semaphore(%run_scoped3A : memref<!tpu.dma_semaphore, #tpu.memory_space<semaphore_mem>>) src(%arg14 : memref<128xf32, #tpu.memory_space<vmem>>) dst(%dma_wait3A_30 : memref<128xf32, #tpu.memory_space<hbm>>)
      tpu.yield
    }) : () -> ()
    return
  }
}

module attributes {stable_mosaic.version = 14 : i64} {
  func.func @_mlp_body(%arg0: i32, %arg1: memref<512x336xf32, #tpu.memory_space<vmem>>, %arg2: memref<336x128xf32, #tpu.memory_space<vmem>>, %arg3: memref<1x128xf32, #tpu.memory_space<vmem>>, %arg4: memref<128x64xf32, #tpu.memory_space<vmem>>, %arg5: memref<1x64xf32, #tpu.memory_space<vmem>>, %arg6: memref<64x1xf32, #tpu.memory_space<vmem>>, %arg7: memref<1x1xf32, #tpu.memory_space<vmem>>, %arg8: memref<512x1xf32, #tpu.memory_space<vmem>>, %arg9: memref<1x1xf32, #tpu.memory_space<vmem>>, %arg10: memref<512x1xf32, #tpu.memory_space<vmem>>) attributes {dimension_semantics = [#tpu.dimension_semantics<arbitrary>], iteration_bounds = array<i64: 8>, scalar_prefetch = 0 : i64, scratch_operands = 0 : i64, tpu.core_type = #tpu.core_type<tc>, window_params = [{transform_indices = @transform_0, window_bounds = array<i64: 512, 336>}, {pipeline_mode = #tpu.pipeline_mode<synchronous>, transform_indices = @transform_1, window_bounds = array<i64: 336, 128>}, {pipeline_mode = #tpu.pipeline_mode<synchronous>, transform_indices = @transform_2, window_bounds = array<i64: 1, 128>}, {pipeline_mode = #tpu.pipeline_mode<synchronous>, transform_indices = @transform_3, window_bounds = array<i64: 128, 64>}, {pipeline_mode = #tpu.pipeline_mode<synchronous>, transform_indices = @transform_4, window_bounds = array<i64: 1, 64>}, {pipeline_mode = #tpu.pipeline_mode<synchronous>, transform_indices = @transform_5, window_bounds = array<i64: 64, 1>}, {pipeline_mode = #tpu.pipeline_mode<synchronous>, transform_indices = @transform_6, window_bounds = array<i64: 1, 1>}, {transform_indices = @transform_7, window_bounds = array<i64: 512, 1>}, {pipeline_mode = #tpu.pipeline_mode<synchronous>, transform_indices = @transform_8, window_bounds = array<i64: 1, 1>}, {transform_indices = @transform_9, window_bounds = array<i64: 512, 1>}]} {
    %get3A = arith.constant 0 : index
    %get3A_0 = arith.constant 0 : index
    %get3A_1 = vector.load %arg1[%get3A, %get3A_0] : memref<512x336xf32, #tpu.memory_space<vmem>>, vector<512x336xf32>
    %get3A_2 = arith.constant 0 : index
    %get3A_3 = arith.constant 0 : index
    %get3A_4 = vector.load %arg2[%get3A_2, %get3A_3] : memref<336x128xf32, #tpu.memory_space<vmem>>, vector<336x128xf32>
    %dot_general3A = arith.constant dense<0.000000e+00> : vector<512x128xf32>
    %dot_general3A_5 = tpu.matmul %get3A_1, %get3A_4, %dot_general3A {dimension_numbers = #tpu.dot_dimension_numbers<[1], [0], [0], [1], [0, 0, 1, 1], [], []>, transpose_lhs_hint = false} : vector<512x336xf32>, vector<336x128xf32>, vector<512x128xf32> -> vector<512x128xf32>
    %get3A_6 = arith.constant 0 : index
    %get3A_7 = arith.constant 0 : index
    %get3A_8 = vector.load %arg3[%get3A_6, %get3A_7] : memref<1x128xf32, #tpu.memory_space<vmem>>, vector<1x128xf32>
    %add3A = vector.broadcast %get3A_8 : vector<1x128xf32> to vector<512x128xf32>
    %add3A_9 = arith.addf %dot_general3A_5, %add3A : vector<512x128xf32>
    %max3A = arith.constant 0.000000e+00 : f32
    %max3A_10 = vector.broadcast %max3A : f32 to vector<512x128xf32>
    %max3A_11 = arith.maximumf %add3A_9, %max3A_10 : vector<512x128xf32>
    %get3A_12 = arith.constant 0 : index
    %get3A_13 = arith.constant 0 : index
    %get3A_14 = vector.load %arg4[%get3A_12, %get3A_13] : memref<128x64xf32, #tpu.memory_space<vmem>>, vector<128x64xf32>
    %dot_general3A_15 = arith.constant dense<0.000000e+00> : vector<512x64xf32>
    %dot_general3A_16 = tpu.matmul %max3A_11, %get3A_14, %dot_general3A_15 {dimension_numbers = #tpu.dot_dimension_numbers<[1], [0], [0], [1], [0, 0, 1, 1], [], []>, transpose_lhs_hint = false} : vector<512x128xf32>, vector<128x64xf32>, vector<512x64xf32> -> vector<512x64xf32>
    %get3A_17 = arith.constant 0 : index
    %get3A_18 = arith.constant 0 : index
    %get3A_19 = vector.load %arg5[%get3A_17, %get3A_18] : memref<1x64xf32, #tpu.memory_space<vmem>>, vector<1x64xf32>
    %add3A_20 = vector.broadcast %get3A_19 : vector<1x64xf32> to vector<512x64xf32>
    %add3A_21 = arith.addf %dot_general3A_16, %add3A_20 : vector<512x64xf32>
    %max3A_22 = arith.constant 0.000000e+00 : f32
    %max3A_23 = vector.broadcast %max3A_22 : f32 to vector<512x64xf32>
    %max3A_24 = arith.maximumf %add3A_21, %max3A_23 : vector<512x64xf32>
    %get3A_25 = arith.constant 0 : index
    %get3A_26 = arith.constant 0 : index
    %get3A_27 = vector.load %arg6[%get3A_25, %get3A_26] : memref<64x1xf32, #tpu.memory_space<vmem>>, vector<64x1xf32>
    %dot_general3A_28 = arith.constant dense<0.000000e+00> : vector<512x1xf32>
    %dot_general3A_29 = tpu.matmul %max3A_24, %get3A_27, %dot_general3A_28 {dimension_numbers = #tpu.dot_dimension_numbers<[1], [0], [0], [1], [0, 0, 1, 1], [], []>, transpose_lhs_hint = false} : vector<512x64xf32>, vector<64x1xf32>, vector<512x1xf32> -> vector<512x1xf32>
    %get3A_30 = arith.constant 0 : index
    %get3A_31 = arith.constant 0 : index
    %get3A_32 = vector.load %arg7[%get3A_30, %get3A_31] : memref<1x1xf32, #tpu.memory_space<vmem>>, vector<1x1xf32>
    %add3A_33 = vector.broadcast %get3A_32 : vector<1x1xf32> to vector<512x1xf32>
    %add3A_34 = arith.addf %dot_general3A_29, %add3A_33 : vector<512x1xf32>
    %get3A_35 = arith.constant 0 : index
    %get3A_36 = arith.constant 0 : index
    %get3A_37 = vector.load %arg9[%get3A_35, %get3A_36] : memref<1x1xf32, #tpu.memory_space<vmem>>, vector<1x1xf32>
    %add3A_38 = vector.broadcast %get3A_37 : vector<1x1xf32> to vector<512x1xf32>
    %add3A_39 = arith.addf %add3A_34, %add3A_38 : vector<512x1xf32>
    %get3A_40 = arith.constant 0 : index
    %get3A_41 = arith.constant 0 : index
    %get3A_42 = vector.load %arg8[%get3A_40, %get3A_41] : memref<512x1xf32, #tpu.memory_space<vmem>>, vector<512x1xf32>
    %add3A_43 = arith.addf %add3A_39, %get3A_42 : vector<512x1xf32>
    %swap3A = arith.constant 0 : index
    %swap3A_44 = arith.constant 0 : index
    %swap3A_45 = vector.load %arg10[%swap3A, %swap3A_44] : memref<512x1xf32, #tpu.memory_space<vmem>>, vector<512x1xf32>
    tpu.vector_store %arg10[%swap3A, %swap3A_44], %add3A_43 {strides = array<i32>} : memref<512x1xf32, #tpu.memory_space<vmem>>, vector<512x1xf32>,
    return
  }
  func.func @transform_0(%arg0: i32) -> (i32, i32) {
    %c0_i32 = arith.constant 0 : i32
    %c0_i32_0 = arith.constant 0 : i32
    return %arg0, %c0_i32 : i32, i32
  }
  func.func @transform_1(%arg0: i32) -> (i32, i32) {
    %c0_i32 = arith.constant 0 : i32
    %c0_i32_0 = arith.constant 0 : i32
    %c0_i32_1 = arith.constant 0 : i32
    return %c0_i32, %c0_i32_0 : i32, i32
  }
  func.func @transform_2(%arg0: i32) -> (i32, i32) {
    %c0_i32 = arith.constant 0 : i32
    %c0_i32_0 = arith.constant 0 : i32
    %c0_i32_1 = arith.constant 0 : i32
    return %c0_i32, %c0_i32_0 : i32, i32
  }
  func.func @transform_3(%arg0: i32) -> (i32, i32) {
    %c0_i32 = arith.constant 0 : i32
    %c0_i32_0 = arith.constant 0 : i32
    %c0_i32_1 = arith.constant 0 : i32
    return %c0_i32, %c0_i32_0 : i32, i32
  }
  func.func @transform_4(%arg0: i32) -> (i32, i32) {
    %c0_i32 = arith.constant 0 : i32
    %c0_i32_0 = arith.constant 0 : i32
    %c0_i32_1 = arith.constant 0 : i32
    return %c0_i32, %c0_i32_0 : i32, i32
  }
  func.func @transform_5(%arg0: i32) -> (i32, i32) {
    %c0_i32 = arith.constant 0 : i32
    %c0_i32_0 = arith.constant 0 : i32
    %c0_i32_1 = arith.constant 0 : i32
    return %c0_i32, %c0_i32_0 : i32, i32
  }
  func.func @transform_6(%arg0: i32) -> (i32, i32) {
    %c0_i32 = arith.constant 0 : i32
    %c0_i32_0 = arith.constant 0 : i32
    %c0_i32_1 = arith.constant 0 : i32
    return %c0_i32, %c0_i32_0 : i32, i32
  }
  func.func @transform_7(%arg0: i32) -> (i32, i32) {
    %c0_i32 = arith.constant 0 : i32
    %c0_i32_0 = arith.constant 0 : i32
    return %arg0, %c0_i32 : i32, i32
  }
  func.func @transform_8(%arg0: i32) -> (i32, i32) {
    %c0_i32 = arith.constant 0 : i32
    %c0_i32_0 = arith.constant 0 : i32
    %c0_i32_1 = arith.constant 0 : i32
    return %c0_i32, %c0_i32_0 : i32, i32
  }
  func.func @transform_9(%arg0: i32) -> (i32, i32) {
    %c0_i32 = arith.constant 0 : i32
    %c0_i32_0 = arith.constant 0 : i32
    return %arg0, %c0_i32 : i32, i32
  }
}

</mosaic_0001>

<sc_bundles>
// kernel: kernel.4.cloned.1.call-start
scs
__scs_entry_jumppad:
0x0: {  	(pc) =	sbr.rel $0x88, $3  }
0x1: {  	(tag) =	ssettag $0x0;
	lr =	simm.s32 $0x1  }
0x2: {  	[smem:$0x3F96] =	sst lr;
	_ =	strace $0xD0000000  }
0x3: {  	_ = 	snop  }
0x4: {  	_ = 	snop  }
0x5: {  	_ = 	snop  }
0x6: {  	_ = 	snop  }
0x7: {  	_ = 	snop  }
__scs_overlays_trampoline_lowered:
0x8: {  	[smem:$0x3FA5] =	sst s0  }
0x9: {  	[smem:$0x3FA6] =	sst s1  }
0xa: {  	[smem:$0x3FA7] =	sst s2  }
0xb: {  	[smem:$0x3FA8] =	sst s3  }
0xc: {  	[smem:$0x3FA9] =	sst s4  }
0xd: {  	[smem:$0x3FAA] =	sst s5  }
0xe: {  	[smem:$0x3FAB] =	sst s6  }
0xf: {  	[smem:$0x3FAC] =	sst s7  }
0x10: {  	[smem:$0x3FAD] =	sst s8  }
0x11: {  	[smem:$0x3FAE] =	sst s9;
	s0 =	simm.s32 @!p0 $0x0  }
0x12: {  	s1 =	sld [smem:$0x3F94];
	s0 =	simm.s32 @p0 $0x1  }
0x13: {  	[smem:$0x3FAF] =	sst s0;
	s0 =	simm.s32 @!p1 $0x0  }
0x14: {  	s2 =	sld [smem:$0x3F93];
	s0 =	simm.s32 @p1 $0x1  }
0x15: {  	[smem:$0x3FB0] =	sst s0;
	s0 =	simm.s32 @!p2 $0x0  }
0x16: {  	s3 =	sld [smem:$0x3FDB];
	s0 =	simm.s32 @p2 $0x1  }
0x17: {  	s4 =	simm.s32 $0x1BF5;
	[smem:$0x3FB2] =	sst s0  }
0x18: {  	s0 =	sld [smem:$0x3F95];
	_ =	swait.ge [sflag:s4], $0x0  }
0x19: {  	s7 =	sld [smem:$0x3F96]  }
0x1a: {  	s8 =	sadd.s32 $0xFFFFE003, lr  }
0x1b: {  	s9 =	sadd.s32 $0xFFFFFEF7, lr;
	s5 =	simm.s32 $0xFFFFFFFF;
	p2 =	slt.u32 s8, $0xFFFFF086  }
0x1c: {  	p1 =	slt.u32 s9, $0xF7A;
	s5 =	simm.s32 @!p2 $0x0  }
0x1d: {  	s5 =	simm.s32 @p1 $0x1;
	p0 =	seq.s32 s7, s2  }
0x1e: {  	s7 =	smul.u32 @!p0 $0xF7A, s2;
	p2 =	seq.s32 @!p0 s5, $0x0  }
0x1f: {  	s9 =	smul.u32 $0xF7A, s1;
	s8 =	simm.s32 @!p0 $0x1BF5;
	p2 =	por !p2, p0  }
0x20: {  	[sflag:s8] =	ssyncset.s32 @!p0 $0xFFFFF086;
	s6 =	sadd.s32 @!p0 s3, s7;
	s7 =	simm.s32 @!p0 $0x108  }
0x21: {  	s3 =	sadd.s32 s3, s9;
	s6 =	sadd.s32 @!p0 $0x88, s6;
	s7 =	simm.s32 @p2 $0x1082  }
0x22: {  	[simem:s7], [sflag:s8] =	dma.local @!p0 [hbm:s6], $0xF7A  }
0x23: {  	s9 =	sor.u32 $0xD0000000, s2;
	s6 =	simm.s32 $0x108;
	_ =	swait.ge @!p0 [sflag:s8], $0x0  }
0x24: {  	s3 =	sadd.s32 $0x88, s3;
	s6 =	simm.s32 @!p1 $0x1082;
	[sflag:s4] =	ssyncset.s32 $0xFFFFF086  }
0x25: {  	[simem:s6], [sflag:s4] =	dma.local [hbm:s3], $0xF7A  }
0x26: {  	[smem:$0x3F96] =	sst s1;
	(tag) =	ssettag s2;
	_ =	strace s9  }
0x27: {  	s1 =	sld [smem:$0x3FA6]  }
0x28: {  	s2 =	sld [smem:$0x3FA7]  }
0x29: {  	s4 =	sld [smem:$0x3FA9]  }
0x2a: {  	p0 =	seq.s32 s5, $0x0;
	s5 =	sld [smem:$0x3FAA]  }
0x2b: {  	s6 =	sld [smem:$0x3FAB]  }
0x2c: {  	s7 =	sld [smem:$0x3FAC]  }
0x2d: {  	s3 =	simm.s32 $0x108;
	s8 =	sld [smem:$0x3FAD]  }
0x2e: {  	s3 =	simm.s32 @!p0 $0x1082;
	s9 =	sld [smem:$0x3FAE]  }
0x2f: {  	lr =	sadd.s32 s0, s3;
	s0 =	sld [smem:$0x3FA5]  }
0x30: {  	s3 =	sld [smem:$0x3FA8]  }
0x31: {  	[smem:$0x3FB1] =	sst s10  }
0x32: {  	s10 =	sld [smem:$0x3FAF];
	_ =	sdelay $0x3  }
0x33: {  	p0 =	seq.s32 s10, $0x1;
	s10 =	sld [smem:$0x3FB1];
	_ =	sdelay $0x3  }
0x34: {  	[smem:$0x3FB1] =	sst s10  }
0x35: {  	s10 =	sld [smem:$0x3FB0];
	_ =	sdelay $0x3  }
0x36: {  	p1 =	seq.s32 s10, $0x1;
	s10 =	sld [smem:$0x3FB1];
	_ =	sdelay $0x3  }
0x37: {  	[smem:$0x3FB1] =	sst s10  }
0x38: {  	s10 =	sld [smem:$0x3FB2]  }
0x39: {  	_ = 	snop;
	(pc) =	sbr.ind lr, $3  }
0x3a: {  	_ = 	snop  }
0x3b: {  	_ = 	snop  }
0x3c: {  	p2 =	seq.s32 s10, $0x1;
	s10 =	sld [smem:$0x3FB1]  }
0x3d: {  	_ =	shalt  }
0x3e: {  	_ =	shalt  }
0x3f: {  	_ =	shalt  }
0x40: {  	_ =	shalt  }
0x41: {  	_ =	shalt  }
0x42: {  	_ =	shalt  }
0x43: {  	_ =	shalt  }
0x44: {  	_ =	shalt  }
0x45: {  	_ =	shalt  }
0x46: {  	_ =	shalt  }
0x47: {  	_ =	shalt  }
0x48: {  	_ =	shalt  }
0x49: {  	_ =	shalt  }
0x4a: {  	_ =	shalt  }
0x4b: {  	_ =	shalt  }
0x4c: {  	_ =	shalt  }
0x4d: {  	_ =	shalt  }
0x4e: {  	_ =	shalt  }
0x4f: {  	_ =	shalt  }
0x50: {  	_ =	shalt  }
0x51: {  	_ =	shalt  }
0x52: {  	_ =	shalt  }
0x53: {  	_ =	shalt  }
0x54: {  	_ =	shalt  }
0x55: {  	_ =	shalt  }
0x56: {  	_ =	shalt  }
0x57: {  	_ =	shalt  }
0x58: {  	_ =	shalt  }
0x59: {  	_ =	shalt  }
0x5a: {  	_ =	shalt  }
0x5b: {  	_ =	shalt  }
0x5c: {  	_ =	shalt  }
0x5d: {  	_ =	shalt  }
0x5e: {  	_ =	shalt  }
0x5f: {  	_ =	shalt  }
0x60: {  	_ =	shalt  }
0x61: {  	_ =	shalt  }
0x62: {  	_ =	shalt  }
0x63: {  	_ =	shalt  }
0x64: {  	_ =	shalt  }
0x65: {  	_ =	shalt  }
0x66: {  	_ =	shalt  }
0x67: {  	_ =	shalt  }
0x68: {  	_ =	shalt  }
0x69: {  	_ =	shalt  }
0x6a: {  	_ =	shalt  }
0x6b: {  	_ =	shalt  }
0x6c: {  	_ =	shalt  }
0x6d: {  	_ =	shalt  }
0x6e: {  	_ =	shalt  }
0x6f: {  	_ =	shalt  }
0x70: {  	_ =	shalt  }
0x71: {  	_ =	shalt  }
0x72: {  	_ =	shalt  }
0x73: {  	_ =	shalt  }
0x74: {  	_ =	shalt  }
0x75: {  	_ =	shalt  }
0x76: {  	_ =	shalt  }
0x77: {  	_ =	shalt  }
0x78: {  	_ =	shalt  }
0x79: {  	_ =	shalt  }
0x7a: {  	_ =	shalt  }
0x7b: {  	_ =	shalt  }
0x7c: {  	_ =	shalt  }
0x7d: {  	_ =	shalt  }
0x7e: {  	_ =	shalt  }
0x7f: {  	_ =	shalt  }
0x80: {  	_ =	shalt  }
0x81: {  	_ =	shalt  }
0x82: {  	_ =	shalt  }
0x83: {  	_ =	shalt  }
0x84: {  	_ =	shalt  }
0x85: {  	_ =	shalt  }
0x86: {  	_ =	shalt  }
0x87: {  	_ =	shalt  }
.Lfunc_end0:
.L_simem_size_0:
called_computation.1_lowered:
.L_overlay_start_0:
0x88: {  	s2 =	sld [smem:$0x3FD9]  }
0x89: {  	s3 =	sld [smem:$0x3FFE];
	_ =	sdelay $0x1  }
0x8a: {  	s1 =	srdreg.scid  }
0x8b: {  	s0 =	sand.u32 $0x1, s1  }
0x8c: {  	s17 =	sshll.u32 s0, $0xA;
	s2 =	sadd.s32 s3, s2  }
0x8d: {  	s2 =	sadd.s32 s2, s17  }
0x8e: {  	[smem:$0x3FBD] =	sst s2  }
0x8f: {  	_ = 	snop  }
0x90: {  	s2 =	sld [smem:$0x3FD0];
	(tm) =	ssettm $0x1  }
0x91: {  	s18 =	sld [smem:$0x3FFB];
	_ =	sdelay $0x3  }
0x92: {  	_ =	strace s18  }
0x93: {  	s3 =	sld [smem:$0x3FFC];
	_ =	sdelay $0x3  }
0x94: {  	_ =	strace s3  }
0x95: {  	s3 =	sld [smem:$0x3FFD];
	_ =	sdelay $0x3  }
0x96: {  	_ =	strace s3  }
0x97: {  	_ =	strace $0x8FFFFFFF  }
0x98: {  	s19 =	sld [smem:$0x3FDB];
	_ =	sdelay $0x1  }
0x99: {  	s4 =	simm.s32 $_scs_section_size  }
0x9a: {  	s5 =	simm.s32 $_size__tile_overlayer_lowered;
	s6 =	simm.s32 $_tile_overlayer_lowered  }
0x9b: {  	s22 =	simm.s32 $0x1BFF;
	s21 =	sshll.u32 s6, $0x1;
	s3 =	sadd.s32 s4, s19  }
0x9c: {  	s7 =	simm.s32 $0x0;
	s20 =	sshll.u32 s5, $0x1;
	s5 =	sadd.s32 s21, s3  }
0x9d: {  	[timem:s7], [sflag:s22] =	dma.local [hbm:s5], s20  }
0x9e: {  	_ =	swait.ge [sflag:s22], s20  }
0x9f: {  	s4 =	ssub.s32 $0x0, s20;
	[sflag:s22] =	ssyncset.done $0x0  }
0xa0: {  	[sflag:s22] =	ssyncadd.s32 s4;
	_ =	sdelay $0x1  }
0xa1: {  	s23 =	simm.s32 $0x1B8B  }
0xa2: {  	_ =	swait.ge [sflag:s23], $0x1  }
0xa3: {  	[sflag:s23] =	ssyncset.done $0x0  }
0xa4: {  	s25 =	simm.s32 $0x1B8E;
	s24 =	sld [smem:$0x3FFE];
	[sflag:s23] =	ssyncadd.s32 $0xFFFFFFFF  }
0xa5: {  	s26 =	simm.s32 $execute0_lowered;
	[smem:$0x3FD2] =	sst s25  }
0xa6: {  	s5 =	sshll.u32 s26, $0x1;
	_ =	strace $0x80000049;
	[dreg:$0x1] =	wrdreg $0xFFFFFFFF  }
0xa7: {  	s28 =	simm.s32 $_size_execute0_lowered;
	s3 =	sadd.s32 s3, s5;
	[dreg:$0x0] =	wrdreg $0x0  }
0xa8: {  	s5 =	sshll.u32 s28, $0x1;
	[dreg:$0x2] =	wrdreg s3  }
0xa9: {  	[dreg:$0x3] =	wrdreg s5  }
0xaa: {  	[dreg:$0x4] =	wrdreg $0xC0  }
0xab: {  	_ =	task [dreg:s7], $0x5FFFF  }
0xac: {  	[dreg:$0x1] =	wrdreg $0xFFFFFFFF  }
0xad: {  	[dreg:$0x0] =	wrdreg $0x60  }
0xae: {  	[dreg:$0x2] =	wrdreg s24  }
0xaf: {  	[dreg:$0x3] =	wrdreg s2  }
0xb0: {  	[dreg:$0x4] =	wrdreg $0x9  }
0xb1: {  	_ =	task.clear_ibuf [dreg:s7], $0x5FFFF;
	_ =	strace $0x90000049  }
0xb2: {  	s29 =	simm.s32 $0x9;
	_ =	strace $0x8000004B  }
0xb3: {  	_ =	swait.ge [sflag:s29], $0x1  }
0xb4: {  	[sflag:s29] =	ssyncadd.s32 $0xFFFFFFFF  }
0xb5: {  	_ =	strace $0x9000004B  }
0xb6: {  	_ =	sfence  }
0xb7: {  	s30 =	sld [smem:$0x0];
	_ =	sdelay $0x2  }
0xb8: {  	s31 =	sshll.u32 s1, $0xD;
	s1 =	sshrl.u32 s1, $0x2  }
0xb9: {  	s3 =	sand.u32 $0x4000, s31;
	s1 =	sadd.s32 s1, s30  }
0xba: {  	s0 =	sor.u32 s3, s0;
	s1 =	sshll.u32 s1, $0x11  }
0xbb: {  	s0 =	sor.u32 s1, s0  }
0xbc: {  	s0 =	sadd.s32 $0x8F2B, s0  }
0xbd: {  	[sflag:s0] =	ssyncadd.remote.s32 $0x1  }
0xbe: {  	_ =	sfence.sel $0xFFFF  }
0xbf: {  	[dreg:$0x0] =	wrdreg $0xFFFFFFFF;
	(pc) =	sbr.abs _section_cstart, $3  }
0xc0: {  	[dreg:$0x1] =	wrdreg $0xFFFFFFFF  }
0xc1: {  	_ =	task.clear_ibuf [dreg:s7], $0x2FFFF;
	_ =	strace $0x9FFFFFFF  }
0xc2: {  	(tm) =	ssettm $0x7FFFFFFF  }
0xc3: {  	_ =	shalt  }
tec
execute0_lowered:
.L_overlay_start_1:
0x0: {  	(tag) =	ssettag $0x1  }
0x1: {  	s6 =	rddreg [dreg:$0x0]  }
0x2: {  	s1 =	srdreg.scid;
	s0 =	stileid.u32  }
0x3: {  	s9 =	rddreg [dreg:$0x1];
	s2 =	simm.s32 $0x0;
	s12 =	simm.s32 $0xD00  }
0x4: {  	s13 =	simm.s32 $0x1240;
	s14 =	simm.s32 $0x68;
	s15 =	simm.s32 $0x77D0  }
0x5: {  	s16 =	simm.s32 $0x120D0;
	s17 =	simm.s32 $0x1;
	s18 =	simm.s32 $0x1C9D0  }
0x6: {  	s19 =	simm.s32 $0x2;
	s20 =	simm.s32 $0x1CF10;
	s21 =	simm.s32 $0x0  }
0x7: {  	s4 =	sand.u32 $0x1, s1;
	s3 =	sshll.u32 s0, $0x1;
	s1 =	rddreg [dreg:$0x2]  }
0x8: {  	[smem:$0x7FF] =	sst s2;
	s5 =	sadd.s32 $0x19C200, s6;
	s8 =	sor.u32 s4, s3  }
0x9: {  	_ =	strace $0x8000004A;
	s10 =	ssub.s32 $0x2, s4;
	s4 =	sadd.s32 $0x19B400, s6  }
0xa: {  	s3 =	smul.u32 $0x1A0, s8;
	s11 =	sshrl.u32 s10, $0x1;
	s31 =	sshll.u32 s8, $0x4  }
0xb: {  	s8 =	sshll.u32 s8, $0x7;
	s10 =	ssub.s32 s10, s11;
	s9 =	sadd.s32 s9, s31  }
0xc: {  	s11 =	simm.s32 $0x3;
	s7 =	sadd.s32 s3, s6;
	s3 =	sadd.s32 $0x1C00, s6  }
0xd: {  	v0 =	vlaneseq.u32;
	s6 =	sadd.s32 $0x1E00, s6;
	s10 =	smax.u32 s10, $0x1;
	s7 =	sadd.s32 $0x198000, s7  }
.LBB2_1:
0xe: {  	[tilespmem:s2], [sflag:$0x3] =	stream.linear.gather [hbm4b:s7+s2], $0xD00, $0x38;
	[tilespmem:$0x1CF90] =	vst v63  }
0xf: {  	_ =	swait.ge [sflag:s11], $0xD00  }
0x10: {  	[sflag:s11] =	ssyncset.done $0x0  }
0x11: {  	[sflag:s11] =	ssyncadd.s32 $0xFFFFF300  }
0x12: {  	[tilespmem:s12], [sflag:$0x3] =	stream.linear.gather [hbm4b:s3+s2], $0x540, $0x38;
	[tilespmem:$0x1CF90] =	vst v63  }
0x13: {  	_ =	swait.ge [sflag:s11], $0x540  }
0x14: {  	[sflag:s11] =	ssyncset.done $0x0  }
0x15: {  	[sflag:s11] =	ssyncadd.s32 $0xFFFFFAC0  }
0x16: {  	[tilespmem:s13], [sflag:$0x3] =	stream.linear.gather [hbm4b:s4+s2], $0x6590, $0x38;
	[tilespmem:$0x1CF90] =	vst v63  }
0x17: {  	_ =	swait.ge [sflag:s11], $0x6590  }
0x18: {  	[sflag:s11] =	ssyncset.done $0x0  }
0x19: {  	s22 =	simm.s32 $0x0;
	[sflag:s11] =	ssyncadd.s32 $0xFFFF9A70  }
0x1a: {  	[tilespmem:s15], [sflag:$0x1] =	stream.indirect.gather [hbm4b:s5+s14], $0x1A0, s2, s14, $0xb8;
	[tilespmem:$0x1CF90] =	vst v63  }
.LBB2_2:
0x1b: {  	s23 =	sshllo.u32 s22, $0x1  }
0x1c: {  	s24 =	smul.u32 $0x1A0, s23;
	_ =	sdelay $0x1  }
0x1d: {  	s24 =	sshra.s32 s24, $0x2  }
0x1e: {  	[tilespmem:s16], [sflag:$0x2] =	stream.indirect.gather [hbm4b:s5+s14], $0x1A0, s24, s14, $0xb8;
	[tilespmem:$0x1CF90] =	vst v63  }
0x1f: {  	_ =	swait.ge [sflag:s17], $0xA900  }
0x20: {  	[sflag:s17] =	ssyncset.done $0x0  }
0x21: {  	s25 =	simm.s32 $0x0;
	[sflag:s17] =	ssyncadd.s32 $0xFFFF5700  }
0x22: {  	v2 =	vld [tilespmem:s25+$0xE50]  }
0x23: {  	v5 =	vld [tilespmem:s25+$0x10F0];
	_ =	sdelay $0x4  }
0x24: {  	v7 =	vadd.s32 $0xE, v2;
	v8 =	vadd.s32 $0xE, v5  }
0x25: {  	v9 =	vadd.s32 $0xF, v2;
	v12 =	vadd.s32 $0xC, v2;
	v14 =	vadd.s32 $0xC, v5  }
0x26: {  	v13 =	vadd.s32 $0xF, v5;
	v15 =	vadd.s32 $0xD, v2;
	v16 =	vadd.s32 $0xD, v5  }
0x27: {  	v3 =	vld [tilespmem:s25+$0xD00];
	v18 =	vadd.s32 $0xA, v2;
	v20 =	vadd.s32 $0xA, v5;
	v21 =	vadd.s32 $0xB, v2  }
0x28: {  	v11 =	vld [tilespmem:s25+$0xFA0];
	v22 =	vadd.s32 $0x9, v2;
	v4 =	vadd.s32 $0x9, v5;
	v1 =	vadd.s32 $0xB, v5  }
0x29: {  	v32 =	vadd.s32 $0x6, v2;
	v33 =	vadd.s32 $0x6, v5;
	v34 =	vadd.s32 $0x7, v2  }
0x2a: {  	v35 =	vand.u32 $0x7, v2;
	v36 =	vand.u32 $0x7, v5;
	v10 =	vadd.s32 $0x7, v5  }
0x2b: {  	v37 =	vadd.s32 $0x4, v2;
	v42 =	vadd.s32 $0x4, v5;
	v44 =	vadd.s32 $0x5, v2  }
0x2c: {  	v38 =	vand.u32 $0xFFFFFFF8, v2;
	v39 =	vand.u32 $0xFFFFFFF8, v5;
	v17 =	vadd.s32 $0x5, v5  }
0x2d: {  	v6 =	vmul.u32 $0x1A0, v3;
	v3 =	vmul.u32 $0x1A0, v11;
	v29 =	vadd.s32 $0x1, v2  }
0x2e: {  	v27 =	vadd.s32 $0x1, v5;
	v31 =	vadd.s32 $0x2, v2;
	v30 =	vadd.s32 $0x2, v5  }
0x2f: {  	v26 =	vadd.s32 $0x3, v2;
	v23 =	vadd.s32 $0x3, v5;
	v40 =	vand.u32 $0x7, v7  }
0x30: {  	v41 =	vand.u32 $0x7, v8;
	v5 =	vand.u32 $0x7, v9;
	v2 =	vand.u32 $0x7, v13  }
0x31: {  	v43 =	vand.u32 $0xFFFFFFF8, v7;
	v8 =	vand.u32 $0xFFFFFFF8, v8;
	v11 =	vand.u32 $0xFFFFFFF8, v9  }
0x32: {  	v45 =	vand.u32 $0x7, v12;
	v46 =	vand.u32 $0x7, v14;
	v9 =	vand.u32 $0xFFFFFFF8, v13  }
0x33: {  	v12 =	vand.u32 $0xFFFFFFF8, v12;
	v13 =	vand.u32 $0x7, v15;
	v7 =	vand.u32 $0x7, v16  }
0x34: {  	v47 =	vand.u32 $0xFFFFFFF8, v14;
	v15 =	vand.u32 $0xFFFFFFF8, v15;
	v14 =	vand.u32 $0xFFFFFFF8, v16  }
0x35: {  	v16 =	vand.u32 $0x7, v18;
	v48 =	vand.u32 $0x7, v20;
	v19 =	vand.u32 $0x7, v21  }
0x36: {  	v18 =	vand.u32 $0xFFFFFFF8, v18;
	v20 =	vand.u32 $0xFFFFFFF8, v20;
	v21 =	vand.u32 $0xFFFFFFF8, v21  }
0x37: {  	v49 =	vand.u32 $0x7, v32;
	v25 =	vand.u32 $0xFFFFFFF8, v22;
	v24 =	vand.u32 $0x7, v22  }
0x38: {  	v22 =	vand.u32 $0x7, v33;
	v28 =	vand.u32 $0x7, v34;
	v43 =	vadd.s32 v6, v43  }
0x39: {  	v50 =	vand.u32 $0xFFFFFFF8, v32;
	v8 =	vadd.s32 v3, v8;
	v40 =	vor.u32 v40, v43  }
0x3a: {  	v58 =	vand.u32 $0xFFFFFFF8, v33;
	v12 =	vadd.s32 v6, v12;
	v59 =	vor.u32 v41, v8  }
0x3b: {  	v32 =	vand.u32 $0xFFFFFFF8, v34;
	v45 =	vor.u32 v45, v12;
	v8 =	vadd.s32 v3, v47  }
0x3c: {  	v60 =	vand.u32 $0x7, v37;
	v12 =	vadd.s32 v6, v18;
	v18 =	vor.u32 v46, v8  }
0x3d: {  	v8 =	vadd.s32 v6, v38;
	v61 =	vor.u32 v16, v12;
	v12 =	vadd.s32 v3, v20  }
0x3e: {  	v16 =	vadd.s32 v3, v39;
	v34 =	vor.u32 v35, v8;
	v48 =	vor.u32 v48, v12;
	v8 =	vld.idx.msk [tilespmem:v40+s15+$0x0], $0xffff  }
0x3f: {  	v33 =	vand.u32 $0x7, v44;
	v35 =	vor.u32 v36, v16;
	v40 =	vadd.s32 $0x8, v34;
	v12 =	vld.idx.msk [tilespmem:v59+s15+$0x0], $0xffff  }
0x40: {  	v62 =	vand.u32 $0xFFFFFFF8, v37;
	v20 =	vadd.s32 v6, v50;
	v41 =	vadd.s32 $0x8, v35;
	v16 =	vld.idx.msk [tilespmem:v45+s15+$0x0], $0xffff  }
0x41: {  	v63 =	vand.u32 $0xFFFFFFF8, v42;
	v38 =	vor.u32 v49, v20;
	v20 =	vadd.s32 v3, v58;
	v18 =	vld.idx.msk [tilespmem:v18+s15+$0x0], $0xffff  }
0x42: {  	v39 =	vand.u32 $0x7, v42;
	v36 =	vadd.s32 v6, v62;
	v42 =	vor.u32 v22, v20;
	v20 =	vld.idx.msk [tilespmem:v61+s15+$0x0], $0xffff  }
0x43: {  	s26 =	simm.s32 $0x40;
	s24 =	sshll.u32 s22, $0x1;
	v43 =	vadd.s32 v3, v63;
	v37 =	vor.u32 v60, v36;
	v36 =	vand.u32 $0xFFFFFFF8, v44;
	v22 =	vld.idx.msk [tilespmem:v48+s15+$0x0], $0xffff  }
.LBB2_3:
0x44: {  	p0 =	sne.s32 s26, $0x500;
	v44 =	vand.u32 $0x7, v29;
	v45 =	vand.u32 $0x7, v27;
	v39 =	vor.u32 v39, v43;
	v40 =	vld.idx.msk [tilespmem:v40+s15+$0x0], $0xffff  }
0x45: {  	v43 =	vand.u32 $0xFFFFFFF8, v31;
	v31 =	vand.u32 $0x7, v31;
	v46 =	vand.u32 $0x7, v30;
	v41 =	vld.idx.msk [tilespmem:v41+s15+$0x0], $0xffff  }
0x46: {  	v30 =	vand.u32 $0xFFFFFFF8, v30;
	v47 =	vand.u32 $0x7, v26;
	v43 =	vadd.s32 v6, v43;
	v38 =	vld.idx.msk [tilespmem:v38+s15+$0x0], $0xffff  }
0x47: {  	v29 =	vand.u32 $0xFFFFFFF8, v29;
	v30 =	vadd.s32 v3, v30;
	v31 =	vor.u32 v31, v43;
	v42 =	vld.idx.msk [tilespmem:v42+s15+$0x0], $0xffff  }
0x48: {  	v27 =	vand.u32 $0xFFFFFFF8, v27;
	v29 =	vadd.s32 v6, v29;
	v30 =	vor.u32 v46, v30;
	v37 =	vld.idx.msk [tilespmem:v37+s15+$0x0], $0xffff  }
0x49: {  	v26 =	vand.u32 $0xFFFFFFF8, v26;
	v27 =	vadd.s32 v3, v27;
	v29 =	vor.u32 v44, v29;
	v39 =	vld.idx.msk [tilespmem:v39+s15+$0x0], $0xffff  }
0x4a: {  	v26 =	vadd.s32 v6, v26;
	v27 =	vor.u32 v45, v27;
	v43 =	vand.u32 $0xFFFFFFF8, v23;
	v35 =	vld.idx.msk [tilespmem:v35+s15+$0x0], $0xffff  }
0x4b: {  	v26 =	vor.u32 v47, v26;
	v23 =	vand.u32 $0x7, v23;
	v43 =	vadd.s32 v3, v43;
	v34 =	vld.idx.msk [tilespmem:v34+s15+$0x0], $0xffff  }
0x4c: {  	v36 =	vadd.s32 v6, v36;
	v23 =	vor.u32 v23, v43;
	v43 =	vand.u32 $0xFFFFFFF8, v17;
	v31 =	vld.idx.msk [tilespmem:v31+s15+$0x0], $0xffff  }
0x4d: {  	v33 =	vor.u32 v33, v36;
	v17 =	vand.u32 $0x7, v17;
	v36 =	vadd.s32 v3, v43;
	v30 =	vld.idx.msk [tilespmem:v30+s15+$0x0], $0xffff  }
0x4e: {  	v32 =	vadd.s32 v6, v32;
	v17 =	vor.u32 v17, v36;
	v36 =	vand.u32 $0xFFFFFFF8, v10;
	v29 =	vld.idx.msk [tilespmem:v29+s15+$0x0], $0xffff  }
0x4f: {  	v28 =	vor.u32 v28, v32;
	v10 =	vand.u32 $0x7, v10;
	v32 =	vadd.s32 v3, v36;
	v27 =	vld.idx.msk [tilespmem:v27+s15+$0x0], $0xffff  }
0x50: {  	v25 =	vadd.s32 v6, v25;
	v10 =	vor.u32 v10, v32;
	v32 =	vand.u32 $0xFFFFFFF8, v4;
	v26 =	vld.idx.msk [tilespmem:v26+s15+$0x0], $0xffff  }
0x51: {  	v24 =	vor.u32 v24, v25;
	v4 =	vand.u32 $0x7, v4;
	v25 =	vadd.s32 v3, v32;
	v23 =	vld.idx.msk [tilespmem:v23+s15+$0x0], $0xffff  }
0x52: {  	v21 =	vadd.s32 v6, v21;
	v4 =	vor.u32 v4, v25;
	v25 =	vand.u32 $0xFFFFFFF8, v1;
	v32 =	vld.idx.msk [tilespmem:v33+s15+$0x0], $0xffff  }
0x53: {  	v19 =	vor.u32 v19, v21;
	v1 =	vand.u32 $0x7, v1;
	v21 =	vadd.s32 v3, v25;
	v17 =	vld.idx.msk [tilespmem:v17+s15+$0x0], $0xffff  }
0x54: {  	v15 =	vadd.s32 v6, v15;
	v6 =	vadd.s32 v6, v11;
	v1 =	vor.u32 v1, v21;
	v25 =	vld.idx.msk [tilespmem:v28+s15+$0x0], $0xffff  }
0x55: {  	v11 =	vor.u32 v13, v15;
	v13 =	vadd.s32 v3, v14;
	v3 =	vadd.s32 v3, v9;
	v10 =	vld.idx.msk [tilespmem:v10+s15+$0x0], $0xffff  }
0x56: {  	v7 =	vor.u32 v7, v13;
	v9 =	vmul.f32 v35, v34;
	v14 =	vmul.f32 v30, v31;
	v15 =	vld.idx.msk [tilespmem:v24+s15+$0x0], $0xffff  }
0x57: {  	v5 =	vor.u32 v5, v6;
	v13 =	vmul.f32 v27, v29;
	v21 =	vmul.f32 v23, v26;
	v4 =	vld.idx.msk [tilespmem:v4+s15+$0x0], $0xffff  }
0x58: {  	v6 =	vmul.f32 v39, v37;
	v2 =	vor.u32 v2, v3;
	v19 =	vld.idx.msk [tilespmem:v19+s15+$0x0], $0xffff  }
0x59: {  	v3 =	vadd.f32 v14, v9;
	v9 =	vadd.f32 v21, v13;
	v13 =	vmul.f32 v17, v32;
	v1 =	vld.idx.msk [tilespmem:v1+s15+$0x0], $0xffff  }
0x5a: {  	v14 =	vmul.f32 v42, v38;
	v11 =	vld.idx.msk [tilespmem:v11+s15+$0x0], $0xffff  }
0x5b: {  	v3 =	vadd.f32 v6, v3;
	v6 =	vadd.f32 v13, v9;
	v9 =	vmul.f32 v10, v25;
	v7 =	vld.idx.msk [tilespmem:v7+s15+$0x0], $0xffff  }
0x5c: {  	v10 =	vmul.f32 v41, v40;
	v5 =	vld.idx.msk [tilespmem:v5+s15+$0x0], $0xffff  }
0x5d: {  	s28 =	sshra.s32 s26, $0x2;
	v3 =	vadd.f32 v14, v3;
	v6 =	vadd.f32 v9, v6;
	v4 =	vmul.f32 v4, v15;
	v2 =	vld.idx.msk [tilespmem:v2+s15+$0x0], $0xffff  }
0x5e: {  	v13 =	vmul.f32 v22, v20;
	v9 =	vld [tilespmem:s28+$0xE50]  }
0x5f: {  	v3 =	vadd.f32 v10, v3;
	v4 =	vadd.f32 v4, v6;
	v1 =	vmul.f32 v1, v19;
	v14 =	vld [tilespmem:s28+$0x10F0]  }
0x60: {  	v6 =	vmul.f32 v18, v16  }
0x61: {  	v3 =	vadd.f32 v13, v3;
	v1 =	vadd.f32 v1, v4;
	v4 =	vmul.f32 v7, v11  }
0x62: {  	v7 =	vmul.f32 v12, v8  }
0x63: {  	v3 =	vadd.f32 v6, v3;
	v1 =	vadd.f32 v4, v1;
	v2 =	vmul.f32 v2, v5  }
0x64: {  	v8 =	vadd.s32 $0xE, v9;
	v11 =	vadd.s32 $0xE, v14  }
0x65: {  	v3 =	vadd.f32 v7, v3;
	v12 =	vadd.s32 $0xF, v9;
	v1 =	vadd.f32 v2, v1  }
0x66: {  	v7 =	vadd.s32 $0xC, v9;
	v15 =	vadd.s32 $0xC, v14;
	v13 =	vadd.s32 $0xF, v14  }
0x67: {  	v16 =	vadd.s32 $0xD, v9;
	v18 =	vadd.s32 $0xD, v14;
	v2 =	vadd.f32 v1, v3  }
0x68: {  	v20 =	vadd.s32 $0xA, v9;
	v22 =	vadd.s32 $0xB, v9;
	v21 =	vadd.s32 $0xA, v14;
	v3 =	vld [tilespmem:s28+$0xD00]  }
0x69: {  	v24 =	vadd.s32 $0x9, v9;
	v4 =	vadd.s32 $0x9, v14;
	v1 =	vadd.s32 $0xB, v14;
	v5 =	vld [tilespmem:s28+$0xFA0];
	[tilespmem:s25+$0x1C9D0] =	vst v2;
	s25 =	smov.u32 s28  }
0x6a: {  	v32 =	vadd.s32 $0x6, v9;
	v34 =	vadd.s32 $0x7, v9;
	v33 =	vadd.s32 $0x6, v14  }
0x6b: {  	v35 =	vand.u32 $0x7, v9;
	v36 =	vand.u32 $0x7, v14;
	v10 =	vadd.s32 $0x7, v14  }
0x6c: {  	v37 =	vadd.s32 $0x4, v9;
	v44 =	vadd.s32 $0x5, v9;
	v42 =	vadd.s32 $0x4, v14  }
0x6d: {  	v38 =	vand.u32 $0xFFFFFFF8, v9;
	v39 =	vand.u32 $0xFFFFFFF8, v14;
	v17 =	vadd.s32 $0x5, v14  }
0x6e: {  	v29 =	vadd.s32 $0x1, v9;
	v6 =	vmul.u32 $0x1A0, v3;
	v3 =	vmul.u32 $0x1A0, v5  }
0x6f: {  	v31 =	vadd.s32 $0x2, v9;
	v27 =	vadd.s32 $0x1, v14;
	v30 =	vadd.s32 $0x2, v14  }
0x70: {  	v26 =	vadd.s32 $0x3, v9;
	v23 =	vadd.s32 $0x3, v14;
	v40 =	vand.u32 $0x7, v8  }
0x71: {  	v41 =	vand.u32 $0x7, v11;
	v2 =	vand.u32 $0x7, v13;
	v5 =	vand.u32 $0x7, v12  }
0x72: {  	v8 =	vand.u32 $0xFFFFFFF8, v8;
	v43 =	vand.u32 $0xFFFFFFF8, v11;
	v11 =	vand.u32 $0xFFFFFFF8, v12  }
0x73: {  	v45 =	vand.u32 $0x7, v15;
	v9 =	vand.u32 $0xFFFFFFF8, v13;
	v12 =	vand.u32 $0x7, v7  }
0x74: {  	v46 =	vand.u32 $0xFFFFFFF8, v7;
	v13 =	vand.u32 $0x7, v16;
	v7 =	vand.u32 $0x7, v18  }
0x75: {  	v47 =	vand.u32 $0xFFFFFFF8, v15;
	v15 =	vand.u32 $0xFFFFFFF8, v16;
	v14 =	vand.u32 $0xFFFFFFF8, v18  }
0x76: {  	v19 =	vand.u32 $0x7, v22;
	v16 =	vand.u32 $0x7, v20;
	v18 =	vand.u32 $0x7, v21  }
0x77: {  	v48 =	vand.u32 $0xFFFFFFF8, v21;
	v20 =	vand.u32 $0xFFFFFFF8, v20;
	v21 =	vand.u32 $0xFFFFFFF8, v22  }
0x78: {  	v25 =	vand.u32 $0xFFFFFFF8, v24;
	v24 =	vand.u32 $0x7, v24;
	v22 =	vand.u32 $0x7, v32  }
0x79: {  	v28 =	vand.u32 $0x7, v34;
	v49 =	vand.u32 $0x7, v33;
	v8 =	vadd.s32 v6, v8  }
0x7a: {  	v50 =	vand.u32 $0xFFFFFFF8, v32;
	v8 =	vor.u32 v40, v8;
	v32 =	vadd.s32 v3, v43  }
0x7b: {  	v43 =	vand.u32 $0xFFFFFFF8, v33;
	v33 =	vadd.s32 v6, v46;
	v41 =	vor.u32 v41, v32  }
0x7c: {  	v32 =	vand.u32 $0xFFFFFFF8, v34;
	v46 =	vor.u32 v12, v33;
	v12 =	vadd.s32 v3, v47  }
0x7d: {  	v20 =	vadd.s32 v6, v20;
	v47 =	vand.u32 $0x7, v37;
	v45 =	vor.u32 v45, v12  }
0x7e: {  	v20 =	vor.u32 v16, v20;
	v16 =	vadd.s32 v3, v48;
	v12 =	vadd.s32 v6, v38  }
0x7f: {  	v48 =	vor.u32 v18, v16;
	v34 =	vor.u32 v35, v12;
	v12 =	vadd.s32 v3, v39;
	v8 =	vld.idx.msk [tilespmem:v8+s15+$0x0], $0xffff  }
.Ltmp0:
0x80: {  	v39 =	vand.u32 $0x7, v42;
	v35 =	vor.u32 v36, v12;
	v40 =	vadd.s32 $0x8, v34;
	v12 =	vld.idx.msk [tilespmem:v41+s15+$0x0], $0xffff;
	(pc) =	sbr.rel @p0 .LBB2_3-.Ltmp0, $4  }
0x81: {  	v33 =	vand.u32 $0x7, v44;
	v18 =	vadd.s32 v6, v50;
	v41 =	vadd.s32 $0x8, v35;
	v16 =	vld.idx.msk [tilespmem:v46+s15+$0x0], $0xffff  }
0x82: {  	v38 =	vor.u32 v22, v18;
	v22 =	vadd.s32 v3, v43;
	v36 =	vand.u32 $0xFFFFFFF8, v37;
	v18 =	vld.idx.msk [tilespmem:v45+s15+$0x0], $0xffff  }
0x83: {  	v43 =	vand.u32 $0xFFFFFFF8, v42;
	v42 =	vor.u32 v49, v22;
	v36 =	vadd.s32 v6, v36;
	v20 =	vld.idx.msk [tilespmem:v20+s15+$0x0], $0xffff  }
0x84: {  	s26 =	sadd.s32 $0x40, s26;
	v43 =	vadd.s32 v3, v43;
	v37 =	vor.u32 v47, v36;
	v36 =	vand.u32 $0xFFFFFFF8, v44;
	v22 =	vld.idx.msk [tilespmem:v48+s15+$0x0], $0xffff  }
0x85: {  	_ =	sdelay $0x2  }
0x86: {  	v44 =	vand.u32 $0x7, v29;
	v45 =	vand.u32 $0x7, v27  }
0x87: {  	v39 =	vor.u32 v39, v43;
	v40 =	vld.idx.msk [tilespmem:v40+s15+$0x0], $0xffff;
	v53 =	vand.u32 $0xFFFFFFF8, v31;
	v31 =	vand.u32 $0x7, v31  }
0x88: {  	v46 =	vand.u32 $0x7, v30;
	v41 =	vld.idx.msk [tilespmem:v41+s15+$0x0], $0xffff;
	v30 =	vand.u32 $0xFFFFFFF8, v30;
	v47 =	vand.u32 $0x7, v26  }
0x89: {  	v38 =	vld.idx.msk [tilespmem:v38+s15+$0x0], $0xffff;
	v29 =	vand.u32 $0xFFFFFFF8, v29;
	v27 =	vand.u32 $0xFFFFFFF8, v27;
	v36 =	vadd.s32 v6, v36  }
0x8a: {  	v42 =	vld.idx.msk [tilespmem:v42+s15+$0x0], $0xffff;
	v26 =	vand.u32 $0xFFFFFFF8, v26;
	v43 =	vadd.s32 v6, v53;
	v33 =	vor.u32 v33, v36  }
0x8b: {  	v37 =	vld.idx.msk [tilespmem:v37+s15+$0x0], $0xffff;
	v54 =	vand.u32 $0xFFFFFFF8, v23;
	v30 =	vadd.s32 v3, v30;
	v31 =	vor.u32 v31, v43  }
0x8c: {  	v35 =	vld.idx.msk [tilespmem:v35+s15+$0x0], $0xffff;
	v23 =	vand.u32 $0x7, v23;
	v29 =	vadd.s32 v6, v29;
	v30 =	vor.u32 v46, v30  }
0x8d: {  	v34 =	vld.idx.msk [tilespmem:v34+s15+$0x0], $0xffff;
	v55 =	vand.u32 $0xFFFFFFF8, v17;
	v27 =	vadd.s32 v3, v27;
	v29 =	vor.u32 v44, v29  }
0x8e: {  	v17 =	vand.u32 $0x7, v17;
	v26 =	vadd.s32 v6, v26;
	v27 =	vor.u32 v45, v27;
	v39 =	vld.idx.msk [tilespmem:v39+s15+$0x0], $0xffff  }
0x8f: {  	v56 =	vand.u32 $0xFFFFFFF8, v10;
	v43 =	vadd.s32 v3, v54;
	v26 =	vor.u32 v47, v26;
	v58 =	vld.idx.msk [tilespmem:v33+s15+$0x0], $0xffff  }
0x90: {  	v32 =	vadd.s32 v6, v32;
	v10 =	vand.u32 $0x7, v10;
	v23 =	vor.u32 v23, v43;
	v31 =	vld.idx.msk [tilespmem:v31+s15+$0x0], $0xffff  }
0x91: {  	v57 =	vand.u32 $0xFFFFFFF8, v4;
	v28 =	vor.u32 v28, v32;
	v43 =	vadd.s32 v3, v55;
	v30 =	vld.idx.msk [tilespmem:v30+s15+$0x0], $0xffff  }
0x92: {  	v25 =	vadd.s32 v6, v25;
	v36 =	vadd.s32 v3, v56;
	v17 =	vor.u32 v17, v43;
	v29 =	vld.idx.msk [tilespmem:v29+s15+$0x0], $0xffff  }
0x93: {  	v4 =	vand.u32 $0x7, v4;
	v21 =	vadd.s32 v6, v21;
	v10 =	vor.u32 v10, v36;
	v27 =	vld.idx.msk [tilespmem:v27+s15+$0x0], $0xffff  }
0x94: {  	v15 =	vadd.s32 v6, v15;
	v32 =	vadd.s32 v3, v57;
	v24 =	vor.u32 v24, v25;
	v26 =	vld.idx.msk [tilespmem:v26+s15+$0x0], $0xffff  }
0x95: {  	v25 =	vand.u32 $0xFFFFFFF8, v1;
	v1 =	vand.u32 $0x7, v1;
	v4 =	vor.u32 v4, v32;
	v23 =	vld.idx.msk [tilespmem:v23+s15+$0x0], $0xffff  }
0x96: {  	v19 =	vor.u32 v19, v21;
	v6 =	vadd.s32 v6, v11;
	v25 =	vadd.s32 v3, v25;
	v21 =	vld.idx.msk [tilespmem:v28+s15+$0x0], $0xffff  }
0x97: {  	v11 =	vor.u32 v13, v15;
	v13 =	vadd.s32 v3, v14;
	v1 =	vor.u32 v1, v25;
	v17 =	vld.idx.msk [tilespmem:v17+s15+$0x0], $0xffff  }
0x98: {  	v7 =	vor.u32 v7, v13;
	v10 =	vld.idx.msk [tilespmem:v10+s15+$0x0], $0xffff  }
0x99: {  	v3 =	vadd.s32 v3, v9;
	v9 =	vmul.f32 v35, v34;
	v15 =	vld.idx.msk [tilespmem:v24+s15+$0x0], $0xffff;
	v14 =	vmul.f32 v30, v31  }
0x9a: {  	v5 =	vor.u32 v5, v6;
	v4 =	vld.idx.msk [tilespmem:v4+s15+$0x0], $0xffff;
	v13 =	vmul.f32 v27, v29;
	v23 =	vmul.f32 v23, v26  }
0x9b: {  	v2 =	vor.u32 v2, v3;
	v3 =	vld.idx.msk [tilespmem:v19+s15+$0x0], $0xffff;
	v6 =	vmul.f32 v39, v37  }
0x9c: {  	v1 =	vld.idx.msk [tilespmem:v1+s15+$0x0], $0xffff;
	v9 =	vadd.f32 v14, v9;
	v14 =	vmul.f32 v17, v58;
	v13 =	vadd.f32 v23, v13  }
0x9d: {  	v11 =	vld.idx.msk [tilespmem:v11+s15+$0x0], $0xffff;
	v10 =	vmul.f32 v10, v21  }
0x9e: {  	v7 =	vld.idx.msk [tilespmem:v7+s15+$0x0], $0xffff;
	v17 =	vmul.f32 v42, v38;
	v6 =	vadd.f32 v6, v9;
	v9 =	vadd.f32 v14, v13  }
0x9f: {  	v5 =	vld.idx.msk [tilespmem:v5+s15+$0x0], $0xffff;
	v4 =	vmul.f32 v4, v15  }
0xa0: {  	v2 =	vld.idx.msk [tilespmem:v2+s15+$0x0], $0xffff;
	v13 =	vmul.f32 v41, v40;
	v6 =	vadd.f32 v17, v6;
	v9 =	vadd.f32 v10, v9  }
0xa1: {  	v1 =	vmul.f32 v1, v3  }
0xa2: {  	v10 =	vmul.f32 v22, v20;
	v6 =	vadd.f32 v13, v6;
	v4 =	vadd.f32 v4, v9  }
0xa3: {  	v3 =	vmul.f32 v18, v16  }
0xa4: {  	v6 =	vadd.f32 v10, v6;
	v1 =	vadd.f32 v1, v4;
	v4 =	vmul.f32 v7, v11  }
0xa5: {  	v2 =	vmul.f32 v2, v5  }
0xa6: {  	v7 =	vmul.f32 v12, v8;
	v3 =	vadd.f32 v3, v6;
	v1 =	vadd.f32 v4, v1;
	_ =	sdelay $0x1  }
0xa7: {  	v3 =	vadd.f32 v7, v3;
	v1 =	vadd.f32 v2, v1;
	_ =	sdelay $0x1  }
0xa8: {  	v1 =	vadd.f32 v1, v3;
	_ =	sdelay $0x1  }
0xa9: {  	[tilespmem:s25+$0x1C9D0] =	vst v1;
	s25 =	simm.s32 $0x150  }
0xaa: {  	v2 =	vld [tilespmem:s25+$0xD00]  }
0xab: {  	v3 =	vld [tilespmem:s25+$0xFA0];
	_ =	sdelay $0x3  }
0xac: {  	v5 =	vadd.s32 $0xE, v2  }
0xad: {  	v6 =	vadd.s32 $0xE, v3;
	v8 =	vadd.s32 $0xC, v2;
	v9 =	vadd.s32 $0xF, v2  }
0xae: {  	v10 =	vadd.s32 $0xF, v3;
	v11 =	vadd.s32 $0xC, v3;
	v12 =	vadd.s32 $0xD, v2  }
0xaf: {  	v14 =	vadd.s32 $0xA, v2;
	v16 =	vadd.s32 $0xA, v3;
	v17 =	vadd.s32 $0xD, v3  }
0xb0: {  	v18 =	vadd.s32 $0x9, v2;
	v20 =	vadd.s32 $0xB, v2;
	v1 =	vadd.s32 $0xB, v3  }
0xb1: {  	v13 =	vld [tilespmem:s25+$0xBB0];
	v21 =	vadd.s32 $0x6, v2;
	v59 =	vadd.s32 $0x6, v3;
	v4 =	vadd.s32 $0x9, v3  }
0xb2: {  	v19 =	vld [tilespmem:s25+$0xE50];
	v33 =	vand.u32 $0x7, v2;
	v60 =	vadd.s32 $0x7, v2;
	v7 =	vadd.s32 $0x7, v3  }
0xb3: {  	v35 =	vand.u32 $0x7, v3;
	v37 =	vadd.s32 $0x4, v2;
	v42 =	vadd.s32 $0x4, v3  }
0xb4: {  	v38 =	vand.u32 $0xFFFFFFF8, v2;
	v31 =	vadd.s32 $0x5, v2;
	v15 =	vadd.s32 $0x5, v3  }
0xb5: {  	v39 =	vand.u32 $0xFFFFFFF8, v3;
	v27 =	vadd.s32 $0x1, v2;
	v26 =	vadd.s32 $0x1, v3  }
0xb6: {  	v30 =	vadd.s32 $0x2, v2;
	v29 =	vadd.s32 $0x2, v3;
	v25 =	vadd.s32 $0x3, v2  }
0xb7: {  	v28 =	vmul.u32 $0x1A0, v13;
	v61 =	vmul.u32 $0x1A0, v19;
	v23 =	vadd.s32 $0x3, v3  }
0xb8: {  	v62 =	vand.u32 $0x7, v5;
	v63 =	vand.u32 $0x7, v6;
	v2 =	vand.u32 $0x7, v9  }
0xb9: {  	v52 =	vand.u32 $0xFFFFFFF8, v5;
	v53 =	vand.u32 $0xFFFFFFF8, v6;
	v3 =	vand.u32 $0x7, v10  }
0xba: {  	v54 =	vand.u32 $0x7, v8;
	v9 =	vand.u32 $0xFFFFFFF8, v9;
	v6 =	vand.u32 $0xFFFFFFF8, v10  }
0xbb: {  	v55 =	vand.u32 $0x7, v11;
	v10 =	vand.u32 $0x7, v12;
	v5 =	vand.u32 $0x7, v17  }
0xbc: {  	v8 =	vand.u32 $0xFFFFFFF8, v8;
	v11 =	vand.u32 $0xFFFFFFF8, v11;
	v13 =	vand.u32 $0xFFFFFFF8, v12  }
0xbd: {  	v56 =	vand.u32 $0x7, v14;
	v48 =	vand.u32 $0x7, v16;
	v12 =	vand.u32 $0xFFFFFFF8, v17  }
0xbe: {  	v14 =	vand.u32 $0xFFFFFFF8, v14;
	v16 =	vand.u32 $0xFFFFFFF8, v16;
	v19 =	vand.u32 $0x7, v20  }
0xbf: {  	v24 =	vand.u32 $0xFFFFFFF8, v18;
	v22 =	vand.u32 $0x7, v18;
	v20 =	vand.u32 $0xFFFFFFF8, v20  }
0xc0: {  	v49 =	vand.u32 $0x7, v21;
	v50 =	vand.u32 $0x7, v59;
	v18 =	vadd.s32 $0x2A40, v28  }
0xc1: {  	v21 =	vand.u32 $0xFFFFFFF8, v21;
	v17 =	vadd.s32 $0x2A40, v61;
	v57 =	vadd.s32 v18, v52  }
0xc2: {  	v59 =	vand.u32 $0xFFFFFFF8, v59;
	v58 =	vadd.s32 v17, v53;
	v40 =	vor.u32 v62, v57  }
0xc3: {  	v32 =	vand.u32 $0xFFFFFFF8, v60;
	v8 =	vadd.s32 v18, v8;
	v41 =	vor.u32 v63, v58  }
0xc4: {  	v28 =	vand.u32 $0x7, v60;
	v60 =	vor.u32 v54, v8;
	v8 =	vadd.s32 v17, v11  }
0xc5: {  	v36 =	vand.u32 $0x7, v37;
	v11 =	vadd.s32 v18, v14;
	v61 =	vor.u32 v55, v8  }
0xc6: {  	v8 =	vadd.s32 v38, v18;
	v62 =	vor.u32 v56, v11;
	v11 =	vadd.s32 v17, v16  }
0xc7: {  	v14 =	vadd.s32 v39, v17;
	v34 =	vor.u32 v33, v8;
	v38 =	vor.u32 v48, v11;
	v8 =	vld.idx.msk [tilespmem:v40+s15+$0x0], $0xffff  }
0xc8: {  	v44 =	vand.u32 $0xFFFFFFF8, v42;
	v35 =	vor.u32 v35, v14;
	v40 =	vadd.s32 $0x8, v34;
	v11 =	vld.idx.msk [tilespmem:v41+s15+$0x0], $0xffff  }
0xc9: {  	v39 =	vand.u32 $0x7, v42;
	v16 =	vadd.s32 v18, v21;
	v41 =	vadd.s32 $0x8, v35;
	v14 =	vld.idx.msk [tilespmem:v60+s15+$0x0], $0xffff  }
0xca: {  	v63 =	vadd.s32 v17, v59;
	v21 =	vand.u32 $0xFFFFFFF8, v37;
	v37 =	vor.u32 v49, v16;
	v16 =	vld.idx.msk [tilespmem:v61+s15+$0x0], $0xffff  }
0xcb: {  	s26 =	simm.s32 $0x580;
	v42 =	vor.u32 v50, v63;
	v33 =	vand.u32 $0x7, v31;
	v43 =	vadd.s32 v18, v21;
	v21 =	vld.idx.msk [tilespmem:v62+s15+$0x0], $0xffff  }
.LBB2_5:
0xcc: {  	p0 =	sne.s32 s26, $0xA40;
	v36 =	vor.u32 v36, v43;
	v43 =	vadd.s32 v17, v44;
	v31 =	vand.u32 $0xFFFFFFF8, v31;
	v38 =	vld.idx.msk [tilespmem:v38+s15+$0x0], $0xffff  }
0xcd: {  	v44 =	vand.u32 $0x7, v27;
	v45 =	vand.u32 $0x7, v26;
	v39 =	vor.u32 v39, v43;
	v40 =	vld.idx.msk [tilespmem:v40+s15+$0x0], $0xffff  }
0xce: {  	v46 =	vand.u32 $0x7, v29;
	v43 =	vand.u32 $0xFFFFFFF8, v30;
	v30 =	vand.u32 $0x7, v30;
	v41 =	vld.idx.msk [tilespmem:v41+s15+$0x0], $0xffff  }
0xcf: {  	v29 =	vand.u32 $0xFFFFFFF8, v29;
	v47 =	vand.u32 $0x7, v25;
	v43 =	vadd.s32 v18, v43;
	v37 =	vld.idx.msk [tilespmem:v37+s15+$0x0], $0xffff  }
0xd0: {  	v27 =	vand.u32 $0xFFFFFFF8, v27;
	v29 =	vadd.s32 v17, v29;
	v30 =	vor.u32 v30, v43;
	v42 =	vld.idx.msk [tilespmem:v42+s15+$0x0], $0xffff  }
0xd1: {  	v26 =	vand.u32 $0xFFFFFFF8, v26;
	v27 =	vadd.s32 v18, v27;
	v29 =	vor.u32 v46, v29;
	v36 =	vld.idx.msk [tilespmem:v36+s15+$0x0], $0xffff  }
0xd2: {  	v25 =	vand.u32 $0xFFFFFFF8, v25;
	v26 =	vadd.s32 v17, v26;
	v27 =	vor.u32 v44, v27;
	v39 =	vld.idx.msk [tilespmem:v39+s15+$0x0], $0xffff  }
0xd3: {  	v25 =	vadd.s32 v18, v25;
	v26 =	vor.u32 v45, v26;
	v43 =	vand.u32 $0xFFFFFFF8, v23;
	v35 =	vld.idx.msk [tilespmem:v35+s15+$0x0], $0xffff  }
0xd4: {  	v25 =	vor.u32 v47, v25;
	v23 =	vand.u32 $0x7, v23;
	v43 =	vadd.s32 v17, v43;
	v34 =	vld.idx.msk [tilespmem:v34+s15+$0x0], $0xffff  }
0xd5: {  	v31 =	vadd.s32 v18, v31;
	v23 =	vor.u32 v23, v43;
	v43 =	vand.u32 $0xFFFFFFF8, v15;
	v30 =	vld.idx.msk [tilespmem:v30+s15+$0x0], $0xffff  }
0xd6: {  	v31 =	vor.u32 v33, v31;
	v15 =	vand.u32 $0x7, v15;
	v33 =	vadd.s32 v17, v43;
	v29 =	vld.idx.msk [tilespmem:v29+s15+$0x0], $0xffff  }
0xd7: {  	v32 =	vadd.s32 v18, v32;
	v15 =	vor.u32 v15, v33;
	v33 =	vand.u32 $0xFFFFFFF8, v7;
	v27 =	vld.idx.msk [tilespmem:v27+s15+$0x0], $0xffff  }
0xd8: {  	v28 =	vor.u32 v28, v32;
	v7 =	vand.u32 $0x7, v7;
	v32 =	vadd.s32 v17, v33;
	v26 =	vld.idx.msk [tilespmem:v26+s15+$0x0], $0xffff  }
0xd9: {  	v24 =	vadd.s32 v18, v24;
	v7 =	vor.u32 v7, v32;
	v32 =	vand.u32 $0xFFFFFFF8, v4;
	v25 =	vld.idx.msk [tilespmem:v25+s15+$0x0], $0xffff  }
0xda: {  	v22 =	vor.u32 v22, v24;
	v4 =	vand.u32 $0x7, v4;
	v24 =	vadd.s32 v17, v32;
	v23 =	vld.idx.msk [tilespmem:v23+s15+$0x0], $0xffff  }
0xdb: {  	v20 =	vadd.s32 v18, v20;
	v4 =	vor.u32 v4, v24;
	v24 =	vand.u32 $0xFFFFFFF8, v1;
	v31 =	vld.idx.msk [tilespmem:v31+s15+$0x0], $0xffff  }
0xdc: {  	v19 =	vor.u32 v19, v20;
	v1 =	vand.u32 $0x7, v1;
	v20 =	vadd.s32 v17, v24;
	v15 =	vld.idx.msk [tilespmem:v15+s15+$0x0], $0xffff  }
0xdd: {  	v13 =	vadd.s32 v18, v13;
	v9 =	vadd.s32 v18, v9;
	v1 =	vor.u32 v1, v20;
	v24 =	vld.idx.msk [tilespmem:v28+s15+$0x0], $0xffff  }
0xde: {  	v12 =	vadd.s32 v17, v12;
	v6 =	vadd.s32 v17, v6;
	v10 =	vor.u32 v10, v13;
	v7 =	vld.idx.msk [tilespmem:v7+s15+$0x0], $0xffff  }
0xdf: {  	v5 =	vor.u32 v5, v12;
	v13 =	vmul.f32 v35, v34;
	v17 =	vmul.f32 v29, v30;
	v18 =	vld.idx.msk [tilespmem:v22+s15+$0x0], $0xffff  }
0xe0: {  	v2 =	vor.u32 v2, v9;
	v12 =	vmul.f32 v26, v27;
	v20 =	vmul.f32 v23, v25;
	v4 =	vld.idx.msk [tilespmem:v4+s15+$0x0], $0xffff  }
0xe1: {  	v3 =	vor.u32 v3, v6;
	v9 =	vmul.f32 v39, v36;
	v19 =	vld.idx.msk [tilespmem:v19+s15+$0x0], $0xffff  }
0xe2: {  	v6 =	vadd.f32 v17, v13;
	v12 =	vadd.f32 v20, v12;
	v13 =	vmul.f32 v15, v31;
	v1 =	vld.idx.msk [tilespmem:v1+s15+$0x0], $0xffff  }
0xe3: {  	v15 =	vmul.f32 v42, v37;
	v10 =	vld.idx.msk [tilespmem:v10+s15+$0x0], $0xffff  }
0xe4: {  	v6 =	vadd.f32 v9, v6;
	v9 =	vadd.f32 v13, v12;
	v7 =	vmul.f32 v7, v24;
	v5 =	vld.idx.msk [tilespmem:v5+s15+$0x0], $0xffff  }
0xe5: {  	v12 =	vmul.f32 v41, v40;
	v2 =	vld.idx.msk [tilespmem:v2+s15+$0x0], $0xffff  }
0xe6: {  	v6 =	vadd.f32 v15, v6;
	v7 =	vadd.f32 v7, v9;
	v4 =	vmul.f32 v4, v18;
	v3 =	vld.idx.msk [tilespmem:v3+s15+$0x0], $0xffff  }
0xe7: {  	s28 =	sshra.s32 s26, $0x2;
	v9 =	vmul.f32 v38, v21  }
0xe8: {  	v6 =	vadd.f32 v12, v6;
	v4 =	vadd.f32 v4, v7;
	v1 =	vmul.f32 v1, v19;
	v13 =	vld [tilespmem:s28+$0xD00]  }
0xe9: {  	v7 =	vmul.f32 v16, v14;
	v12 =	vld [tilespmem:s28+$0xFA0]  }
0xea: {  	v6 =	vadd.f32 v9, v6;
	v1 =	vadd.f32 v1, v4;
	v4 =	vmul.f32 v5, v10  }
0xeb: {  	v5 =	vmul.f32 v11, v8  }
0xec: {  	v6 =	vadd.f32 v7, v6;
	v1 =	vadd.f32 v4, v1;
	v2 =	vmul.f32 v3, v2  }
0xed: {  	v3 =	vadd.s32 $0xE, v13  }
0xee: {  	v4 =	vadd.f32 v5, v6;
	v1 =	vadd.f32 v2, v1;
	v8 =	vadd.s32 $0xE, v12  }
0xef: {  	v11 =	vadd.s32 $0xC, v13;
	v5 =	vadd.s32 $0xF, v13;
	v6 =	vadd.s32 $0xF, v12  }
0xf0: {  	v16 =	vadd.s32 $0xD, v13;
	v14 =	vadd.s32 $0xC, v12;
	v2 =	vadd.f32 v1, v4  }
0xf1: {  	v17 =	vadd.s32 $0xA, v13;
	v18 =	vadd.s32 $0xA, v12;
	v19 =	vadd.s32 $0xD, v12  }
0xf2: {  	v20 =	vadd.s32 $0x9, v13;
	v21 =	vadd.s32 $0xB, v13;
	v1 =	vadd.s32 $0xB, v12;
	[tilespmem:s25+$0x1C9D0] =	vst v2;
	s25 =	smov.u32 s28  }
0xf3: {  	v32 =	vadd.s32 $0x6, v13;
	v33 =	vadd.s32 $0x6, v12;
	v4 =	vadd.s32 $0x9, v12;
	v2 =	vld [tilespmem:s25+$0xBB0]  }
0xf4: {  	v34 =	vand.u32 $0x7, v13;
	v35 =	vadd.s32 $0x7, v13;
	v7 =	vadd.s32 $0x7, v12;
	v9 =	vld [tilespmem:s25+$0xE50]  }
0xf5: {  	v42 =	vadd.s32 $0x4, v13;
	v37 =	vand.u32 $0x7, v12;
	v44 =	vadd.s32 $0x4, v12  }
0xf6: {  	v38 =	vand.u32 $0xFFFFFFF8, v13;
	v31 =	vadd.s32 $0x5, v13;
	v15 =	vadd.s32 $0x5, v12  }
0xf7: {  	v27 =	vadd.s32 $0x1, v13;
	v39 =	vand.u32 $0xFFFFFFF8, v12;
	v26 =	vadd.s32 $0x1, v12  }
0xf8: {  	v30 =	vadd.s32 $0x2, v13;
	v25 =	vadd.s32 $0x3, v13;
	v29 =	vadd.s32 $0x2, v12  }
0xf9: {  	v23 =	vadd.s32 $0x3, v12;
	v28 =	vmul.u32 $0x1A0, v2;
	v36 =	vmul.u32 $0x1A0, v9  }
0xfa: {  	v40 =	vand.u32 $0x7, v3;
	v41 =	vand.u32 $0x7, v8;
	v2 =	vand.u32 $0x7, v5  }
0xfb: {  	v43 =	vand.u32 $0xFFFFFFF8, v3;
	v8 =	vand.u32 $0xFFFFFFF8, v8;
	v3 =	vand.u32 $0x7, v6  }
0xfc: {  	v45 =	vand.u32 $0x7, v11;
	v6 =	vand.u32 $0xFFFFFFF8, v6;
	v9 =	vand.u32 $0xFFFFFFF8, v5  }
0xfd: {  	v10 =	vand.u32 $0x7, v16;
	v46 =	vand.u32 $0x7, v14;
	v5 =	vand.u32 $0x7, v19  }
0xfe: {  	v11 =	vand.u32 $0xFFFFFFF8, v11;
	v13 =	vand.u32 $0xFFFFFFF8, v16;
	v14 =	vand.u32 $0xFFFFFFF8, v14  }
0xff: {  	v16 =	vand.u32 $0x7, v17;
	v47 =	vand.u32 $0x7, v18;
	v12 =	vand.u32 $0xFFFFFFF8, v19  }
0x100: {  	v48 =	vand.u32 $0xFFFFFFF8, v17;
	v49 =	vand.u32 $0xFFFFFFF8, v18;
	v19 =	vand.u32 $0x7, v21  }
0x101: {  	v24 =	vand.u32 $0xFFFFFFF8, v20;
	v22 =	vand.u32 $0x7, v20;
	v20 =	vand.u32 $0xFFFFFFF8, v21  }
0x102: {  	v50 =	vand.u32 $0x7, v33;
	v21 =	vand.u32 $0x7, v32;
	v18 =	vadd.s32 $0x2A40, v28  }
0x103: {  	v28 =	vand.u32 $0x7, v35;
	v17 =	vadd.s32 $0x2A40, v36;
	v36 =	vadd.s32 v18, v43  }
0x104: {  	v43 =	vand.u32 $0xFFFFFFF8, v32;
	v40 =	vor.u32 v40, v36;
	v8 =	vadd.s32 v17, v8  }
0x105: {  	v51 =	vand.u32 $0xFFFFFFF8, v33;
	v11 =	vadd.s32 v18, v11;
	v33 =	vor.u32 v41, v8  }
0x106: {  	v32 =	vand.u32 $0xFFFFFFF8, v35;
	v45 =	vor.u32 v45, v11;
	v8 =	vadd.s32 v17, v14  }
0x107: {  	v36 =	vand.u32 $0x7, v42;
	v11 =	vadd.s32 v18, v48;
	v46 =	vor.u32 v46, v8  }
0x108: {  	v48 =	vor.u32 v16, v11;
	v11 =	vadd.s32 v17, v49;
	v8 =	vadd.s32 v38, v18  }
.Ltmp1:
0x109: {  	v14 =	vadd.s32 v39, v17;
	v38 =	vor.u32 v47, v11;
	v34 =	vor.u32 v34, v8;
	v8 =	vld.idx.msk [tilespmem:v40+s15+$0x0], $0xffff;
	(pc) =	sbr.rel @p0 .LBB2_5-.Ltmp1, $4  }
0x10a: {  	v39 =	vand.u32 $0x7, v44;
	v35 =	vor.u32 v37, v14;
	v40 =	vadd.s32 $0x8, v34;
	v11 =	vld.idx.msk [tilespmem:v33+s15+$0x0], $0xffff  }
0x10b: {  	v16 =	vadd.s32 v18, v43;
	v41 =	vadd.s32 $0x8, v35;
	v33 =	vand.u32 $0x7, v31;
	v14 =	vld.idx.msk [tilespmem:v45+s15+$0x0], $0xffff  }
0x10c: {  	v42 =	vand.u32 $0xFFFFFFF8, v42;
	v37 =	vor.u32 v21, v16;
	v21 =	vadd.s32 v17, v51;
	v16 =	vld.idx.msk [tilespmem:v46+s15+$0x0], $0xffff  }
0x10d: {  	s26 =	sadd.s32 $0x40, s26;
	v43 =	vadd.s32 v18, v42;
	v44 =	vand.u32 $0xFFFFFFF8, v44;
	v42 =	vor.u32 v50, v21;
	v21 =	vld.idx.msk [tilespmem:v48+s15+$0x0], $0xffff  }
0x10e: {  	_ =	sdelay $0x2  }
0x10f: {  	v36 =	vor.u32 v36, v43;
	v52 =	vadd.s32 v17, v44  }
0x110: {  	v31 =	vand.u32 $0xFFFFFFF8, v31;
	v38 =	vld.idx.msk [tilespmem:v38+s15+$0x0], $0xffff;
	v53 =	vand.u32 $0x7, v27;
	v45 =	vand.u32 $0x7, v26  }
0x111: {  	v40 =	vld.idx.msk [tilespmem:v40+s15+$0x0], $0xffff;
	v54 =	vand.u32 $0xFFFFFFF8, v30;
	v30 =	vand.u32 $0x7, v30;
	v46 =	vand.u32 $0x7, v29  }
0x112: {  	v41 =	vld.idx.msk [tilespmem:v41+s15+$0x0], $0xffff;
	v29 =	vand.u32 $0xFFFFFFF8, v29;
	v47 =	vand.u32 $0x7, v25;
	v27 =	vand.u32 $0xFFFFFFF8, v27  }
0x113: {  	v37 =	vld.idx.msk [tilespmem:v37+s15+$0x0], $0xffff;
	v26 =	vand.u32 $0xFFFFFFF8, v26;
	v32 =	vadd.s32 v18, v32;
	v39 =	vor.u32 v39, v52  }
0x114: {  	v42 =	vld.idx.msk [tilespmem:v42+s15+$0x0], $0xffff;
	v25 =	vand.u32 $0xFFFFFFF8, v25;
	v43 =	vadd.s32 v18, v54;
	v28 =	vor.u32 v28, v32  }
0x115: {  	v55 =	vand.u32 $0xFFFFFFF8, v23;
	v35 =	vld.idx.msk [tilespmem:v35+s15+$0x0], $0xffff;
	v29 =	vadd.s32 v17, v29;
	v30 =	vor.u32 v30, v43  }
0x116: {  	v23 =	vand.u32 $0x7, v23;
	v34 =	vld.idx.msk [tilespmem:v34+s15+$0x0], $0xffff;
	v27 =	vadd.s32 v18, v27;
	v29 =	vor.u32 v46, v29  }
0x117: {  	v56 =	vand.u32 $0xFFFFFFF8, v15;
	v26 =	vadd.s32 v17, v26;
	v27 =	vor.u32 v53, v27;
	v36 =	vld.idx.msk [tilespmem:v36+s15+$0x0], $0xffff  }
0x118: {  	v20 =	vadd.s32 v18, v20;
	v25 =	vadd.s32 v18, v25;
	v26 =	vor.u32 v45, v26;
	v39 =	vld.idx.msk [tilespmem:v39+s15+$0x0], $0xffff  }
0x119: {  	v19 =	vor.u32 v19, v20;
	v43 =	vadd.s32 v17, v55;
	v25 =	vor.u32 v47, v25;
	v20 =	vld.idx.msk [tilespmem:v28+s15+$0x0], $0xffff  }
0x11a: {  	v15 =	vand.u32 $0x7, v15;
	v31 =	vadd.s32 v18, v31;
	v23 =	vor.u32 v23, v43;
	v30 =	vld.idx.msk [tilespmem:v30+s15+$0x0], $0xffff  }
0x11b: {  	v57 =	vand.u32 $0xFFFFFFF8, v7;
	v31 =	vor.u32 v33, v31;
	v43 =	vadd.s32 v17, v56;
	v29 =	vld.idx.msk [tilespmem:v29+s15+$0x0], $0xffff  }
0x11c: {  	v7 =	vand.u32 $0x7, v7;
	v33 =	vadd.s32 v17, v57;
	v15 =	vor.u32 v15, v43;
	v27 =	vld.idx.msk [tilespmem:v27+s15+$0x0], $0xffff  }
0x11d: {  	v58 =	vand.u32 $0xFFFFFFF8, v4;
	v24 =	vadd.s32 v18, v24;
	v7 =	vor.u32 v7, v33;
	v26 =	vld.idx.msk [tilespmem:v26+s15+$0x0], $0xffff  }
0x11e: {  	v4 =	vand.u32 $0x7, v4;
	v32 =	vadd.s32 v17, v58;
	v22 =	vor.u32 v22, v24;
	v25 =	vld.idx.msk [tilespmem:v25+s15+$0x0], $0xffff  }
0x11f: {  	v24 =	vand.u32 $0xFFFFFFF8, v1;
	v4 =	vor.u32 v4, v32;
	v23 =	vld.idx.msk [tilespmem:v23+s15+$0x0], $0xffff  }
0x120: {  	v1 =	vand.u32 $0x7, v1;
	v24 =	vadd.s32 v17, v24;
	v31 =	vld.idx.msk [tilespmem:v31+s15+$0x0], $0xffff  }
0x121: {  	v13 =	vadd.s32 v18, v13;
	v9 =	vadd.s32 v18, v9;
	v1 =	vor.u32 v1, v24;
	v15 =	vld.idx.msk [tilespmem:v15+s15+$0x0], $0xffff  }
0x122: {  	v12 =	vadd.s32 v17, v12;
	v6 =	vadd.s32 v17, v6;
	v10 =	vor.u32 v10, v13;
	v7 =	vld.idx.msk [tilespmem:v7+s15+$0x0], $0xffff  }
0x123: {  	v5 =	vor.u32 v5, v12;
	v13 =	vmul.f32 v35, v34;
	v18 =	vld.idx.msk [tilespmem:v22+s15+$0x0], $0xffff;
	v17 =	vmul.f32 v29, v30  }
0x124: {  	v2 =	vor.u32 v2, v9;
	v4 =	vld.idx.msk [tilespmem:v4+s15+$0x0], $0xffff;
	v12 =	vmul.f32 v26, v27;
	v22 =	vmul.f32 v23, v25  }
0x125: {  	v3 =	vor.u32 v3, v6;
	v6 =	vld.idx.msk [tilespmem:v19+s15+$0x0], $0xffff;
	v9 =	vmul.f32 v39, v36  }
0x126: {  	v1 =	vld.idx.msk [tilespmem:v1+s15+$0x0], $0xffff;
	v13 =	vadd.f32 v17, v13;
	v15 =	vmul.f32 v15, v31;
	v12 =	vadd.f32 v22, v12  }
0x127: {  	v10 =	vld.idx.msk [tilespmem:v10+s15+$0x0], $0xffff;
	v7 =	vmul.f32 v7, v20  }
0x128: {  	v5 =	vld.idx.msk [tilespmem:v5+s15+$0x0], $0xffff;
	v17 =	vmul.f32 v42, v37;
	v9 =	vadd.f32 v9, v13;
	v12 =	vadd.f32 v15, v12  }
0x129: {  	v2 =	vld.idx.msk [tilespmem:v2+s15+$0x0], $0xffff;
	v4 =	vmul.f32 v4, v18  }
0x12a: {  	v3 =	vld.idx.msk [tilespmem:v3+s15+$0x0], $0xffff;
	v13 =	vmul.f32 v41, v40;
	v9 =	vadd.f32 v17, v9;
	v7 =	vadd.f32 v7, v12  }
0x12b: {  	v1 =	vmul.f32 v1, v6  }
0x12c: {  	v12 =	vmul.f32 v38, v21;
	v9 =	vadd.f32 v13, v9;
	v4 =	vadd.f32 v4, v7  }
0x12d: {  	v6 =	vmul.f32 v16, v14  }
0x12e: {  	v7 =	vadd.f32 v12, v9;
	v1 =	vadd.f32 v1, v4;
	v4 =	vmul.f32 v5, v10  }
0x12f: {  	v2 =	vmul.f32 v3, v2  }
0x130: {  	v5 =	vmul.f32 v11, v8;
	v6 =	vadd.f32 v6, v7;
	v1 =	vadd.f32 v4, v1;
	_ =	sdelay $0x1  }
0x131: {  	v3 =	vadd.f32 v5, v6;
	v1 =	vadd.f32 v2, v1;
	_ =	sdelay $0x1  }
0x132: {  	v1 =	vadd.f32 v1, v3;
	_ =	sdelay $0x1  }
0x133: {  	[tilespmem:s25+$0x1C9D0] =	vst v1;
	s25 =	simm.s32 $0x0  }
0x134: {  	v2 =	vld [tilespmem:s25+$0xE50]  }
0x135: {  	v3 =	vld [tilespmem:s25+$0x10F0];
	_ =	sdelay $0x3  }
0x136: {  	v5 =	vadd.s32 $0xE, v2  }
0x137: {  	v6 =	vadd.s32 $0xE, v3;
	v8 =	vadd.s32 $0xC, v2;
	v9 =	vadd.s32 $0xF, v2  }
0x138: {  	v10 =	vadd.s32 $0xF, v3;
	v11 =	vadd.s32 $0xC, v3;
	v12 =	vadd.s32 $0xD, v2  }
0x139: {  	v14 =	vadd.s32 $0xA, v2;
	v16 =	vadd.s32 $0xA, v3;
	v17 =	vadd.s32 $0xD, v3  }
0x13a: {  	v18 =	vadd.s32 $0x9, v2;
	v20 =	vadd.s32 $0xB, v2;
	v1 =	vadd.s32 $0xB, v3  }
0x13b: {  	v13 =	vld [tilespmem:s25+$0xD00];
	v21 =	vadd.s32 $0x6, v2;
	v59 =	vadd.s32 $0x6, v3;
	v4 =	vadd.s32 $0x9, v3  }
0x13c: {  	v19 =	vld [tilespmem:s25+$0xFA0];
	v33 =	vand.u32 $0x7, v2;
	v60 =	vadd.s32 $0x7, v2;
	v7 =	vadd.s32 $0x7, v3  }
0x13d: {  	v35 =	vand.u32 $0x7, v3;
	v37 =	vadd.s32 $0x4, v2;
	v42 =	vadd.s32 $0x4, v3  }
0x13e: {  	v38 =	vand.u32 $0xFFFFFFF8, v2;
	v31 =	vadd.s32 $0x5, v2;
	v15 =	vadd.s32 $0x5, v3  }
0x13f: {  	v39 =	vand.u32 $0xFFFFFFF8, v3;
	v27 =	vadd.s32 $0x1, v2;
	v26 =	vadd.s32 $0x1, v3  }
0x140: {  	v30 =	vadd.s32 $0x2, v2;
	v29 =	vadd.s32 $0x2, v3;
	v25 =	vadd.s32 $0x3, v2  }
0x141: {  	v28 =	vmul.u32 $0x1A0, v13;
	v61 =	vmul.u32 $0x1A0, v19;
	v23 =	vadd.s32 $0x3, v3  }
0x142: {  	v62 =	vand.u32 $0x7, v5;
	v63 =	vand.u32 $0x7, v6;
	v2 =	vand.u32 $0x7, v9  }
0x143: {  	v52 =	vand.u32 $0xFFFFFFF8, v5;
	v53 =	vand.u32 $0xFFFFFFF8, v6;
	v3 =	vand.u32 $0x7, v10  }
0x144: {  	v54 =	vand.u32 $0x7, v8;
	v9 =	vand.u32 $0xFFFFFFF8, v9;
	v6 =	vand.u32 $0xFFFFFFF8, v10  }
0x145: {  	v55 =	vand.u32 $0x7, v11;
	v10 =	vand.u32 $0x7, v12;
	v5 =	vand.u32 $0x7, v17  }
0x146: {  	v8 =	vand.u32 $0xFFFFFFF8, v8;
	v11 =	vand.u32 $0xFFFFFFF8, v11;
	v13 =	vand.u32 $0xFFFFFFF8, v12  }
0x147: {  	v56 =	vand.u32 $0x7, v14;
	v48 =	vand.u32 $0x7, v16;
	v12 =	vand.u32 $0xFFFFFFF8, v17  }
0x148: {  	v14 =	vand.u32 $0xFFFFFFF8, v14;
	v16 =	vand.u32 $0xFFFFFFF8, v16;
	v19 =	vand.u32 $0x7, v20  }
0x149: {  	v24 =	vand.u32 $0xFFFFFFF8, v18;
	v22 =	vand.u32 $0x7, v18;
	v20 =	vand.u32 $0xFFFFFFF8, v20  }
0x14a: {  	v49 =	vand.u32 $0x7, v21;
	v50 =	vand.u32 $0x7, v59;
	v18 =	vadd.s32 $0x5480, v28  }
0x14b: {  	v21 =	vand.u32 $0xFFFFFFF8, v21;
	v17 =	vadd.s32 $0x5480, v61;
	v57 =	vadd.s32 v18, v52  }
0x14c: {  	v59 =	vand.u32 $0xFFFFFFF8, v59;
	v58 =	vadd.s32 v17, v53;
	v40 =	vor.u32 v62, v57  }
0x14d: {  	v32 =	vand.u32 $0xFFFFFFF8, v60;
	v8 =	vadd.s32 v18, v8;
	v41 =	vor.u32 v63, v58  }
0x14e: {  	v28 =	vand.u32 $0x7, v60;
	v60 =	vor.u32 v54, v8;
	v8 =	vadd.s32 v17, v11  }
0x14f: {  	v36 =	vand.u32 $0x7, v37;
	v11 =	vadd.s32 v18, v14;
	v61 =	vor.u32 v55, v8  }
0x150: {  	v8 =	vadd.s32 v38, v18;
	v62 =	vor.u32 v56, v11;
	v11 =	vadd.s32 v17, v16  }
0x151: {  	v14 =	vadd.s32 v39, v17;
	v34 =	vor.u32 v33, v8;
	v38 =	vor.u32 v48, v11;
	v8 =	vld.idx.msk [tilespmem:v40+s15+$0x0], $0xffff  }
0x152: {  	v44 =	vand.u32 $0xFFFFFFF8, v42;
	v35 =	vor.u32 v35, v14;
	v40 =	vadd.s32 $0x8, v34;
	v11 =	vld.idx.msk [tilespmem:v41+s15+$0x0], $0xffff  }
0x153: {  	v39 =	vand.u32 $0x7, v42;
	v16 =	vadd.s32 v18, v21;
	v41 =	vadd.s32 $0x8, v35;
	v14 =	vld.idx.msk [tilespmem:v60+s15+$0x0], $0xffff  }
0x154: {  	v63 =	vadd.s32 v17, v59;
	v21 =	vand.u32 $0xFFFFFFF8, v37;
	v37 =	vor.u32 v49, v16;
	v16 =	vld.idx.msk [tilespmem:v61+s15+$0x0], $0xffff  }
0x155: {  	s28 =	simm.s32 $0x40;
	s26 =	simm.s32 $0x0;
	v42 =	vor.u32 v50, v63;
	v33 =	vand.u32 $0x7, v31;
	v43 =	vadd.s32 v18, v21;
	v21 =	vld.idx.msk [tilespmem:v62+s15+$0x0], $0xffff  }
.LBB2_7:
0x156: {  	p0 =	sne.s32 s28, $0x500;
	v36 =	vor.u32 v36, v43;
	v43 =	vadd.s32 v17, v44;
	v31 =	vand.u32 $0xFFFFFFF8, v31;
	v38 =	vld.idx.msk [tilespmem:v38+s15+$0x0], $0xffff  }
0x157: {  	v44 =	vand.u32 $0x7, v27;
	v45 =	vand.u32 $0x7, v26;
	v39 =	vor.u32 v39, v43;
	v40 =	vld.idx.msk [tilespmem:v40+s15+$0x0], $0xffff  }
0x158: {  	v46 =	vand.u32 $0x7, v29;
	v43 =	vand.u32 $0xFFFFFFF8, v30;
	v30 =	vand.u32 $0x7, v30;
	v41 =	vld.idx.msk [tilespmem:v41+s15+$0x0], $0xffff  }
0x159: {  	v29 =	vand.u32 $0xFFFFFFF8, v29;
	v47 =	vand.u32 $0x7, v25;
	v43 =	vadd.s32 v18, v43;
	v37 =	vld.idx.msk [tilespmem:v37+s15+$0x0], $0xffff  }
0x15a: {  	v27 =	vand.u32 $0xFFFFFFF8, v27;
	v29 =	vadd.s32 v17, v29;
	v30 =	vor.u32 v30, v43;
	v42 =	vld.idx.msk [tilespmem:v42+s15+$0x0], $0xffff  }
0x15b: {  	v26 =	vand.u32 $0xFFFFFFF8, v26;
	v27 =	vadd.s32 v18, v27;
	v29 =	vor.u32 v46, v29;
	v36 =	vld.idx.msk [tilespmem:v36+s15+$0x0], $0xffff  }
0x15c: {  	v25 =	vand.u32 $0xFFFFFFF8, v25;
	v26 =	vadd.s32 v17, v26;
	v27 =	vor.u32 v44, v27;
	v39 =	vld.idx.msk [tilespmem:v39+s15+$0x0], $0xffff  }
0x15d: {  	v25 =	vadd.s32 v18, v25;
	v26 =	vor.u32 v45, v26;
	v43 =	vand.u32 $0xFFFFFFF8, v23;
	v35 =	vld.idx.msk [tilespmem:v35+s15+$0x0], $0xffff  }
0x15e: {  	v25 =	vor.u32 v47, v25;
	v23 =	vand.u32 $0x7, v23;
	v43 =	vadd.s32 v17, v43;
	v34 =	vld.idx.msk [tilespmem:v34+s15+$0x0], $0xffff  }
0x15f: {  	v31 =	vadd.s32 v18, v31;
	v23 =	vor.u32 v23, v43;
	v43 =	vand.u32 $0xFFFFFFF8, v15;
	v30 =	vld.idx.msk [tilespmem:v30+s15+$0x0], $0xffff  }
0x160: {  	v31 =	vor.u32 v33, v31;
	v15 =	vand.u32 $0x7, v15;
	v33 =	vadd.s32 v17, v43;
	v29 =	vld.idx.msk [tilespmem:v29+s15+$0x0], $0xffff  }
0x161: {  	v32 =	vadd.s32 v18, v32;
	v15 =	vor.u32 v15, v33;
	v33 =	vand.u32 $0xFFFFFFF8, v7;
	v27 =	vld.idx.msk [tilespmem:v27+s15+$0x0], $0xffff  }
0x162: {  	v28 =	vor.u32 v28, v32;
	v7 =	vand.u32 $0x7, v7;
	v32 =	vadd.s32 v17, v33;
	v26 =	vld.idx.msk [tilespmem:v26+s15+$0x0], $0xffff  }
0x163: {  	v24 =	vadd.s32 v18, v24;
	v7 =	vor.u32 v7, v32;
	v32 =	vand.u32 $0xFFFFFFF8, v4;
	v25 =	vld.idx.msk [tilespmem:v25+s15+$0x0], $0xffff  }
0x164: {  	v22 =	vor.u32 v22, v24;
	v4 =	vand.u32 $0x7, v4;
	v24 =	vadd.s32 v17, v32;
	v23 =	vld.idx.msk [tilespmem:v23+s15+$0x0], $0xffff  }
0x165: {  	v20 =	vadd.s32 v18, v20;
	v4 =	vor.u32 v4, v24;
	v24 =	vand.u32 $0xFFFFFFF8, v1;
	v31 =	vld.idx.msk [tilespmem:v31+s15+$0x0], $0xffff  }
0x166: {  	v19 =	vor.u32 v19, v20;
	v1 =	vand.u32 $0x7, v1;
	v20 =	vadd.s32 v17, v24;
	v15 =	vld.idx.msk [tilespmem:v15+s15+$0x0], $0xffff  }
0x167: {  	v13 =	vadd.s32 v18, v13;
	v9 =	vadd.s32 v18, v9;
	v1 =	vor.u32 v1, v20;
	v24 =	vld.idx.msk [tilespmem:v28+s15+$0x0], $0xffff  }
0x168: {  	v12 =	vadd.s32 v17, v12;
	v6 =	vadd.s32 v17, v6;
	v10 =	vor.u32 v10, v13;
	v7 =	vld.idx.msk [tilespmem:v7+s15+$0x0], $0xffff  }
0x169: {  	v5 =	vor.u32 v5, v12;
	v13 =	vmul.f32 v35, v34;
	v17 =	vmul.f32 v29, v30;
	v18 =	vld.idx.msk [tilespmem:v22+s15+$0x0], $0xffff  }
0x16a: {  	v2 =	vor.u32 v2, v9;
	v12 =	vmul.f32 v26, v27;
	v20 =	vmul.f32 v23, v25;
	v4 =	vld.idx.msk [tilespmem:v4+s15+$0x0], $0xffff  }
0x16b: {  	v3 =	vor.u32 v3, v6;
	v9 =	vmul.f32 v39, v36;
	v19 =	vld.idx.msk [tilespmem:v19+s15+$0x0], $0xffff  }
0x16c: {  	v6 =	vadd.f32 v17, v13;
	v12 =	vadd.f32 v20, v12;
	v13 =	vmul.f32 v15, v31;
	v1 =	vld.idx.msk [tilespmem:v1+s15+$0x0], $0xffff  }
0x16d: {  	v15 =	vmul.f32 v42, v37;
	v10 =	vld.idx.msk [tilespmem:v10+s15+$0x0], $0xffff  }
0x16e: {  	v6 =	vadd.f32 v9, v6;
	v9 =	vadd.f32 v13, v12;
	v7 =	vmul.f32 v7, v24;
	v5 =	vld.idx.msk [tilespmem:v5+s15+$0x0], $0xffff  }
0x16f: {  	v12 =	vmul.f32 v41, v40;
	v2 =	vld.idx.msk [tilespmem:v2+s15+$0x0], $0xffff  }
0x170: {  	v6 =	vadd.f32 v15, v6;
	v7 =	vadd.f32 v7, v9;
	v4 =	vmul.f32 v4, v18;
	v3 =	vld.idx.msk [tilespmem:v3+s15+$0x0], $0xffff  }
0x171: {  	s29 =	sshra.s32 s28, $0x2;
	v9 =	vmul.f32 v38, v21  }
0x172: {  	v6 =	vadd.f32 v12, v6;
	v4 =	vadd.f32 v4, v7;
	v1 =	vmul.f32 v1, v19;
	v13 =	vld [tilespmem:s29+$0xE50]  }
0x173: {  	v7 =	vmul.f32 v16, v14;
	v12 =	vld [tilespmem:s29+$0x10F0]  }
0x174: {  	v6 =	vadd.f32 v9, v6;
	v1 =	vadd.f32 v1, v4;
	v4 =	vmul.f32 v5, v10  }
0x175: {  	v5 =	vmul.f32 v11, v8  }
0x176: {  	v6 =	vadd.f32 v7, v6;
	v1 =	vadd.f32 v4, v1;
	v2 =	vmul.f32 v3, v2  }
0x177: {  	v3 =	vadd.s32 $0xE, v13  }
0x178: {  	v4 =	vadd.f32 v5, v6;
	v1 =	vadd.f32 v2, v1;
	v8 =	vadd.s32 $0xE, v12  }
0x179: {  	v11 =	vadd.s32 $0xC, v13;
	v5 =	vadd.s32 $0xF, v13;
	v6 =	vadd.s32 $0xF, v12  }
0x17a: {  	v16 =	vadd.s32 $0xD, v13;
	v14 =	vadd.s32 $0xC, v12;
	v2 =	vadd.f32 v1, v4  }
0x17b: {  	v17 =	vadd.s32 $0xA, v13;
	v18 =	vadd.s32 $0xA, v12;
	v19 =	vadd.s32 $0xD, v12  }
0x17c: {  	v20 =	vadd.s32 $0x9, v13;
	v21 =	vadd.s32 $0xB, v13;
	v1 =	vadd.s32 $0xB, v12;
	[tilespmem:s26+$0x1CC70] =	vst v2;
	s26 =	smov.u32 s29  }
0x17d: {  	v32 =	vadd.s32 $0x6, v13;
	v33 =	vadd.s32 $0x6, v12;
	v4 =	vadd.s32 $0x9, v12;
	v2 =	vld [tilespmem:s26+$0xD00]  }
0x17e: {  	v34 =	vand.u32 $0x7, v13;
	v35 =	vadd.s32 $0x7, v13;
	v7 =	vadd.s32 $0x7, v12;
	v9 =	vld [tilespmem:s26+$0xFA0]  }
0x17f: {  	v42 =	vadd.s32 $0x4, v13;
	v37 =	vand.u32 $0x7, v12;
	v44 =	vadd.s32 $0x4, v12  }
0x180: {  	v38 =	vand.u32 $0xFFFFFFF8, v13;
	v31 =	vadd.s32 $0x5, v13;
	v15 =	vadd.s32 $0x5, v12  }
0x181: {  	v27 =	vadd.s32 $0x1, v13;
	v39 =	vand.u32 $0xFFFFFFF8, v12;
	v26 =	vadd.s32 $0x1, v12  }
0x182: {  	v30 =	vadd.s32 $0x2, v13;
	v25 =	vadd.s32 $0x3, v13;
	v29 =	vadd.s32 $0x2, v12  }
0x183: {  	v23 =	vadd.s32 $0x3, v12;
	v28 =	vmul.u32 $0x1A0, v2;
	v36 =	vmul.u32 $0x1A0, v9  }
0x184: {  	v40 =	vand.u32 $0x7, v3;
	v41 =	vand.u32 $0x7, v8;
	v2 =	vand.u32 $0x7, v5  }
0x185: {  	v43 =	vand.u32 $0xFFFFFFF8, v3;
	v8 =	vand.u32 $0xFFFFFFF8, v8;
	v3 =	vand.u32 $0x7, v6  }
0x186: {  	v45 =	vand.u32 $0x7, v11;
	v6 =	vand.u32 $0xFFFFFFF8, v6;
	v9 =	vand.u32 $0xFFFFFFF8, v5  }
0x187: {  	v10 =	vand.u32 $0x7, v16;
	v46 =	vand.u32 $0x7, v14;
	v5 =	vand.u32 $0x7, v19  }
0x188: {  	v11 =	vand.u32 $0xFFFFFFF8, v11;
	v13 =	vand.u32 $0xFFFFFFF8, v16;
	v14 =	vand.u32 $0xFFFFFFF8, v14  }
0x189: {  	v16 =	vand.u32 $0x7, v17;
	v47 =	vand.u32 $0x7, v18;
	v12 =	vand.u32 $0xFFFFFFF8, v19  }
0x18a: {  	v48 =	vand.u32 $0xFFFFFFF8, v17;
	v49 =	vand.u32 $0xFFFFFFF8, v18;
	v19 =	vand.u32 $0x7, v21  }
0x18b: {  	v24 =	vand.u32 $0xFFFFFFF8, v20;
	v22 =	vand.u32 $0x7, v20;
	v20 =	vand.u32 $0xFFFFFFF8, v21  }
0x18c: {  	v50 =	vand.u32 $0x7, v33;
	v21 =	vand.u32 $0x7, v32;
	v18 =	vadd.s32 $0x5480, v28  }
0x18d: {  	v28 =	vand.u32 $0x7, v35;
	v17 =	vadd.s32 $0x5480, v36;
	v36 =	vadd.s32 v18, v43  }
0x18e: {  	v43 =	vand.u32 $0xFFFFFFF8, v32;
	v40 =	vor.u32 v40, v36;
	v8 =	vadd.s32 v17, v8  }
0x18f: {  	v51 =	vand.u32 $0xFFFFFFF8, v33;
	v11 =	vadd.s32 v18, v11;
	v33 =	vor.u32 v41, v8  }
0x190: {  	v32 =	vand.u32 $0xFFFFFFF8, v35;
	v45 =	vor.u32 v45, v11;
	v8 =	vadd.s32 v17, v14  }
0x191: {  	v36 =	vand.u32 $0x7, v42;
	v11 =	vadd.s32 v18, v48;
	v46 =	vor.u32 v46, v8  }
0x192: {  	v48 =	vor.u32 v16, v11;
	v11 =	vadd.s32 v17, v49;
	v8 =	vadd.s32 v38, v18  }
.Ltmp2:
0x193: {  	v14 =	vadd.s32 v39, v17;
	v38 =	vor.u32 v47, v11;
	v34 =	vor.u32 v34, v8;
	v8 =	vld.idx.msk [tilespmem:v40+s15+$0x0], $0xffff;
	(pc) =	sbr.rel @p0 .LBB2_7-.Ltmp2, $4  }
0x194: {  	v39 =	vand.u32 $0x7, v44;
	v35 =	vor.u32 v37, v14;
	v40 =	vadd.s32 $0x8, v34;
	v11 =	vld.idx.msk [tilespmem:v33+s15+$0x0], $0xffff  }
0x195: {  	v16 =	vadd.s32 v18, v43;
	v41 =	vadd.s32 $0x8, v35;
	v33 =	vand.u32 $0x7, v31;
	v14 =	vld.idx.msk [tilespmem:v45+s15+$0x0], $0xffff  }
0x196: {  	v42 =	vand.u32 $0xFFFFFFF8, v42;
	v37 =	vor.u32 v21, v16;
	v21 =	vadd.s32 v17, v51;
	v16 =	vld.idx.msk [tilespmem:v46+s15+$0x0], $0xffff  }
0x197: {  	s28 =	sadd.s32 $0x40, s28;
	v43 =	vadd.s32 v18, v42;
	v44 =	vand.u32 $0xFFFFFFF8, v44;
	v42 =	vor.u32 v50, v21;
	v21 =	vld.idx.msk [tilespmem:v48+s15+$0x0], $0xffff  }
0x198: {  	_ =	sdelay $0x2  }
0x199: {  	v36 =	vor.u32 v36, v43;
	v52 =	vadd.s32 v17, v44  }
0x19a: {  	v31 =	vand.u32 $0xFFFFFFF8, v31;
	v38 =	vld.idx.msk [tilespmem:v38+s15+$0x0], $0xffff;
	v53 =	vand.u32 $0x7, v27;
	v45 =	vand.u32 $0x7, v26  }
0x19b: {  	v40 =	vld.idx.msk [tilespmem:v40+s15+$0x0], $0xffff;
	v54 =	vand.u32 $0xFFFFFFF8, v30;
	v30 =	vand.u32 $0x7, v30;
	v46 =	vand.u32 $0x7, v29  }
0x19c: {  	v41 =	vld.idx.msk [tilespmem:v41+s15+$0x0], $0xffff;
	v29 =	vand.u32 $0xFFFFFFF8, v29;
	v47 =	vand.u32 $0x7, v25;
	v27 =	vand.u32 $0xFFFFFFF8, v27  }
0x19d: {  	v37 =	vld.idx.msk [tilespmem:v37+s15+$0x0], $0xffff;
	v26 =	vand.u32 $0xFFFFFFF8, v26;
	v32 =	vadd.s32 v18, v32;
	v39 =	vor.u32 v39, v52  }
0x19e: {  	v42 =	vld.idx.msk [tilespmem:v42+s15+$0x0], $0xffff;
	v25 =	vand.u32 $0xFFFFFFF8, v25;
	v43 =	vadd.s32 v18, v54;
	v28 =	vor.u32 v28, v32  }
0x19f: {  	v55 =	vand.u32 $0xFFFFFFF8, v23;
	v35 =	vld.idx.msk [tilespmem:v35+s15+$0x0], $0xffff;
	v29 =	vadd.s32 v17, v29;
	v30 =	vor.u32 v30, v43  }
0x1a0: {  	v23 =	vand.u32 $0x7, v23;
	v34 =	vld.idx.msk [tilespmem:v34+s15+$0x0], $0xffff;
	v27 =	vadd.s32 v18, v27;
	v29 =	vor.u32 v46, v29  }
0x1a1: {  	v56 =	vand.u32 $0xFFFFFFF8, v15;
	v26 =	vadd.s32 v17, v26;
	v27 =	vor.u32 v53, v27;
	v36 =	vld.idx.msk [tilespmem:v36+s15+$0x0], $0xffff  }
0x1a2: {  	v20 =	vadd.s32 v18, v20;
	v25 =	vadd.s32 v18, v25;
	v26 =	vor.u32 v45, v26;
	v39 =	vld.idx.msk [tilespmem:v39+s15+$0x0], $0xffff  }
0x1a3: {  	v19 =	vor.u32 v19, v20;
	v43 =	vadd.s32 v17, v55;
	v25 =	vor.u32 v47, v25;
	v20 =	vld.idx.msk [tilespmem:v28+s15+$0x0], $0xffff  }
0x1a4: {  	v15 =	vand.u32 $0x7, v15;
	v31 =	vadd.s32 v18, v31;
	v23 =	vor.u32 v23, v43;
	v30 =	vld.idx.msk [tilespmem:v30+s15+$0x0], $0xffff  }
0x1a5: {  	v57 =	vand.u32 $0xFFFFFFF8, v7;
	v31 =	vor.u32 v33, v31;
	v43 =	vadd.s32 v17, v56;
	v29 =	vld.idx.msk [tilespmem:v29+s15+$0x0], $0xffff  }
0x1a6: {  	v7 =	vand.u32 $0x7, v7;
	v33 =	vadd.s32 v17, v57;
	v15 =	vor.u32 v15, v43;
	v27 =	vld.idx.msk [tilespmem:v27+s15+$0x0], $0xffff  }
0x1a7: {  	v58 =	vand.u32 $0xFFFFFFF8, v4;
	v24 =	vadd.s32 v18, v24;
	v7 =	vor.u32 v7, v33;
	v26 =	vld.idx.msk [tilespmem:v26+s15+$0x0], $0xffff  }
0x1a8: {  	v4 =	vand.u32 $0x7, v4;
	v32 =	vadd.s32 v17, v58;
	v22 =	vor.u32 v22, v24;
	v25 =	vld.idx.msk [tilespmem:v25+s15+$0x0], $0xffff  }
0x1a9: {  	v24 =	vand.u32 $0xFFFFFFF8, v1;
	v4 =	vor.u32 v4, v32;
	v23 =	vld.idx.msk [tilespmem:v23+s15+$0x0], $0xffff  }
0x1aa: {  	v1 =	vand.u32 $0x7, v1;
	v24 =	vadd.s32 v17, v24;
	v31 =	vld.idx.msk [tilespmem:v31+s15+$0x0], $0xffff  }
0x1ab: {  	v13 =	vadd.s32 v18, v13;
	v9 =	vadd.s32 v18, v9;
	v1 =	vor.u32 v1, v24;
	v15 =	vld.idx.msk [tilespmem:v15+s15+$0x0], $0xffff  }
0x1ac: {  	v12 =	vadd.s32 v17, v12;
	v6 =	vadd.s32 v17, v6;
	v10 =	vor.u32 v10, v13;
	v7 =	vld.idx.msk [tilespmem:v7+s15+$0x0], $0xffff  }
0x1ad: {  	v5 =	vor.u32 v5, v12;
	v13 =	vmul.f32 v35, v34;
	v18 =	vld.idx.msk [tilespmem:v22+s15+$0x0], $0xffff;
	v17 =	vmul.f32 v29, v30  }
0x1ae: {  	v2 =	vor.u32 v2, v9;
	v4 =	vld.idx.msk [tilespmem:v4+s15+$0x0], $0xffff;
	v12 =	vmul.f32 v26, v27;
	v22 =	vmul.f32 v23, v25  }
0x1af: {  	v3 =	vor.u32 v3, v6;
	v6 =	vld.idx.msk [tilespmem:v19+s15+$0x0], $0xffff;
	v9 =	vmul.f32 v39, v36  }
0x1b0: {  	v1 =	vld.idx.msk [tilespmem:v1+s15+$0x0], $0xffff;
	v13 =	vadd.f32 v17, v13;
	v15 =	vmul.f32 v15, v31;
	v12 =	vadd.f32 v22, v12  }
0x1b1: {  	v10 =	vld.idx.msk [tilespmem:v10+s15+$0x0], $0xffff;
	v7 =	vmul.f32 v7, v20  }
0x1b2: {  	v5 =	vld.idx.msk [tilespmem:v5+s15+$0x0], $0xffff;
	v17 =	vmul.f32 v42, v37;
	v9 =	vadd.f32 v9, v13;
	v12 =	vadd.f32 v15, v12  }
0x1b3: {  	v2 =	vld.idx.msk [tilespmem:v2+s15+$0x0], $0xffff;
	v4 =	vmul.f32 v4, v18  }
0x1b4: {  	v3 =	vld.idx.msk [tilespmem:v3+s15+$0x0], $0xffff;
	v13 =	vmul.f32 v41, v40;
	v9 =	vadd.f32 v17, v9;
	v7 =	vadd.f32 v7, v12  }
0x1b5: {  	v1 =	vmul.f32 v1, v6  }
0x1b6: {  	v12 =	vmul.f32 v38, v21;
	v9 =	vadd.f32 v13, v9;
	v4 =	vadd.f32 v4, v7  }
0x1b7: {  	v6 =	vmul.f32 v16, v14  }
0x1b8: {  	v7 =	vadd.f32 v12, v9;
	v1 =	vadd.f32 v1, v4;
	v4 =	vmul.f32 v5, v10  }
0x1b9: {  	v2 =	vmul.f32 v3, v2  }
0x1ba: {  	v5 =	vmul.f32 v11, v8;
	v6 =	vadd.f32 v6, v7;
	v1 =	vadd.f32 v4, v1;
	_ =	sdelay $0x1  }
0x1bb: {  	v3 =	vadd.f32 v5, v6;
	v1 =	vadd.f32 v2, v1;
	_ =	sdelay $0x1  }
0x1bc: {  	v1 =	vadd.f32 v1, v3;
	_ =	sdelay $0x1  }
0x1bd: {  	[tilespmem:s26+$0x1CC70] =	vst v1  }
0x1be: {  	v2 =	vld [tilespmem:s25+$0xE50]  }
0x1bf: {  	v3 =	vld [tilespmem:s25+$0x10F0];
	_ =	sdelay $0x3  }
0x1c0: {  	v5 =	vadd.s32 $0xE, v2  }
0x1c1: {  	v6 =	vadd.s32 $0xE, v3;
	v8 =	vadd.s32 $0xC, v2;
	v9 =	vadd.s32 $0xF, v2  }
0x1c2: {  	v10 =	vadd.s32 $0xF, v3;
	v11 =	vadd.s32 $0xC, v3;
	v12 =	vadd.s32 $0xD, v2  }
0x1c3: {  	v14 =	vadd.s32 $0xA, v2;
	v16 =	vadd.s32 $0xA, v3;
	v17 =	vadd.s32 $0xD, v3  }
0x1c4: {  	v18 =	vadd.s32 $0x9, v2;
	v20 =	vadd.s32 $0xB, v2;
	v1 =	vadd.s32 $0xB, v3  }
0x1c5: {  	v13 =	vld [tilespmem:s25+$0xD00];
	v21 =	vadd.s32 $0x6, v2;
	v59 =	vadd.s32 $0x6, v3;
	v4 =	vadd.s32 $0x9, v3  }
0x1c6: {  	v19 =	vld [tilespmem:s25+$0xFA0];
	v33 =	vand.u32 $0x7, v2;
	v60 =	vadd.s32 $0x7, v2;
	v7 =	vadd.s32 $0x7, v3  }
0x1c7: {  	v35 =	vand.u32 $0x7, v3;
	v37 =	vadd.s32 $0x4, v2;
	v42 =	vadd.s32 $0x4, v3  }
0x1c8: {  	v38 =	vand.u32 $0xFFFFFFF8, v2;
	v31 =	vadd.s32 $0x5, v2;
	v15 =	vadd.s32 $0x5, v3  }
0x1c9: {  	v39 =	vand.u32 $0xFFFFFFF8, v3;
	v27 =	vadd.s32 $0x1, v2;
	v26 =	vadd.s32 $0x1, v3  }
0x1ca: {  	v30 =	vadd.s32 $0x2, v2;
	v29 =	vadd.s32 $0x2, v3;
	v25 =	vadd.s32 $0x3, v2  }
0x1cb: {  	v28 =	vmul.u32 $0x1A0, v13;
	v61 =	vmul.u32 $0x1A0, v19;
	v23 =	vadd.s32 $0x3, v3  }
0x1cc: {  	v62 =	vand.u32 $0x7, v5;
	v63 =	vand.u32 $0x7, v6;
	v2 =	vand.u32 $0x7, v9  }
0x1cd: {  	v52 =	vand.u32 $0xFFFFFFF8, v5;
	v53 =	vand.u32 $0xFFFFFFF8, v6;
	v3 =	vand.u32 $0x7, v10  }
0x1ce: {  	v54 =	vand.u32 $0x7, v8;
	v9 =	vand.u32 $0xFFFFFFF8, v9;
	v6 =	vand.u32 $0xFFFFFFF8, v10  }
0x1cf: {  	v55 =	vand.u32 $0x7, v11;
	v10 =	vand.u32 $0x7, v12;
	v5 =	vand.u32 $0x7, v17  }
0x1d0: {  	v8 =	vand.u32 $0xFFFFFFF8, v8;
	v11 =	vand.u32 $0xFFFFFFF8, v11;
	v13 =	vand.u32 $0xFFFFFFF8, v12  }
0x1d1: {  	v56 =	vand.u32 $0x7, v14;
	v48 =	vand.u32 $0x7, v16;
	v12 =	vand.u32 $0xFFFFFFF8, v17  }
0x1d2: {  	v14 =	vand.u32 $0xFFFFFFF8, v14;
	v16 =	vand.u32 $0xFFFFFFF8, v16;
	v19 =	vand.u32 $0x7, v20  }
0x1d3: {  	v24 =	vand.u32 $0xFFFFFFF8, v18;
	v22 =	vand.u32 $0x7, v18;
	v20 =	vand.u32 $0xFFFFFFF8, v20  }
0x1d4: {  	v49 =	vand.u32 $0x7, v21;
	v50 =	vand.u32 $0x7, v59;
	v18 =	vadd.s32 $0x7EC0, v28  }
0x1d5: {  	v21 =	vand.u32 $0xFFFFFFF8, v21;
	v17 =	vadd.s32 $0x7EC0, v61;
	v57 =	vadd.s32 v18, v52  }
0x1d6: {  	v59 =	vand.u32 $0xFFFFFFF8, v59;
	v58 =	vadd.s32 v17, v53;
	v40 =	vor.u32 v62, v57  }
0x1d7: {  	v32 =	vand.u32 $0xFFFFFFF8, v60;
	v8 =	vadd.s32 v18, v8;
	v41 =	vor.u32 v63, v58  }
0x1d8: {  	v28 =	vand.u32 $0x7, v60;
	v60 =	vor.u32 v54, v8;
	v8 =	vadd.s32 v17, v11  }
0x1d9: {  	v36 =	vand.u32 $0x7, v37;
	v11 =	vadd.s32 v18, v14;
	v61 =	vor.u32 v55, v8  }
0x1da: {  	v8 =	vadd.s32 v38, v18;
	v62 =	vor.u32 v56, v11;
	v11 =	vadd.s32 v17, v16  }
0x1db: {  	v14 =	vadd.s32 v39, v17;
	v34 =	vor.u32 v33, v8;
	v38 =	vor.u32 v48, v11;
	v8 =	vld.idx.msk [tilespmem:v40+s15+$0x0], $0xffff  }
0x1dc: {  	v44 =	vand.u32 $0xFFFFFFF8, v42;
	v35 =	vor.u32 v35, v14;
	v40 =	vadd.s32 $0x8, v34;
	v11 =	vld.idx.msk [tilespmem:v41+s15+$0x0], $0xffff  }
0x1dd: {  	v39 =	vand.u32 $0x7, v42;
	v16 =	vadd.s32 v18, v21;
	v41 =	vadd.s32 $0x8, v35;
	v14 =	vld.idx.msk [tilespmem:v60+s15+$0x0], $0xffff  }
0x1de: {  	v63 =	vadd.s32 v17, v59;
	v21 =	vand.u32 $0xFFFFFFF8, v37;
	v37 =	vor.u32 v49, v16;
	v16 =	vld.idx.msk [tilespmem:v61+s15+$0x0], $0xffff  }
0x1df: {  	s26 =	simm.s32 $0x40;
	v42 =	vor.u32 v50, v63;
	v33 =	vand.u32 $0x7, v31;
	v43 =	vadd.s32 v18, v21;
	v21 =	vld.idx.msk [tilespmem:v62+s15+$0x0], $0xffff  }
.LBB2_9:
0x1e0: {  	p0 =	sne.s32 s26, $0x500;
	v36 =	vor.u32 v36, v43;
	v43 =	vadd.s32 v17, v44;
	v31 =	vand.u32 $0xFFFFFFF8, v31;
	v38 =	vld.idx.msk [tilespmem:v38+s15+$0x0], $0xffff  }
0x1e1: {  	v44 =	vand.u32 $0x7, v27;
	v45 =	vand.u32 $0x7, v26;
	v39 =	vor.u32 v39, v43;
	v40 =	vld.idx.msk [tilespmem:v40+s15+$0x0], $0xffff  }
0x1e2: {  	v46 =	vand.u32 $0x7, v29;
	v43 =	vand.u32 $0xFFFFFFF8, v30;
	v30 =	vand.u32 $0x7, v30;
	v41 =	vld.idx.msk [tilespmem:v41+s15+$0x0], $0xffff  }
0x1e3: {  	v29 =	vand.u32 $0xFFFFFFF8, v29;
	v47 =	vand.u32 $0x7, v25;
	v43 =	vadd.s32 v18, v43;
	v37 =	vld.idx.msk [tilespmem:v37+s15+$0x0], $0xffff  }
0x1e4: {  	v27 =	vand.u32 $0xFFFFFFF8, v27;
	v29 =	vadd.s32 v17, v29;
	v30 =	vor.u32 v30, v43;
	v42 =	vld.idx.msk [tilespmem:v42+s15+$0x0], $0xffff  }
0x1e5: {  	v26 =	vand.u32 $0xFFFFFFF8, v26;
	v27 =	vadd.s32 v18, v27;
	v29 =	vor.u32 v46, v29;
	v36 =	vld.idx.msk [tilespmem:v36+s15+$0x0], $0xffff  }
0x1e6: {  	v25 =	vand.u32 $0xFFFFFFF8, v25;
	v26 =	vadd.s32 v17, v26;
	v27 =	vor.u32 v44, v27;
	v39 =	vld.idx.msk [tilespmem:v39+s15+$0x0], $0xffff  }
0x1e7: {  	v25 =	vadd.s32 v18, v25;
	v26 =	vor.u32 v45, v26;
	v43 =	vand.u32 $0xFFFFFFF8, v23;
	v35 =	vld.idx.msk [tilespmem:v35+s15+$0x0], $0xffff  }
0x1e8: {  	v25 =	vor.u32 v47, v25;
	v23 =	vand.u32 $0x7, v23;
	v43 =	vadd.s32 v17, v43;
	v34 =	vld.idx.msk [tilespmem:v34+s15+$0x0], $0xffff  }
0x1e9: {  	v31 =	vadd.s32 v18, v31;
	v23 =	vor.u32 v23, v43;
	v43 =	vand.u32 $0xFFFFFFF8, v15;
	v30 =	vld.idx.msk [tilespmem:v30+s15+$0x0], $0xffff  }
0x1ea: {  	v31 =	vor.u32 v33, v31;
	v15 =	vand.u32 $0x7, v15;
	v33 =	vadd.s32 v17, v43;
	v29 =	vld.idx.msk [tilespmem:v29+s15+$0x0], $0xffff  }
0x1eb: {  	v32 =	vadd.s32 v18, v32;
	v15 =	vor.u32 v15, v33;
	v33 =	vand.u32 $0xFFFFFFF8, v7;
	v27 =	vld.idx.msk [tilespmem:v27+s15+$0x0], $0xffff  }
0x1ec: {  	v28 =	vor.u32 v28, v32;
	v7 =	vand.u32 $0x7, v7;
	v32 =	vadd.s32 v17, v33;
	v26 =	vld.idx.msk [tilespmem:v26+s15+$0x0], $0xffff  }
0x1ed: {  	v24 =	vadd.s32 v18, v24;
	v7 =	vor.u32 v7, v32;
	v32 =	vand.u32 $0xFFFFFFF8, v4;
	v25 =	vld.idx.msk [tilespmem:v25+s15+$0x0], $0xffff  }
0x1ee: {  	v22 =	vor.u32 v22, v24;
	v4 =	vand.u32 $0x7, v4;
	v24 =	vadd.s32 v17, v32;
	v23 =	vld.idx.msk [tilespmem:v23+s15+$0x0], $0xffff  }
0x1ef: {  	v20 =	vadd.s32 v18, v20;
	v4 =	vor.u32 v4, v24;
	v24 =	vand.u32 $0xFFFFFFF8, v1;
	v31 =	vld.idx.msk [tilespmem:v31+s15+$0x0], $0xffff  }
0x1f0: {  	v19 =	vor.u32 v19, v20;
	v1 =	vand.u32 $0x7, v1;
	v20 =	vadd.s32 v17, v24;
	v15 =	vld.idx.msk [tilespmem:v15+s15+$0x0], $0xffff  }
0x1f1: {  	v13 =	vadd.s32 v18, v13;
	v9 =	vadd.s32 v18, v9;
	v1 =	vor.u32 v1, v20;
	v24 =	vld.idx.msk [tilespmem:v28+s15+$0x0], $0xffff  }
0x1f2: {  	v12 =	vadd.s32 v17, v12;
	v6 =	vadd.s32 v17, v6;
	v10 =	vor.u32 v10, v13;
	v7 =	vld.idx.msk [tilespmem:v7+s15+$0x0], $0xffff  }
0x1f3: {  	v5 =	vor.u32 v5, v12;
	v13 =	vmul.f32 v35, v34;
	v17 =	vmul.f32 v29, v30;
	v18 =	vld.idx.msk [tilespmem:v22+s15+$0x0], $0xffff  }
0x1f4: {  	v2 =	vor.u32 v2, v9;
	v12 =	vmul.f32 v26, v27;
	v20 =	vmul.f32 v23, v25;
	v4 =	vld.idx.msk [tilespmem:v4+s15+$0x0], $0xffff  }
0x1f5: {  	v3 =	vor.u32 v3, v6;
	v9 =	vmul.f32 v39, v36;
	v19 =	vld.idx.msk [tilespmem:v19+s15+$0x0], $0xffff  }
0x1f6: {  	v6 =	vadd.f32 v17, v13;
	v12 =	vadd.f32 v20, v12;
	v13 =	vmul.f32 v15, v31;
	v1 =	vld.idx.msk [tilespmem:v1+s15+$0x0], $0xffff  }
0x1f7: {  	v15 =	vmul.f32 v42, v37;
	v10 =	vld.idx.msk [tilespmem:v10+s15+$0x0], $0xffff  }
0x1f8: {  	v6 =	vadd.f32 v9, v6;
	v9 =	vadd.f32 v13, v12;
	v7 =	vmul.f32 v7, v24;
	v5 =	vld.idx.msk [tilespmem:v5+s15+$0x0], $0xffff  }
0x1f9: {  	v12 =	vmul.f32 v41, v40;
	v2 =	vld.idx.msk [tilespmem:v2+s15+$0x0], $0xffff  }
0x1fa: {  	v6 =	vadd.f32 v15, v6;
	v7 =	vadd.f32 v7, v9;
	v4 =	vmul.f32 v4, v18;
	v3 =	vld.idx.msk [tilespmem:v3+s15+$0x0], $0xffff  }
0x1fb: {  	s28 =	sshra.s32 s26, $0x2;
	v9 =	vmul.f32 v38, v21  }
0x1fc: {  	v6 =	vadd.f32 v12, v6;
	v4 =	vadd.f32 v4, v7;
	v1 =	vmul.f32 v1, v19;
	v13 =	vld [tilespmem:s28+$0xE50]  }
0x1fd: {  	v7 =	vmul.f32 v16, v14;
	v12 =	vld [tilespmem:s28+$0x10F0]  }
0x1fe: {  	v6 =	vadd.f32 v9, v6;
	v1 =	vadd.f32 v1, v4;
	v4 =	vmul.f32 v5, v10  }
0x1ff: {  	v5 =	vmul.f32 v11, v8  }
0x200: {  	v6 =	vadd.f32 v7, v6;
	v1 =	vadd.f32 v4, v1;
	v2 =	vmul.f32 v3, v2  }
0x201: {  	v3 =	vadd.s32 $0xE, v13  }
0x202: {  	v4 =	vadd.f32 v5, v6;
	v1 =	vadd.f32 v2, v1;
	v8 =	vadd.s32 $0xE, v12  }
0x203: {  	v11 =	vadd.s32 $0xC, v13;
	v5 =	vadd.s32 $0xF, v13;
	v6 =	vadd.s32 $0xF, v12  }
0x204: {  	v16 =	vadd.s32 $0xD, v13;
	v14 =	vadd.s32 $0xC, v12;
	v2 =	vadd.f32 v1, v4  }
0x205: {  	v17 =	vadd.s32 $0xA, v13;
	v18 =	vadd.s32 $0xA, v12;
	v19 =	vadd.s32 $0xD, v12  }
0x206: {  	v20 =	vadd.s32 $0x9, v13;
	v21 =	vadd.s32 $0xB, v13;
	v1 =	vadd.s32 $0xB, v12;
	[tilespmem:s25+$0x1CDC0] =	vst v2;
	s25 =	smov.u32 s28  }
0x207: {  	v32 =	vadd.s32 $0x6, v13;
	v33 =	vadd.s32 $0x6, v12;
	v4 =	vadd.s32 $0x9, v12;
	v2 =	vld [tilespmem:s25+$0xD00]  }
0x208: {  	v34 =	vand.u32 $0x7, v13;
	v35 =	vadd.s32 $0x7, v13;
	v7 =	vadd.s32 $0x7, v12;
	v9 =	vld [tilespmem:s25+$0xFA0]  }
0x209: {  	v42 =	vadd.s32 $0x4, v13;
	v37 =	vand.u32 $0x7, v12;
	v44 =	vadd.s32 $0x4, v12  }
0x20a: {  	v38 =	vand.u32 $0xFFFFFFF8, v13;
	v31 =	vadd.s32 $0x5, v13;
	v15 =	vadd.s32 $0x5, v12  }
0x20b: {  	v27 =	vadd.s32 $0x1, v13;
	v39 =	vand.u32 $0xFFFFFFF8, v12;
	v26 =	vadd.s32 $0x1, v12  }
0x20c: {  	v30 =	vadd.s32 $0x2, v13;
	v25 =	vadd.s32 $0x3, v13;
	v29 =	vadd.s32 $0x2, v12  }
0x20d: {  	v23 =	vadd.s32 $0x3, v12;
	v28 =	vmul.u32 $0x1A0, v2;
	v36 =	vmul.u32 $0x1A0, v9  }
0x20e: {  	v40 =	vand.u32 $0x7, v3;
	v41 =	vand.u32 $0x7, v8;
	v2 =	vand.u32 $0x7, v5  }
0x20f: {  	v43 =	vand.u32 $0xFFFFFFF8, v3;
	v8 =	vand.u32 $0xFFFFFFF8, v8;
	v3 =	vand.u32 $0x7, v6  }
0x210: {  	v45 =	vand.u32 $0x7, v11;
	v6 =	vand.u32 $0xFFFFFFF8, v6;
	v9 =	vand.u32 $0xFFFFFFF8, v5  }
0x211: {  	v10 =	vand.u32 $0x7, v16;
	v46 =	vand.u32 $0x7, v14;
	v5 =	vand.u32 $0x7, v19  }
0x212: {  	v11 =	vand.u32 $0xFFFFFFF8, v11;
	v13 =	vand.u32 $0xFFFFFFF8, v16;
	v14 =	vand.u32 $0xFFFFFFF8, v14  }
0x213: {  	v16 =	vand.u32 $0x7, v17;
	v47 =	vand.u32 $0x7, v18;
	v12 =	vand.u32 $0xFFFFFFF8, v19  }
0x214: {  	v48 =	vand.u32 $0xFFFFFFF8, v17;
	v49 =	vand.u32 $0xFFFFFFF8, v18;
	v19 =	vand.u32 $0x7, v21  }
0x215: {  	v24 =	vand.u32 $0xFFFFFFF8, v20;
	v22 =	vand.u32 $0x7, v20;
	v20 =	vand.u32 $0xFFFFFFF8, v21  }
0x216: {  	v50 =	vand.u32 $0x7, v33;
	v21 =	vand.u32 $0x7, v32;
	v18 =	vadd.s32 $0x7EC0, v28  }
0x217: {  	v28 =	vand.u32 $0x7, v35;
	v17 =	vadd.s32 $0x7EC0, v36;
	v36 =	vadd.s32 v18, v43  }
0x218: {  	v43 =	vand.u32 $0xFFFFFFF8, v32;
	v40 =	vor.u32 v40, v36;
	v8 =	vadd.s32 v17, v8  }
0x219: {  	v51 =	vand.u32 $0xFFFFFFF8, v33;
	v11 =	vadd.s32 v18, v11;
	v33 =	vor.u32 v41, v8  }
0x21a: {  	v32 =	vand.u32 $0xFFFFFFF8, v35;
	v45 =	vor.u32 v45, v11;
	v8 =	vadd.s32 v17, v14  }
0x21b: {  	v36 =	vand.u32 $0x7, v42;
	v11 =	vadd.s32 v18, v48;
	v46 =	vor.u32 v46, v8  }
0x21c: {  	v48 =	vor.u32 v16, v11;
	v11 =	vadd.s32 v17, v49;
	v8 =	vadd.s32 v38, v18  }
.Ltmp3:
0x21d: {  	v14 =	vadd.s32 v39, v17;
	v38 =	vor.u32 v47, v11;
	v34 =	vor.u32 v34, v8;
	v8 =	vld.idx.msk [tilespmem:v40+s15+$0x0], $0xffff;
	(pc) =	sbr.rel @p0 .LBB2_9-.Ltmp3, $4  }
0x21e: {  	v39 =	vand.u32 $0x7, v44;
	v35 =	vor.u32 v37, v14;
	v40 =	vadd.s32 $0x8, v34;
	v11 =	vld.idx.msk [tilespmem:v33+s15+$0x0], $0xffff  }
0x21f: {  	v16 =	vadd.s32 v18, v43;
	v41 =	vadd.s32 $0x8, v35;
	v33 =	vand.u32 $0x7, v31;
	v14 =	vld.idx.msk [tilespmem:v45+s15+$0x0], $0xffff  }
0x220: {  	v42 =	vand.u32 $0xFFFFFFF8, v42;
	v37 =	vor.u32 v21, v16;
	v21 =	vadd.s32 v17, v51;
	v16 =	vld.idx.msk [tilespmem:v46+s15+$0x0], $0xffff  }
0x221: {  	s26 =	sadd.s32 $0x40, s26;
	v43 =	vadd.s32 v18, v42;
	v44 =	vand.u32 $0xFFFFFFF8, v44;
	v42 =	vor.u32 v50, v21;
	v21 =	vld.idx.msk [tilespmem:v48+s15+$0x0], $0xffff  }
0x222: {  	_ =	sdelay $0x2  }
0x223: {  	v36 =	vor.u32 v36, v43;
	v52 =	vadd.s32 v17, v44  }
0x224: {  	v31 =	vand.u32 $0xFFFFFFF8, v31;
	v38 =	vld.idx.msk [tilespmem:v38+s15+$0x0], $0xffff;
	v53 =	vand.u32 $0x7, v27;
	v45 =	vand.u32 $0x7, v26  }
0x225: {  	v40 =	vld.idx.msk [tilespmem:v40+s15+$0x0], $0xffff;
	v54 =	vand.u32 $0xFFFFFFF8, v30;
	v30 =	vand.u32 $0x7, v30;
	v46 =	vand.u32 $0x7, v29  }
0x226: {  	v41 =	vld.idx.msk [tilespmem:v41+s15+$0x0], $0xffff;
	v29 =	vand.u32 $0xFFFFFFF8, v29;
	v47 =	vand.u32 $0x7, v25;
	v27 =	vand.u32 $0xFFFFFFF8, v27  }
0x227: {  	v37 =	vld.idx.msk [tilespmem:v37+s15+$0x0], $0xffff;
	v26 =	vand.u32 $0xFFFFFFF8, v26;
	v32 =	vadd.s32 v18, v32;
	v39 =	vor.u32 v39, v52  }
0x228: {  	v42 =	vld.idx.msk [tilespmem:v42+s15+$0x0], $0xffff;
	v25 =	vand.u32 $0xFFFFFFF8, v25;
	v43 =	vadd.s32 v18, v54;
	v28 =	vor.u32 v28, v32  }
0x229: {  	v55 =	vand.u32 $0xFFFFFFF8, v23;
	v35 =	vld.idx.msk [tilespmem:v35+s15+$0x0], $0xffff;
	v29 =	vadd.s32 v17, v29;
	v30 =	vor.u32 v30, v43  }
0x22a: {  	v23 =	vand.u32 $0x7, v23;
	v34 =	vld.idx.msk [tilespmem:v34+s15+$0x0], $0xffff;
	v27 =	vadd.s32 v18, v27;
	v29 =	vor.u32 v46, v29  }
0x22b: {  	v56 =	vand.u32 $0xFFFFFFF8, v15;
	v26 =	vadd.s32 v17, v26;
	v27 =	vor.u32 v53, v27;
	v36 =	vld.idx.msk [tilespmem:v36+s15+$0x0], $0xffff  }
0x22c: {  	v20 =	vadd.s32 v18, v20;
	v25 =	vadd.s32 v18, v25;
	v26 =	vor.u32 v45, v26;
	v39 =	vld.idx.msk [tilespmem:v39+s15+$0x0], $0xffff  }
0x22d: {  	v19 =	vor.u32 v19, v20;
	v43 =	vadd.s32 v17, v55;
	v25 =	vor.u32 v47, v25;
	v20 =	vld.idx.msk [tilespmem:v28+s15+$0x0], $0xffff  }
0x22e: {  	v15 =	vand.u32 $0x7, v15;
	v31 =	vadd.s32 v18, v31;
	v23 =	vor.u32 v23, v43;
	v30 =	vld.idx.msk [tilespmem:v30+s15+$0x0], $0xffff  }
0x22f: {  	v57 =	vand.u32 $0xFFFFFFF8, v7;
	v31 =	vor.u32 v33, v31;
	v43 =	vadd.s32 v17, v56;
	v29 =	vld.idx.msk [tilespmem:v29+s15+$0x0], $0xffff  }
0x230: {  	v7 =	vand.u32 $0x7, v7;
	v33 =	vadd.s32 v17, v57;
	v15 =	vor.u32 v15, v43;
	v27 =	vld.idx.msk [tilespmem:v27+s15+$0x0], $0xffff  }
0x231: {  	v58 =	vand.u32 $0xFFFFFFF8, v4;
	v24 =	vadd.s32 v18, v24;
	v7 =	vor.u32 v7, v33;
	v26 =	vld.idx.msk [tilespmem:v26+s15+$0x0], $0xffff  }
0x232: {  	v4 =	vand.u32 $0x7, v4;
	v32 =	vadd.s32 v17, v58;
	v22 =	vor.u32 v22, v24;
	v25 =	vld.idx.msk [tilespmem:v25+s15+$0x0], $0xffff  }
0x233: {  	v24 =	vand.u32 $0xFFFFFFF8, v1;
	v4 =	vor.u32 v4, v32;
	v23 =	vld.idx.msk [tilespmem:v23+s15+$0x0], $0xffff  }
0x234: {  	v1 =	vand.u32 $0x7, v1;
	v24 =	vadd.s32 v17, v24;
	v31 =	vld.idx.msk [tilespmem:v31+s15+$0x0], $0xffff  }
0x235: {  	v13 =	vadd.s32 v18, v13;
	v9 =	vadd.s32 v18, v9;
	v1 =	vor.u32 v1, v24;
	v15 =	vld.idx.msk [tilespmem:v15+s15+$0x0], $0xffff  }
0x236: {  	v12 =	vadd.s32 v17, v12;
	v6 =	vadd.s32 v17, v6;
	v10 =	vor.u32 v10, v13;
	v7 =	vld.idx.msk [tilespmem:v7+s15+$0x0], $0xffff  }
0x237: {  	v5 =	vor.u32 v5, v12;
	v13 =	vmul.f32 v35, v34;
	v18 =	vld.idx.msk [tilespmem:v22+s15+$0x0], $0xffff;
	v17 =	vmul.f32 v29, v30  }
0x238: {  	v2 =	vor.u32 v2, v9;
	v4 =	vld.idx.msk [tilespmem:v4+s15+$0x0], $0xffff;
	v12 =	vmul.f32 v26, v27;
	v22 =	vmul.f32 v23, v25  }
0x239: {  	v3 =	vor.u32 v3, v6;
	v6 =	vld.idx.msk [tilespmem:v19+s15+$0x0], $0xffff;
	v9 =	vmul.f32 v39, v36  }
0x23a: {  	v1 =	vld.idx.msk [tilespmem:v1+s15+$0x0], $0xffff;
	v13 =	vadd.f32 v17, v13;
	v15 =	vmul.f32 v15, v31;
	v12 =	vadd.f32 v22, v12  }
0x23b: {  	v10 =	vld.idx.msk [tilespmem:v10+s15+$0x0], $0xffff;
	v7 =	vmul.f32 v7, v20  }
0x23c: {  	v5 =	vld.idx.msk [tilespmem:v5+s15+$0x0], $0xffff;
	v17 =	vmul.f32 v42, v37;
	v9 =	vadd.f32 v9, v13;
	v12 =	vadd.f32 v15, v12  }
0x23d: {  	v2 =	vld.idx.msk [tilespmem:v2+s15+$0x0], $0xffff;
	v4 =	vmul.f32 v4, v18  }
0x23e: {  	v3 =	vld.idx.msk [tilespmem:v3+s15+$0x0], $0xffff;
	v13 =	vmul.f32 v41, v40;
	v9 =	vadd.f32 v17, v9;
	v7 =	vadd.f32 v7, v12  }
0x23f: {  	v1 =	vmul.f32 v1, v6  }
0x240: {  	v12 =	vmul.f32 v38, v21;
	v9 =	vadd.f32 v13, v9;
	v4 =	vadd.f32 v4, v7  }
0x241: {  	v6 =	vmul.f32 v16, v14  }
0x242: {  	v7 =	vadd.f32 v12, v9;
	v1 =	vadd.f32 v1, v4;
	v4 =	vmul.f32 v5, v10  }
0x243: {  	v2 =	vmul.f32 v3, v2  }
0x244: {  	v5 =	vmul.f32 v11, v8;
	v6 =	vadd.f32 v6, v7;
	v1 =	vadd.f32 v4, v1;
	_ =	sdelay $0x1  }
0x245: {  	s26 =	sshll.u32 s22, $0x3;
	v3 =	vadd.f32 v5, v6;
	v1 =	vadd.f32 v2, v1  }
0x246: {  	s26 =	sadd.s32 s8, s26  }
0x247: {  	s26 =	smul.u32 $0x2A, s26;
	v1 =	vadd.f32 v1, v3  }
0x248: {  	s24 =	sadd.s32 $0x2, s24  }
0x249: {  	s31 =	simm.s32 $0x0;
	s24 =	sand.u32 $0x1E, s24;
	s30 =	sadd.s32 s6, s26;
	[tilespmem:s25+$0x1CDC0] =	vst v1  }
0x24a: {  	[hbm4b:s30+s31] =	stream.linear.scatter [tilespmem:s18], [sflag:$0x3], $0x540, $0x38;
	[tilespmem:$0x1CF90] =	vst v63  }
0x24b: {  	s24 =	smul.u32 $0x1A0, s24;
	_ =	swait.ge [sflag:s11], $0x540  }
0x24c: {  	[sflag:s11] =	ssyncset.done $0x0  }
0x24d: {  	s24 =	sshrl.u32 s24, $0x2;
	[sflag:s11] =	ssyncadd.s32 $0xFFFFFAC0  }
0x24e: {  	[tilespmem:s15], [sflag:$0x1] =	stream.indirect.gather [hbm4b:s5+s14], $0x1A0, s24, s14, $0xb8;
	[tilespmem:$0x1CF90] =	vst v63  }
0x24f: {  	_ =	swait.ge [sflag:s19], $0xA900  }
0x250: {  	[sflag:s19] =	ssyncset.done $0x0  }
0x251: {  	s24 =	simm.s32 $0x0;
	[sflag:s19] =	ssyncadd.s32 $0xFFFF5700  }
0x252: {  	v2 =	vld [tilespmem:s24+$0xE50]  }
0x253: {  	v5 =	vld [tilespmem:s24+$0x10F0];
	_ =	sdelay $0x4  }
0x254: {  	v7 =	vadd.s32 $0xE, v2;
	v8 =	vadd.s32 $0xE, v5  }
0x255: {  	v9 =	vadd.s32 $0xF, v2;
	v12 =	vadd.s32 $0xC, v2;
	v14 =	vadd.s32 $0xC, v5  }
0x256: {  	v13 =	vadd.s32 $0xF, v5;
	v15 =	vadd.s32 $0xD, v2;
	v16 =	vadd.s32 $0xD, v5  }
0x257: {  	v3 =	vld [tilespmem:s24+$0xD00];
	v18 =	vadd.s32 $0xA, v2;
	v20 =	vadd.s32 $0xA, v5;
	v21 =	vadd.s32 $0xB, v2  }
0x258: {  	v11 =	vld [tilespmem:s24+$0xFA0];
	v22 =	vadd.s32 $0x9, v2;
	v4 =	vadd.s32 $0x9, v5;
	v1 =	vadd.s32 $0xB, v5  }
0x259: {  	v59 =	vadd.s32 $0x6, v2;
	v60 =	vadd.s32 $0x6, v5;
	v61 =	vadd.s32 $0x7, v2  }
0x25a: {  	v35 =	vand.u32 $0x7, v2;
	v36 =	vand.u32 $0x7, v5;
	v10 =	vadd.s32 $0x7, v5  }
0x25b: {  	v37 =	vadd.s32 $0x4, v2;
	v42 =	vadd.s32 $0x4, v5;
	v44 =	vadd.s32 $0x5, v2  }
0x25c: {  	v62 =	vand.u32 $0xFFFFFFF8, v2;
	v63 =	vand.u32 $0xFFFFFFF8, v5;
	v17 =	vadd.s32 $0x5, v5  }
0x25d: {  	v6 =	vmul.u32 $0x1A0, v3;
	v3 =	vmul.u32 $0x1A0, v11;
	v29 =	vadd.s32 $0x1, v2  }
0x25e: {  	v27 =	vadd.s32 $0x1, v5;
	v31 =	vadd.s32 $0x2, v2;
	v30 =	vadd.s32 $0x2, v5  }
0x25f: {  	v26 =	vadd.s32 $0x3, v2;
	v23 =	vadd.s32 $0x3, v5;
	v52 =	vand.u32 $0x7, v7  }
0x260: {  	v53 =	vand.u32 $0x7, v8;
	v5 =	vand.u32 $0x7, v9;
	v2 =	vand.u32 $0x7, v13  }
0x261: {  	v54 =	vand.u32 $0xFFFFFFF8, v7;
	v8 =	vand.u32 $0xFFFFFFF8, v8;
	v11 =	vand.u32 $0xFFFFFFF8, v9  }
0x262: {  	v55 =	vand.u32 $0x7, v12;
	v56 =	vand.u32 $0x7, v14;
	v9 =	vand.u32 $0xFFFFFFF8, v13  }
0x263: {  	v12 =	vand.u32 $0xFFFFFFF8, v12;
	v13 =	vand.u32 $0x7, v15;
	v7 =	vand.u32 $0x7, v16  }
0x264: {  	v57 =	vand.u32 $0xFFFFFFF8, v14;
	v15 =	vand.u32 $0xFFFFFFF8, v15;
	v14 =	vand.u32 $0xFFFFFFF8, v16  }
0x265: {  	v16 =	vand.u32 $0x7, v18;
	v48 =	vand.u32 $0x7, v20;
	v19 =	vand.u32 $0x7, v21  }
0x266: {  	v18 =	vand.u32 $0xFFFFFFF8, v18;
	v20 =	vand.u32 $0xFFFFFFF8, v20;
	v21 =	vand.u32 $0xFFFFFFF8, v21  }
0x267: {  	v49 =	vand.u32 $0x7, v59;
	v25 =	vand.u32 $0xFFFFFFF8, v22;
	v24 =	vand.u32 $0x7, v22  }
0x268: {  	v22 =	vand.u32 $0x7, v60;
	v28 =	vand.u32 $0x7, v61;
	v43 =	vadd.s32 v6, v54  }
0x269: {  	v50 =	vand.u32 $0xFFFFFFF8, v59;
	v8 =	vadd.s32 v3, v8;
	v40 =	vor.u32 v52, v43  }
0x26a: {  	v58 =	vand.u32 $0xFFFFFFF8, v60;
	v12 =	vadd.s32 v6, v12;
	v59 =	vor.u32 v53, v8  }
0x26b: {  	v32 =	vand.u32 $0xFFFFFFF8, v61;
	v45 =	vor.u32 v55, v12;
	v8 =	vadd.s32 v3, v57  }
0x26c: {  	v60 =	vand.u32 $0x7, v37;
	v12 =	vadd.s32 v6, v18;
	v18 =	vor.u32 v56, v8  }
0x26d: {  	v8 =	vadd.s32 v6, v62;
	v61 =	vor.u32 v16, v12;
	v12 =	vadd.s32 v3, v20  }
0x26e: {  	v16 =	vadd.s32 v3, v63;
	v34 =	vor.u32 v35, v8;
	v48 =	vor.u32 v48, v12;
	v8 =	vld.idx.msk [tilespmem:v40+s16+$0x0], $0xffff  }
0x26f: {  	v39 =	vand.u32 $0x7, v42;
	v35 =	vor.u32 v36, v16;
	v40 =	vadd.s32 $0x8, v34;
	v12 =	vld.idx.msk [tilespmem:v59+s16+$0x0], $0xffff  }
0x270: {  	v33 =	vand.u32 $0x7, v44;
	v20 =	vadd.s32 v6, v50;
	v41 =	vadd.s32 $0x8, v35;
	v16 =	vld.idx.msk [tilespmem:v45+s16+$0x0], $0xffff  }
0x271: {  	v62 =	vand.u32 $0xFFFFFFF8, v37;
	v38 =	vor.u32 v49, v20;
	v20 =	vadd.s32 v3, v58;
	v18 =	vld.idx.msk [tilespmem:v18+s16+$0x0], $0xffff  }
0x272: {  	v63 =	vand.u32 $0xFFFFFFF8, v42;
	v36 =	vadd.s32 v6, v62;
	v42 =	vor.u32 v22, v20;
	v20 =	vld.idx.msk [tilespmem:v61+s16+$0x0], $0xffff  }
0x273: {  	s25 =	simm.s32 $0x40;
	v43 =	vadd.s32 v3, v63;
	v37 =	vor.u32 v60, v36;
	v36 =	vand.u32 $0xFFFFFFF8, v44;
	v22 =	vld.idx.msk [tilespmem:v48+s16+$0x0], $0xffff  }
.LBB2_11:
0x274: {  	p0 =	sne.s32 s25, $0x500;
	v44 =	vand.u32 $0x7, v29;
	v45 =	vand.u32 $0x7, v27;
	v39 =	vor.u32 v39, v43;
	v40 =	vld.idx.msk [tilespmem:v40+s16+$0x0], $0xffff  }
0x275: {  	v43 =	vand.u32 $0xFFFFFFF8, v31;
	v31 =	vand.u32 $0x7, v31;
	v46 =	vand.u32 $0x7, v30;
	v41 =	vld.idx.msk [tilespmem:v41+s16+$0x0], $0xffff  }
0x276: {  	v30 =	vand.u32 $0xFFFFFFF8, v30;
	v47 =	vand.u32 $0x7, v26;
	v43 =	vadd.s32 v6, v43;
	v38 =	vld.idx.msk [tilespmem:v38+s16+$0x0], $0xffff  }
0x277: {  	v29 =	vand.u32 $0xFFFFFFF8, v29;
	v30 =	vadd.s32 v3, v30;
	v31 =	vor.u32 v31, v43;
	v42 =	vld.idx.msk [tilespmem:v42+s16+$0x0], $0xffff  }
0x278: {  	v27 =	vand.u32 $0xFFFFFFF8, v27;
	v29 =	vadd.s32 v6, v29;
	v30 =	vor.u32 v46, v30;
	v37 =	vld.idx.msk [tilespmem:v37+s16+$0x0], $0xffff  }
0x279: {  	v26 =	vand.u32 $0xFFFFFFF8, v26;
	v27 =	vadd.s32 v3, v27;
	v29 =	vor.u32 v44, v29;
	v39 =	vld.idx.msk [tilespmem:v39+s16+$0x0], $0xffff  }
0x27a: {  	v26 =	vadd.s32 v6, v26;
	v27 =	vor.u32 v45, v27;
	v43 =	vand.u32 $0xFFFFFFF8, v23;
	v35 =	vld.idx.msk [tilespmem:v35+s16+$0x0], $0xffff  }
0x27b: {  	v26 =	vor.u32 v47, v26;
	v23 =	vand.u32 $0x7, v23;
	v43 =	vadd.s32 v3, v43;
	v34 =	vld.idx.msk [tilespmem:v34+s16+$0x0], $0xffff  }
0x27c: {  	v36 =	vadd.s32 v6, v36;
	v23 =	vor.u32 v23, v43;
	v43 =	vand.u32 $0xFFFFFFF8, v17;
	v31 =	vld.idx.msk [tilespmem:v31+s16+$0x0], $0xffff  }
0x27d: {  	v33 =	vor.u32 v33, v36;
	v17 =	vand.u32 $0x7, v17;
	v36 =	vadd.s32 v3, v43;
	v30 =	vld.idx.msk [tilespmem:v30+s16+$0x0], $0xffff  }
0x27e: {  	v32 =	vadd.s32 v6, v32;
	v17 =	vor.u32 v17, v36;
	v36 =	vand.u32 $0xFFFFFFF8, v10;
	v29 =	vld.idx.msk [tilespmem:v29+s16+$0x0], $0xffff  }
0x27f: {  	v28 =	vor.u32 v28, v32;
	v10 =	vand.u32 $0x7, v10;
	v32 =	vadd.s32 v3, v36;
	v27 =	vld.idx.msk [tilespmem:v27+s16+$0x0], $0xffff  }
0x280: {  	v25 =	vadd.s32 v6, v25;
	v10 =	vor.u32 v10, v32;
	v32 =	vand.u32 $0xFFFFFFF8, v4;
	v26 =	vld.idx.msk [tilespmem:v26+s16+$0x0], $0xffff  }
0x281: {  	v24 =	vor.u32 v24, v25;
	v4 =	vand.u32 $0x7, v4;
	v25 =	vadd.s32 v3, v32;
	v23 =	vld.idx.msk [tilespmem:v23+s16+$0x0], $0xffff  }
0x282: {  	v21 =	vadd.s32 v6, v21;
	v4 =	vor.u32 v4, v25;
	v25 =	vand.u32 $0xFFFFFFF8, v1;
	v32 =	vld.idx.msk [tilespmem:v33+s16+$0x0], $0xffff  }
0x283: {  	v19 =	vor.u32 v19, v21;
	v1 =	vand.u32 $0x7, v1;
	v21 =	vadd.s32 v3, v25;
	v17 =	vld.idx.msk [tilespmem:v17+s16+$0x0], $0xffff  }
0x284: {  	v15 =	vadd.s32 v6, v15;
	v6 =	vadd.s32 v6, v11;
	v1 =	vor.u32 v1, v21;
	v25 =	vld.idx.msk [tilespmem:v28+s16+$0x0], $0xffff  }
0x285: {  	v11 =	vor.u32 v13, v15;
	v13 =	vadd.s32 v3, v14;
	v3 =	vadd.s32 v3, v9;
	v10 =	vld.idx.msk [tilespmem:v10+s16+$0x0], $0xffff  }
0x286: {  	v7 =	vor.u32 v7, v13;
	v9 =	vmul.f32 v35, v34;
	v14 =	vmul.f32 v30, v31;
	v15 =	vld.idx.msk [tilespmem:v24+s16+$0x0], $0xffff  }
0x287: {  	v5 =	vor.u32 v5, v6;
	v13 =	vmul.f32 v27, v29;
	v21 =	vmul.f32 v23, v26;
	v4 =	vld.idx.msk [tilespmem:v4+s16+$0x0], $0xffff  }
0x288: {  	v6 =	vmul.f32 v39, v37;
	v2 =	vor.u32 v2, v3;
	v19 =	vld.idx.msk [tilespmem:v19+s16+$0x0], $0xffff  }
0x289: {  	v3 =	vadd.f32 v14, v9;
	v9 =	vadd.f32 v21, v13;
	v13 =	vmul.f32 v17, v32;
	v1 =	vld.idx.msk [tilespmem:v1+s16+$0x0], $0xffff  }
0x28a: {  	v14 =	vmul.f32 v42, v38;
	v11 =	vld.idx.msk [tilespmem:v11+s16+$0x0], $0xffff  }
0x28b: {  	v3 =	vadd.f32 v6, v3;
	v6 =	vadd.f32 v13, v9;
	v9 =	vmul.f32 v10, v25;
	v7 =	vld.idx.msk [tilespmem:v7+s16+$0x0], $0xffff  }
0x28c: {  	v10 =	vmul.f32 v41, v40;
	v5 =	vld.idx.msk [tilespmem:v5+s16+$0x0], $0xffff  }
0x28d: {  	s26 =	sshra.s32 s25, $0x2;
	v3 =	vadd.f32 v14, v3;
	v6 =	vadd.f32 v9, v6;
	v4 =	vmul.f32 v4, v15;
	v2 =	vld.idx.msk [tilespmem:v2+s16+$0x0], $0xffff  }
0x28e: {  	v13 =	vmul.f32 v22, v20;
	v9 =	vld [tilespmem:s26+$0xE50]  }
0x28f: {  	v3 =	vadd.f32 v10, v3;
	v4 =	vadd.f32 v4, v6;
	v1 =	vmul.f32 v1, v19;
	v14 =	vld [tilespmem:s26+$0x10F0]  }
0x290: {  	v6 =	vmul.f32 v18, v16  }
0x291: {  	v3 =	vadd.f32 v13, v3;
	v1 =	vadd.f32 v1, v4;
	v4 =	vmul.f32 v7, v11  }
0x292: {  	v7 =	vmul.f32 v12, v8  }
0x293: {  	v3 =	vadd.f32 v6, v3;
	v1 =	vadd.f32 v4, v1;
	v2 =	vmul.f32 v2, v5  }
0x294: {  	v8 =	vadd.s32 $0xE, v9;
	v11 =	vadd.s32 $0xE, v14  }
0x295: {  	v3 =	vadd.f32 v7, v3;
	v12 =	vadd.s32 $0xF, v9;
	v1 =	vadd.f32 v2, v1  }
0x296: {  	v7 =	vadd.s32 $0xC, v9;
	v15 =	vadd.s32 $0xC, v14;
	v13 =	vadd.s32 $0xF, v14  }
0x297: {  	v16 =	vadd.s32 $0xD, v9;
	v18 =	vadd.s32 $0xD, v14;
	v2 =	vadd.f32 v1, v3  }
0x298: {  	v20 =	vadd.s32 $0xA, v9;
	v22 =	vadd.s32 $0xB, v9;
	v21 =	vadd.s32 $0xA, v14;
	v3 =	vld [tilespmem:s26+$0xD00]  }
0x299: {  	v24 =	vadd.s32 $0x9, v9;
	v4 =	vadd.s32 $0x9, v14;
	v1 =	vadd.s32 $0xB, v14;
	v5 =	vld [tilespmem:s26+$0xFA0];
	[tilespmem:s24+$0x1C9D0] =	vst v2;
	s24 =	smov.u32 s26  }
0x29a: {  	v32 =	vadd.s32 $0x6, v9;
	v34 =	vadd.s32 $0x7, v9;
	v33 =	vadd.s32 $0x6, v14  }
0x29b: {  	v35 =	vand.u32 $0x7, v9;
	v36 =	vand.u32 $0x7, v14;
	v10 =	vadd.s32 $0x7, v14  }
0x29c: {  	v37 =	vadd.s32 $0x4, v9;
	v44 =	vadd.s32 $0x5, v9;
	v42 =	vadd.s32 $0x4, v14  }
0x29d: {  	v38 =	vand.u32 $0xFFFFFFF8, v9;
	v39 =	vand.u32 $0xFFFFFFF8, v14;
	v17 =	vadd.s32 $0x5, v14  }
0x29e: {  	v29 =	vadd.s32 $0x1, v9;
	v6 =	vmul.u32 $0x1A0, v3;
	v3 =	vmul.u32 $0x1A0, v5  }
0x29f: {  	v31 =	vadd.s32 $0x2, v9;
	v27 =	vadd.s32 $0x1, v14;
	v30 =	vadd.s32 $0x2, v14  }
0x2a0: {  	v26 =	vadd.s32 $0x3, v9;
	v23 =	vadd.s32 $0x3, v14;
	v40 =	vand.u32 $0x7, v8  }
0x2a1: {  	v41 =	vand.u32 $0x7, v11;
	v2 =	vand.u32 $0x7, v13;
	v5 =	vand.u32 $0x7, v12  }
0x2a2: {  	v8 =	vand.u32 $0xFFFFFFF8, v8;
	v43 =	vand.u32 $0xFFFFFFF8, v11;
	v11 =	vand.u32 $0xFFFFFFF8, v12  }
0x2a3: {  	v45 =	vand.u32 $0x7, v15;
	v9 =	vand.u32 $0xFFFFFFF8, v13;
	v12 =	vand.u32 $0x7, v7  }
0x2a4: {  	v46 =	vand.u32 $0xFFFFFFF8, v7;
	v13 =	vand.u32 $0x7, v16;
	v7 =	vand.u32 $0x7, v18  }
0x2a5: {  	v47 =	vand.u32 $0xFFFFFFF8, v15;
	v15 =	vand.u32 $0xFFFFFFF8, v16;
	v14 =	vand.u32 $0xFFFFFFF8, v18  }
0x2a6: {  	v19 =	vand.u32 $0x7, v22;
	v16 =	vand.u32 $0x7, v20;
	v18 =	vand.u32 $0x7, v21  }
0x2a7: {  	v48 =	vand.u32 $0xFFFFFFF8, v21;
	v20 =	vand.u32 $0xFFFFFFF8, v20;
	v21 =	vand.u32 $0xFFFFFFF8, v22  }
0x2a8: {  	v25 =	vand.u32 $0xFFFFFFF8, v24;
	v24 =	vand.u32 $0x7, v24;
	v22 =	vand.u32 $0x7, v32  }
0x2a9: {  	v28 =	vand.u32 $0x7, v34;
	v49 =	vand.u32 $0x7, v33;
	v8 =	vadd.s32 v6, v8  }
0x2aa: {  	v50 =	vand.u32 $0xFFFFFFF8, v32;
	v8 =	vor.u32 v40, v8;
	v32 =	vadd.s32 v3, v43  }
0x2ab: {  	v43 =	vand.u32 $0xFFFFFFF8, v33;
	v33 =	vadd.s32 v6, v46;
	v41 =	vor.u32 v41, v32  }
0x2ac: {  	v32 =	vand.u32 $0xFFFFFFF8, v34;
	v46 =	vor.u32 v12, v33;
	v12 =	vadd.s32 v3, v47  }
0x2ad: {  	v20 =	vadd.s32 v6, v20;
	v47 =	vand.u32 $0x7, v37;
	v45 =	vor.u32 v45, v12  }
0x2ae: {  	v20 =	vor.u32 v16, v20;
	v16 =	vadd.s32 v3, v48;
	v12 =	vadd.s32 v6, v38  }
0x2af: {  	v48 =	vor.u32 v18, v16;
	v34 =	vor.u32 v35, v12;
	v12 =	vadd.s32 v3, v39;
	v8 =	vld.idx.msk [tilespmem:v8+s16+$0x0], $0xffff  }
.Ltmp4:
0x2b0: {  	v39 =	vand.u32 $0x7, v42;
	v35 =	vor.u32 v36, v12;
	v40 =	vadd.s32 $0x8, v34;
	v12 =	vld.idx.msk [tilespmem:v41+s16+$0x0], $0xffff;
	(pc) =	sbr.rel @p0 .LBB2_11-.Ltmp4, $4  }
0x2b1: {  	v33 =	vand.u32 $0x7, v44;
	v18 =	vadd.s32 v6, v50;
	v41 =	vadd.s32 $0x8, v35;
	v16 =	vld.idx.msk [tilespmem:v46+s16+$0x0], $0xffff  }
0x2b2: {  	v38 =	vor.u32 v22, v18;
	v22 =	vadd.s32 v3, v43;
	v36 =	vand.u32 $0xFFFFFFF8, v37;
	v18 =	vld.idx.msk [tilespmem:v45+s16+$0x0], $0xffff  }
0x2b3: {  	v43 =	vand.u32 $0xFFFFFFF8, v42;
	v42 =	vor.u32 v49, v22;
	v36 =	vadd.s32 v6, v36;
	v20 =	vld.idx.msk [tilespmem:v20+s16+$0x0], $0xffff  }
0x2b4: {  	s25 =	sadd.s32 $0x40, s25;
	v43 =	vadd.s32 v3, v43;
	v37 =	vor.u32 v47, v36;
	v36 =	vand.u32 $0xFFFFFFF8, v44;
	v22 =	vld.idx.msk [tilespmem:v48+s16+$0x0], $0xffff  }
0x2b5: {  	_ =	sdelay $0x2  }
0x2b6: {  	v44 =	vand.u32 $0x7, v29;
	v45 =	vand.u32 $0x7, v27  }
0x2b7: {  	v39 =	vor.u32 v39, v43;
	v40 =	vld.idx.msk [tilespmem:v40+s16+$0x0], $0xffff;
	v53 =	vand.u32 $0xFFFFFFF8, v31;
	v31 =	vand.u32 $0x7, v31  }
0x2b8: {  	v46 =	vand.u32 $0x7, v30;
	v41 =	vld.idx.msk [tilespmem:v41+s16+$0x0], $0xffff;
	v30 =	vand.u32 $0xFFFFFFF8, v30;
	v47 =	vand.u32 $0x7, v26  }
0x2b9: {  	v38 =	vld.idx.msk [tilespmem:v38+s16+$0x0], $0xffff;
	v29 =	vand.u32 $0xFFFFFFF8, v29;
	v27 =	vand.u32 $0xFFFFFFF8, v27;
	v36 =	vadd.s32 v6, v36  }
0x2ba: {  	v42 =	vld.idx.msk [tilespmem:v42+s16+$0x0], $0xffff;
	v26 =	vand.u32 $0xFFFFFFF8, v26;
	v43 =	vadd.s32 v6, v53;
	v33 =	vor.u32 v33, v36  }
0x2bb: {  	v37 =	vld.idx.msk [tilespmem:v37+s16+$0x0], $0xffff;
	v54 =	vand.u32 $0xFFFFFFF8, v23;
	v30 =	vadd.s32 v3, v30;
	v31 =	vor.u32 v31, v43  }
0x2bc: {  	v35 =	vld.idx.msk [tilespmem:v35+s16+$0x0], $0xffff;
	v23 =	vand.u32 $0x7, v23;
	v29 =	vadd.s32 v6, v29;
	v30 =	vor.u32 v46, v30  }
0x2bd: {  	v34 =	vld.idx.msk [tilespmem:v34+s16+$0x0], $0xffff;
	v55 =	vand.u32 $0xFFFFFFF8, v17;
	v27 =	vadd.s32 v3, v27;
	v29 =	vor.u32 v44, v29  }
0x2be: {  	v17 =	vand.u32 $0x7, v17;
	v26 =	vadd.s32 v6, v26;
	v27 =	vor.u32 v45, v27;
	v39 =	vld.idx.msk [tilespmem:v39+s16+$0x0], $0xffff  }
0x2bf: {  	v56 =	vand.u32 $0xFFFFFFF8, v10;
	v43 =	vadd.s32 v3, v54;
	v26 =	vor.u32 v47, v26;
	v58 =	vld.idx.msk [tilespmem:v33+s16+$0x0], $0xffff  }
0x2c0: {  	v32 =	vadd.s32 v6, v32;
	v10 =	vand.u32 $0x7, v10;
	v23 =	vor.u32 v23, v43;
	v31 =	vld.idx.msk [tilespmem:v31+s16+$0x0], $0xffff  }
0x2c1: {  	v57 =	vand.u32 $0xFFFFFFF8, v4;
	v28 =	vor.u32 v28, v32;
	v43 =	vadd.s32 v3, v55;
	v30 =	vld.idx.msk [tilespmem:v30+s16+$0x0], $0xffff  }
0x2c2: {  	v25 =	vadd.s32 v6, v25;
	v36 =	vadd.s32 v3, v56;
	v17 =	vor.u32 v17, v43;
	v29 =	vld.idx.msk [tilespmem:v29+s16+$0x0], $0xffff  }
0x2c3: {  	v4 =	vand.u32 $0x7, v4;
	v21 =	vadd.s32 v6, v21;
	v10 =	vor.u32 v10, v36;
	v27 =	vld.idx.msk [tilespmem:v27+s16+$0x0], $0xffff  }
0x2c4: {  	v15 =	vadd.s32 v6, v15;
	v32 =	vadd.s32 v3, v57;
	v24 =	vor.u32 v24, v25;
	v26 =	vld.idx.msk [tilespmem:v26+s16+$0x0], $0xffff  }
0x2c5: {  	v25 =	vand.u32 $0xFFFFFFF8, v1;
	v1 =	vand.u32 $0x7, v1;
	v4 =	vor.u32 v4, v32;
	v23 =	vld.idx.msk [tilespmem:v23+s16+$0x0], $0xffff  }
0x2c6: {  	v19 =	vor.u32 v19, v21;
	v6 =	vadd.s32 v6, v11;
	v25 =	vadd.s32 v3, v25;
	v21 =	vld.idx.msk [tilespmem:v28+s16+$0x0], $0xffff  }
0x2c7: {  	v11 =	vor.u32 v13, v15;
	v13 =	vadd.s32 v3, v14;
	v1 =	vor.u32 v1, v25;
	v17 =	vld.idx.msk [tilespmem:v17+s16+$0x0], $0xffff  }
0x2c8: {  	v7 =	vor.u32 v7, v13;
	v10 =	vld.idx.msk [tilespmem:v10+s16+$0x0], $0xffff  }
0x2c9: {  	v3 =	vadd.s32 v3, v9;
	v9 =	vmul.f32 v35, v34;
	v15 =	vld.idx.msk [tilespmem:v24+s16+$0x0], $0xffff;
	v14 =	vmul.f32 v30, v31  }
0x2ca: {  	v5 =	vor.u32 v5, v6;
	v4 =	vld.idx.msk [tilespmem:v4+s16+$0x0], $0xffff;
	v13 =	vmul.f32 v27, v29;
	v23 =	vmul.f32 v23, v26  }
0x2cb: {  	v2 =	vor.u32 v2, v3;
	v3 =	vld.idx.msk [tilespmem:v19+s16+$0x0], $0xffff;
	v6 =	vmul.f32 v39, v37  }
0x2cc: {  	v1 =	vld.idx.msk [tilespmem:v1+s16+$0x0], $0xffff;
	v9 =	vadd.f32 v14, v9;
	v14 =	vmul.f32 v17, v58;
	v13 =	vadd.f32 v23, v13  }
0x2cd: {  	v11 =	vld.idx.msk [tilespmem:v11+s16+$0x0], $0xffff;
	v10 =	vmul.f32 v10, v21  }
0x2ce: {  	v7 =	vld.idx.msk [tilespmem:v7+s16+$0x0], $0xffff;
	v17 =	vmul.f32 v42, v38;
	v6 =	vadd.f32 v6, v9;
	v9 =	vadd.f32 v14, v13  }
0x2cf: {  	v5 =	vld.idx.msk [tilespmem:v5+s16+$0x0], $0xffff;
	v4 =	vmul.f32 v4, v15  }
0x2d0: {  	v2 =	vld.idx.msk [tilespmem:v2+s16+$0x0], $0xffff;
	v13 =	vmul.f32 v41, v40;
	v6 =	vadd.f32 v17, v6;
	v9 =	vadd.f32 v10, v9  }
0x2d1: {  	v1 =	vmul.f32 v1, v3  }
0x2d2: {  	v10 =	vmul.f32 v22, v20;
	v6 =	vadd.f32 v13, v6;
	v4 =	vadd.f32 v4, v9  }
0x2d3: {  	v3 =	vmul.f32 v18, v16  }
0x2d4: {  	v6 =	vadd.f32 v10, v6;
	v1 =	vadd.f32 v1, v4;
	v4 =	vmul.f32 v7, v11  }
0x2d5: {  	v2 =	vmul.f32 v2, v5  }
0x2d6: {  	v7 =	vmul.f32 v12, v8;
	v3 =	vadd.f32 v3, v6;
	v1 =	vadd.f32 v4, v1;
	_ =	sdelay $0x1  }
0x2d7: {  	v3 =	vadd.f32 v7, v3;
	v1 =	vadd.f32 v2, v1;
	_ =	sdelay $0x1  }
0x2d8: {  	v1 =	vadd.f32 v1, v3;
	_ =	sdelay $0x1  }
0x2d9: {  	[tilespmem:s24+$0x1C9D0] =	vst v1;
	s24 =	simm.s32 $0x150  }
0x2da: {  	v2 =	vld [tilespmem:s24+$0xD00]  }
0x2db: {  	v3 =	vld [tilespmem:s24+$0xFA0];
	_ =	sdelay $0x3  }
0x2dc: {  	v5 =	vadd.s32 $0xE, v2  }
0x2dd: {  	v6 =	vadd.s32 $0xE, v3;
	v8 =	vadd.s32 $0xC, v2;
	v9 =	vadd.s32 $0xF, v2  }
0x2de: {  	v10 =	vadd.s32 $0xF, v3;
	v11 =	vadd.s32 $0xC, v3;
	v12 =	vadd.s32 $0xD, v2  }
0x2df: {  	v14 =	vadd.s32 $0xA, v2;
	v16 =	vadd.s32 $0xA, v3;
	v17 =	vadd.s32 $0xD, v3  }
0x2e0: {  	v18 =	vadd.s32 $0x9, v2;
	v20 =	vadd.s32 $0xB, v2;
	v1 =	vadd.s32 $0xB, v3  }
0x2e1: {  	v13 =	vld [tilespmem:s24+$0xBB0];
	v21 =	vadd.s32 $0x6, v2;
	v59 =	vadd.s32 $0x6, v3;
	v4 =	vadd.s32 $0x9, v3  }
0x2e2: {  	v19 =	vld [tilespmem:s24+$0xE50];
	v33 =	vand.u32 $0x7, v2;
	v60 =	vadd.s32 $0x7, v2;
	v7 =	vadd.s32 $0x7, v3  }
0x2e3: {  	v35 =	vand.u32 $0x7, v3;
	v37 =	vadd.s32 $0x4, v2;
	v42 =	vadd.s32 $0x4, v3  }
0x2e4: {  	v38 =	vand.u32 $0xFFFFFFF8, v2;
	v31 =	vadd.s32 $0x5, v2;
	v15 =	vadd.s32 $0x5, v3  }
0x2e5: {  	v39 =	vand.u32 $0xFFFFFFF8, v3;
	v27 =	vadd.s32 $0x1, v2;
	v26 =	vadd.s32 $0x1, v3  }
0x2e6: {  	v30 =	vadd.s32 $0x2, v2;
	v29 =	vadd.s32 $0x2, v3;
	v25 =	vadd.s32 $0x3, v2  }
0x2e7: {  	v28 =	vmul.u32 $0x1A0, v13;
	v61 =	vmul.u32 $0x1A0, v19;
	v23 =	vadd.s32 $0x3, v3  }
0x2e8: {  	v62 =	vand.u32 $0x7, v5;
	v63 =	vand.u32 $0x7, v6;
	v2 =	vand.u32 $0x7, v9  }
0x2e9: {  	v52 =	vand.u32 $0xFFFFFFF8, v5;
	v53 =	vand.u32 $0xFFFFFFF8, v6;
	v3 =	vand.u32 $0x7, v10  }
0x2ea: {  	v54 =	vand.u32 $0x7, v8;
	v9 =	vand.u32 $0xFFFFFFF8, v9;
	v6 =	vand.u32 $0xFFFFFFF8, v10  }
0x2eb: {  	v55 =	vand.u32 $0x7, v11;
	v10 =	vand.u32 $0x7, v12;
	v5 =	vand.u32 $0x7, v17  }
0x2ec: {  	v8 =	vand.u32 $0xFFFFFFF8, v8;
	v11 =	vand.u32 $0xFFFFFFF8, v11;
	v13 =	vand.u32 $0xFFFFFFF8, v12  }
0x2ed: {  	v56 =	vand.u32 $0x7, v14;
	v48 =	vand.u32 $0x7, v16;
	v12 =	vand.u32 $0xFFFFFFF8, v17  }
0x2ee: {  	v14 =	vand.u32 $0xFFFFFFF8, v14;
	v16 =	vand.u32 $0xFFFFFFF8, v16;
	v19 =	vand.u32 $0x7, v20  }
0x2ef: {  	v24 =	vand.u32 $0xFFFFFFF8, v18;
	v22 =	vand.u32 $0x7, v18;
	v20 =	vand.u32 $0xFFFFFFF8, v20  }
0x2f0: {  	v49 =	vand.u32 $0x7, v21;
	v50 =	vand.u32 $0x7, v59;
	v18 =	vadd.s32 $0x2A40, v28  }
0x2f1: {  	v21 =	vand.u32 $0xFFFFFFF8, v21;
	v17 =	vadd.s32 $0x2A40, v61;
	v57 =	vadd.s32 v18, v52  }
0x2f2: {  	v59 =	vand.u32 $0xFFFFFFF8, v59;
	v58 =	vadd.s32 v17, v53;
	v40 =	vor.u32 v62, v57  }
0x2f3: {  	v32 =	vand.u32 $0xFFFFFFF8, v60;
	v8 =	vadd.s32 v18, v8;
	v41 =	vor.u32 v63, v58  }
0x2f4: {  	v28 =	vand.u32 $0x7, v60;
	v60 =	vor.u32 v54, v8;
	v8 =	vadd.s32 v17, v11  }
0x2f5: {  	v36 =	vand.u32 $0x7, v37;
	v11 =	vadd.s32 v18, v14;
	v61 =	vor.u32 v55, v8  }
0x2f6: {  	v8 =	vadd.s32 v38, v18;
	v62 =	vor.u32 v56, v11;
	v11 =	vadd.s32 v17, v16  }
0x2f7: {  	v14 =	vadd.s32 v39, v17;
	v34 =	vor.u32 v33, v8;
	v38 =	vor.u32 v48, v11;
	v8 =	vld.idx.msk [tilespmem:v40+s16+$0x0], $0xffff  }
0x2f8: {  	v44 =	vand.u32 $0xFFFFFFF8, v42;
	v35 =	vor.u32 v35, v14;
	v40 =	vadd.s32 $0x8, v34;
	v11 =	vld.idx.msk [tilespmem:v41+s16+$0x0], $0xffff  }
0x2f9: {  	v39 =	vand.u32 $0x7, v42;
	v16 =	vadd.s32 v18, v21;
	v41 =	vadd.s32 $0x8, v35;
	v14 =	vld.idx.msk [tilespmem:v60+s16+$0x0], $0xffff  }
0x2fa: {  	v63 =	vadd.s32 v17, v59;
	v21 =	vand.u32 $0xFFFFFFF8, v37;
	v37 =	vor.u32 v49, v16;
	v16 =	vld.idx.msk [tilespmem:v61+s16+$0x0], $0xffff  }
0x2fb: {  	s25 =	simm.s32 $0x580;
	v42 =	vor.u32 v50, v63;
	v33 =	vand.u32 $0x7, v31;
	v43 =	vadd.s32 v18, v21;
	v21 =	vld.idx.msk [tilespmem:v62+s16+$0x0], $0xffff  }
.LBB2_13:
0x2fc: {  	p0 =	sne.s32 s25, $0xA40;
	v36 =	vor.u32 v36, v43;
	v43 =	vadd.s32 v17, v44;
	v31 =	vand.u32 $0xFFFFFFF8, v31;
	v38 =	vld.idx.msk [tilespmem:v38+s16+$0x0], $0xffff  }
0x2fd: {  	v44 =	vand.u32 $0x7, v27;
	v45 =	vand.u32 $0x7, v26;
	v39 =	vor.u32 v39, v43;
	v40 =	vld.idx.msk [tilespmem:v40+s16+$0x0], $0xffff  }
0x2fe: {  	v46 =	vand.u32 $0x7, v29;
	v43 =	vand.u32 $0xFFFFFFF8, v30;
	v30 =	vand.u32 $0x7, v30;
	v41 =	vld.idx.msk [tilespmem:v41+s16+$0x0], $0xffff  }
0x2ff: {  	v29 =	vand.u32 $0xFFFFFFF8, v29;
	v47 =	vand.u32 $0x7, v25;
	v43 =	vadd.s32 v18, v43;
	v37 =	vld.idx.msk [tilespmem:v37+s16+$0x0], $0xffff  }
0x300: {  	v27 =	vand.u32 $0xFFFFFFF8, v27;
	v29 =	vadd.s32 v17, v29;
	v30 =	vor.u32 v30, v43;
	v42 =	vld.idx.msk [tilespmem:v42+s16+$0x0], $0xffff  }
0x301: {  	v26 =	vand.u32 $0xFFFFFFF8, v26;
	v27 =	vadd.s32 v18, v27;
	v29 =	vor.u32 v46, v29;
	v36 =	vld.idx.msk [tilespmem:v36+s16+$0x0], $0xffff  }
0x302: {  	v25 =	vand.u32 $0xFFFFFFF8, v25;
	v26 =	vadd.s32 v17, v26;
	v27 =	vor.u32 v44, v27;
	v39 =	vld.idx.msk [tilespmem:v39+s16+$0x0], $0xffff  }
0x303: {  	v25 =	vadd.s32 v18, v25;
	v26 =	vor.u32 v45, v26;
	v43 =	vand.u32 $0xFFFFFFF8, v23;
	v35 =	vld.idx.msk [tilespmem:v35+s16+$0x0], $0xffff  }
0x304: {  	v25 =	vor.u32 v47, v25;
	v23 =	vand.u32 $0x7, v23;
	v43 =	vadd.s32 v17, v43;
	v34 =	vld.idx.msk [tilespmem:v34+s16+$0x0], $0xffff  }
0x305: {  	v31 =	vadd.s32 v18, v31;
	v23 =	vor.u32 v23, v43;
	v43 =	vand.u32 $0xFFFFFFF8, v15;
	v30 =	vld.idx.msk [tilespmem:v30+s16+$0x0], $0xffff  }
0x306: {  	v31 =	vor.u32 v33, v31;
	v15 =	vand.u32 $0x7, v15;
	v33 =	vadd.s32 v17, v43;
	v29 =	vld.idx.msk [tilespmem:v29+s16+$0x0], $0xffff  }
0x307: {  	v32 =	vadd.s32 v18, v32;
	v15 =	vor.u32 v15, v33;
	v33 =	vand.u32 $0xFFFFFFF8, v7;
	v27 =	vld.idx.msk [tilespmem:v27+s16+$0x0], $0xffff  }
0x308: {  	v28 =	vor.u32 v28, v32;
	v7 =	vand.u32 $0x7, v7;
	v32 =	vadd.s32 v17, v33;
	v26 =	vld.idx.msk [tilespmem:v26+s16+$0x0], $0xffff  }
0x309: {  	v24 =	vadd.s32 v18, v24;
	v7 =	vor.u32 v7, v32;
	v32 =	vand.u32 $0xFFFFFFF8, v4;
	v25 =	vld.idx.msk [tilespmem:v25+s16+$0x0], $0xffff  }
0x30a: {  	v22 =	vor.u32 v22, v24;
	v4 =	vand.u32 $0x7, v4;
	v24 =	vadd.s32 v17, v32;
	v23 =	vld.idx.msk [tilespmem:v23+s16+$0x0], $0xffff  }
0x30b: {  	v20 =	vadd.s32 v18, v20;
	v4 =	vor.u32 v4, v24;
	v24 =	vand.u32 $0xFFFFFFF8, v1;
	v31 =	vld.idx.msk [tilespmem:v31+s16+$0x0], $0xffff  }
0x30c: {  	v19 =	vor.u32 v19, v20;
	v1 =	vand.u32 $0x7, v1;
	v20 =	vadd.s32 v17, v24;
	v15 =	vld.idx.msk [tilespmem:v15+s16+$0x0], $0xffff  }
0x30d: {  	v13 =	vadd.s32 v18, v13;
	v9 =	vadd.s32 v18, v9;
	v1 =	vor.u32 v1, v20;
	v24 =	vld.idx.msk [tilespmem:v28+s16+$0x0], $0xffff  }
0x30e: {  	v12 =	vadd.s32 v17, v12;
	v6 =	vadd.s32 v17, v6;
	v10 =	vor.u32 v10, v13;
	v7 =	vld.idx.msk [tilespmem:v7+s16+$0x0], $0xffff  }
0x30f: {  	v5 =	vor.u32 v5, v12;
	v13 =	vmul.f32 v35, v34;
	v17 =	vmul.f32 v29, v30;
	v18 =	vld.idx.msk [tilespmem:v22+s16+$0x0], $0xffff  }
0x310: {  	v2 =	vor.u32 v2, v9;
	v12 =	vmul.f32 v26, v27;
	v20 =	vmul.f32 v23, v25;
	v4 =	vld.idx.msk [tilespmem:v4+s16+$0x0], $0xffff  }
0x311: {  	v3 =	vor.u32 v3, v6;
	v9 =	vmul.f32 v39, v36;
	v19 =	vld.idx.msk [tilespmem:v19+s16+$0x0], $0xffff  }
0x312: {  	v6 =	vadd.f32 v17, v13;
	v12 =	vadd.f32 v20, v12;
	v13 =	vmul.f32 v15, v31;
	v1 =	vld.idx.msk [tilespmem:v1+s16+$0x0], $0xffff  }
0x313: {  	v15 =	vmul.f32 v42, v37;
	v10 =	vld.idx.msk [tilespmem:v10+s16+$0x0], $0xffff  }
0x314: {  	v6 =	vadd.f32 v9, v6;
	v9 =	vadd.f32 v13, v12;
	v7 =	vmul.f32 v7, v24;
	v5 =	vld.idx.msk [tilespmem:v5+s16+$0x0], $0xffff  }
0x315: {  	v12 =	vmul.f32 v41, v40;
	v2 =	vld.idx.msk [tilespmem:v2+s16+$0x0], $0xffff  }
0x316: {  	v6 =	vadd.f32 v15, v6;
	v7 =	vadd.f32 v7, v9;
	v4 =	vmul.f32 v4, v18;
	v3 =	vld.idx.msk [tilespmem:v3+s16+$0x0], $0xffff  }
0x317: {  	s26 =	sshra.s32 s25, $0x2;
	v9 =	vmul.f32 v38, v21  }
0x318: {  	v6 =	vadd.f32 v12, v6;
	v4 =	vadd.f32 v4, v7;
	v1 =	vmul.f32 v1, v19;
	v13 =	vld [tilespmem:s26+$0xD00]  }
0x319: {  	v7 =	vmul.f32 v16, v14;
	v12 =	vld [tilespmem:s26+$0xFA0]  }
0x31a: {  	v6 =	vadd.f32 v9, v6;
	v1 =	vadd.f32 v1, v4;
	v4 =	vmul.f32 v5, v10  }
0x31b: {  	v5 =	vmul.f32 v11, v8  }
0x31c: {  	v6 =	vadd.f32 v7, v6;
	v1 =	vadd.f32 v4, v1;
	v2 =	vmul.f32 v3, v2  }
0x31d: {  	v3 =	vadd.s32 $0xE, v13  }
0x31e: {  	v4 =	vadd.f32 v5, v6;
	v1 =	vadd.f32 v2, v1;
	v8 =	vadd.s32 $0xE, v12  }
0x31f: {  	v11 =	vadd.s32 $0xC, v13;
	v5 =	vadd.s32 $0xF, v13;
	v6 =	vadd.s32 $0xF, v12  }
0x320: {  	v16 =	vadd.s32 $0xD, v13;
	v14 =	vadd.s32 $0xC, v12;
	v2 =	vadd.f32 v1, v4  }
0x321: {  	v17 =	vadd.s32 $0xA, v13;
	v18 =	vadd.s32 $0xA, v12;
	v19 =	vadd.s32 $0xD, v12  }
0x322: {  	v20 =	vadd.s32 $0x9, v13;
	v21 =	vadd.s32 $0xB, v13;
	v1 =	vadd.s32 $0xB, v12;
	[tilespmem:s24+$0x1C9D0] =	vst v2;
	s24 =	smov.u32 s26  }
0x323: {  	v32 =	vadd.s32 $0x6, v13;
	v33 =	vadd.s32 $0x6, v12;
	v4 =	vadd.s32 $0x9, v12;
	v2 =	vld [tilespmem:s24+$0xBB0]  }
0x324: {  	v34 =	vand.u32 $0x7, v13;
	v35 =	vadd.s32 $0x7, v13;
	v7 =	vadd.s32 $0x7, v12;
	v9 =	vld [tilespmem:s24+$0xE50]  }
0x325: {  	v42 =	vadd.s32 $0x4, v13;
	v37 =	vand.u32 $0x7, v12;
	v44 =	vadd.s32 $0x4, v12  }
0x326: {  	v38 =	vand.u32 $0xFFFFFFF8, v13;
	v31 =	vadd.s32 $0x5, v13;
	v15 =	vadd.s32 $0x5, v12  }
0x327: {  	v27 =	vadd.s32 $0x1, v13;
	v39 =	vand.u32 $0xFFFFFFF8, v12;
	v26 =	vadd.s32 $0x1, v12  }
0x328: {  	v30 =	vadd.s32 $0x2, v13;
	v25 =	vadd.s32 $0x3, v13;
	v29 =	vadd.s32 $0x2, v12  }
0x329: {  	v23 =	vadd.s32 $0x3, v12;
	v28 =	vmul.u32 $0x1A0, v2;
	v36 =	vmul.u32 $0x1A0, v9  }
0x32a: {  	v40 =	vand.u32 $0x7, v3;
	v41 =	vand.u32 $0x7, v8;
	v2 =	vand.u32 $0x7, v5  }
0x32b: {  	v43 =	vand.u32 $0xFFFFFFF8, v3;
	v8 =	vand.u32 $0xFFFFFFF8, v8;
	v3 =	vand.u32 $0x7, v6  }
0x32c: {  	v45 =	vand.u32 $0x7, v11;
	v6 =	vand.u32 $0xFFFFFFF8, v6;
	v9 =	vand.u32 $0xFFFFFFF8, v5  }
0x32d: {  	v10 =	vand.u32 $0x7, v16;
	v46 =	vand.u32 $0x7, v14;
	v5 =	vand.u32 $0x7, v19  }
0x32e: {  	v11 =	vand.u32 $0xFFFFFFF8, v11;
	v13 =	vand.u32 $0xFFFFFFF8, v16;
	v14 =	vand.u32 $0xFFFFFFF8, v14  }
0x32f: {  	v16 =	vand.u32 $0x7, v17;
	v47 =	vand.u32 $0x7, v18;
	v12 =	vand.u32 $0xFFFFFFF8, v19  }
0x330: {  	v48 =	vand.u32 $0xFFFFFFF8, v17;
	v49 =	vand.u32 $0xFFFFFFF8, v18;
	v19 =	vand.u32 $0x7, v21  }
0x331: {  	v24 =	vand.u32 $0xFFFFFFF8, v20;
	v22 =	vand.u32 $0x7, v20;
	v20 =	vand.u32 $0xFFFFFFF8, v21  }
0x332: {  	v50 =	vand.u32 $0x7, v33;
	v21 =	vand.u32 $0x7, v32;
	v18 =	vadd.s32 $0x2A40, v28  }
0x333: {  	v28 =	vand.u32 $0x7, v35;
	v17 =	vadd.s32 $0x2A40, v36;
	v36 =	vadd.s32 v18, v43  }
0x334: {  	v43 =	vand.u32 $0xFFFFFFF8, v32;
	v40 =	vor.u32 v40, v36;
	v8 =	vadd.s32 v17, v8  }
0x335: {  	v51 =	vand.u32 $0xFFFFFFF8, v33;
	v11 =	vadd.s32 v18, v11;
	v33 =	vor.u32 v41, v8  }
0x336: {  	v32 =	vand.u32 $0xFFFFFFF8, v35;
	v45 =	vor.u32 v45, v11;
	v8 =	vadd.s32 v17, v14  }
0x337: {  	v36 =	vand.u32 $0x7, v42;
	v11 =	vadd.s32 v18, v48;
	v46 =	vor.u32 v46, v8  }
0x338: {  	v48 =	vor.u32 v16, v11;
	v11 =	vadd.s32 v17, v49;
	v8 =	vadd.s32 v38, v18  }
.Ltmp5:
0x339: {  	v14 =	vadd.s32 v39, v17;
	v38 =	vor.u32 v47, v11;
	v34 =	vor.u32 v34, v8;
	v8 =	vld.idx.msk [tilespmem:v40+s16+$0x0], $0xffff;
	(pc) =	sbr.rel @p0 .LBB2_13-.Ltmp5, $4  }
0x33a: {  	v39 =	vand.u32 $0x7, v44;
	v35 =	vor.u32 v37, v14;
	v40 =	vadd.s32 $0x8, v34;
	v11 =	vld.idx.msk [tilespmem:v33+s16+$0x0], $0xffff  }
0x33b: {  	v16 =	vadd.s32 v18, v43;
	v41 =	vadd.s32 $0x8, v35;
	v33 =	vand.u32 $0x7, v31;
	v14 =	vld.idx.msk [tilespmem:v45+s16+$0x0], $0xffff  }
0x33c: {  	v42 =	vand.u32 $0xFFFFFFF8, v42;
	v37 =	vor.u32 v21, v16;
	v21 =	vadd.s32 v17, v51;
	v16 =	vld.idx.msk [tilespmem:v46+s16+$0x0], $0xffff  }
0x33d: {  	s25 =	sadd.s32 $0x40, s25;
	v43 =	vadd.s32 v18, v42;
	v44 =	vand.u32 $0xFFFFFFF8, v44;
	v42 =	vor.u32 v50, v21;
	v21 =	vld.idx.msk [tilespmem:v48+s16+$0x0], $0xffff  }
0x33e: {  	_ =	sdelay $0x2  }
0x33f: {  	v36 =	vor.u32 v36, v43;
	v52 =	vadd.s32 v17, v44  }
0x340: {  	v31 =	vand.u32 $0xFFFFFFF8, v31;
	v38 =	vld.idx.msk [tilespmem:v38+s16+$0x0], $0xffff;
	v53 =	vand.u32 $0x7, v27;
	v45 =	vand.u32 $0x7, v26  }
0x341: {  	v40 =	vld.idx.msk [tilespmem:v40+s16+$0x0], $0xffff;
	v54 =	vand.u32 $0xFFFFFFF8, v30;
	v30 =	vand.u32 $0x7, v30;
	v46 =	vand.u32 $0x7, v29  }
0x342: {  	v41 =	vld.idx.msk [tilespmem:v41+s16+$0x0], $0xffff;
	v29 =	vand.u32 $0xFFFFFFF8, v29;
	v47 =	vand.u32 $0x7, v25;
	v27 =	vand.u32 $0xFFFFFFF8, v27  }
0x343: {  	v37 =	vld.idx.msk [tilespmem:v37+s16+$0x0], $0xffff;
	v26 =	vand.u32 $0xFFFFFFF8, v26;
	v32 =	vadd.s32 v18, v32;
	v39 =	vor.u32 v39, v52  }
0x344: {  	v42 =	vld.idx.msk [tilespmem:v42+s16+$0x0], $0xffff;
	v25 =	vand.u32 $0xFFFFFFF8, v25;
	v43 =	vadd.s32 v18, v54;
	v28 =	vor.u32 v28, v32  }
0x345: {  	v55 =	vand.u32 $0xFFFFFFF8, v23;
	v35 =	vld.idx.msk [tilespmem:v35+s16+$0x0], $0xffff;
	v29 =	vadd.s32 v17, v29;
	v30 =	vor.u32 v30, v43  }
0x346: {  	v23 =	vand.u32 $0x7, v23;
	v34 =	vld.idx.msk [tilespmem:v34+s16+$0x0], $0xffff;
	v27 =	vadd.s32 v18, v27;
	v29 =	vor.u32 v46, v29  }
0x347: {  	v56 =	vand.u32 $0xFFFFFFF8, v15;
	v26 =	vadd.s32 v17, v26;
	v27 =	vor.u32 v53, v27;
	v36 =	vld.idx.msk [tilespmem:v36+s16+$0x0], $0xffff  }
0x348: {  	v20 =	vadd.s32 v18, v20;
	v25 =	vadd.s32 v18, v25;
	v26 =	vor.u32 v45, v26;
	v39 =	vld.idx.msk [tilespmem:v39+s16+$0x0], $0xffff  }
0x349: {  	v19 =	vor.u32 v19, v20;
	v43 =	vadd.s32 v17, v55;
	v25 =	vor.u32 v47, v25;
	v20 =	vld.idx.msk [tilespmem:v28+s16+$0x0], $0xffff  }
0x34a: {  	v15 =	vand.u32 $0x7, v15;
	v31 =	vadd.s32 v18, v31;
	v23 =	vor.u32 v23, v43;
	v30 =	vld.idx.msk [tilespmem:v30+s16+$0x0], $0xffff  }
0x34b: {  	v57 =	vand.u32 $0xFFFFFFF8, v7;
	v31 =	vor.u32 v33, v31;
	v43 =	vadd.s32 v17, v56;
	v29 =	vld.idx.msk [tilespmem:v29+s16+$0x0], $0xffff  }
0x34c: {  	v7 =	vand.u32 $0x7, v7;
	v33 =	vadd.s32 v17, v57;
	v15 =	vor.u32 v15, v43;
	v27 =	vld.idx.msk [tilespmem:v27+s16+$0x0], $0xffff  }
0x34d: {  	v58 =	vand.u32 $0xFFFFFFF8, v4;
	v24 =	vadd.s32 v18, v24;
	v7 =	vor.u32 v7, v33;
	v26 =	vld.idx.msk [tilespmem:v26+s16+$0x0], $0xffff  }
0x34e: {  	v4 =	vand.u32 $0x7, v4;
	v32 =	vadd.s32 v17, v58;
	v22 =	vor.u32 v22, v24;
	v25 =	vld.idx.msk [tilespmem:v25+s16+$0x0], $0xffff  }
0x34f: {  	v24 =	vand.u32 $0xFFFFFFF8, v1;
	v4 =	vor.u32 v4, v32;
	v23 =	vld.idx.msk [tilespmem:v23+s16+$0x0], $0xffff  }
0x350: {  	v1 =	vand.u32 $0x7, v1;
	v24 =	vadd.s32 v17, v24;
	v31 =	vld.idx.msk [tilespmem:v31+s16+$0x0], $0xffff  }
0x351: {  	v13 =	vadd.s32 v18, v13;
	v9 =	vadd.s32 v18, v9;
	v1 =	vor.u32 v1, v24;
	v15 =	vld.idx.msk [tilespmem:v15+s16+$0x0], $0xffff  }
0x352: {  	v12 =	vadd.s32 v17, v12;
	v6 =	vadd.s32 v17, v6;
	v10 =	vor.u32 v10, v13;
	v7 =	vld.idx.msk [tilespmem:v7+s16+$0x0], $0xffff  }
0x353: {  	v5 =	vor.u32 v5, v12;
	v13 =	vmul.f32 v35, v34;
	v18 =	vld.idx.msk [tilespmem:v22+s16+$0x0], $0xffff;
	v17 =	vmul.f32 v29, v30  }
0x354: {  	v2 =	vor.u32 v2, v9;
	v4 =	vld.idx.msk [tilespmem:v4+s16+$0x0], $0xffff;
	v12 =	vmul.f32 v26, v27;
	v22 =	vmul.f32 v23, v25  }
0x355: {  	v3 =	vor.u32 v3, v6;
	v6 =	vld.idx.msk [tilespmem:v19+s16+$0x0], $0xffff;
	v9 =	vmul.f32 v39, v36  }
0x356: {  	v1 =	vld.idx.msk [tilespmem:v1+s16+$0x0], $0xffff;
	v13 =	vadd.f32 v17, v13;
	v15 =	vmul.f32 v15, v31;
	v12 =	vadd.f32 v22, v12  }
0x357: {  	v10 =	vld.idx.msk [tilespmem:v10+s16+$0x0], $0xffff;
	v7 =	vmul.f32 v7, v20  }
0x358: {  	v5 =	vld.idx.msk [tilespmem:v5+s16+$0x0], $0xffff;
	v17 =	vmul.f32 v42, v37;
	v9 =	vadd.f32 v9, v13;
	v12 =	vadd.f32 v15, v12  }
0x359: {  	v2 =	vld.idx.msk [tilespmem:v2+s16+$0x0], $0xffff;
	v4 =	vmul.f32 v4, v18  }
0x35a: {  	v3 =	vld.idx.msk [tilespmem:v3+s16+$0x0], $0xffff;
	v13 =	vmul.f32 v41, v40;
	v9 =	vadd.f32 v17, v9;
	v7 =	vadd.f32 v7, v12  }
0x35b: {  	v1 =	vmul.f32 v1, v6  }
0x35c: {  	v12 =	vmul.f32 v38, v21;
	v9 =	vadd.f32 v13, v9;
	v4 =	vadd.f32 v4, v7  }
0x35d: {  	v6 =	vmul.f32 v16, v14  }
0x35e: {  	v7 =	vadd.f32 v12, v9;
	v1 =	vadd.f32 v1, v4;
	v4 =	vmul.f32 v5, v10  }
0x35f: {  	v2 =	vmul.f32 v3, v2  }
0x360: {  	v5 =	vmul.f32 v11, v8;
	v6 =	vadd.f32 v6, v7;
	v1 =	vadd.f32 v4, v1;
	_ =	sdelay $0x1  }
0x361: {  	v3 =	vadd.f32 v5, v6;
	v1 =	vadd.f32 v2, v1;
	_ =	sdelay $0x1  }
0x362: {  	v1 =	vadd.f32 v1, v3;
	_ =	sdelay $0x1  }
0x363: {  	[tilespmem:s24+$0x1C9D0] =	vst v1;
	s24 =	simm.s32 $0x0  }
0x364: {  	v2 =	vld [tilespmem:s24+$0xE50]  }
0x365: {  	v3 =	vld [tilespmem:s24+$0x10F0];
	_ =	sdelay $0x3  }
0x366: {  	v5 =	vadd.s32 $0xE, v2  }
0x367: {  	v6 =	vadd.s32 $0xE, v3;
	v8 =	vadd.s32 $0xC, v2;
	v9 =	vadd.s32 $0xF, v2  }
0x368: {  	v10 =	vadd.s32 $0xF, v3;
	v11 =	vadd.s32 $0xC, v3;
	v12 =	vadd.s32 $0xD, v2  }
0x369: {  	v14 =	vadd.s32 $0xA, v2;
	v16 =	vadd.s32 $0xA, v3;
	v17 =	vadd.s32 $0xD, v3  }
0x36a: {  	v18 =	vadd.s32 $0x9, v2;
	v20 =	vadd.s32 $0xB, v2;
	v1 =	vadd.s32 $0xB, v3  }
0x36b: {  	v13 =	vld [tilespmem:s24+$0xD00];
	v21 =	vadd.s32 $0x6, v2;
	v59 =	vadd.s32 $0x6, v3;
	v4 =	vadd.s32 $0x9, v3  }
0x36c: {  	v19 =	vld [tilespmem:s24+$0xFA0];
	v33 =	vand.u32 $0x7, v2;
	v60 =	vadd.s32 $0x7, v2;
	v7 =	vadd.s32 $0x7, v3  }
0x36d: {  	v35 =	vand.u32 $0x7, v3;
	v37 =	vadd.s32 $0x4, v2;
	v42 =	vadd.s32 $0x4, v3  }
0x36e: {  	v38 =	vand.u32 $0xFFFFFFF8, v2;
	v31 =	vadd.s32 $0x5, v2;
	v15 =	vadd.s32 $0x5, v3  }
0x36f: {  	v39 =	vand.u32 $0xFFFFFFF8, v3;
	v27 =	vadd.s32 $0x1, v2;
	v26 =	vadd.s32 $0x1, v3  }
0x370: {  	v30 =	vadd.s32 $0x2, v2;
	v29 =	vadd.s32 $0x2, v3;
	v25 =	vadd.s32 $0x3, v2  }
0x371: {  	v28 =	vmul.u32 $0x1A0, v13;
	v61 =	vmul.u32 $0x1A0, v19;
	v23 =	vadd.s32 $0x3, v3  }
0x372: {  	v62 =	vand.u32 $0x7, v5;
	v63 =	vand.u32 $0x7, v6;
	v2 =	vand.u32 $0x7, v9  }
0x373: {  	v52 =	vand.u32 $0xFFFFFFF8, v5;
	v53 =	vand.u32 $0xFFFFFFF8, v6;
	v3 =	vand.u32 $0x7, v10  }
0x374: {  	v54 =	vand.u32 $0x7, v8;
	v9 =	vand.u32 $0xFFFFFFF8, v9;
	v6 =	vand.u32 $0xFFFFFFF8, v10  }
0x375: {  	v55 =	vand.u32 $0x7, v11;
	v10 =	vand.u32 $0x7, v12;
	v5 =	vand.u32 $0x7, v17  }
0x376: {  	v8 =	vand.u32 $0xFFFFFFF8, v8;
	v11 =	vand.u32 $0xFFFFFFF8, v11;
	v13 =	vand.u32 $0xFFFFFFF8, v12  }
0x377: {  	v56 =	vand.u32 $0x7, v14;
	v48 =	vand.u32 $0x7, v16;
	v12 =	vand.u32 $0xFFFFFFF8, v17  }
0x378: {  	v14 =	vand.u32 $0xFFFFFFF8, v14;
	v16 =	vand.u32 $0xFFFFFFF8, v16;
	v19 =	vand.u32 $0x7, v20  }
0x379: {  	v24 =	vand.u32 $0xFFFFFFF8, v18;
	v22 =	vand.u32 $0x7, v18;
	v20 =	vand.u32 $0xFFFFFFF8, v20  }
0x37a: {  	v49 =	vand.u32 $0x7, v21;
	v50 =	vand.u32 $0x7, v59;
	v18 =	vadd.s32 $0x5480, v28  }
0x37b: {  	v21 =	vand.u32 $0xFFFFFFF8, v21;
	v17 =	vadd.s32 $0x5480, v61;
	v57 =	vadd.s32 v18, v52  }
0x37c: {  	v59 =	vand.u32 $0xFFFFFFF8, v59;
	v58 =	vadd.s32 v17, v53;
	v40 =	vor.u32 v62, v57  }
0x37d: {  	v32 =	vand.u32 $0xFFFFFFF8, v60;
	v8 =	vadd.s32 v18, v8;
	v41 =	vor.u32 v63, v58  }
0x37e: {  	v28 =	vand.u32 $0x7, v60;
	v60 =	vor.u32 v54, v8;
	v8 =	vadd.s32 v17, v11  }
0x37f: {  	v36 =	vand.u32 $0x7, v37;
	v11 =	vadd.s32 v18, v14;
	v61 =	vor.u32 v55, v8  }
0x380: {  	v8 =	vadd.s32 v38, v18;
	v62 =	vor.u32 v56, v11;
	v11 =	vadd.s32 v17, v16  }
0x381: {  	v14 =	vadd.s32 v39, v17;
	v34 =	vor.u32 v33, v8;
	v38 =	vor.u32 v48, v11;
	v8 =	vld.idx.msk [tilespmem:v40+s16+$0x0], $0xffff  }
0x382: {  	v44 =	vand.u32 $0xFFFFFFF8, v42;
	v35 =	vor.u32 v35, v14;
	v40 =	vadd.s32 $0x8, v34;
	v11 =	vld.idx.msk [tilespmem:v41+s16+$0x0], $0xffff  }
0x383: {  	v39 =	vand.u32 $0x7, v42;
	v16 =	vadd.s32 v18, v21;
	v41 =	vadd.s32 $0x8, v35;
	v14 =	vld.idx.msk [tilespmem:v60+s16+$0x0], $0xffff  }
0x384: {  	v63 =	vadd.s32 v17, v59;
	v21 =	vand.u32 $0xFFFFFFF8, v37;
	v37 =	vor.u32 v49, v16;
	v16 =	vld.idx.msk [tilespmem:v61+s16+$0x0], $0xffff  }
0x385: {  	s26 =	simm.s32 $0x40;
	s25 =	simm.s32 $0x0;
	v42 =	vor.u32 v50, v63;
	v33 =	vand.u32 $0x7, v31;
	v43 =	vadd.s32 v18, v21;
	v21 =	vld.idx.msk [tilespmem:v62+s16+$0x0], $0xffff  }
.LBB2_15:
0x386: {  	p0 =	sne.s32 s26, $0x500;
	v36 =	vor.u32 v36, v43;
	v43 =	vadd.s32 v17, v44;
	v31 =	vand.u32 $0xFFFFFFF8, v31;
	v38 =	vld.idx.msk [tilespmem:v38+s16+$0x0], $0xffff  }
0x387: {  	v44 =	vand.u32 $0x7, v27;
	v45 =	vand.u32 $0x7, v26;
	v39 =	vor.u32 v39, v43;
	v40 =	vld.idx.msk [tilespmem:v40+s16+$0x0], $0xffff  }
0x388: {  	v46 =	vand.u32 $0x7, v29;
	v43 =	vand.u32 $0xFFFFFFF8, v30;
	v30 =	vand.u32 $0x7, v30;
	v41 =	vld.idx.msk [tilespmem:v41+s16+$0x0], $0xffff  }
0x389: {  	v29 =	vand.u32 $0xFFFFFFF8, v29;
	v47 =	vand.u32 $0x7, v25;
	v43 =	vadd.s32 v18, v43;
	v37 =	vld.idx.msk [tilespmem:v37+s16+$0x0], $0xffff  }
0x38a: {  	v27 =	vand.u32 $0xFFFFFFF8, v27;
	v29 =	vadd.s32 v17, v29;
	v30 =	vor.u32 v30, v43;
	v42 =	vld.idx.msk [tilespmem:v42+s16+$0x0], $0xffff  }
0x38b: {  	v26 =	vand.u32 $0xFFFFFFF8, v26;
	v27 =	vadd.s32 v18, v27;
	v29 =	vor.u32 v46, v29;
	v36 =	vld.idx.msk [tilespmem:v36+s16+$0x0], $0xffff  }
0x38c: {  	v25 =	vand.u32 $0xFFFFFFF8, v25;
	v26 =	vadd.s32 v17, v26;
	v27 =	vor.u32 v44, v27;
	v39 =	vld.idx.msk [tilespmem:v39+s16+$0x0], $0xffff  }
0x38d: {  	v25 =	vadd.s32 v18, v25;
	v26 =	vor.u32 v45, v26;
	v43 =	vand.u32 $0xFFFFFFF8, v23;
	v35 =	vld.idx.msk [tilespmem:v35+s16+$0x0], $0xffff  }
0x38e: {  	v25 =	vor.u32 v47, v25;
	v23 =	vand.u32 $0x7, v23;
	v43 =	vadd.s32 v17, v43;
	v34 =	vld.idx.msk [tilespmem:v34+s16+$0x0], $0xffff  }
0x38f: {  	v31 =	vadd.s32 v18, v31;
	v23 =	vor.u32 v23, v43;
	v43 =	vand.u32 $0xFFFFFFF8, v15;
	v30 =	vld.idx.msk [tilespmem:v30+s16+$0x0], $0xffff  }
0x390: {  	v31 =	vor.u32 v33, v31;
	v15 =	vand.u32 $0x7, v15;
	v33 =	vadd.s32 v17, v43;
	v29 =	vld.idx.msk [tilespmem:v29+s16+$0x0], $0xffff  }
0x391: {  	v32 =	vadd.s32 v18, v32;
	v15 =	vor.u32 v15, v33;
	v33 =	vand.u32 $0xFFFFFFF8, v7;
	v27 =	vld.idx.msk [tilespmem:v27+s16+$0x0], $0xffff  }
0x392: {  	v28 =	vor.u32 v28, v32;
	v7 =	vand.u32 $0x7, v7;
	v32 =	vadd.s32 v17, v33;
	v26 =	vld.idx.msk [tilespmem:v26+s16+$0x0], $0xffff  }
0x393: {  	v24 =	vadd.s32 v18, v24;
	v7 =	vor.u32 v7, v32;
	v32 =	vand.u32 $0xFFFFFFF8, v4;
	v25 =	vld.idx.msk [tilespmem:v25+s16+$0x0], $0xffff  }
0x394: {  	v22 =	vor.u32 v22, v24;
	v4 =	vand.u32 $0x7, v4;
	v24 =	vadd.s32 v17, v32;
	v23 =	vld.idx.msk [tilespmem:v23+s16+$0x0], $0xffff  }
0x395: {  	v20 =	vadd.s32 v18, v20;
	v4 =	vor.u32 v4, v24;
	v24 =	vand.u32 $0xFFFFFFF8, v1;
	v31 =	vld.idx.msk [tilespmem:v31+s16+$0x0], $0xffff  }
0x396: {  	v19 =	vor.u32 v19, v20;
	v1 =	vand.u32 $0x7, v1;
	v20 =	vadd.s32 v17, v24;
	v15 =	vld.idx.msk [tilespmem:v15+s16+$0x0], $0xffff  }
0x397: {  	v13 =	vadd.s32 v18, v13;
	v9 =	vadd.s32 v18, v9;
	v1 =	vor.u32 v1, v20;
	v24 =	vld.idx.msk [tilespmem:v28+s16+$0x0], $0xffff  }
0x398: {  	v12 =	vadd.s32 v17, v12;
	v6 =	vadd.s32 v17, v6;
	v10 =	vor.u32 v10, v13;
	v7 =	vld.idx.msk [tilespmem:v7+s16+$0x0], $0xffff  }
0x399: {  	v5 =	vor.u32 v5, v12;
	v13 =	vmul.f32 v35, v34;
	v17 =	vmul.f32 v29, v30;
	v18 =	vld.idx.msk [tilespmem:v22+s16+$0x0], $0xffff  }
0x39a: {  	v2 =	vor.u32 v2, v9;
	v12 =	vmul.f32 v26, v27;
	v20 =	vmul.f32 v23, v25;
	v4 =	vld.idx.msk [tilespmem:v4+s16+$0x0], $0xffff  }
0x39b: {  	v3 =	vor.u32 v3, v6;
	v9 =	vmul.f32 v39, v36;
	v19 =	vld.idx.msk [tilespmem:v19+s16+$0x0], $0xffff  }
0x39c: {  	v6 =	vadd.f32 v17, v13;
	v12 =	vadd.f32 v20, v12;
	v13 =	vmul.f32 v15, v31;
	v1 =	vld.idx.msk [tilespmem:v1+s16+$0x0], $0xffff  }
0x39d: {  	v15 =	vmul.f32 v42, v37;
	v10 =	vld.idx.msk [tilespmem:v10+s16+$0x0], $0xffff  }
0x39e: {  	v6 =	vadd.f32 v9, v6;
	v9 =	vadd.f32 v13, v12;
	v7 =	vmul.f32 v7, v24;
	v5 =	vld.idx.msk [tilespmem:v5+s16+$0x0], $0xffff  }
0x39f: {  	v12 =	vmul.f32 v41, v40;
	v2 =	vld.idx.msk [tilespmem:v2+s16+$0x0], $0xffff  }
0x3a0: {  	v6 =	vadd.f32 v15, v6;
	v7 =	vadd.f32 v7, v9;
	v4 =	vmul.f32 v4, v18;
	v3 =	vld.idx.msk [tilespmem:v3+s16+$0x0], $0xffff  }
0x3a1: {  	s28 =	sshra.s32 s26, $0x2;
	v9 =	vmul.f32 v38, v21  }
0x3a2: {  	v6 =	vadd.f32 v12, v6;
	v4 =	vadd.f32 v4, v7;
	v1 =	vmul.f32 v1, v19;
	v13 =	vld [tilespmem:s28+$0xE50]  }
0x3a3: {  	v7 =	vmul.f32 v16, v14;
	v12 =	vld [tilespmem:s28+$0x10F0]  }
0x3a4: {  	v6 =	vadd.f32 v9, v6;
	v1 =	vadd.f32 v1, v4;
	v4 =	vmul.f32 v5, v10  }
0x3a5: {  	v5 =	vmul.f32 v11, v8  }
0x3a6: {  	v6 =	vadd.f32 v7, v6;
	v1 =	vadd.f32 v4, v1;
	v2 =	vmul.f32 v3, v2  }
0x3a7: {  	v3 =	vadd.s32 $0xE, v13  }
0x3a8: {  	v4 =	vadd.f32 v5, v6;
	v1 =	vadd.f32 v2, v1;
	v8 =	vadd.s32 $0xE, v12  }
0x3a9: {  	v11 =	vadd.s32 $0xC, v13;
	v5 =	vadd.s32 $0xF, v13;
	v6 =	vadd.s32 $0xF, v12  }
0x3aa: {  	v16 =	vadd.s32 $0xD, v13;
	v14 =	vadd.s32 $0xC, v12;
	v2 =	vadd.f32 v1, v4  }
0x3ab: {  	v17 =	vadd.s32 $0xA, v13;
	v18 =	vadd.s32 $0xA, v12;
	v19 =	vadd.s32 $0xD, v12  }
0x3ac: {  	v20 =	vadd.s32 $0x9, v13;
	v21 =	vadd.s32 $0xB, v13;
	v1 =	vadd.s32 $0xB, v12;
	[tilespmem:s25+$0x1CC70] =	vst v2;
	s25 =	smov.u32 s28  }
0x3ad: {  	v32 =	vadd.s32 $0x6, v13;
	v33 =	vadd.s32 $0x6, v12;
	v4 =	vadd.s32 $0x9, v12;
	v2 =	vld [tilespmem:s25+$0xD00]  }
0x3ae: {  	v34 =	vand.u32 $0x7, v13;
	v35 =	vadd.s32 $0x7, v13;
	v7 =	vadd.s32 $0x7, v12;
	v9 =	vld [tilespmem:s25+$0xFA0]  }
0x3af: {  	v42 =	vadd.s32 $0x4, v13;
	v37 =	vand.u32 $0x7, v12;
	v44 =	vadd.s32 $0x4, v12  }
0x3b0: {  	v38 =	vand.u32 $0xFFFFFFF8, v13;
	v31 =	vadd.s32 $0x5, v13;
	v15 =	vadd.s32 $0x5, v12  }
0x3b1: {  	v27 =	vadd.s32 $0x1, v13;
	v39 =	vand.u32 $0xFFFFFFF8, v12;
	v26 =	vadd.s32 $0x1, v12  }
0x3b2: {  	v30 =	vadd.s32 $0x2, v13;
	v25 =	vadd.s32 $0x3, v13;
	v29 =	vadd.s32 $0x2, v12  }
0x3b3: {  	v23 =	vadd.s32 $0x3, v12;
	v28 =	vmul.u32 $0x1A0, v2;
	v36 =	vmul.u32 $0x1A0, v9  }
0x3b4: {  	v40 =	vand.u32 $0x7, v3;
	v41 =	vand.u32 $0x7, v8;
	v2 =	vand.u32 $0x7, v5  }
0x3b5: {  	v43 =	vand.u32 $0xFFFFFFF8, v3;
	v8 =	vand.u32 $0xFFFFFFF8, v8;
	v3 =	vand.u32 $0x7, v6  }
0x3b6: {  	v45 =	vand.u32 $0x7, v11;
	v6 =	vand.u32 $0xFFFFFFF8, v6;
	v9 =	vand.u32 $0xFFFFFFF8, v5  }
0x3b7: {  	v10 =	vand.u32 $0x7, v16;
	v46 =	vand.u32 $0x7, v14;
	v5 =	vand.u32 $0x7, v19  }
0x3b8: {  	v11 =	vand.u32 $0xFFFFFFF8, v11;
	v13 =	vand.u32 $0xFFFFFFF8, v16;
	v14 =	vand.u32 $0xFFFFFFF8, v14  }
0x3b9: {  	v16 =	vand.u32 $0x7, v17;
	v47 =	vand.u32 $0x7, v18;
	v12 =	vand.u32 $0xFFFFFFF8, v19  }
0x3ba: {  	v48 =	vand.u32 $0xFFFFFFF8, v17;
	v49 =	vand.u32 $0xFFFFFFF8, v18;
	v19 =	vand.u32 $0x7, v21  }
0x3bb: {  	v24 =	vand.u32 $0xFFFFFFF8, v20;
	v22 =	vand.u32 $0x7, v20;
	v20 =	vand.u32 $0xFFFFFFF8, v21  }
0x3bc: {  	v50 =	vand.u32 $0x7, v33;
	v21 =	vand.u32 $0x7, v32;
	v18 =	vadd.s32 $0x5480, v28  }
0x3bd: {  	v28 =	vand.u32 $0x7, v35;
	v17 =	vadd.s32 $0x5480, v36;
	v36 =	vadd.s32 v18, v43  }
0x3be: {  	v43 =	vand.u32 $0xFFFFFFF8, v32;
	v40 =	vor.u32 v40, v36;
	v8 =	vadd.s32 v17, v8  }
0x3bf: {  	v51 =	vand.u32 $0xFFFFFFF8, v33;
	v11 =	vadd.s32 v18, v11;
	v33 =	vor.u32 v41, v8  }
0x3c0: {  	v32 =	vand.u32 $0xFFFFFFF8, v35;
	v45 =	vor.u32 v45, v11;
	v8 =	vadd.s32 v17, v14  }
0x3c1: {  	v36 =	vand.u32 $0x7, v42;
	v11 =	vadd.s32 v18, v48;
	v46 =	vor.u32 v46, v8  }
0x3c2: {  	v48 =	vor.u32 v16, v11;
	v11 =	vadd.s32 v17, v49;
	v8 =	vadd.s32 v38, v18  }
.Ltmp6:
0x3c3: {  	v14 =	vadd.s32 v39, v17;
	v38 =	vor.u32 v47, v11;
	v34 =	vor.u32 v34, v8;
	v8 =	vld.idx.msk [tilespmem:v40+s16+$0x0], $0xffff;
	(pc) =	sbr.rel @p0 .LBB2_15-.Ltmp6, $4  }
0x3c4: {  	v39 =	vand.u32 $0x7, v44;
	v35 =	vor.u32 v37, v14;
	v40 =	vadd.s32 $0x8, v34;
	v11 =	vld.idx.msk [tilespmem:v33+s16+$0x0], $0xffff  }
0x3c5: {  	v16 =	vadd.s32 v18, v43;
	v41 =	vadd.s32 $0x8, v35;
	v33 =	vand.u32 $0x7, v31;
	v14 =	vld.idx.msk [tilespmem:v45+s16+$0x0], $0xffff  }
0x3c6: {  	v42 =	vand.u32 $0xFFFFFFF8, v42;
	v37 =	vor.u32 v21, v16;
	v21 =	vadd.s32 v17, v51;
	v16 =	vld.idx.msk [tilespmem:v46+s16+$0x0], $0xffff  }
0x3c7: {  	s26 =	sadd.s32 $0x40, s26;
	v43 =	vadd.s32 v18, v42;
	v44 =	vand.u32 $0xFFFFFFF8, v44;
	v42 =	vor.u32 v50, v21;
	v21 =	vld.idx.msk [tilespmem:v48+s16+$0x0], $0xffff  }
0x3c8: {  	_ =	sdelay $0x2  }
0x3c9: {  	v36 =	vor.u32 v36, v43;
	v52 =	vadd.s32 v17, v44  }
0x3ca: {  	v31 =	vand.u32 $0xFFFFFFF8, v31;
	v38 =	vld.idx.msk [tilespmem:v38+s16+$0x0], $0xffff;
	v53 =	vand.u32 $0x7, v27;
	v45 =	vand.u32 $0x7, v26  }
0x3cb: {  	v40 =	vld.idx.msk [tilespmem:v40+s16+$0x0], $0xffff;
	v54 =	vand.u32 $0xFFFFFFF8, v30;
	v30 =	vand.u32 $0x7, v30;
	v46 =	vand.u32 $0x7, v29  }
0x3cc: {  	v41 =	vld.idx.msk [tilespmem:v41+s16+$0x0], $0xffff;
	v29 =	vand.u32 $0xFFFFFFF8, v29;
	v47 =	vand.u32 $0x7, v25;
	v27 =	vand.u32 $0xFFFFFFF8, v27  }
0x3cd: {  	v37 =	vld.idx.msk [tilespmem:v37+s16+$0x0], $0xffff;
	v26 =	vand.u32 $0xFFFFFFF8, v26;
	v32 =	vadd.s32 v18, v32;
	v39 =	vor.u32 v39, v52  }
0x3ce: {  	v42 =	vld.idx.msk [tilespmem:v42+s16+$0x0], $0xffff;
	v25 =	vand.u32 $0xFFFFFFF8, v25;
	v43 =	vadd.s32 v18, v54;
	v28 =	vor.u32 v28, v32  }
0x3cf: {  	v55 =	vand.u32 $0xFFFFFFF8, v23;
	v35 =	vld.idx.msk [tilespmem:v35+s16+$0x0], $0xffff;
	v29 =	vadd.s32 v17, v29;
	v30 =	vor.u32 v30, v43  }
0x3d0: {  	v23 =	vand.u32 $0x7, v23;
	v34 =	vld.idx.msk [tilespmem:v34+s16+$0x0], $0xffff;
	v27 =	vadd.s32 v18, v27;
	v29 =	vor.u32 v46, v29  }
0x3d1: {  	v56 =	vand.u32 $0xFFFFFFF8, v15;
	v26 =	vadd.s32 v17, v26;
	v27 =	vor.u32 v53, v27;
	v36 =	vld.idx.msk [tilespmem:v36+s16+$0x0], $0xffff  }
0x3d2: {  	v20 =	vadd.s32 v18, v20;
	v25 =	vadd.s32 v18, v25;
	v26 =	vor.u32 v45, v26;
	v39 =	vld.idx.msk [tilespmem:v39+s16+$0x0], $0xffff  }
0x3d3: {  	v19 =	vor.u32 v19, v20;
	v43 =	vadd.s32 v17, v55;
	v25 =	vor.u32 v47, v25;
	v20 =	vld.idx.msk [tilespmem:v28+s16+$0x0], $0xffff  }
0x3d4: {  	v15 =	vand.u32 $0x7, v15;
	v31 =	vadd.s32 v18, v31;
	v23 =	vor.u32 v23, v43;
	v30 =	vld.idx.msk [tilespmem:v30+s16+$0x0], $0xffff  }
0x3d5: {  	v57 =	vand.u32 $0xFFFFFFF8, v7;
	v31 =	vor.u32 v33, v31;
	v43 =	vadd.s32 v17, v56;
	v29 =	vld.idx.msk [tilespmem:v29+s16+$0x0], $0xffff  }
0x3d6: {  	v7 =	vand.u32 $0x7, v7;
	v33 =	vadd.s32 v17, v57;
	v15 =	vor.u32 v15, v43;
	v27 =	vld.idx.msk [tilespmem:v27+s16+$0x0], $0xffff  }
0x3d7: {  	v58 =	vand.u32 $0xFFFFFFF8, v4;
	v24 =	vadd.s32 v18, v24;
	v7 =	vor.u32 v7, v33;
	v26 =	vld.idx.msk [tilespmem:v26+s16+$0x0], $0xffff  }
0x3d8: {  	v4 =	vand.u32 $0x7, v4;
	v32 =	vadd.s32 v17, v58;
	v22 =	vor.u32 v22, v24;
	v25 =	vld.idx.msk [tilespmem:v25+s16+$0x0], $0xffff  }
0x3d9: {  	v24 =	vand.u32 $0xFFFFFFF8, v1;
	v4 =	vor.u32 v4, v32;
	v23 =	vld.idx.msk [tilespmem:v23+s16+$0x0], $0xffff  }
0x3da: {  	v1 =	vand.u32 $0x7, v1;
	v24 =	vadd.s32 v17, v24;
	v31 =	vld.idx.msk [tilespmem:v31+s16+$0x0], $0xffff  }
0x3db: {  	v13 =	vadd.s32 v18, v13;
	v9 =	vadd.s32 v18, v9;
	v1 =	vor.u32 v1, v24;
	v15 =	vld.idx.msk [tilespmem:v15+s16+$0x0], $0xffff  }
0x3dc: {  	v12 =	vadd.s32 v17, v12;
	v6 =	vadd.s32 v17, v6;
	v10 =	vor.u32 v10, v13;
	v7 =	vld.idx.msk [tilespmem:v7+s16+$0x0], $0xffff  }
0x3dd: {  	v5 =	vor.u32 v5, v12;
	v13 =	vmul.f32 v35, v34;
	v18 =	vld.idx.msk [tilespmem:v22+s16+$0x0], $0xffff;
	v17 =	vmul.f32 v29, v30  }
0x3de: {  	v2 =	vor.u32 v2, v9;
	v4 =	vld.idx.msk [tilespmem:v4+s16+$0x0], $0xffff;
	v12 =	vmul.f32 v26, v27;
	v22 =	vmul.f32 v23, v25  }
0x3df: {  	v3 =	vor.u32 v3, v6;
	v6 =	vld.idx.msk [tilespmem:v19+s16+$0x0], $0xffff;
	v9 =	vmul.f32 v39, v36  }
0x3e0: {  	v1 =	vld.idx.msk [tilespmem:v1+s16+$0x0], $0xffff;
	v13 =	vadd.f32 v17, v13;
	v15 =	vmul.f32 v15, v31;
	v12 =	vadd.f32 v22, v12  }
0x3e1: {  	v10 =	vld.idx.msk [tilespmem:v10+s16+$0x0], $0xffff;
	v7 =	vmul.f32 v7, v20  }
0x3e2: {  	v5 =	vld.idx.msk [tilespmem:v5+s16+$0x0], $0xffff;
	v17 =	vmul.f32 v42, v37;
	v9 =	vadd.f32 v9, v13;
	v12 =	vadd.f32 v15, v12  }
0x3e3: {  	v2 =	vld.idx.msk [tilespmem:v2+s16+$0x0], $0xffff;
	v4 =	vmul.f32 v4, v18  }
0x3e4: {  	v3 =	vld.idx.msk [tilespmem:v3+s16+$0x0], $0xffff;
	v13 =	vmul.f32 v41, v40;
	v9 =	vadd.f32 v17, v9;
	v7 =	vadd.f32 v7, v12  }
0x3e5: {  	v1 =	vmul.f32 v1, v6  }
0x3e6: {  	v12 =	vmul.f32 v38, v21;
	v9 =	vadd.f32 v13, v9;
	v4 =	vadd.f32 v4, v7  }
0x3e7: {  	v6 =	vmul.f32 v16, v14  }
0x3e8: {  	v7 =	vadd.f32 v12, v9;
	v1 =	vadd.f32 v1, v4;
	v4 =	vmul.f32 v5, v10  }
0x3e9: {  	v2 =	vmul.f32 v3, v2  }
0x3ea: {  	v5 =	vmul.f32 v11, v8;
	v6 =	vadd.f32 v6, v7;
	v1 =	vadd.f32 v4, v1;
	_ =	sdelay $0x1  }
0x3eb: {  	v3 =	vadd.f32 v5, v6;
	v1 =	vadd.f32 v2, v1;
	_ =	sdelay $0x1  }
0x3ec: {  	v1 =	vadd.f32 v1, v3;
	_ =	sdelay $0x1  }
0x3ed: {  	[tilespmem:s25+$0x1CC70] =	vst v1  }
0x3ee: {  	v2 =	vld [tilespmem:s24+$0xE50]  }
0x3ef: {  	v3 =	vld [tilespmem:s24+$0x10F0];
	_ =	sdelay $0x3  }
0x3f0: {  	v5 =	vadd.s32 $0xE, v2  }
0x3f1: {  	v6 =	vadd.s32 $0xE, v3;
	v8 =	vadd.s32 $0xC, v2;
	v9 =	vadd.s32 $0xF, v2  }
0x3f2: {  	v10 =	vadd.s32 $0xF, v3;
	v11 =	vadd.s32 $0xC, v3;
	v12 =	vadd.s32 $0xD, v2  }
0x3f3: {  	v14 =	vadd.s32 $0xA, v2;
	v16 =	vadd.s32 $0xA, v3;
	v17 =	vadd.s32 $0xD, v3  }
0x3f4: {  	v18 =	vadd.s32 $0x9, v2;
	v20 =	vadd.s32 $0xB, v2;
	v1 =	vadd.s32 $0xB, v3  }
0x3f5: {  	v13 =	vld [tilespmem:s24+$0xD00];
	v21 =	vadd.s32 $0x6, v2;
	v59 =	vadd.s32 $0x6, v3;
	v4 =	vadd.s32 $0x9, v3  }
0x3f6: {  	v19 =	vld [tilespmem:s24+$0xFA0];
	v33 =	vand.u32 $0x7, v2;
	v60 =	vadd.s32 $0x7, v2;
	v7 =	vadd.s32 $0x7, v3  }
0x3f7: {  	v35 =	vand.u32 $0x7, v3;
	v37 =	vadd.s32 $0x4, v2;
	v42 =	vadd.s32 $0x4, v3  }
0x3f8: {  	v38 =	vand.u32 $0xFFFFFFF8, v2;
	v31 =	vadd.s32 $0x5, v2;
	v15 =	vadd.s32 $0x5, v3  }
0x3f9: {  	v39 =	vand.u32 $0xFFFFFFF8, v3;
	v27 =	vadd.s32 $0x1, v2;
	v26 =	vadd.s32 $0x1, v3  }
0x3fa: {  	v30 =	vadd.s32 $0x2, v2;
	v29 =	vadd.s32 $0x2, v3;
	v25 =	vadd.s32 $0x3, v2  }
0x3fb: {  	v28 =	vmul.u32 $0x1A0, v13;
	v61 =	vmul.u32 $0x1A0, v19;
	v23 =	vadd.s32 $0x3, v3  }
0x3fc: {  	v62 =	vand.u32 $0x7, v5;
	v63 =	vand.u32 $0x7, v6;
	v2 =	vand.u32 $0x7, v9  }
0x3fd: {  	v52 =	vand.u32 $0xFFFFFFF8, v5;
	v53 =	vand.u32 $0xFFFFFFF8, v6;
	v3 =	vand.u32 $0x7, v10  }
0x3fe: {  	v54 =	vand.u32 $0x7, v8;
	v9 =	vand.u32 $0xFFFFFFF8, v9;
	v6 =	vand.u32 $0xFFFFFFF8, v10  }
0x3ff: {  	v55 =	vand.u32 $0x7, v11;
	v10 =	vand.u32 $0x7, v12;
	v5 =	vand.u32 $0x7, v17  }
0x400: {  	v8 =	vand.u32 $0xFFFFFFF8, v8;
	v11 =	vand.u32 $0xFFFFFFF8, v11;
	v13 =	vand.u32 $0xFFFFFFF8, v12  }
0x401: {  	v56 =	vand.u32 $0x7, v14;
	v48 =	vand.u32 $0x7, v16;
	v12 =	vand.u32 $0xFFFFFFF8, v17  }
0x402: {  	v14 =	vand.u32 $0xFFFFFFF8, v14;
	v16 =	vand.u32 $0xFFFFFFF8, v16;
	v19 =	vand.u32 $0x7, v20  }
0x403: {  	v24 =	vand.u32 $0xFFFFFFF8, v18;
	v22 =	vand.u32 $0x7, v18;
	v20 =	vand.u32 $0xFFFFFFF8, v20  }
0x404: {  	v49 =	vand.u32 $0x7, v21;
	v50 =	vand.u32 $0x7, v59;
	v18 =	vadd.s32 $0x7EC0, v28  }
0x405: {  	v21 =	vand.u32 $0xFFFFFFF8, v21;
	v17 =	vadd.s32 $0x7EC0, v61;
	v57 =	vadd.s32 v18, v52  }
0x406: {  	v59 =	vand.u32 $0xFFFFFFF8, v59;
	v58 =	vadd.s32 v17, v53;
	v40 =	vor.u32 v62, v57  }
0x407: {  	v32 =	vand.u32 $0xFFFFFFF8, v60;
	v8 =	vadd.s32 v18, v8;
	v41 =	vor.u32 v63, v58  }
0x408: {  	v28 =	vand.u32 $0x7, v60;
	v60 =	vor.u32 v54, v8;
	v8 =	vadd.s32 v17, v11  }
0x409: {  	v36 =	vand.u32 $0x7, v37;
	v11 =	vadd.s32 v18, v14;
	v61 =	vor.u32 v55, v8  }
0x40a: {  	v8 =	vadd.s32 v38, v18;
	v62 =	vor.u32 v56, v11;
	v11 =	vadd.s32 v17, v16  }
0x40b: {  	v14 =	vadd.s32 v39, v17;
	v34 =	vor.u32 v33, v8;
	v38 =	vor.u32 v48, v11;
	v8 =	vld.idx.msk [tilespmem:v40+s16+$0x0], $0xffff  }
0x40c: {  	v44 =	vand.u32 $0xFFFFFFF8, v42;
	v35 =	vor.u32 v35, v14;
	v40 =	vadd.s32 $0x8, v34;
	v11 =	vld.idx.msk [tilespmem:v41+s16+$0x0], $0xffff  }
0x40d: {  	v39 =	vand.u32 $0x7, v42;
	v16 =	vadd.s32 v18, v21;
	v41 =	vadd.s32 $0x8, v35;
	v14 =	vld.idx.msk [tilespmem:v60+s16+$0x0], $0xffff  }
0x40e: {  	v63 =	vadd.s32 v17, v59;
	v21 =	vand.u32 $0xFFFFFFF8, v37;
	v37 =	vor.u32 v49, v16;
	v16 =	vld.idx.msk [tilespmem:v61+s16+$0x0], $0xffff  }
0x40f: {  	s25 =	simm.s32 $0x40;
	v42 =	vor.u32 v50, v63;
	v33 =	vand.u32 $0x7, v31;
	v43 =	vadd.s32 v18, v21;
	v21 =	vld.idx.msk [tilespmem:v62+s16+$0x0], $0xffff  }
.LBB2_17:
0x410: {  	p0 =	sne.s32 s25, $0x500;
	v36 =	vor.u32 v36, v43;
	v43 =	vadd.s32 v17, v44;
	v31 =	vand.u32 $0xFFFFFFF8, v31;
	v38 =	vld.idx.msk [tilespmem:v38+s16+$0x0], $0xffff  }
0x411: {  	v44 =	vand.u32 $0x7, v27;
	v45 =	vand.u32 $0x7, v26;
	v39 =	vor.u32 v39, v43;
	v40 =	vld.idx.msk [tilespmem:v40+s16+$0x0], $0xffff  }
0x412: {  	v46 =	vand.u32 $0x7, v29;
	v43 =	vand.u32 $0xFFFFFFF8, v30;
	v30 =	vand.u32 $0x7, v30;
	v41 =	vld.idx.msk [tilespmem:v41+s16+$0x0], $0xffff  }
0x413: {  	v29 =	vand.u32 $0xFFFFFFF8, v29;
	v47 =	vand.u32 $0x7, v25;
	v43 =	vadd.s32 v18, v43;
	v37 =	vld.idx.msk [tilespmem:v37+s16+$0x0], $0xffff  }
0x414: {  	v27 =	vand.u32 $0xFFFFFFF8, v27;
	v29 =	vadd.s32 v17, v29;
	v30 =	vor.u32 v30, v43;
	v42 =	vld.idx.msk [tilespmem:v42+s16+$0x0], $0xffff  }
0x415: {  	v26 =	vand.u32 $0xFFFFFFF8, v26;
	v27 =	vadd.s32 v18, v27;
	v29 =	vor.u32 v46, v29;
	v36 =	vld.idx.msk [tilespmem:v36+s16+$0x0], $0xffff  }
0x416: {  	v25 =	vand.u32 $0xFFFFFFF8, v25;
	v26 =	vadd.s32 v17, v26;
	v27 =	vor.u32 v44, v27;
	v39 =	vld.idx.msk [tilespmem:v39+s16+$0x0], $0xffff  }
0x417: {  	v25 =	vadd.s32 v18, v25;
	v26 =	vor.u32 v45, v26;
	v43 =	vand.u32 $0xFFFFFFF8, v23;
	v35 =	vld.idx.msk [tilespmem:v35+s16+$0x0], $0xffff  }
0x418: {  	v25 =	vor.u32 v47, v25;
	v23 =	vand.u32 $0x7, v23;
	v43 =	vadd.s32 v17, v43;
	v34 =	vld.idx.msk [tilespmem:v34+s16+$0x0], $0xffff  }
0x419: {  	v31 =	vadd.s32 v18, v31;
	v23 =	vor.u32 v23, v43;
	v43 =	vand.u32 $0xFFFFFFF8, v15;
	v30 =	vld.idx.msk [tilespmem:v30+s16+$0x0], $0xffff  }
0x41a: {  	v31 =	vor.u32 v33, v31;
	v15 =	vand.u32 $0x7, v15;
	v33 =	vadd.s32 v17, v43;
	v29 =	vld.idx.msk [tilespmem:v29+s16+$0x0], $0xffff  }
0x41b: {  	v32 =	vadd.s32 v18, v32;
	v15 =	vor.u32 v15, v33;
	v33 =	vand.u32 $0xFFFFFFF8, v7;
	v27 =	vld.idx.msk [tilespmem:v27+s16+$0x0], $0xffff  }
0x41c: {  	v28 =	vor.u32 v28, v32;
	v7 =	vand.u32 $0x7, v7;
	v32 =	vadd.s32 v17, v33;
	v26 =	vld.idx.msk [tilespmem:v26+s16+$0x0], $0xffff  }
0x41d: {  	v24 =	vadd.s32 v18, v24;
	v7 =	vor.u32 v7, v32;
	v32 =	vand.u32 $0xFFFFFFF8, v4;
	v25 =	vld.idx.msk [tilespmem:v25+s16+$0x0], $0xffff  }
0x41e: {  	v22 =	vor.u32 v22, v24;
	v4 =	vand.u32 $0x7, v4;
	v24 =	vadd.s32 v17, v32;
	v23 =	vld.idx.msk [tilespmem:v23+s16+$0x0], $0xffff  }
0x41f: {  	v20 =	vadd.s32 v18, v20;
	v4 =	vor.u32 v4, v24;
	v24 =	vand.u32 $0xFFFFFFF8, v1;
	v31 =	vld.idx.msk [tilespmem:v31+s16+$0x0], $0xffff  }
0x420: {  	v19 =	vor.u32 v19, v20;
	v1 =	vand.u32 $0x7, v1;
	v20 =	vadd.s32 v17, v24;
	v15 =	vld.idx.msk [tilespmem:v15+s16+$0x0], $0xffff  }
0x421: {  	v13 =	vadd.s32 v18, v13;
	v9 =	vadd.s32 v18, v9;
	v1 =	vor.u32 v1, v20;
	v24 =	vld.idx.msk [tilespmem:v28+s16+$0x0], $0xffff  }
0x422: {  	v12 =	vadd.s32 v17, v12;
	v6 =	vadd.s32 v17, v6;
	v10 =	vor.u32 v10, v13;
	v7 =	vld.idx.msk [tilespmem:v7+s16+$0x0], $0xffff  }
0x423: {  	v5 =	vor.u32 v5, v12;
	v13 =	vmul.f32 v35, v34;
	v17 =	vmul.f32 v29, v30;
	v18 =	vld.idx.msk [tilespmem:v22+s16+$0x0], $0xffff  }
0x424: {  	v2 =	vor.u32 v2, v9;
	v12 =	vmul.f32 v26, v27;
	v20 =	vmul.f32 v23, v25;
	v4 =	vld.idx.msk [tilespmem:v4+s16+$0x0], $0xffff  }
0x425: {  	v3 =	vor.u32 v3, v6;
	v9 =	vmul.f32 v39, v36;
	v19 =	vld.idx.msk [tilespmem:v19+s16+$0x0], $0xffff  }
0x426: {  	v6 =	vadd.f32 v17, v13;
	v12 =	vadd.f32 v20, v12;
	v13 =	vmul.f32 v15, v31;
	v1 =	vld.idx.msk [tilespmem:v1+s16+$0x0], $0xffff  }
0x427: {  	v15 =	vmul.f32 v42, v37;
	v10 =	vld.idx.msk [tilespmem:v10+s16+$0x0], $0xffff  }
0x428: {  	v6 =	vadd.f32 v9, v6;
	v9 =	vadd.f32 v13, v12;
	v7 =	vmul.f32 v7, v24;
	v5 =	vld.idx.msk [tilespmem:v5+s16+$0x0], $0xffff  }
0x429: {  	v12 =	vmul.f32 v41, v40;
	v2 =	vld.idx.msk [tilespmem:v2+s16+$0x0], $0xffff  }
0x42a: {  	v6 =	vadd.f32 v15, v6;
	v7 =	vadd.f32 v7, v9;
	v4 =	vmul.f32 v4, v18;
	v3 =	vld.idx.msk [tilespmem:v3+s16+$0x0], $0xffff  }
0x42b: {  	s26 =	sshra.s32 s25, $0x2;
	v9 =	vmul.f32 v38, v21  }
0x42c: {  	v6 =	vadd.f32 v12, v6;
	v4 =	vadd.f32 v4, v7;
	v1 =	vmul.f32 v1, v19;
	v13 =	vld [tilespmem:s26+$0xE50]  }
0x42d: {  	v7 =	vmul.f32 v16, v14;
	v12 =	vld [tilespmem:s26+$0x10F0]  }
0x42e: {  	v6 =	vadd.f32 v9, v6;
	v1 =	vadd.f32 v1, v4;
	v4 =	vmul.f32 v5, v10  }
0x42f: {  	v5 =	vmul.f32 v11, v8  }
0x430: {  	v6 =	vadd.f32 v7, v6;
	v1 =	vadd.f32 v4, v1;
	v2 =	vmul.f32 v3, v2  }
0x431: {  	v3 =	vadd.s32 $0xE, v13  }
0x432: {  	v4 =	vadd.f32 v5, v6;
	v1 =	vadd.f32 v2, v1;
	v8 =	vadd.s32 $0xE, v12  }
0x433: {  	v11 =	vadd.s32 $0xC, v13;
	v5 =	vadd.s32 $0xF, v13;
	v6 =	vadd.s32 $0xF, v12  }
0x434: {  	v16 =	vadd.s32 $0xD, v13;
	v14 =	vadd.s32 $0xC, v12;
	v2 =	vadd.f32 v1, v4  }
0x435: {  	v17 =	vadd.s32 $0xA, v13;
	v18 =	vadd.s32 $0xA, v12;
	v19 =	vadd.s32 $0xD, v12  }
0x436: {  	v20 =	vadd.s32 $0x9, v13;
	v21 =	vadd.s32 $0xB, v13;
	v1 =	vadd.s32 $0xB, v12;
	[tilespmem:s24+$0x1CDC0] =	vst v2;
	s24 =	smov.u32 s26  }
0x437: {  	v32 =	vadd.s32 $0x6, v13;
	v33 =	vadd.s32 $0x6, v12;
	v4 =	vadd.s32 $0x9, v12;
	v2 =	vld [tilespmem:s24+$0xD00]  }
0x438: {  	v34 =	vand.u32 $0x7, v13;
	v35 =	vadd.s32 $0x7, v13;
	v7 =	vadd.s32 $0x7, v12;
	v9 =	vld [tilespmem:s24+$0xFA0]  }
0x439: {  	v42 =	vadd.s32 $0x4, v13;
	v37 =	vand.u32 $0x7, v12;
	v44 =	vadd.s32 $0x4, v12  }
0x43a: {  	v38 =	vand.u32 $0xFFFFFFF8, v13;
	v31 =	vadd.s32 $0x5, v13;
	v15 =	vadd.s32 $0x5, v12  }
0x43b: {  	v27 =	vadd.s32 $0x1, v13;
	v39 =	vand.u32 $0xFFFFFFF8, v12;
	v26 =	vadd.s32 $0x1, v12  }
0x43c: {  	v30 =	vadd.s32 $0x2, v13;
	v25 =	vadd.s32 $0x3, v13;
	v29 =	vadd.s32 $0x2, v12  }
0x43d: {  	v23 =	vadd.s32 $0x3, v12;
	v28 =	vmul.u32 $0x1A0, v2;
	v36 =	vmul.u32 $0x1A0, v9  }
0x43e: {  	v40 =	vand.u32 $0x7, v3;
	v41 =	vand.u32 $0x7, v8;
	v2 =	vand.u32 $0x7, v5  }
0x43f: {  	v43 =	vand.u32 $0xFFFFFFF8, v3;
	v8 =	vand.u32 $0xFFFFFFF8, v8;
	v3 =	vand.u32 $0x7, v6  }
0x440: {  	v45 =	vand.u32 $0x7, v11;
	v6 =	vand.u32 $0xFFFFFFF8, v6;
	v9 =	vand.u32 $0xFFFFFFF8, v5  }
0x441: {  	v10 =	vand.u32 $0x7, v16;
	v46 =	vand.u32 $0x7, v14;
	v5 =	vand.u32 $0x7, v19  }
0x442: {  	v11 =	vand.u32 $0xFFFFFFF8, v11;
	v13 =	vand.u32 $0xFFFFFFF8, v16;
	v14 =	vand.u32 $0xFFFFFFF8, v14  }
0x443: {  	v16 =	vand.u32 $0x7, v17;
	v47 =	vand.u32 $0x7, v18;
	v12 =	vand.u32 $0xFFFFFFF8, v19  }
0x444: {  	v48 =	vand.u32 $0xFFFFFFF8, v17;
	v49 =	vand.u32 $0xFFFFFFF8, v18;
	v19 =	vand.u32 $0x7, v21  }
0x445: {  	v24 =	vand.u32 $0xFFFFFFF8, v20;
	v22 =	vand.u32 $0x7, v20;
	v20 =	vand.u32 $0xFFFFFFF8, v21  }
0x446: {  	v50 =	vand.u32 $0x7, v33;
	v21 =	vand.u32 $0x7, v32;
	v18 =	vadd.s32 $0x7EC0, v28  }
0x447: {  	v28 =	vand.u32 $0x7, v35;
	v17 =	vadd.s32 $0x7EC0, v36;
	v36 =	vadd.s32 v18, v43  }
0x448: {  	v43 =	vand.u32 $0xFFFFFFF8, v32;
	v40 =	vor.u32 v40, v36;
	v8 =	vadd.s32 v17, v8  }
0x449: {  	v51 =	vand.u32 $0xFFFFFFF8, v33;
	v11 =	vadd.s32 v18, v11;
	v33 =	vor.u32 v41, v8  }
0x44a: {  	v32 =	vand.u32 $0xFFFFFFF8, v35;
	v45 =	vor.u32 v45, v11;
	v8 =	vadd.s32 v17, v14  }
0x44b: {  	v36 =	vand.u32 $0x7, v42;
	v11 =	vadd.s32 v18, v48;
	v46 =	vor.u32 v46, v8  }
0x44c: {  	v48 =	vor.u32 v16, v11;
	v11 =	vadd.s32 v17, v49;
	v8 =	vadd.s32 v38, v18  }
.Ltmp7:
0x44d: {  	v14 =	vadd.s32 v39, v17;
	v38 =	vor.u32 v47, v11;
	v34 =	vor.u32 v34, v8;
	v8 =	vld.idx.msk [tilespmem:v40+s16+$0x0], $0xffff;
	(pc) =	sbr.rel @p0 .LBB2_17-.Ltmp7, $4  }
0x44e: {  	v39 =	vand.u32 $0x7, v44;
	v35 =	vor.u32 v37, v14;
	v40 =	vadd.s32 $0x8, v34;
	v11 =	vld.idx.msk [tilespmem:v33+s16+$0x0], $0xffff  }
0x44f: {  	v16 =	vadd.s32 v18, v43;
	v41 =	vadd.s32 $0x8, v35;
	v33 =	vand.u32 $0x7, v31;
	v14 =	vld.idx.msk [tilespmem:v45+s16+$0x0], $0xffff  }
0x450: {  	v42 =	vand.u32 $0xFFFFFFF8, v42;
	v37 =	vor.u32 v21, v16;
	v21 =	vadd.s32 v17, v51;
	v16 =	vld.idx.msk [tilespmem:v46+s16+$0x0], $0xffff  }
0x451: {  	s25 =	sadd.s32 $0x40, s25;
	v43 =	vadd.s32 v18, v42;
	v44 =	vand.u32 $0xFFFFFFF8, v44;
	v42 =	vor.u32 v50, v21;
	v21 =	vld.idx.msk [tilespmem:v48+s16+$0x0], $0xffff  }
0x452: {  	_ =	sdelay $0x2  }
0x453: {  	v36 =	vor.u32 v36, v43;
	v52 =	vadd.s32 v17, v44  }
0x454: {  	v31 =	vand.u32 $0xFFFFFFF8, v31;
	v38 =	vld.idx.msk [tilespmem:v38+s16+$0x0], $0xffff;
	v53 =	vand.u32 $0x7, v27;
	v45 =	vand.u32 $0x7, v26  }
0x455: {  	v40 =	vld.idx.msk [tilespmem:v40+s16+$0x0], $0xffff;
	v54 =	vand.u32 $0xFFFFFFF8, v30;
	v55 =	vand.u32 $0x7, v30;
	v46 =	vand.u32 $0x7, v29  }
0x456: {  	v41 =	vld.idx.msk [tilespmem:v41+s16+$0x0], $0xffff;
	v56 =	vand.u32 $0xFFFFFFF8, v29;
	v47 =	vand.u32 $0x7, v25;
	v57 =	vand.u32 $0xFFFFFFF8, v27  }
0x457: {  	v37 =	vld.idx.msk [tilespmem:v37+s16+$0x0], $0xffff;
	v58 =	vand.u32 $0xFFFFFFF8, v26;
	v39 =	vor.u32 v39, v52;
	v43 =	vadd.s32 v18, v54  }
0x458: {  	v42 =	vld.idx.msk [tilespmem:v42+s16+$0x0], $0xffff;
	v59 =	vand.u32 $0xFFFFFFF8, v25;
	v29 =	vadd.s32 v17, v56;
	v30 =	vor.u32 v55, v43  }
0x459: {  	v60 =	vand.u32 $0xFFFFFFF8, v23;
	v35 =	vld.idx.msk [tilespmem:v35+s16+$0x0], $0xffff;
	v27 =	vadd.s32 v18, v57;
	v29 =	vor.u32 v46, v29  }
0x45a: {  	v61 =	vand.u32 $0x7, v23;
	v34 =	vld.idx.msk [tilespmem:v34+s16+$0x0], $0xffff;
	v26 =	vadd.s32 v17, v58;
	v27 =	vor.u32 v53, v27  }
0x45b: {  	v62 =	vand.u32 $0xFFFFFFF8, v15;
	v25 =	vadd.s32 v18, v59;
	v26 =	vor.u32 v45, v26;
	v36 =	vld.idx.msk [tilespmem:v36+s16+$0x0], $0xffff  }
0x45c: {  	v63 =	vand.u32 $0x7, v15;
	v43 =	vadd.s32 v17, v60;
	v25 =	vor.u32 v47, v25;
	v39 =	vld.idx.msk [tilespmem:v39+s16+$0x0], $0xffff  }
0x45d: {  	v44 =	vand.u32 $0xFFFFFFF8, v7;
	v31 =	vadd.s32 v18, v31;
	v23 =	vor.u32 v61, v43;
	v30 =	vld.idx.msk [tilespmem:v30+s16+$0x0], $0xffff  }
0x45e: {  	v32 =	vadd.s32 v18, v32;
	v31 =	vor.u32 v33, v31;
	v43 =	vadd.s32 v17, v62;
	v29 =	vld.idx.msk [tilespmem:v29+s16+$0x0], $0xffff  }
0x45f: {  	v24 =	vadd.s32 v18, v24;
	v48 =	vand.u32 $0xFFFFFFF8, v1;
	v15 =	vor.u32 v63, v43;
	v27 =	vld.idx.msk [tilespmem:v27+s16+$0x0], $0xffff  }
0x460: {  	v28 =	vor.u32 v28, v32;
	v45 =	vand.u32 $0x7, v7;
	v33 =	vadd.s32 v17, v44;
	v26 =	vld.idx.msk [tilespmem:v26+s16+$0x0], $0xffff  }
0x461: {  	v20 =	vadd.s32 v18, v20;
	v46 =	vand.u32 $0xFFFFFFF8, v4;
	v7 =	vor.u32 v45, v33;
	v25 =	vld.idx.msk [tilespmem:v25+s16+$0x0], $0xffff  }
0x462: {  	v22 =	vor.u32 v22, v24;
	v47 =	vand.u32 $0x7, v4;
	v32 =	vadd.s32 v17, v46;
	v23 =	vld.idx.msk [tilespmem:v23+s16+$0x0], $0xffff  }
0x463: {  	v1 =	vand.u32 $0x7, v1;
	v13 =	vadd.s32 v18, v13;
	v4 =	vor.u32 v47, v32;
	v31 =	vld.idx.msk [tilespmem:v31+s16+$0x0], $0xffff  }
0x464: {  	v9 =	vadd.s32 v18, v9;
	v24 =	vadd.s32 v17, v48;
	v19 =	vor.u32 v19, v20;
	v15 =	vld.idx.msk [tilespmem:v15+s16+$0x0], $0xffff  }
0x465: {  	v12 =	vadd.s32 v17, v12;
	v6 =	vadd.s32 v17, v6;
	v1 =	vor.u32 v1, v24;
	v49 =	vld.idx.msk [tilespmem:v28+s16+$0x0], $0xffff  }
0x466: {  	v10 =	vor.u32 v10, v13;
	v50 =	vmul.f32 v35, v34;
	v7 =	vld.idx.msk [tilespmem:v7+s16+$0x0], $0xffff;
	v51 =	vmul.f32 v29, v30  }
0x467: {  	v5 =	vor.u32 v5, v12;
	v52 =	vld.idx.msk [tilespmem:v22+s16+$0x0], $0xffff;
	v53 =	vmul.f32 v26, v27;
	v54 =	vmul.f32 v23, v25  }
0x468: {  	v2 =	vor.u32 v2, v9;
	v3 =	vor.u32 v3, v6;
	v4 =	vld.idx.msk [tilespmem:v4+s16+$0x0], $0xffff;
	v55 =	vmul.f32 v39, v36  }
0x469: {  	v56 =	vld.idx.msk [tilespmem:v19+s16+$0x0], $0xffff;
	v13 =	vadd.f32 v51, v50;
	v15 =	vmul.f32 v15, v31;
	v12 =	vadd.f32 v54, v53  }
0x46a: {  	v57 =	vmul.f32 v42, v37;
	v1 =	vld.idx.msk [tilespmem:v1+s16+$0x0], $0xffff  }
0x46b: {  	v10 =	vld.idx.msk [tilespmem:v10+s16+$0x0], $0xffff;
	v7 =	vmul.f32 v7, v49;
	v9 =	vadd.f32 v55, v13;
	v12 =	vadd.f32 v15, v12  }
0x46c: {  	v58 =	vmul.f32 v41, v40;
	v5 =	vld.idx.msk [tilespmem:v5+s16+$0x0], $0xffff  }
0x46d: {  	v2 =	vld.idx.msk [tilespmem:v2+s16+$0x0], $0xffff;
	v4 =	vmul.f32 v4, v52;
	v9 =	vadd.f32 v57, v9;
	v7 =	vadd.f32 v7, v12  }
0x46e: {  	v59 =	vmul.f32 v38, v21;
	v3 =	vld.idx.msk [tilespmem:v3+s16+$0x0], $0xffff  }
0x46f: {  	v1 =	vmul.f32 v1, v56;
	v9 =	vadd.f32 v58, v9;
	v4 =	vadd.f32 v4, v7  }
0x470: {  	v60 =	vmul.f32 v16, v14  }
0x471: {  	v62 =	vmul.f32 v5, v10;
	v61 =	vadd.f32 v59, v9;
	v1 =	vadd.f32 v1, v4  }
0x472: {  	v63 =	vmul.f32 v11, v8  }
0x473: {  	v2 =	vmul.f32 v3, v2;
	v6 =	vadd.f32 v60, v61;
	v1 =	vadd.f32 v62, v1;
	_ =	sdelay $0x1  }
0x474: {  	s23 =	sshll.u32 s23, $0x2;
	v3 =	vadd.f32 v63, v6;
	v1 =	vadd.f32 v2, v1  }
0x475: {  	s23 =	sadd.s32 s8, s23  }
0x476: {  	s22 =	sadd.s32 $0x1, s22;
	s23 =	smul.u32 $0x2A, s23;
	v1 =	vadd.f32 v1, v3  }
0x477: {  	p0 =	sne.s32 s22, $0x10  }
.Ltmp8:
0x478: {  	s23 =	sadd.s32 s6, s23;
	[tilespmem:s24+$0x1CDC0] =	vst v1;
	(pc) =	sbr.rel @p0 .LBB2_2-.Ltmp8, $4  }
0x479: {  	[hbm4b:s23+s2] =	stream.linear.scatter [tilespmem:s18], [sflag:$0x3], $0x540, $0x38;
	[tilespmem:$0x1CF90] =	vst v63  }
0x47a: {  	_ =	swait.ge [sflag:s11], $0x540  }
0x47b: {  	[sflag:s11] =	ssyncset.done $0x0  }
0x47c: {  	[sflag:s11] =	ssyncadd.s32 $0xFFFFFAC0  }
0x47d: {  	v1 =	vmul.u32 $0x1A, v0  }
0x47e: {  	s22 =	simm.s32 $0x0;
	v2 =	vand.u32 $0x3, v0  }
0x47f: {  	v2 =	vmul.u32 $0x2, v2;
	v3 =	vadd.s32 s22, v1  }
0x480: {  	v3 =	vand.u32 $0x1FF8, v3  }
0x481: {  	v3 =	vor.u32 v2, v3  }
0x482: {  	s28 =	simm.s32 $0x1  }
0x483: {  	_ =	swait.ge [sflag:s17], $0xA900;
	v4 =	vadd.s32 s28, v1  }
0x484: {  	s29 =	simm.s32 $0x2;
	[sflag:s17] =	ssyncset.done $0x0  }
0x485: {  	[sflag:s17] =	ssyncadd.s32 $0xFFFF5700;
	v5 =	vadd.s32 s29, v1  }
0x486: {  	s30 =	simm.s32 $0x3;
	v3 =	vld.idx.msk [tilespmem:v3+s2+$0x0], $0xffff  }
0x487: {  	s31 =	simm.s32 $0x4;
	v6 =	vadd.s32 s30, v1  }
0x488: {  	v7 =	vadd.s32 s31, v1;
	v4 =	vld.idx.msk [tilespmem:v4+s2+$0x0], $0xffff  }
0x489: {  	s23 =	simm.s32 $0x5  }
0x48a: {  	v8 =	vadd.s32 s23, v1;
	v5 =	vld.idx.msk [tilespmem:v5+s2+$0x0], $0xffff  }
0x48b: {  	s24 =	simm.s32 $0x6  }
0x48c: {  	v9 =	vadd.s32 s24, v1;
	v6 =	vld.idx.msk [tilespmem:v6+s2+$0x0], $0xffff  }
0x48d: {  	s25 =	simm.s32 $0x7;
	s23 =	simm.s32 $0x8;
	v7 =	vld.idx.msk [tilespmem:v7+s2+$0x0], $0xffff  }
0x48e: {  	v10 =	vadd.s32 s25, v1;
	v11 =	vadd.s32 s23, v1;
	v3 =	vld.idx.msk [tilespmem:v3+s13+$0x0], $0xffff  }
0x48f: {  	v11 =	vand.u32 $0x1FF8, v11;
	v8 =	vld.idx.msk [tilespmem:v8+s2+$0x0], $0xffff  }
0x490: {  	v11 =	vor.u32 v2, v11;
	v4 =	vld.idx.msk [tilespmem:v4+s13+$0x0], $0xffff  }
0x491: {  	s26 =	simm.s32 $0x9;
	v9 =	vld.idx.msk [tilespmem:v9+s2+$0x0], $0xffff  }
0x492: {  	v12 =	vadd.s32 s26, v1;
	v5 =	vld.idx.msk [tilespmem:v5+s13+$0x0], $0xffff  }
0x493: {  	s28 =	simm.s32 $0xA;
	v10 =	vld.idx.msk [tilespmem:v10+s2+$0x0], $0xffff;
	v3 =	vadd.f32 $0.0e+00, v3  }
0x494: {  	v13 =	vadd.s32 s28, v1;
	v6 =	vld.idx.msk [tilespmem:v6+s13+$0x0], $0xffff  }
0x495: {  	s29 =	simm.s32 $0xB;
	v11 =	vld.idx.msk [tilespmem:v11+s2+$0x0], $0xffff;
	v3 =	vadd.f32 v4, v3  }
0x496: {  	v4 =	vld.idx.msk [tilespmem:v7+s13+$0x0], $0xffff;
	v7 =	vadd.s32 s29, v1  }
0x497: {  	s30 =	simm.s32 $0xC;
	v12 =	vld.idx.msk [tilespmem:v12+s2+$0x0], $0xffff;
	v3 =	vadd.f32 v5, v3  }
0x498: {  	v5 =	vld.idx.msk [tilespmem:v8+s13+$0x0], $0xffff;
	v8 =	vadd.s32 s30, v1  }
0x499: {  	s31 =	simm.s32 $0xD;
	v13 =	vld.idx.msk [tilespmem:v13+s2+$0x0], $0xffff;
	v3 =	vadd.f32 v6, v3  }
0x49a: {  	v35 =	vadd.s32 s31, v1;
	v6 =	vld.idx.msk [tilespmem:v9+s13+$0x0], $0xffff  }
0x49b: {  	s23 =	simm.s32 $0xE;
	v7 =	vld.idx.msk [tilespmem:v7+s2+$0x0], $0xffff;
	v3 =	vadd.f32 v4, v3  }
0x49c: {  	v36 =	vadd.s32 s23, v1;
	v4 =	vld.idx.msk [tilespmem:v10+s13+$0x0], $0xffff  }
0x49d: {  	s24 =	simm.s32 $0xF;
	s25 =	simm.s32 $0x10;
	v8 =	vld.idx.msk [tilespmem:v8+s2+$0x0], $0xffff;
	v3 =	vadd.f32 v5, v3  }
0x49e: {  	v37 =	vadd.s32 s24, v1;
	v14 =	vadd.s32 s25, v1;
	v5 =	vld.idx.msk [tilespmem:v11+s13+$0x0], $0xffff  }
0x49f: {  	v14 =	vand.u32 $0x1FF8, v14;
	v9 =	vld.idx.msk [tilespmem:v35+s2+$0x0], $0xffff;
	v3 =	vadd.f32 v6, v3  }
0x4a0: {  	v38 =	vor.u32 v2, v14;
	v6 =	vld.idx.msk [tilespmem:v12+s13+$0x0], $0xffff  }
0x4a1: {  	s26 =	simm.s32 $0x11;
	v10 =	vld.idx.msk [tilespmem:v36+s2+$0x0], $0xffff;
	v3 =	vadd.f32 v4, v3  }
0x4a2: {  	v39 =	vadd.s32 s26, v1;
	v4 =	vld.idx.msk [tilespmem:v13+s13+$0x0], $0xffff  }
0x4a3: {  	s28 =	simm.s32 $0x12;
	v11 =	vld.idx.msk [tilespmem:v37+s2+$0x0], $0xffff;
	v3 =	vadd.f32 v5, v3  }
0x4a4: {  	v5 =	vld.idx.msk [tilespmem:v7+s13+$0x0], $0xffff;
	v7 =	vadd.s32 s28, v1  }
0x4a5: {  	s29 =	simm.s32 $0x13;
	v12 =	vld.idx.msk [tilespmem:v38+s2+$0x0], $0xffff;
	v3 =	vadd.f32 v6, v3  }
0x4a6: {  	v6 =	vld.idx.msk [tilespmem:v8+s13+$0x0], $0xffff;
	v8 =	vadd.s32 s29, v1  }
0x4a7: {  	s30 =	simm.s32 $0x14;
	v13 =	vld.idx.msk [tilespmem:v39+s2+$0x0], $0xffff;
	v3 =	vadd.f32 v4, v3  }
0x4a8: {  	v40 =	vadd.s32 s30, v1;
	v4 =	vld.idx.msk [tilespmem:v9+s13+$0x0], $0xffff  }
0x4a9: {  	s31 =	simm.s32 $0x15;
	v7 =	vld.idx.msk [tilespmem:v7+s2+$0x0], $0xffff;
	v3 =	vadd.f32 v5, v3  }
0x4aa: {  	v41 =	vadd.s32 s31, v1;
	v5 =	vld.idx.msk [tilespmem:v10+s13+$0x0], $0xffff  }
0x4ab: {  	s23 =	simm.s32 $0x16;
	v8 =	vld.idx.msk [tilespmem:v8+s2+$0x0], $0xffff;
	v3 =	vadd.f32 v6, v3  }
0x4ac: {  	v42 =	vadd.s32 s23, v1;
	v6 =	vld.idx.msk [tilespmem:v11+s13+$0x0], $0xffff  }
0x4ad: {  	s24 =	simm.s32 $0x17;
	s25 =	simm.s32 $0x18;
	v9 =	vld.idx.msk [tilespmem:v40+s2+$0x0], $0xffff;
	v3 =	vadd.f32 v4, v3  }
0x4ae: {  	v43 =	vadd.s32 s24, v1;
	v44 =	vadd.s32 s25, v1;
	v4 =	vld.idx.msk [tilespmem:v12+s13+$0x0], $0xffff  }
0x4af: {  	v14 =	vand.u32 $0x1FF8, v44;
	v10 =	vld.idx.msk [tilespmem:v41+s2+$0x0], $0xffff;
	v3 =	vadd.f32 v5, v3  }
0x4b0: {  	v45 =	vor.u32 v2, v14;
	v5 =	vld.idx.msk [tilespmem:v13+s13+$0x0], $0xffff  }
0x4b1: {  	s26 =	simm.s32 $0x19;
	v11 =	vld.idx.msk [tilespmem:v42+s2+$0x0], $0xffff;
	v3 =	vadd.f32 v6, v3  }
0x4b2: {  	v6 =	vld.idx.msk [tilespmem:v7+s13+$0x0], $0xffff;
	v7 =	vadd.s32 s26, v1  }
0x4b3: {  	v12 =	vld.idx.msk [tilespmem:v43+s2+$0x0], $0xffff;
	v3 =	vadd.f32 v4, v3  }
0x4b4: {  	v4 =	vld.idx.msk [tilespmem:v8+s13+$0x0], $0xffff  }
0x4b5: {  	v8 =	vld.idx.msk [tilespmem:v45+s2+$0x0], $0xffff;
	v3 =	vadd.f32 v5, v3  }
0x4b6: {  	v5 =	vld.idx.msk [tilespmem:v9+s13+$0x0], $0xffff  }
0x4b7: {  	v7 =	vld.idx.msk [tilespmem:v7+s2+$0x0], $0xffff;
	v3 =	vadd.f32 v6, v3  }
0x4b8: {  	v6 =	vld.idx.msk [tilespmem:v10+s13+$0x0], $0xffff  }
0x4b9: {  	v3 =	vadd.f32 v4, v3  }
0x4ba: {  	v4 =	vld.idx.msk [tilespmem:v11+s13+$0x0], $0xffff  }
0x4bb: {  	v3 =	vadd.f32 v5, v3  }
0x4bc: {  	v5 =	vld.idx.msk [tilespmem:v12+s13+$0x0], $0xffff  }
0x4bd: {  	v3 =	vadd.f32 v6, v3  }
0x4be: {  	v6 =	vld.idx.msk [tilespmem:v8+s13+$0x0], $0xffff  }
0x4bf: {  	v3 =	vadd.f32 v4, v3  }
0x4c0: {  	s28 =	simm.s32 $0x1A0;
	v4 =	vld.idx.msk [tilespmem:v7+s13+$0x0], $0xffff  }
0x4c1: {  	v7 =	vadd.s32 s28, v1;
	v3 =	vadd.f32 v5, v3  }
0x4c2: {  	v5 =	vand.u32 $0x1FF8, v7  }
0x4c3: {  	v5 =	vor.u32 v2, v5;
	v3 =	vadd.f32 v6, v3  }
0x4c4: {  	s29 =	simm.s32 $0x1A1  }
0x4c5: {  	v6 =	vadd.s32 s29, v1;
	v3 =	vadd.f32 v4, v3  }
0x4c6: {  	s22 =	simm.s32 $0x1CF10;
	s30 =	simm.s32 $0x1A2  }
0x4c7: {  	v4 =	vadd.s32 s30, v1;
	[tilespmem:s22+$0x0] =	vst v3  }
0x4c8: {  	s31 =	simm.s32 $0x1A3;
	v3 =	vld.idx.msk [tilespmem:v5+s2+$0x0], $0xffff  }
0x4c9: {  	s24 =	simm.s32 $0x1A4;
	v5 =	vadd.s32 s31, v1  }
0x4ca: {  	v7 =	vadd.s32 s24, v1;
	v6 =	vld.idx.msk [tilespmem:v6+s2+$0x0], $0xffff  }
0x4cb: {  	s25 =	simm.s32 $0x1A5  }
0x4cc: {  	v8 =	vadd.s32 s25, v1;
	v4 =	vld.idx.msk [tilespmem:v4+s2+$0x0], $0xffff  }
0x4cd: {  	s26 =	simm.s32 $0x1A6  }
0x4ce: {  	v46 =	vadd.s32 s26, v1;
	v5 =	vld.idx.msk [tilespmem:v5+s2+$0x0], $0xffff  }
0x4cf: {  	s28 =	simm.s32 $0x1A7;
	s24 =	simm.s32 $0x1A8;
	v7 =	vld.idx.msk [tilespmem:v7+s2+$0x0], $0xffff  }
0x4d0: {  	v47 =	vadd.s32 s28, v1;
	v48 =	vadd.s32 s24, v1;
	v3 =	vld.idx.msk [tilespmem:v3+s13+$0x0], $0xffff  }
0x4d1: {  	v11 =	vand.u32 $0x1FF8, v48;
	v8 =	vld.idx.msk [tilespmem:v8+s2+$0x0], $0xffff  }
0x4d2: {  	v11 =	vor.u32 v2, v11;
	v6 =	vld.idx.msk [tilespmem:v6+s13+$0x0], $0xffff  }
0x4d3: {  	s29 =	simm.s32 $0x1A9;
	v9 =	vld.idx.msk [tilespmem:v46+s2+$0x0], $0xffff  }
0x4d4: {  	v49 =	vadd.s32 s29, v1;
	v4 =	vld.idx.msk [tilespmem:v4+s13+$0x0], $0xffff  }
0x4d5: {  	s30 =	simm.s32 $0x1AA;
	v10 =	vld.idx.msk [tilespmem:v47+s2+$0x0], $0xffff;
	v3 =	vadd.f32 $0.0e+00, v3  }
0x4d6: {  	v50 =	vadd.s32 s30, v1;
	v5 =	vld.idx.msk [tilespmem:v5+s13+$0x0], $0xffff  }
0x4d7: {  	s31 =	simm.s32 $0x1AB;
	v11 =	vld.idx.msk [tilespmem:v11+s2+$0x0], $0xffff;
	v3 =	vadd.f32 v6, v3  }
0x4d8: {  	v6 =	vld.idx.msk [tilespmem:v7+s13+$0x0], $0xffff;
	v7 =	vadd.s32 s31, v1  }
0x4d9: {  	s24 =	simm.s32 $0x1AC;
	v12 =	vld.idx.msk [tilespmem:v49+s2+$0x0], $0xffff;
	v3 =	vadd.f32 v4, v3  }
0x4da: {  	v4 =	vld.idx.msk [tilespmem:v8+s13+$0x0], $0xffff;
	v8 =	vadd.s32 s24, v1  }
0x4db: {  	s25 =	simm.s32 $0x1AD;
	v13 =	vld.idx.msk [tilespmem:v50+s2+$0x0], $0xffff;
	v3 =	vadd.f32 v5, v3  }
0x4dc: {  	v51 =	vadd.s32 s25, v1;
	v5 =	vld.idx.msk [tilespmem:v9+s13+$0x0], $0xffff  }
0x4dd: {  	s26 =	simm.s32 $0x1AE;
	v7 =	vld.idx.msk [tilespmem:v7+s2+$0x0], $0xffff;
	v3 =	vadd.f32 v6, v3  }
0x4de: {  	v52 =	vadd.s32 s26, v1;
	v6 =	vld.idx.msk [tilespmem:v10+s13+$0x0], $0xffff  }
0x4df: {  	s28 =	simm.s32 $0x1AF;
	s29 =	simm.s32 $0x1B0;
	v8 =	vld.idx.msk [tilespmem:v8+s2+$0x0], $0xffff;
	v3 =	vadd.f32 v4, v3  }
0x4e0: {  	v53 =	vadd.s32 s28, v1;
	v54 =	vadd.s32 s29, v1;
	v4 =	vld.idx.msk [tilespmem:v11+s13+$0x0], $0xffff  }
0x4e1: {  	v14 =	vand.u32 $0x1FF8, v54;
	v9 =	vld.idx.msk [tilespmem:v51+s2+$0x0], $0xffff;
	v3 =	vadd.f32 v5, v3  }
0x4e2: {  	v55 =	vor.u32 v2, v14;
	v5 =	vld.idx.msk [tilespmem:v12+s13+$0x0], $0xffff  }
0x4e3: {  	s30 =	simm.s32 $0x1B1;
	v10 =	vld.idx.msk [tilespmem:v52+s2+$0x0], $0xffff;
	v3 =	vadd.f32 v6, v3  }
0x4e4: {  	v56 =	vadd.s32 s30, v1;
	v6 =	vld.idx.msk [tilespmem:v13+s13+$0x0], $0xffff  }
0x4e5: {  	s31 =	simm.s32 $0x1B2;
	v11 =	vld.idx.msk [tilespmem:v53+s2+$0x0], $0xffff;
	v3 =	vadd.f32 v4, v3  }
0x4e6: {  	v4 =	vld.idx.msk [tilespmem:v7+s13+$0x0], $0xffff;
	v7 =	vadd.s32 s31, v1  }
0x4e7: {  	s24 =	simm.s32 $0x1B3;
	v12 =	vld.idx.msk [tilespmem:v55+s2+$0x0], $0xffff;
	v3 =	vadd.f32 v5, v3  }
0x4e8: {  	v5 =	vld.idx.msk [tilespmem:v8+s13+$0x0], $0xffff;
	v8 =	vadd.s32 s24, v1  }
0x4e9: {  	s25 =	simm.s32 $0x1B4;
	v13 =	vld.idx.msk [tilespmem:v56+s2+$0x0], $0xffff;
	v3 =	vadd.f32 v6, v3  }
0x4ea: {  	v57 =	vadd.s32 s25, v1;
	v6 =	vld.idx.msk [tilespmem:v9+s13+$0x0], $0xffff  }
0x4eb: {  	s26 =	simm.s32 $0x1B5;
	v7 =	vld.idx.msk [tilespmem:v7+s2+$0x0], $0xffff;
	v3 =	vadd.f32 v4, v3  }
0x4ec: {  	v58 =	vadd.s32 s26, v1;
	v4 =	vld.idx.msk [tilespmem:v10+s13+$0x0], $0xffff  }
0x4ed: {  	s28 =	simm.s32 $0x1B6;
	v8 =	vld.idx.msk [tilespmem:v8+s2+$0x0], $0xffff;
	v3 =	vadd.f32 v5, v3  }
0x4ee: {  	v59 =	vadd.s32 s28, v1;
	v5 =	vld.idx.msk [tilespmem:v11+s13+$0x0], $0xffff  }
0x4ef: {  	s29 =	simm.s32 $0x1B7;
	s30 =	simm.s32 $0x1B8;
	v9 =	vld.idx.msk [tilespmem:v57+s2+$0x0], $0xffff;
	v3 =	vadd.f32 v6, v3  }
0x4f0: {  	v60 =	vadd.s32 s29, v1;
	v61 =	vadd.s32 s30, v1;
	v6 =	vld.idx.msk [tilespmem:v12+s13+$0x0], $0xffff  }
0x4f1: {  	v14 =	vand.u32 $0x1FF8, v61;
	v10 =	vld.idx.msk [tilespmem:v58+s2+$0x0], $0xffff;
	v3 =	vadd.f32 v4, v3  }
0x4f2: {  	v62 =	vor.u32 v2, v14;
	v4 =	vld.idx.msk [tilespmem:v13+s13+$0x0], $0xffff  }
0x4f3: {  	s31 =	simm.s32 $0x1B9;
	v11 =	vld.idx.msk [tilespmem:v59+s2+$0x0], $0xffff;
	v3 =	vadd.f32 v5, v3  }
0x4f4: {  	v5 =	vld.idx.msk [tilespmem:v7+s13+$0x0], $0xffff;
	v7 =	vadd.s32 s31, v1  }
0x4f5: {  	v12 =	vld.idx.msk [tilespmem:v60+s2+$0x0], $0xffff;
	v3 =	vadd.f32 v6, v3  }
0x4f6: {  	v6 =	vld.idx.msk [tilespmem:v8+s13+$0x0], $0xffff  }
0x4f7: {  	v8 =	vld.idx.msk [tilespmem:v62+s2+$0x0], $0xffff;
	v3 =	vadd.f32 v4, v3  }
0x4f8: {  	v4 =	vld.idx.msk [tilespmem:v9+s13+$0x0], $0xffff  }
0x4f9: {  	v7 =	vld.idx.msk [tilespmem:v7+s2+$0x0], $0xffff;
	v3 =	vadd.f32 v5, v3  }
0x4fa: {  	v63 =	vld.idx.msk [tilespmem:v10+s13+$0x0], $0xffff  }
0x4fb: {  	v3 =	vadd.f32 v6, v3  }
0x4fc: {  	v6 =	vld.idx.msk [tilespmem:v11+s13+$0x0], $0xffff  }
0x4fd: {  	v3 =	vadd.f32 v4, v3  }
0x4fe: {  	v5 =	vld.idx.msk [tilespmem:v12+s13+$0x0], $0xffff  }
0x4ff: {  	v4 =	vadd.f32 v63, v3  }
0x500: {  	v3 =	vld.idx.msk [tilespmem:v8+s13+$0x0], $0xffff  }
0x501: {  	s23 =	simm.s32 $0x359;
	s24 =	simm.s32 $0x4F9;
	v6 =	vadd.f32 v6, v4;
	v4 =	vld.idx.msk [tilespmem:v7+s13+$0x0], $0xffff  }
.LBB2_20:
0x502: {  	p0 =	sne.s32 s24, $0xB79;
	s25 =	sadd.s32 $0xFFFFFFE7, s23  }
0x503: {  	v7 =	vadd.s32 s25, v1;
	v5 =	vadd.f32 v5, v6  }
0x504: {  	v6 =	vand.u32 $0x1FF8, v7  }
0x505: {  	v6 =	vor.u32 v2, v6;
	v3 =	vadd.f32 v3, v5  }
0x506: {  	s25 =	sadd.s32 $0xFFFFFFE8, s23  }
0x507: {  	v5 =	vadd.s32 s25, v1;
	v3 =	vadd.f32 v4, v3  }
0x508: {  	s22 =	sadd.s32 $0x10, s22;
	s25 =	sadd.s32 $0xFFFFFFE9, s23  }
0x509: {  	v4 =	vadd.s32 s25, v1;
	[tilespmem:s22+$0x0] =	vst v3  }
0x50a: {  	s25 =	sadd.s32 $0xFFFFFFEA, s23;
	v3 =	vld.idx.msk [tilespmem:v6+s2+$0x0], $0xffff  }
0x50b: {  	v6 =	vadd.s32 s25, v1;
	s25 =	sadd.s32 $0xFFFFFFEB, s23  }
0x50c: {  	v7 =	vadd.s32 s25, v1;
	v5 =	vld.idx.msk [tilespmem:v5+s2+$0x0], $0xffff  }
0x50d: {  	s25 =	sadd.s32 $0xFFFFFFEC, s23  }
0x50e: {  	v8 =	vadd.s32 s25, v1;
	v4 =	vld.idx.msk [tilespmem:v4+s2+$0x0], $0xffff  }
0x50f: {  	s25 =	sadd.s32 $0xFFFFFFED, s23  }
0x510: {  	v9 =	vadd.s32 s25, v1;
	v6 =	vld.idx.msk [tilespmem:v6+s2+$0x0], $0xffff  }
0x511: {  	s26 =	sadd.s32 $0xFFFFFFEF, s23;
	s25 =	sadd.s32 $0xFFFFFFEE, s23;
	v7 =	vld.idx.msk [tilespmem:v7+s2+$0x0], $0xffff  }
0x512: {  	v11 =	vadd.s32 s26, v1;
	v10 =	vadd.s32 s25, v1;
	v3 =	vld.idx.msk [tilespmem:v3+s13+$0x0], $0xffff  }
0x513: {  	v11 =	vand.u32 $0x1FF8, v11;
	v8 =	vld.idx.msk [tilespmem:v8+s2+$0x0], $0xffff  }
0x514: {  	v11 =	vor.u32 v2, v11;
	v5 =	vld.idx.msk [tilespmem:v5+s13+$0x0], $0xffff  }
0x515: {  	s25 =	sadd.s32 $0xFFFFFFF0, s23;
	v9 =	vld.idx.msk [tilespmem:v9+s2+$0x0], $0xffff  }
0x516: {  	v12 =	vadd.s32 s25, v1;
	v4 =	vld.idx.msk [tilespmem:v4+s13+$0x0], $0xffff  }
0x517: {  	s25 =	sadd.s32 $0xFFFFFFF1, s23;
	v10 =	vld.idx.msk [tilespmem:v10+s2+$0x0], $0xffff  }
0x518: {  	v13 =	vadd.s32 s25, v1;
	v3 =	vadd.f32 $0.0e+00, v3;
	v6 =	vld.idx.msk [tilespmem:v6+s13+$0x0], $0xffff  }
0x519: {  	s25 =	sadd.s32 $0xFFFFFFF2, s23;
	v11 =	vld.idx.msk [tilespmem:v11+s2+$0x0], $0xffff  }
0x51a: {  	v3 =	vadd.f32 v5, v3;
	v5 =	vld.idx.msk [tilespmem:v7+s13+$0x0], $0xffff;
	v7 =	vadd.s32 s25, v1  }
0x51b: {  	s25 =	sadd.s32 $0xFFFFFFF3, s23;
	v12 =	vld.idx.msk [tilespmem:v12+s2+$0x0], $0xffff  }
0x51c: {  	v3 =	vadd.f32 v4, v3;
	v4 =	vld.idx.msk [tilespmem:v8+s13+$0x0], $0xffff;
	v8 =	vadd.s32 s25, v1  }
0x51d: {  	s25 =	sadd.s32 $0xFFFFFFF4, s23;
	v13 =	vld.idx.msk [tilespmem:v13+s2+$0x0], $0xffff  }
0x51e: {  	v3 =	vadd.f32 v6, v3;
	v6 =	vld.idx.msk [tilespmem:v9+s13+$0x0], $0xffff;
	v9 =	vadd.s32 s25, v1  }
0x51f: {  	s25 =	sadd.s32 $0xFFFFFFF5, s23;
	v7 =	vld.idx.msk [tilespmem:v7+s2+$0x0], $0xffff  }
0x520: {  	v3 =	vadd.f32 v5, v3;
	v5 =	vld.idx.msk [tilespmem:v10+s13+$0x0], $0xffff;
	v10 =	vadd.s32 s25, v1  }
0x521: {  	s26 =	sadd.s32 $0xFFFFFFF7, s23;
	s25 =	sadd.s32 $0xFFFFFFF6, s23;
	v8 =	vld.idx.msk [tilespmem:v8+s2+$0x0], $0xffff  }
0x522: {  	v14 =	vadd.s32 s26, v1;
	v3 =	vadd.f32 v4, v3;
	v4 =	vld.idx.msk [tilespmem:v11+s13+$0x0], $0xffff;
	v11 =	vadd.s32 s25, v1  }
0x523: {  	v14 =	vand.u32 $0x1FF8, v14;
	v9 =	vld.idx.msk [tilespmem:v9+s2+$0x0], $0xffff  }
0x524: {  	v3 =	vadd.f32 v6, v3;
	v6 =	vld.idx.msk [tilespmem:v12+s13+$0x0], $0xffff;
	v12 =	vor.u32 v2, v14  }
0x525: {  	s25 =	sadd.s32 $0xFFFFFFF8, s23;
	v10 =	vld.idx.msk [tilespmem:v10+s2+$0x0], $0xffff  }
0x526: {  	v3 =	vadd.f32 v5, v3;
	v5 =	vld.idx.msk [tilespmem:v13+s13+$0x0], $0xffff;
	v13 =	vadd.s32 s25, v1  }
0x527: {  	s25 =	sadd.s32 $0xFFFFFFF9, s23;
	v11 =	vld.idx.msk [tilespmem:v11+s2+$0x0], $0xffff  }
0x528: {  	v3 =	vadd.f32 v4, v3;
	v4 =	vld.idx.msk [tilespmem:v7+s13+$0x0], $0xffff;
	v7 =	vadd.s32 s25, v1  }
0x529: {  	s25 =	sadd.s32 $0xFFFFFFFA, s23;
	v12 =	vld.idx.msk [tilespmem:v12+s2+$0x0], $0xffff  }
0x52a: {  	v3 =	vadd.f32 v6, v3;
	v6 =	vld.idx.msk [tilespmem:v8+s13+$0x0], $0xffff;
	v8 =	vadd.s32 s25, v1  }
0x52b: {  	s25 =	sadd.s32 $0xFFFFFFFB, s23;
	v13 =	vld.idx.msk [tilespmem:v13+s2+$0x0], $0xffff  }
0x52c: {  	v3 =	vadd.f32 v5, v3;
	v5 =	vld.idx.msk [tilespmem:v9+s13+$0x0], $0xffff;
	v9 =	vadd.s32 s25, v1  }
0x52d: {  	s25 =	sadd.s32 $0xFFFFFFFC, s23;
	v7 =	vld.idx.msk [tilespmem:v7+s2+$0x0], $0xffff  }
0x52e: {  	v3 =	vadd.f32 v4, v3;
	v4 =	vld.idx.msk [tilespmem:v10+s13+$0x0], $0xffff;
	v10 =	vadd.s32 s25, v1  }
0x52f: {  	s25 =	sadd.s32 $0xFFFFFFFD, s23;
	v8 =	vld.idx.msk [tilespmem:v8+s2+$0x0], $0xffff  }
0x530: {  	v3 =	vadd.f32 v6, v3;
	v6 =	vld.idx.msk [tilespmem:v11+s13+$0x0], $0xffff;
	v11 =	vadd.s32 s25, v1  }
0x531: {  	s26 =	sadd.s32 $0xFFFFFFFF, s23;
	s25 =	sadd.s32 $0xFFFFFFFE, s23;
	v9 =	vld.idx.msk [tilespmem:v9+s2+$0x0], $0xffff  }
0x532: {  	v14 =	vadd.s32 s26, v1;
	v3 =	vadd.f32 v5, v3;
	v5 =	vld.idx.msk [tilespmem:v12+s13+$0x0], $0xffff;
	v12 =	vadd.s32 s25, v1  }
0x533: {  	v14 =	vand.u32 $0x1FF8, v14;
	v10 =	vld.idx.msk [tilespmem:v10+s2+$0x0], $0xffff  }
0x534: {  	v3 =	vadd.f32 v4, v3;
	v4 =	vld.idx.msk [tilespmem:v13+s13+$0x0], $0xffff;
	v13 =	vor.u32 v2, v14  }
0x535: {  	v11 =	vld.idx.msk [tilespmem:v11+s2+$0x0], $0xffff  }
0x536: {  	v3 =	vadd.f32 v6, v3;
	v6 =	vld.idx.msk [tilespmem:v7+s13+$0x0], $0xffff;
	v7 =	vadd.s32 s23, v1;
	s23 =	smov.u32 s24  }
0x537: {  	v12 =	vld.idx.msk [tilespmem:v12+s2+$0x0], $0xffff  }
0x538: {  	v3 =	vadd.f32 v5, v3;
	v5 =	vld.idx.msk [tilespmem:v8+s13+$0x0], $0xffff  }
0x539: {  	v8 =	vld.idx.msk [tilespmem:v13+s2+$0x0], $0xffff  }
0x53a: {  	v3 =	vadd.f32 v4, v3;
	v4 =	vld.idx.msk [tilespmem:v9+s13+$0x0], $0xffff  }
0x53b: {  	v7 =	vld.idx.msk [tilespmem:v7+s2+$0x0], $0xffff  }
0x53c: {  	v3 =	vadd.f32 v6, v3;
	v6 =	vld.idx.msk [tilespmem:v10+s13+$0x0], $0xffff;
	_ =	sdelay $0x1  }
0x53d: {  	v3 =	vadd.f32 v5, v3;
	v9 =	vld.idx.msk [tilespmem:v11+s13+$0x0], $0xffff;
	_ =	sdelay $0x1  }
.Ltmp9:
0x53e: {  	v3 =	vadd.f32 v4, v3;
	v5 =	vld.idx.msk [tilespmem:v12+s13+$0x0], $0xffff;
	(pc) =	sbr.rel @p0 .LBB2_20-.Ltmp9, $3  }
0x53f: {  	_ = 	snop  }
0x540: {  	v4 =	vadd.f32 v6, v3;
	v3 =	vld.idx.msk [tilespmem:v8+s13+$0x0], $0xffff;
	_ =	sdelay $0x1  }
0x541: {  	s24 =	sadd.s32 $0x1A0, s24;
	v6 =	vadd.f32 v9, v4;
	v4 =	vld.idx.msk [tilespmem:v7+s13+$0x0], $0xffff  }
0x542: {  	s24 =	sadd.s32 $0xFFFFFFE7, s23  }
0x543: {  	v7 =	vadd.s32 s24, v1;
	v5 =	vadd.f32 v5, v6  }
0x544: {  	v24 =	vand.u32 $0x1FF8, v7  }
0x545: {  	v6 =	vor.u32 v2, v24;
	v3 =	vadd.f32 v3, v5  }
0x546: {  	s26 =	sadd.s32 $0xFFFFFFE8, s23  }
0x547: {  	v25 =	vadd.s32 s26, v1;
	v3 =	vadd.f32 v4, v3  }
0x548: {  	s28 =	sadd.s32 $0xFFFFFFE9, s23;
	s22 =	sadd.s32 $0x10, s22  }
0x549: {  	v26 =	vadd.s32 s28, v1;
	[tilespmem:s22+$0x0] =	vst v3  }
0x54a: {  	s29 =	sadd.s32 $0xFFFFFFEA, s23;
	v3 =	vld.idx.msk [tilespmem:v6+s2+$0x0], $0xffff  }
0x54b: {  	s30 =	sadd.s32 $0xFFFFFFEB, s23;
	v27 =	vadd.s32 s29, v1  }
0x54c: {  	v28 =	vadd.s32 s30, v1;
	v5 =	vld.idx.msk [tilespmem:v25+s2+$0x0], $0xffff  }
0x54d: {  	s31 =	sadd.s32 $0xFFFFFFEC, s23  }
0x54e: {  	v8 =	vadd.s32 s31, v1;
	v4 =	vld.idx.msk [tilespmem:v26+s2+$0x0], $0xffff  }
0x54f: {  	s25 =	sadd.s32 $0xFFFFFFED, s23  }
0x550: {  	v9 =	vadd.s32 s25, v1;
	v6 =	vld.idx.msk [tilespmem:v27+s2+$0x0], $0xffff  }
0x551: {  	s26 =	sadd.s32 $0xFFFFFFEE, s23;
	s25 =	sadd.s32 $0xFFFFFFEF, s23;
	v7 =	vld.idx.msk [tilespmem:v28+s2+$0x0], $0xffff  }
0x552: {  	v10 =	vadd.s32 s26, v1;
	v11 =	vadd.s32 s25, v1;
	v3 =	vld.idx.msk [tilespmem:v3+s13+$0x0], $0xffff  }
0x553: {  	v11 =	vand.u32 $0x1FF8, v11;
	v8 =	vld.idx.msk [tilespmem:v8+s2+$0x0], $0xffff  }
0x554: {  	v11 =	vor.u32 v2, v11;
	v5 =	vld.idx.msk [tilespmem:v5+s13+$0x0], $0xffff  }
0x555: {  	s28 =	sadd.s32 $0xFFFFFFF0, s23;
	v9 =	vld.idx.msk [tilespmem:v9+s2+$0x0], $0xffff  }
0x556: {  	v12 =	vadd.s32 s28, v1;
	v4 =	vld.idx.msk [tilespmem:v4+s13+$0x0], $0xffff  }
0x557: {  	s29 =	sadd.s32 $0xFFFFFFF1, s23;
	v10 =	vld.idx.msk [tilespmem:v10+s2+$0x0], $0xffff;
	v3 =	vadd.f32 $0.0e+00, v3  }
0x558: {  	v13 =	vadd.s32 s29, v1;
	v6 =	vld.idx.msk [tilespmem:v6+s13+$0x0], $0xffff  }
0x559: {  	s30 =	sadd.s32 $0xFFFFFFF2, s23;
	v11 =	vld.idx.msk [tilespmem:v11+s2+$0x0], $0xffff;
	v3 =	vadd.f32 v5, v3  }
0x55a: {  	v30 =	vadd.s32 s30, v1;
	v29 =	vld.idx.msk [tilespmem:v7+s13+$0x0], $0xffff  }
0x55b: {  	s31 =	sadd.s32 $0xFFFFFFF3, s23;
	v12 =	vld.idx.msk [tilespmem:v12+s2+$0x0], $0xffff;
	v3 =	vadd.f32 v4, v3  }
0x55c: {  	v32 =	vadd.s32 s31, v1;
	v31 =	vld.idx.msk [tilespmem:v8+s13+$0x0], $0xffff  }
0x55d: {  	s25 =	sadd.s32 $0xFFFFFFF4, s23;
	v13 =	vld.idx.msk [tilespmem:v13+s2+$0x0], $0xffff;
	v3 =	vadd.f32 v6, v3  }
0x55e: {  	v34 =	vadd.s32 s25, v1;
	v33 =	vld.idx.msk [tilespmem:v9+s13+$0x0], $0xffff  }
0x55f: {  	s26 =	sadd.s32 $0xFFFFFFF5, s23;
	v7 =	vld.idx.msk [tilespmem:v30+s2+$0x0], $0xffff;
	v3 =	vadd.f32 v29, v3  }
0x560: {  	v36 =	vadd.s32 s26, v1;
	v35 =	vld.idx.msk [tilespmem:v10+s13+$0x0], $0xffff  }
0x561: {  	s28 =	sadd.s32 $0xFFFFFFF6, s23;
	s29 =	sadd.s32 $0xFFFFFFF7, s23;
	v8 =	vld.idx.msk [tilespmem:v32+s2+$0x0], $0xffff;
	v3 =	vadd.f32 v31, v3  }
0x562: {  	v38 =	vadd.s32 s28, v1;
	v14 =	vadd.s32 s29, v1;
	v37 =	vld.idx.msk [tilespmem:v11+s13+$0x0], $0xffff  }
0x563: {  	v14 =	vand.u32 $0x1FF8, v14;
	v9 =	vld.idx.msk [tilespmem:v34+s2+$0x0], $0xffff;
	v3 =	vadd.f32 v33, v3  }
0x564: {  	v40 =	vor.u32 v2, v14;
	v39 =	vld.idx.msk [tilespmem:v12+s13+$0x0], $0xffff  }
0x565: {  	s30 =	sadd.s32 $0xFFFFFFF8, s23;
	v10 =	vld.idx.msk [tilespmem:v36+s2+$0x0], $0xffff;
	v3 =	vadd.f32 v35, v3  }
0x566: {  	v42 =	vadd.s32 s30, v1;
	v41 =	vld.idx.msk [tilespmem:v13+s13+$0x0], $0xffff  }
0x567: {  	s31 =	sadd.s32 $0xFFFFFFF9, s23;
	v11 =	vld.idx.msk [tilespmem:v38+s2+$0x0], $0xffff;
	v3 =	vadd.f32 v37, v3  }
0x568: {  	v44 =	vadd.s32 s31, v1;
	v43 =	vld.idx.msk [tilespmem:v7+s13+$0x0], $0xffff  }
0x569: {  	s25 =	sadd.s32 $0xFFFFFFFA, s23;
	v12 =	vld.idx.msk [tilespmem:v40+s2+$0x0], $0xffff;
	v3 =	vadd.f32 v39, v3  }
0x56a: {  	v46 =	vadd.s32 s25, v1;
	v45 =	vld.idx.msk [tilespmem:v8+s13+$0x0], $0xffff  }
0x56b: {  	s26 =	sadd.s32 $0xFFFFFFFB, s23;
	v13 =	vld.idx.msk [tilespmem:v42+s2+$0x0], $0xffff;
	v3 =	vadd.f32 v41, v3  }
0x56c: {  	v48 =	vadd.s32 s26, v1;
	v47 =	vld.idx.msk [tilespmem:v9+s13+$0x0], $0xffff  }
0x56d: {  	s28 =	sadd.s32 $0xFFFFFFFC, s23;
	v7 =	vld.idx.msk [tilespmem:v44+s2+$0x0], $0xffff;
	v3 =	vadd.f32 v43, v3  }
0x56e: {  	v50 =	vadd.s32 s28, v1;
	v49 =	vld.idx.msk [tilespmem:v10+s13+$0x0], $0xffff  }
0x56f: {  	s29 =	sadd.s32 $0xFFFFFFFD, s23;
	v8 =	vld.idx.msk [tilespmem:v46+s2+$0x0], $0xffff;
	v3 =	vadd.f32 v45, v3  }
0x570: {  	v52 =	vadd.s32 s29, v1;
	v51 =	vld.idx.msk [tilespmem:v11+s13+$0x0], $0xffff  }
0x571: {  	s30 =	sadd.s32 $0xFFFFFFFE, s23;
	s31 =	sadd.s32 $0xFFFFFFFF, s23;
	v9 =	vld.idx.msk [tilespmem:v48+s2+$0x0], $0xffff;
	v3 =	vadd.f32 v47, v3  }
0x572: {  	v54 =	vadd.s32 s30, v1;
	v55 =	vadd.s32 s31, v1;
	v53 =	vld.idx.msk [tilespmem:v12+s13+$0x0], $0xffff  }
0x573: {  	v14 =	vand.u32 $0x1FF8, v55;
	v10 =	vld.idx.msk [tilespmem:v50+s2+$0x0], $0xffff;
	v3 =	vadd.f32 v49, v3  }
0x574: {  	v2 =	vor.u32 v2, v14;
	v56 =	vld.idx.msk [tilespmem:v13+s13+$0x0], $0xffff  }
0x575: {  	v11 =	vld.idx.msk [tilespmem:v52+s2+$0x0], $0xffff;
	v3 =	vadd.f32 v51, v3  }
0x576: {  	v1 =	vadd.s32 s23, v1;
	v57 =	vld.idx.msk [tilespmem:v7+s13+$0x0], $0xffff  }
0x577: {  	v58 =	vld.idx.msk [tilespmem:v54+s2+$0x0], $0xffff;
	v3 =	vadd.f32 v53, v3  }
0x578: {  	v59 =	vld.idx.msk [tilespmem:v8+s13+$0x0], $0xffff  }
0x579: {  	v2 =	vld.idx.msk [tilespmem:v2+s2+$0x0], $0xffff;
	v3 =	vadd.f32 v56, v3  }
0x57a: {  	v60 =	vld.idx.msk [tilespmem:v9+s13+$0x0], $0xffff  }
0x57b: {  	v1 =	vld.idx.msk [tilespmem:v1+s2+$0x0], $0xffff;
	v3 =	vadd.f32 v57, v3  }
0x57c: {  	v61 =	vld.idx.msk [tilespmem:v10+s13+$0x0], $0xffff  }
0x57d: {  	v3 =	vadd.f32 v59, v3  }
0x57e: {  	v62 =	vld.idx.msk [tilespmem:v11+s13+$0x0], $0xffff  }
0x57f: {  	v3 =	vadd.f32 v60, v3  }
0x580: {  	v63 =	vld.idx.msk [tilespmem:v58+s13+$0x0], $0xffff  }
0x581: {  	v3 =	vadd.f32 v61, v3  }
0x582: {  	v2 =	vld.idx.msk [tilespmem:v2+s13+$0x0], $0xffff  }
0x583: {  	v3 =	vadd.f32 v62, v3  }
0x584: {  	v1 =	vld.idx.msk [tilespmem:v1+s13+$0x0], $0xffff  }
0x585: {  	v3 =	vadd.f32 v63, v3;
	_ =	sdelay $0x1  }
0x586: {  	v2 =	vadd.f32 v2, v3;
	_ =	sdelay $0x1  }
0x587: {  	s21 =	sadd.s32 $0x1, s21;
	v1 =	vadd.f32 v1, v2  }
0x588: {  	p0 =	sne.s32 s21, s10;
	s22 =	sadd.s32 $0x10, s22  }
.Ltmp10:
0x589: {  	[tilespmem:s22+$0x0] =	vst v1;
	(pc) =	sbr.rel @p0 .LBB2_1-.Ltmp10, $4  }
0x58a: {  	[hbm4b:s9+s2] =	stream.linear.scatter [tilespmem:s20], [sflag:$0x3], $0x80, $0x38;
	[tilespmem:$0x1CF90] =	vst v63  }
0x58b: {  	_ =	swait.ge [sflag:s11], $0x80  }
0x58c: {  	[sflag:s11] =	ssyncset.done $0x0  }
0x58d: {  	[sflag:s11] =	ssyncadd.s32 $0xFFFFFF80  }
0x58e: {  	_ =	sfence.sel $0x180000  }
0x58f: {  	[bflag:$0x0] =	sbarrier.arrive $0xFFFF  }
0x590: {  	p0 =	sne.s32 s0, $0x0;
	_ =	strace $0x9000004A  }
0x591: {  	s0 =	sadd.s32 @!p0 $0x100000, s1;
	[bflag:$0x2] =	sbarrier.arrive $0xFFFF  }
0x592: {  	[sflag:s0] =	ssyncadd.tile.s32 @!p0 $0x1;
	_ =	shalt  }
.Lfunc_end2:
_tile_overlayer_lowered:
.L_overlay_start_2:
0x593: {  	(tag) =	ssettag $0x2  }
0x594: {  	s0 =	rddreg [dreg:$0x0];
	s2 =	stileid.u32  }
0x595: {  	s1 =	rddreg [dreg:$0x1];
	p0 =	sne.s32 s2, $0x0  }
0x596: {  	s3 =	rddreg [dreg:$0x2];
	[bflag:$0x3] =	sbarrier.arrive $0xFFFF;
	s2 =	simm.s32 @!p0 $0x1C03  }
0x597: {  	[timem:s3], [sflag:s2] =	dma.local @!p0 [hbm:s0], s1  }
0x598: {  	s0 =	simm.s32 @!p0 $0x3  }
0x599: {  	_ =	swait.ge @!p0 [sflag:s0], s1  }
0x59a: {  	s1 =	ssub.s32 @!p0 $0x0, s1;
	[sflag:s0] =	ssyncset.done @!p0 $0x0  }
0x59b: {  	[sflag:s0] =	ssyncadd.s32 @!p0 s1  }
0x59c: {  	[bflag:$0x3] =	sbarrier.arrive $0xFFFF  }
0x59d: {  	_ =	shalt  }

// kernel: sparse-core-data-format-call.cloned.1.call-start
scs
called_computation_lowered:
.L_overlay_start_0:
0x0: {  	s2 =	sld [smem:$0x3FD9]  }
0x1: {  	s3 =	sld [smem:$0x3FFE];
	_ =	sdelay $0x1  }
0x2: {  	s1 =	srdreg.scid  }
0x3: {  	s0 =	sand.u32 $0x1, s1  }
0x4: {  	s18 =	sshll.u32 s0, $0xA;
	s2 =	sadd.s32 s3, s2  }
0x5: {  	s2 =	sadd.s32 s2, s18  }
0x6: {  	[smem:$0x3FBD] =	sst s2  }
0x7: {  	_ = 	snop  }
0x8: {  	s2 =	sld [smem:$0x3FC7];
	(tm) =	ssettm $0x1  }
0x9: {  	s19 =	sld [smem:$0x3FFB];
	_ =	sdelay $0x3  }
0xa: {  	_ =	strace s19  }
0xb: {  	s3 =	sld [smem:$0x3FFC];
	_ =	sdelay $0x3  }
0xc: {  	_ =	strace s3  }
0xd: {  	s3 =	sld [smem:$0x3FFD];
	_ =	sdelay $0x3  }
0xe: {  	_ =	strace s3  }
0xf: {  	_ =	strace $0x8FFFFFFF  }
0x10: {  	s20 =	sld [smem:$0x3FDB];
	_ =	sdelay $0x1  }
0x11: {  	s4 =	simm.s32 $_scs_section_size  }
0x12: {  	s5 =	simm.s32 $_size__tile_overlayer_lowered;
	s6 =	simm.s32 $_tile_overlayer_lowered  }
0x13: {  	s23 =	simm.s32 $0x1BFF;
	s22 =	sshll.u32 s6, $0x1;
	s3 =	sadd.s32 s4, s20  }
0x14: {  	s7 =	simm.s32 $0x0;
	s21 =	sshll.u32 s5, $0x1;
	s5 =	sadd.s32 s22, s3  }
0x15: {  	[timem:s7], [sflag:s23] =	dma.local [hbm:s5], s21  }
0x16: {  	_ =	swait.ge [sflag:s23], s21  }
0x17: {  	s4 =	ssub.s32 $0x0, s21;
	[sflag:s23] =	ssyncset.done $0x0  }
0x18: {  	[sflag:s23] =	ssyncadd.s32 s4;
	_ =	sdelay $0x1  }
0x19: {  	s24 =	simm.s32 $0x1B8B  }
0x1a: {  	_ =	swait.ge [sflag:s24], $0x1  }
0x1b: {  	[sflag:s24] =	ssyncset.done $0x0  }
0x1c: {  	s26 =	simm.s32 $0x1B8E;
	s25 =	sld [smem:$0x3FFE];
	[sflag:s24] =	ssyncadd.s32 $0xFFFFFFFF  }
0x1d: {  	s27 =	simm.s32 $execute0_lowered;
	[smem:$0x3FD2] =	sst s26  }
0x1e: {  	s5 =	sshll.u32 s27, $0x1;
	_ =	strace $0x80000046;
	[dreg:$0x1] =	wrdreg $0xFFFFFFFF  }
0x1f: {  	s28 =	simm.s32 $_size_execute0_lowered;
	s3 =	sadd.s32 s3, s5;
	[dreg:$0x0] =	wrdreg $0x0  }
0x20: {  	s5 =	sshll.u32 s28, $0x1;
	[dreg:$0x2] =	wrdreg s3  }
0x21: {  	[dreg:$0x3] =	wrdreg s5  }
0x22: {  	[dreg:$0x4] =	wrdreg $0xC0  }
0x23: {  	_ =	task [dreg:s7], $0x5FFFF  }
0x24: {  	[dreg:$0x1] =	wrdreg $0xFFFFFFFF  }
0x25: {  	[dreg:$0x0] =	wrdreg $0x60  }
0x26: {  	[dreg:$0x2] =	wrdreg s2  }
0x27: {  	[dreg:$0x3] =	wrdreg s25  }
0x28: {  	[dreg:$0x4] =	wrdreg $0x9  }
0x29: {  	_ =	task.clear_ibuf [dreg:s7], $0x5FFFF;
	_ =	strace $0x90000046  }
0x2a: {  	s29 =	simm.s32 $0x9;
	_ =	strace $0x80000048  }
0x2b: {  	_ =	swait.ge [sflag:s29], $0x1  }
0x2c: {  	[sflag:s29] =	ssyncadd.s32 $0xFFFFFFFF  }
0x2d: {  	_ =	strace $0x90000048  }
0x2e: {  	_ =	sfence  }
0x2f: {  	s30 =	sld [smem:$0x0];
	_ =	sdelay $0x2  }
0x30: {  	s31 =	sshll.u32 s1, $0xD;
	s1 =	sshrl.u32 s1, $0x2  }
0x31: {  	s3 =	sand.u32 $0x4000, s31;
	s1 =	sadd.s32 s1, s30  }
0x32: {  	s0 =	sor.u32 s3, s0;
	s1 =	sshll.u32 s1, $0x11  }
0x33: {  	s0 =	sor.u32 s1, s0  }
0x34: {  	s0 =	sadd.s32 $0x8F2B, s0  }
0x35: {  	[sflag:s0] =	ssyncadd.remote.s32 $0x1  }
0x36: {  	_ =	sfence.sel $0xFFFF  }
0x37: {  	[dreg:$0x0] =	wrdreg $0xFFFFFFFF;
	(pc) =	sbr.abs _section_cstart, $3  }
0x38: {  	[dreg:$0x1] =	wrdreg $0xFFFFFFFF  }
0x39: {  	_ =	task.clear_ibuf [dreg:s7], $0x2FFFF;
	_ =	strace $0x9FFFFFFF  }
0x3a: {  	(tm) =	ssettm $0x7FFFFFFF  }
0x3b: {  	_ =	shalt  }
tec
execute0_lowered:
.L_overlay_start_1:
0x0: {  	(tag) =	ssettag $0x1  }
0x1: {  	s3 =	stileid.u32;
	s0 =	srdreg.scid  }
0x2: {  	s1 =	rddreg [dreg:$0x1];
	_ =	strace $0x80000047;
	s29 =	simm.s32 $0x1  }
0x3: {  	s31 =	simm.s32 $0x2;
	s15 =	simm.s32 $0x0;
	s10 =	simm.s32 $0x0  }
0x4: {  	s2 =	sshll.u32 s3, $0x5;
	s0 =	sshll.u32 s0, $0x9;
	s1 =	sadd.s32 $0x1C00, s1  }
0x5: {  	s28 =	sshll.u32 s3, $0x7;
	s0 =	sor.u32 s2, s0;
	[dreg:$0x3] =	wrdreg s1  }
.Ltmp0:
0x6: {  	s13 =	sand.u32 $0x180, s28;
	s11 =	sand.u32 $0x380, s0;
	(pc) =	sbr.rel .LBB1_1-.Ltmp0, $4  }
0x7: {  	s9 =	simm.s32 $0x0;
	[dreg:$0x6] =	wrdreg s13;
	s30 =	ssub.s32 $0x6580, s11  }
0x8: {  	s12 =	simm.s32 $0x0;
	[dreg:$0x4] =	wrdreg s11;
	s1 =	sshrl.u32 s30, $0xA  }
0x9: {  	[sflag:s29] =	ssyncpa.u1 $0x0;
	[dreg:$0x5] =	wrdreg s1;
	s8 =	sor.u32 $0x2, s1  }
0xa: {  	s14 =	simm.s32 $0x0;
	[sflag:s31] =	ssyncpa.u1 $0x0;
	[dreg:$0x7] =	wrdreg s8  }
.LBB1_12:
0xb: {  	s9 =	rddreg [dreg:$0x8]  }
0xc: {  	s5 =	rddreg [dreg:$0xc]  }
0xd: {  	s1 =	sshll.u32 s12, $0x3;
	s24 =	rddreg [dreg:$0xb]  }
0xe: {  	s4 =	smov.u32 s12;
	s27 =	sand.u32 $0x78, s12;
	s29 =	rddreg [dreg:$0x3]  }
0xf: {  	s28 =	sand.u32 $0x7, s12;
	s31 =	simm.s32 $0x1000;
	s8 =	rddreg [dreg:$0x7]  }
0x10: {  	s10 =	rddreg [dreg:$0x9];
	s0 =	sshll.u32 s9, $0x9;
	s1 =	sand.u32 $0xFFFFFC00, s1  }
0x11: {  	s2 =	sshll.u32 s9, $0x7;
	p0 =	sgt.s32 s9, $0x6510;
	s0 =	sand.u32 $0xFFFFF000, s0  }
0x12: {  	s23 =	sand.u32 $0x200, s2;
	s0 =	sadd.s32 s1, s0;
	s1 =	smov.u32 s9  }
0x13: {  	s2 =	sand.u32 $0x180, s2;
	s0 =	sor.u32 s23, s0;
	s1 =	simm.s32 @!p0 $0x6510  }
0x14: {  	p0 =	sgt.s32 s12, $0x180;
	s0 =	sshrl.u32 s0, $0x9;
	s1 =	sadd.s32 s5, s1  }
0x15: {  	s4 =	simm.s32 @!p0 $0x180;
	s3 =	smulhi.u32 $0x285471, s0;
	s25 =	sadd.s32 $0xFFFF9AF0, s1  }
0x16: {  	s4 =	sadd.s32 s24, s4;
	s1 =	ssub.s32 $0x6590, s1;
	p0 =	sgt.s32 s25, $0x7F  }
0x17: {  	s26 =	sadd.s32 $0xFFFFFE80, s4;
	s4 =	ssub.s32 $0x200, s4;
	s3 =	sshrl.u32 s3, $0x4  }
0x18: {  	s1 =	simm.s32 @p0 $0x0;
	p0 =	sgt.s32 s26, $0x7F;
	s3 =	smul.u32 $0x6590, s3  }
0x19: {  	s15 =	rddreg [dreg:$0xa];
	s2 =	sor.u32 s27, s2;
	s4 =	simm.s32 @p0 $0x0  }
0x1a: {  	s2 =	sshrl.u32 s2, $0x3;
	s1 =	smul.u32 s4, s1;
	s0 =	ssub.s32 s0, s3  }
0x1b: {  	s2 =	sadd.s32 s29, s2;
	s3 =	sshll.u32 s28, $0x12;
	s0 =	sshll.u32 s0, $0x6  }
0x1c: {  	s1 =	sand.u32 $0x3FFFFFFF, s1;
	s30 =	sor.u32 $0x400, s3;
	s0 =	sadd.s32 s0, s2  }
0x1d: {  	[hbm4b:s0+s30] =	stream.strided.scatter [tilespmem:s18], [sflag:$0x2], s1, s31, s30, $0x20;
	[tilespmem:$0x10100] =	vst v63  }
.LBB1_13:
0x1e: {  	p0 =	slt.u32 s14, $0x2  }
0x1f: {  	s1 =	smov.u32 s15;
	s2 =	smov.u32 s10;
	p1 =	sgt.s32 @!p0 s15, $0x6510  }
0x20: {  	s0 =	sshra.s32 @!p0 s15, $0x1F;
	p2 =	sgt.s32 @!p0 s10, $0x180;
	s3 =	sshra.s32 @!p0 s10, $0x1F  }
0x21: {  	p1 =	por !p1, p0;
	s0 =	sand.u32 @!p0 s0, s15;
	p2 =	por !p2, p0  }
0x22: {  	s3 =	sand.u32 @!p0 s3, s10;
	s1 =	simm.s32 @p1 $0x6510;
	s2 =	simm.s32 @p2 $0x180  }
0x23: {  	s0 =	ssub.s32 @!p0 s1, s0;
	s1 =	ssub.s32 @!p0 s2, s3  }
0x24: {  	s2 =	sadd.s32 @!p0 $0xFFFF9AF0, s0;
	s3 =	sadd.s32 @!p0 $0xFFFFFE80, s1  }
0x25: {  	s0 =	ssub.s32 @!p0 $0x6590, s0;
	p1 =	sgt.s32 @!p0 s2, $0x7F;
	p2 =	sgt.s32 @!p0 s3, $0x7F  }
0x26: {  	s1 =	ssub.s32 @!p0 $0x200, s1;
	p1 =	por !p1, p0;
	p2 =	por !p2, p0  }
0x27: {  	s0 =	simm.s32 @!p1 $0x0;
	s1 =	simm.s32 @!p2 $0x0  }
0x28: {  	s0 =	smul.u32 @!p0 s1, s0  }
0x29: {  	s4 =	smov.u32 s13  }
0x2a: {  	s2 =	simm.s32 @!p0 $0x2;
	s1 =	sadd.s32 $0x400, s11;
	s0 =	sand.u32 @!p0 $0x3FFFFFFF, s0  }
0x2b: {  	s3 =	sadd.s32 $0x200, s13;
	p1 =	sgt.s32 s1, $0x658F;
	_ =	swait.ge @!p0 [sflag:s2], s0  }
0x2c: {  	s4 =	smov.u32 @p1 s3;
	s3 =	rddreg [dreg:$0x4]  }
0x2d: {  	s1 =	smov.u32 @p1 s3;
	p1 =	sgt.s32 s4, $0x19F;
	s3 =	rddreg [dreg:$0x6]  }
0x2e: {  	s4 =	smov.u32 @p1 s3;
	p1 =	sne.s32 s14, s8  }
.Ltmp1:
0x2f: {  	_ = 	snop;
	(pc) =	sbr.rel @!p1 .LBB1_14-.Ltmp1, $4  }
0x30: {  	s15 =	smov.u32 s9  }
0x31: {  	s10 =	smov.u32 s12;
	s0 =	ssub.s32 @!p0 $0x0, s0;
	[sflag:s2] =	ssyncset.done @!p0 $0x0  }
0x32: {  	s9 =	smov.u32 s11;
	s12 =	smov.u32 s13;
	[sflag:s2] =	ssyncadd.s32 @!p0 s0  }
0x33: {  	s14 =	sadd.s32 $0x1, s14;
	s11 =	smov.u32 s1;
	s13 =	smov.u32 s4  }
.LBB1_1:
0x34: {  	s0 =	rddreg [dreg:$0x5]  }
0x35: {  	s3 =	smov.u32 s13;
	s5 =	smov.u32 s11;
	p0 =	sgt.u32 s14, s0  }
0x36: {  	s0 =	sshrl.u32 @!p0 s13, $0x3;
	s1 =	sshll.u32 @!p0 s11, $0x3;
	s2 =	sshll.u32 @!p0 s13, $0x7  }
0x37: {  	p1 =	sgt.s32 @!p0 s13, $0x120;
	s4 =	sshra.s32 @!p0 s13, $0x1F;
	s6 =	sshra.s32 @!p0 s11, $0x1F  }
0x38: {  	s0 =	smul.u32 @!p0 $0x33000, s0;
	s1 =	sand.u32 @!p0 $0xFFFFFC00, s1;
	p1 =	por !p1, p0  }
0x39: {  	s4 =	sand.u32 @!p0 s4, s13;
	s6 =	sand.u32 @!p0 s6, s11;
	s3 =	simm.s32 @p1 $0x120  }
0x3a: {  	p1 =	sgt.s32 @!p0 s11, $0x6580;
	s0 =	sadd.s32 @!p0 s0, s1;
	s1 =	sand.u32 @!p0 $0x380, s2  }
0x3b: {  	s2 =	sand.u32 @!p0 $0x7F, s11;
	p1 =	por !p1, p0;
	s0 =	sor.u32 @!p0 s1, s0  }
0x3c: {  	s3 =	ssub.s32 @!p0 s3, s4;
	s5 =	simm.s32 @p1 $0x6580;
	s1 =	sor.u32 @!p0 s2, s0  }
0x3d: {  	s0 =	smulhi.u32 @!p0 $0xA0A0A0A1, s0;
	s4 =	ssub.s32 @!p0 s5, s6;
	s6 =	sadd.s32 @!p0 $0xFFFFFEE0, s3  }
0x3e: {  	s3 =	ssub.s32 @!p0 $0x1A0, s3;
	s2 =	smulhi.u32 @!p0 $0xA0A0A0A1, s1;
	s7 =	sadd.s32 @!p0 $0xFFFF9A80, s4  }
0x3f: {  	p1 =	sgt.s32 @!p0 s6, $0x7F;
	s4 =	ssub.s32 @!p0 $0x6600, s4;
	s0 =	sshrl.u32 @!p0 s0, $0xE  }
0x40: {  	p2 =	sgt.s32 @!p0 s7, $0x7F;
	s2 =	sshrl.u32 @!p0 s2, $0xE;
	s5 =	smulhi.u32 @!p0 $0x9D89D9, s0  }
0x41: {  	p1 =	por !p1, p0;
	p2 =	por !p2, p0;
	s2 =	smul.u32 @!p0 $0x6600, s2  }
0x42: {  	s3 =	simm.s32 @!p1 $0x0;
	s4 =	simm.s32 @!p2 $0x0  }
0x43: {  	s5 =	smul.u32 @!p0 $0x1A0, s5;
	s1 =	ssub.s32 @!p0 s1, s2;
	s2 =	sxor.u32 @!p0 $0xFFFFFFFF, s14  }
0x44: {  	s3 =	smul.u32 @!p0 s3, s4;
	s2 =	sshll.u32 @!p0 s2, $0xE  }
0x45: {  	s0 =	ssub.s32 @!p0 s0, s5;
	s4 =	sshrl.u32 @!p0 s1, $0x3;
	s1 =	sand.u32 @!p0 $0x7, s1  }
0x46: {  	s3 =	sand.u32 @!p0 $0x3FFFFFFF, s3;
	s5 =	rddreg [dreg:$0x0];
	s0 =	smul.u32 @!p0 $0xCC0, s0  }
0x47: {  	s2 =	sand.u32 @!p0 $0x4000, s2;
	s4 =	sadd.s32 @!p0 s5, s4;
	s1 =	sshll.u32 @!p0 s1, $0x12  }
0x48: {  	s1 =	sor.u32 @!p0 $0x400, s1;
	s0 =	sadd.s32 @!p0 s0, s4;
	s4 =	simm.s32 @!p0 $0x33000  }
0x49: {  	[tilespmem:s2], [sflag:$0x1] =	stream.strided.gather @!p0 [hbm4b:s0+s1], s3, s4, s1, $0x38;
	[tilespmem:$0x10100] =	vst v63  }
0x4a: {  	p0 =	seq.s32 s14, $0x0  }
0x4b: {  	p1 =	sge.u32 @!p0 s14, s8  }
0x4c: {  	p0 =	por p0, p1  }
.Ltmp2:
0x4d: {  	_ = 	snop;
	(pc) =	sbr.rel @p0 .LBB1_13-.Ltmp2, $1  }
0x4e: {  	_ =	sdelay $0x3  }
0x4f: {  	s0 =	ssub.s32 $0x0, s12;
	s1 =	sshra.s32 s12, $0x1F;
	p0 =	sgt.s32 s12, $0x120  }
0x50: {  	s2 =	smov.u32 s12;
	s25 =	ssub.s32 $0x0, s9;
	s26 =	sshra.s32 s9, $0x1F  }
0x51: {  	s3 =	smov.u32 s9;
	s2 =	simm.s32 @!p0 $0x120;
	p0 =	sgt.s32 s9, $0x6580  }
0x52: {  	s4 =	sand.u32 s0, s1;
	s1 =	sand.u32 s25, s26;
	s3 =	simm.s32 @!p0 $0x6580  }
0x53: {  	s2 =	sadd.s32 s4, s2;
	[dreg:$0xc] =	wrdreg s1;
	s1 =	sadd.s32 s1, s3  }
0x54: {  	s27 =	sadd.s32 $0xFFFFFEE0, s2;
	s2 =	ssub.s32 $0x1A0, s2;
	s28 =	sadd.s32 $0xFFFF9A80, s1  }
0x55: {  	p0 =	sgt.s32 s27, $0x7F;
	s0 =	ssub.s32 $0x6600, s1;
	p1 =	sgt.s32 s28, $0x7F  }
0x56: {  	s2 =	simm.s32 @p0 $0x0;
	s0 =	simm.s32 @p1 $0x0  }
0x57: {  	s29 =	smul.u32 s2, s0;
	s2 =	sadd.s32 $0x80, s12  }
0x58: {  	p0 =	slt.s32 s2, $0x1A0  }
0x59: {  	s2 =	simm.s32 @!p0 $0x1A0  }
0x5a: {  	[dreg:$0xa] =	wrdreg s15;
	s20 =	ssub.s32 s2, s12  }
0x5b: {  	[dreg:$0x9] =	wrdreg s10;
	p0 =	slt.s32 s20, $0x1  }
.Ltmp3:
0x5c: {  	[dreg:$0x8] =	wrdreg s9;
	s30 =	simm.s32 $0x1;
	(pc) =	sbr.rel @p0 .LBB1_12-.Ltmp3, $4  }
0x5d: {  	[dreg:$0xb] =	wrdreg s4;
	s0 =	sand.u32 $0x1, s14;
	s1 =	sand.u32 $0x3FFFFFFF, s29  }
0x5e: {  	s31 =	smul.u32 $0x4080, s0;
	_ =	swait.ge [sflag:s30], s1  }
0x5f: {  	s1 =	ssub.s32 $0x0, s1;
	[sflag:s30] =	ssyncset.done $0x0  }
0x60: {  	s18 =	sor.u32 $0x8000, s31;
	[sflag:s30] =	ssyncadd.s32 s1  }
0x61: {  	s2 =	rddreg [dreg:$0x8]  }
0x62: {  	s1 =	sadd.s32 $0x80, s2  }
0x63: {  	p0 =	slt.s32 s1, $0x6590  }
.Ltmp4:
0x64: {  	s1 =	simm.s32 @!p0 $0x6590;
	(pc) =	sbr.rel .LBB1_4-.Ltmp4, $4  }
0x65: {  	s23 =	sshll.u32 s0, $0xE;
	s1 =	ssub.s32 s1, s2  }
0x66: {  	s25 =	simm.s32 $0x0;
	s26 =	simm.s32 $0x400;
	s1 =	sadd.s32 $0xF, s1  }
0x67: {  	s21 =	sand.u32 $0xFFFFFFF0, s1;
	s22 =	sand.u32 $0xFFFFFF00, s1;
	s31 =	sshll.u32 s1, $0x3  }
0x68: {  	p0 =	slt.s32 s1, $0x100;
	s24 =	sand.u32 $0xFFFFF800, s31;
	p1 =	sge.s32 s22, s21  }
.LBB1_11:
0x69: {  	s25 =	sadd.s32 $0x1, s25  }
0x6a: {  	p2 =	sne.s32 s25, s20  }
.Ltmp5:
0x6b: {  	_ = 	snop;
	(pc) =	sbr.rel @!p2 .LBB1_12-.Ltmp5, $2  }
0x6c: {  	_ =	sdelay $0x2  }
0x6d: {  	s26 =	sadd.s32 $0x80, s26  }
.LBB1_4:
.Ltmp6:
0x6e: {  	(pc) =	sbr.rel @p0 .LBB1_8-.Ltmp6, $2  }
0x6f: {  	_ =	sdelay $0x2  }
0x70: {  	s27 =	sshll.u32 s25, $0x7;
	s28 =	sand.u32 $0x7F, s25  }
0x71: {  	s2 =	sshll.u32 s25, $0x3  }
0x72: {  	s5 =	sand.u32 $0x380, s27;
	s4 =	sshrl.u32 s2, $0x7  }
0x73: {  	s1 =	sadd.s32 $0x800, s2;
	s6 =	sadd.s32 $0x1000, s2;
	s19 =	sadd.s32 s5, s23  }
0x74: {  	s7 =	sadd.s32 $0x1800, s2;
	s10 =	sadd.s32 $0x2800, s2;
	s17 =	sadd.s32 $0x3000, s2  }
0x75: {  	s2 =	sadd.s32 $0x3800, s2;
	s0 =	sand.u32 $0x78, s4;
	s1 =	sshrl.u32 s1, $0x7  }
0x76: {  	s6 =	sshrl.u32 s6, $0x7;
	s15 =	sshrl.u32 s10, $0x7;
	s2 =	sshrl.u32 s2, $0x7  }
0x77: {  	v0 =	vmov s19;
	s19 =	sand.u32 $0x3C00, s26;
	s3 =	smul.u32 $0x204, s0;
	s1 =	sand.u32 $0x78, s1  }
0x78: {  	s5 =	sand.u32 $0x78, s6;
	s6 =	sshrl.u32 s7, $0x7;
	s1 =	smul.u32 $0x204, s1  }
0x79: {  	s0 =	sxor.u32 $0x40, s0;
	s7 =	sshrl.u32 s17, $0x7;
	s5 =	smul.u32 $0x204, s5  }
0x7a: {  	s2 =	sand.u32 $0x78, s2;
	s0 =	smul.u32 $0x204, s0;
	s3 =	sshrl.u32 s3, $0x2  }
0x7b: {  	s8 =	sand.u32 $0x78, s6;
	s10 =	smul.u32 $0x204, s2;
	s3 =	sadd.s32 s3, s18  }
0x7c: {  	s1 =	sshrl.u32 s1, $0x2;
	s9 =	sshrl.u32 s5, $0x2;
	s0 =	sshrl.u32 s0, $0x2  }
0x7d: {  	s5 =	sand.u32 $0x78, s7;
	s7 =	sadd.s32 $0x20, s4;
	s6 =	sshrl.u32 s10, $0x2  }
0x7e: {  	s1 =	sadd.s32 s1, s18;
	s29 =	sadd.s32 s28, s3;
	s3 =	sadd.s32 s9, s18  }
0x7f: {  	s16 =	sadd.s32 s0, s18;
	s5 =	smul.u32 $0x204, s5;
	s30 =	sadd.s32 s28, s1  }
0x80: {  	s1 =	smul.u32 $0x204, s8;
	s31 =	sadd.s32 s28, s3;
	s3 =	sand.u32 $0x78, s15  }
0x81: {  	s7 =	sand.u32 $0x78, s7;
	s8 =	sadd.s32 $0x10, s4;
	s3 =	smul.u32 $0x204, s3  }
0x82: {  	s5 =	sshrl.u32 s5, $0x2;
	s15 =	sand.u32 $0x78, s8;
	s8 =	sadd.s32 $0x30, s4  }
0x83: {  	s1 =	sshrl.u32 s1, $0x2;
	s17 =	smul.u32 $0x204, s15;
	s15 =	sadd.s32 $0x60, s4  }
0x84: {  	s1 =	sadd.s32 s1, s18;
	s3 =	sshrl.u32 s3, $0x2;
	s15 =	sand.u32 $0x78, s15  }
0x85: {  	s0 =	sadd.s32 s28, s1;
	s1 =	sadd.s32 s28, s16;
	s3 =	sadd.s32 s3, s18  }
0x86: {  	s16 =	sadd.s32 s5, s18;
	s5 =	sshrl.u32 s17, $0x2;
	s15 =	smul.u32 $0x204, s15  }
0x87: {  	s9 =	sadd.s32 s28, s3;
	s2 =	sadd.s32 s28, s16;
	s3 =	sadd.s32 s6, s18  }
0x88: {  	s6 =	smul.u32 $0x204, s7;
	s7 =	sand.u32 $0x78, s8;
	s8 =	sadd.s32 $0x50, s4  }
0x89: {  	s4 =	sadd.s32 $0x70, s4;
	s7 =	smul.u32 $0x204, s7;
	s8 =	sand.u32 $0x78, s8  }
0x8a: {  	s5 =	sadd.s32 s5, s18;
	s4 =	sand.u32 $0x78, s4;
	s8 =	smul.u32 $0x204, s8  }
0x8b: {  	v1 =	vld.idx.msk [tilespmem:v0+s19+$0x0 ss:$0x1], $0xffff;
	s15 =	sshrl.u32 s15, $0x2;
	s6 =	sshrl.u32 s6, $0x2;
	s4 =	smul.u32 $0x204, s4  }
0x8c: {  	s15 =	sadd.s32 s15, s18;
	s7 =	sshrl.u32 s7, $0x2;
	s6 =	sadd.s32 s6, s18  }
0x8d: {  	s16 =	sadd.s32 s7, s18;
	s7 =	sadd.s32 s28, s5;
	s5 =	sadd.s32 s28, s6  }
0x8e: {  	s8 =	sshrl.u32 s8, $0x2;
	s4 =	sshrl.u32 s4, $0x2;
	s6 =	sadd.s32 s28, s16  }
0x8f: {  	s8 =	sadd.s32 s8, s18;
	s10 =	sadd.s32 s4, s18;
	s16 =	sadd.s32 $0xFFFFFC00, s26  }
0x90: {  	[tilespmem:s29+$0x0 ss:$0x81] =	vst.msk $0xffff, v1;
	v1 =	vld.idx.msk [tilespmem:v0+s19+$0x20 ss:$0x1], $0xffff;
	s4 =	sadd.s32 s28, s8;
	s8 =	sadd.s32 s28, s15;
	s15 =	sand.u32 $0x3C00, s16  }
0x91: {  	v2 =	vld.idx.msk [tilespmem:v0+s15+$0x70 ss:$0x1], $0xffff  }
0x92: {  	v3 =	vld.idx.msk [tilespmem:v0+s15+$0x0 ss:$0x1], $0xffff  }
0x93: {  	v4 =	vld.idx.msk [tilespmem:v0+s15+$0x10 ss:$0x1], $0xffff  }
0x94: {  	v5 =	vld.idx.msk [tilespmem:v0+s15+$0x20 ss:$0x1], $0xffff  }
0x95: {  	s3 =	sadd.s32 s28, s3;
	v6 =	vld.idx.msk [tilespmem:v0+s15+$0x30 ss:$0x1], $0xffff  }
0x96: {  	v7 =	vld.idx.msk [tilespmem:v0+s15+$0x40 ss:$0x1], $0xffff;
	[tilespmem:s3+$0x0 ss:$0x81] =	vst.msk $0xffff, v2  }
0x97: {  	v8 =	vld.idx.msk [tilespmem:v0+s15+$0x50 ss:$0x1], $0xffff;
	[tilespmem:s29+$0x0 ss:$0x81] =	vst.msk $0xffff, v3  }
0x98: {  	p2 =	sgt.s32 s22, $0x100;
	v9 =	vld.idx.msk [tilespmem:v0+s15+$0x60 ss:$0x1], $0xffff;
	[tilespmem:s30+$0x0 ss:$0x81] =	vst.msk $0xffff, v4  }
.Ltmp7:
0x99: {  	v4 =	vld.idx.msk [tilespmem:v0+s19+$0x10 ss:$0x1], $0xffff;
	[tilespmem:s31+$0x0 ss:$0x81] =	vst.msk $0xffff, v5;
	(pc) =	sbr.rel @!p2 .LBB1_7-.Ltmp7, $4  }
0x9a: {  	[tilespmem:s0+$0x0 ss:$0x81] =	vst.msk $0xffff, v6;
	v2 =	vld.idx.msk [tilespmem:v0+s19+$0x30 ss:$0x1], $0xffff  }
0x9b: {  	[tilespmem:s1+$0x0 ss:$0x81] =	vst.msk $0xffff, v7;
	v3 =	vld.idx.msk [tilespmem:v0+s19+$0x40 ss:$0x1], $0xffff  }
0x9c: {  	[tilespmem:s9+$0x0 ss:$0x81] =	vst.msk $0xffff, v8;
	v5 =	vld.idx.msk [tilespmem:v0+s19+$0x50 ss:$0x1], $0xffff  }
0x9d: {  	s17 =	sadd.s32 s28, s10;
	s16 =	sadd.s32 $0x800, s26;
	s15 =	simm.s32 $0x100;
	[tilespmem:s2+$0x0 ss:$0x81] =	vst.msk $0xffff, v9;
	v6 =	vld.idx.msk [tilespmem:v0+s19+$0x60 ss:$0x1], $0xffff  }
.LBB1_6:
0x9e: {  	s10 =	sadd.s32 $0xFFFFFC00, s16;
	s15 =	sadd.s32 $0x100, s15;
	[tilespmem:s7+$0x0 ss:$0x81] =	vst.msk $0xffff, v4;
	v4 =	vld.idx.msk [tilespmem:v0+s19+$0x70 ss:$0x1], $0xffff;
	s19 =	sand.u32 $0x3C00, s16  }
0x9f: {  	s10 =	sand.u32 $0x3C00, s10;
	v7 =	vld.idx.msk [tilespmem:v0+s19+$0x0 ss:$0x1], $0xffff;
	p2 =	slt.s32 s15, s22;
	[tilespmem:s5+$0x0 ss:$0x81] =	vst.msk $0xffff, v1  }
0xa0: {  	v1 =	vld.idx.msk [tilespmem:v0+s10+$0x70 ss:$0x1], $0xffff;
	[tilespmem:s6+$0x0 ss:$0x81] =	vst.msk $0xffff, v2  }
0xa1: {  	v2 =	vld.idx.msk [tilespmem:v0+s10+$0x0 ss:$0x1], $0xffff;
	[tilespmem:s1+$0x0 ss:$0x81] =	vst.msk $0xffff, v3  }
0xa2: {  	v3 =	vld.idx.msk [tilespmem:v0+s10+$0x10 ss:$0x1], $0xffff;
	[tilespmem:s4+$0x0 ss:$0x81] =	vst.msk $0xffff, v5  }
0xa3: {  	v5 =	vld.idx.msk [tilespmem:v0+s10+$0x20 ss:$0x1], $0xffff;
	[tilespmem:s8+$0x0 ss:$0x81] =	vst.msk $0xffff, v6  }
0xa4: {  	v6 =	vld.idx.msk [tilespmem:v0+s10+$0x30 ss:$0x1], $0xffff;
	[tilespmem:s17+$0x0 ss:$0x81] =	vst.msk $0xffff, v4  }
0xa5: {  	v8 =	vld.idx.msk [tilespmem:v0+s10+$0x40 ss:$0x1], $0xffff;
	[tilespmem:s29+$0x0 ss:$0x81] =	vst.msk $0xffff, v7  }
0xa6: {  	v7 =	vld.idx.msk [tilespmem:v0+s10+$0x50 ss:$0x1], $0xffff;
	[tilespmem:s3+$0x0 ss:$0x81] =	vst.msk $0xffff, v1  }
0xa7: {  	[tilespmem:s29+$0x0 ss:$0x81] =	vst.msk $0xffff, v2;
	v9 =	vld.idx.msk [tilespmem:v0+s10+$0x60 ss:$0x1], $0xffff  }
0xa8: {  	[tilespmem:s30+$0x0 ss:$0x81] =	vst.msk $0xffff, v3;
	v4 =	vld.idx.msk [tilespmem:v0+s19+$0x10 ss:$0x1], $0xffff  }
.Ltmp8:
0xa9: {  	[tilespmem:s31+$0x0 ss:$0x81] =	vst.msk $0xffff, v5;
	v1 =	vld.idx.msk [tilespmem:v0+s19+$0x20 ss:$0x1], $0xffff;
	(pc) =	sbr.rel @p2 .LBB1_6-.Ltmp8, $4  }
0xaa: {  	[tilespmem:s0+$0x0 ss:$0x81] =	vst.msk $0xffff, v6;
	v2 =	vld.idx.msk [tilespmem:v0+s19+$0x30 ss:$0x1], $0xffff  }
0xab: {  	[tilespmem:s1+$0x0 ss:$0x81] =	vst.msk $0xffff, v8;
	v3 =	vld.idx.msk [tilespmem:v0+s19+$0x40 ss:$0x1], $0xffff  }
0xac: {  	[tilespmem:s9+$0x0 ss:$0x81] =	vst.msk $0xffff, v7;
	v5 =	vld.idx.msk [tilespmem:v0+s19+$0x50 ss:$0x1], $0xffff  }
0xad: {  	s16 =	sadd.s32 $0x800, s16;
	[tilespmem:s2+$0x0 ss:$0x81] =	vst.msk $0xffff, v9;
	v6 =	vld.idx.msk [tilespmem:v0+s19+$0x60 ss:$0x1], $0xffff  }
.LBB1_7:
0xae: {  	_ =	sdelay $0x2  }
0xaf: {  	[tilespmem:s7+$0x0 ss:$0x81] =	vst.msk $0xffff, v4  }
0xb0: {  	v0 =	vld.idx.msk [tilespmem:v0+s19+$0x70 ss:$0x1], $0xffff;
	[tilespmem:s5+$0x0 ss:$0x81] =	vst.msk $0xffff, v1  }
0xb1: {  	[tilespmem:s6+$0x0 ss:$0x81] =	vst.msk $0xffff, v2  }
0xb2: {  	[tilespmem:s1+$0x0 ss:$0x81] =	vst.msk $0xffff, v3  }
0xb3: {  	[tilespmem:s4+$0x0 ss:$0x81] =	vst.msk $0xffff, v5  }
0xb4: {  	[tilespmem:s8+$0x0 ss:$0x81] =	vst.msk $0xffff, v6  }
0xb5: {  	[tilespmem:s17+$0x0 ss:$0x81] =	vst.msk $0xffff, v0  }
.LBB1_8:
.Ltmp9:
0xb6: {  	(pc) =	sbr.rel @p1 .LBB1_11-.Ltmp9, $1  }
0xb7: {  	_ =	sdelay $0x3  }
0xb8: {  	s1 =	sand.u32 $0x380, s27;
	s0 =	sshrl.u32 s25, $0x4;
	s2 =	sadd.s32 s28, s18  }
0xb9: {  	s3 =	smov.u32 s24;
	s4 =	smov.u32 s22;
	s1 =	sadd.s32 s1, s23  }
.LBB1_10:
0xba: {  	s5 =	sand.u32 $0x3C00, s3  }
0xbb: {  	s5 =	sadd.s32 s27, s5  }
0xbc: {  	s5 =	sand.u32 $0x3C00, s5  }
0xbd: {  	s6 =	sand.u32 $0x70, s4;
	s30 =	sadd.s32 s4, s0;
	s5 =	sadd.s32 s5, s1  }
0xbe: {  	s4 =	sadd.s32 $0x10, s4;
	s31 =	sand.u32 $0x78, s30;
	s5 =	sadd.s32 s6, s5  }
0xbf: {  	p2 =	slt.s32 s4, s21;
	v0 =	vld [tilespmem:s5+$0x0];
	s5 =	smul.u32 $0x204, s31  }
.Ltmp10:
0xc0: {  	_ = 	snop;
	(pc) =	sbr.rel @p2 .LBB1_10-.Ltmp10, $4  }
0xc1: {  	_ = 	snop  }
0xc2: {  	s5 =	sshrl.u32 s5, $0x2  }
0xc3: {  	s5 =	sadd.s32 s5, s2  }
0xc4: {  	s3 =	sadd.s32 $0x80, s3;
	[tilespmem:s5+$0x0 ss:$0x81] =	vst.msk $0xffff, v0  }
.Ltmp11:
0xc5: {  	_ = 	snop;
	(pc) =	sbr.rel .LBB1_11-.Ltmp11, $1  }
0xc6: {  	_ =	sdelay $0x3  }
.LBB1_14:
0xc7: {  	_ =	sfence.sel $0x180000  }
0xc8: {  	s0 =	simm.s32 $0x1;
	[bflag:$0x0] =	sbarrier.arrive $0xFFFF  }
0xc9: {  	s30 =	simm.s32 $0x2;
	[sflag:s0] =	ssyncpa.u1 $0x1  }
0xca: {  	[sflag:s30] =	ssyncpa.u1 $0x1  }
0xcb: {  	_ =	strace $0x90000047  }
0xcc: {  	s31 =	stileid.u32;
	[bflag:$0x2] =	sbarrier.arrive $0xFFFF  }
0xcd: {  	p0 =	sne.s32 s31, $0x0;
	s0 =	rddreg [dreg:$0x2]  }
0xce: {  	s0 =	sadd.s32 @!p0 $0x100000, s0  }
0xcf: {  	[sflag:s0] =	ssyncadd.tile.s32 @!p0 $0x1;
	_ =	shalt  }
.Lfunc_end1:
_tile_overlayer_lowered:
.L_overlay_start_2:
0xd0: {  	(tag) =	ssettag $0x2  }
0xd1: {  	s0 =	rddreg [dreg:$0x0];
	s2 =	stileid.u32  }
0xd2: {  	s1 =	rddreg [dreg:$0x1];
	p0 =	sne.s32 s2, $0x0  }
0xd3: {  	s3 =	rddreg [dreg:$0x2];
	[bflag:$0x3] =	sbarrier.arrive $0xFFFF;
	s2 =	simm.s32 @!p0 $0x1C01  }
0xd4: {  	[timem:s3], [sflag:s2] =	dma.local @!p0 [hbm:s0], s1  }
0xd5: {  	s0 =	simm.s32 @!p0 $0x1  }
0xd6: {  	_ =	swait.ge @!p0 [sflag:s0], s1  }
0xd7: {  	s1 =	ssub.s32 @!p0 $0x0, s1;
	[sflag:s0] =	ssyncset.done @!p0 $0x0  }
0xd8: {  	[sflag:s0] =	ssyncadd.s32 @!p0 s1  }
0xd9: {  	[bflag:$0x3] =	sbarrier.arrive $0xFFFF  }
0xda: {  	_ =	shalt  }

</sc_bundles>
